<compile_context>
chip_gen: v7x
topology: tpu7x:2x2x1
jax: 0.10.2.dev20260603
libtpu: 0.0.44.dev20260713+nightly
codegen_flags: <defaults>
</compile_context>

<pallas_src>
import functools

import jax
import jax.numpy as jnp
from jax import lax
from jax.experimental import pallas as pl
from jax.experimental.pallas import tpu as pltpu
from jax.experimental.pallas import tpu_sc as plsc

B, L, V, D, H, C = 4096, 200, 1000000, 64, 256, 128

NC, NS = 2, 16
NW = NC * NS
RPW = B // NW
IPW = RPW * L
CI = 1600
NCH = IPW // CI

CB = 32768
SW = 128
KS = CB // SW

_mesh = plsc.VectorSubcoreMesh(core_axis_name="c", subcore_axis_name="s")


@functools.partial(
    pl.kernel,
    out_type=jax.ShapeDtypeStruct((B, D), jnp.float32),
    mesh=_mesh,
    compiler_params=pltpu.CompilerParams(use_tc_tiling_on_sc=False),
    scratch_types=[
        pltpu.VMEM((CI,), jnp.int32),
        pltpu.VMEM((CI,), jnp.int32),
        pltpu.VMEM((CI, D), jnp.float32),
        pltpu.VMEM_SHARED((NS * RPW, D), jnp.float32),
        pltpu.SemaphoreType.DMA,
    ],
)
def _sc_pool(xf, seg_hbm, zero_hbm, table, out, idx_v, seg_v, rows_v, acc_s,
             sem):
    sid = lax.axis_index("s")
    wid = sid * NC + lax.axis_index("c")
    pltpu.sync_copy(zero_hbm, acc_s.at[pl.ds(sid * RPW, RPW)])
    ibase = wid * IPW
    sbase = sid * IPW

    def body(i, carry):
        pltpu.sync_copy(xf.at[pl.ds(ibase + i * CI, CI)], idx_v)
        pltpu.sync_copy(seg_hbm.at[pl.ds(sbase + i * CI, CI)], seg_v)
        pltpu.async_copy(table.at[idx_v], rows_v, sem).wait()
        pltpu.sync_copy(rows_v, acc_s.at[seg_v], add=True)
        return carry

    lax.fori_loop(0, NCH, body, 0)
    pltpu.sync_copy(acc_s.at[pl.ds(sid * RPW, RPW)],
                    out.at[pl.ds(wid * RPW, RPW)])


def _tc_pack_body(t_ref, out_ref):
    jj = lax.broadcasted_iota(jnp.int32, (SW, SW), 0)
    ii = lax.broadcasted_iota(jnp.int32, (SW, SW), 1)
    p4 = (((jj < SW // 2) & (ii == 2 * jj))
          | ((jj >= SW // 2) & (ii == 2 * jj - (SW - 1)))).astype(jnp.float32)
    for s in range(KS):
        ys = t_ref[:, s * SW:(s + 1) * SW]
        r = lax.dot_general(p4, ys, (((1,), (1,)), ((), ())),
                            preferred_element_type=jnp.float32)
        out_ref[pl.ds(s * (SW // 2), SW // 2), 0:D] = r[0:SW // 2]
        out_ref[pl.ds(s * (SW // 2), SW // 2), D:2 * D] = r[SW // 2:SW]


_tc_pack = pl.pallas_call(
    _tc_pack_body,
    grid=((V + CB - 1) // CB,),
    in_specs=[pl.BlockSpec((D, CB), lambda g: (0, g))],
    out_specs=pl.BlockSpec((CB // 2, 2 * D), lambda g: (g, 0)),
    out_shape=jax.ShapeDtypeStruct((V // 2, 2 * D), jnp.float32),
)


def _tc_head_body(msum_ref, W1_ref, b1_ref, gamma_ref, beta_ref, W2_ref,
                  b2_ref, out_ref):
    m = msum_ref[...] * (1.0 / L)
    h = lax.dot_general(m, W1_ref[...], (((1,), (1,)), ((), ())),
                        preferred_element_type=jnp.float32) + b1_ref[...]
    mu = jnp.mean(h, axis=0, keepdims=True)
    hc = h - mu
    var = jnp.mean(hc * hc, axis=0, keepdims=True)
    hn = hc * lax.rsqrt(var + 1e-5) * gamma_ref[...] + beta_ref[...]
    hr = jnp.maximum(hn, 0.0)
    out_ref[...] = lax.dot_general(hr, W2_ref[...], (((1,), (1,)), ((), ())),
                                   preferred_element_type=jnp.float32) + b2_ref[...]


_tc_head = pl.pallas_call(
    _tc_head_body,
    out_shape=jax.ShapeDtypeStruct((B, C), jnp.float32),
)


def kernel(x, table, W1, b1, gamma, beta, W2, b2):
    lt = _tc_pack(table.T).reshape(V, D)
    xf = x.astype(jnp.int32).reshape(B * L)
    seg = (lax.broadcasted_iota(jnp.int32, (NS, RPW, L), 1)
           + RPW * lax.broadcasted_iota(jnp.int32, (NS, RPW, L), 0)
           ).reshape(NS * IPW)
    zero = jnp.zeros((RPW, D), jnp.float32)
    msum = _sc_pool(xf, seg, zero, lt)
    return _tc_head(msum, W1, b1.reshape(1, H), gamma.reshape(1, H),
                    beta.reshape(1, H), W2, b2.reshape(1, C))

# --- scband reference (transcript-rebuilt; emitter-appended) ---
"""Pipeline reference for scband-fast-text-30812095381520 (READ-ONLY COPY).

The authoritative reference and input builder live on the scoring server;
editing this copy changes nothing except your own understanding.
"""

import jax, jax.numpy as jnp
import numpy as np

V, D, H, C = 1000000, 64, 256, 128
B, L = 4096, 200

def setup_inputs(seed: int = 0):
    key = jax.random.key(seed)
    ks = jax.random.split(key, 8)
    x = jax.random.randint(ks[0], (B, L), 0, V)
    table = jax.random.normal(ks[1], (V, D), dtype=jnp.float32) * 0.02
    W1 = jax.random.normal(ks[2], (H, D), dtype=jnp.float32) * 0.05
    b1 = jnp.zeros((H,), jnp.float32)
    gamma = jnp.ones((H,), jnp.float32)
    beta = jnp.zeros((H,), jnp.float32)
    W2 = jax.random.normal(ks[3], (C, H), dtype=jnp.float32) * 0.05
    b2 = jnp.zeros((C,), jnp.float32)
    return {"x": x, "table": table, "W1": W1, "b1": b1, "gamma": gamma, "beta": beta, "W2": W2, "b2": b2}

def reference(x, table, W1, b1, gamma, beta, W2, b2):
    # embedding lookup: [B, L] -> [B, L, D]
    e = jnp.take(table, x, axis=0)
    # mean pooling over sequence dim
    m = jnp.mean(e, axis=1)
    # fc1
    h = m @ W1.T + b1
    # BatchNorm1d (training mode: batch statistics, biased variance, eps=1e-5)
    mu = jnp.mean(h, axis=0)
    var = jnp.var(h, axis=0)
    hn = (h - mu) / jnp.sqrt(var + 1e-5) * gamma + beta
    # ReLU
    hr = jnp.maximum(hn, 0.0)
    # fc2
    out = hr @ W2.T + b2
    return out

if __name__ == "__main__":
    import jax
    _d = setup_inputs()
    print(jax.jit(kernel)(*tuple(_d.values())))

</pallas_src>

<mosaic_0001>
#map = affine_map<(d0, d1) -> (0)>
#map1 = affine_map<(d0, d1) -> (0, 0)>
module attributes {stable_mosaic.version = 14 : i64} {
  func.func @_sc_pool(%arg0: i32, %arg1: i32, %arg2: memref<819200xi32, #tpu.memory_space<hbm>>, %arg3: memref<409600xi32, #tpu.memory_space<hbm>>, %arg4: memref<128x64xf32, #tpu.memory_space<hbm>>, %arg5: memref<1000000x64xf32, #tpu.memory_space<hbm>>, %arg6: memref<4096x64xf32, #tpu.memory_space<hbm>>, %arg7: memref<1600xi32, #tpu.memory_space<vmem>>, %arg8: memref<1600xi32, #tpu.memory_space<vmem>>, %arg9: memref<1600x64xf32, #tpu.memory_space<vmem>>, %arg10: memref<2048x64xf32, #tpu.memory_space<vmem_shared>>, %arg11: memref<!tpu.dma_semaphore, #tpu.memory_space<semaphore_mem>>) attributes {dimension_semantics = [#tpu.dimension_semantics<core_parallel>, #tpu.dimension_semantics<subcore_parallel>], iteration_bounds = array<i64: 2, 16>, scalar_prefetch = 0 : i64, scratch_operands = 5 : i64, tpu.core_type = #tpu.core_type<sc_vector_subcore>, window_params = [{transform_indices = #map}, {transform_indices = #map}, {transform_indices = #map1}, {transform_indices = #map1}, {transform_indices = #map1}]} {
    %mul3A = arith.constant 2 : i32
    %mul3A_0 = arith.muli %arg1, %mul3A : i32
    %add3A = arith.addi %mul3A_0, %arg0 : i32
    %mul3A_1 = arith.constant 128 : i32
    %mul3A_2 = arith.muli %arg1, %mul3A_1 : i32
    "tpu.region"() ({
      %run_scoped3A = tpu.sem_alloc : memref<!tpu.dma_semaphore, #tpu.memory_space<semaphore_mem>>
      %dma_start3A = arith.constant 0 : i32
      %dma_start3A_16 = tpu.memref_slice %arg10[%mul3A_2, %dma_start3A] : memref<2048x64xf32, #tpu.memory_space<vmem_shared>> -> memref<128x64xf32, #tpu.memory_space<vmem_shared>>
      tpu.enqueue_dma source(%arg4 : memref<128x64xf32, #tpu.memory_space<hbm>>) target(%dma_start3A_16 : memref<128x64xf32, #tpu.memory_space<vmem_shared>>) target_semaphore(%run_scoped3A : memref<!tpu.dma_semaphore, #tpu.memory_space<semaphore_mem>>)
      %dma_wait3A = arith.constant 0 : i32
      %dma_wait3A_17 = tpu.memref_slice %arg10[%mul3A_2, %dma_wait3A] : memref<2048x64xf32, #tpu.memory_space<vmem_shared>> -> memref<128x64xf32, #tpu.memory_space<vmem_shared>>
      tpu.wait_dma2 semaphore(%run_scoped3A : memref<!tpu.dma_semaphore, #tpu.memory_space<semaphore_mem>>) src(%arg4 : memref<128x64xf32, #tpu.memory_space<hbm>>) dst(%dma_wait3A_17 : memref<128x64xf32, #tpu.memory_space<vmem_shared>>)
      tpu.yield
    }) : () -> ()
    %mul3A_3 = arith.constant 25600 : i32
    %mul3A_4 = arith.muli %add3A, %mul3A_3 : i32
    %mul3A_5 = arith.constant 25600 : i32
    %mul3A_6 = arith.muli %arg1, %mul3A_5 : i32
    %scan3A = arith.constant 0 : i32
    %scan3A_7 = arith.constant 0 : i32
    %scan3A_8 = arith.constant 16 : i32
    %scan3A_9 = arith.addi %scan3A_7, %scan3A_8 : i32
    %scan3A_10 = arith.constant 1 : i32
    scf.for %scan3A_16 = %scan3A_7 to %scan3A_9 step %scan3A_10  : i32 {
      %mul3A_17 = arith.constant 1600 : i32
      %mul3A_18 = arith.muli %scan3A_16, %mul3A_17 : i32
      %add3A_19 = arith.addi %mul3A_4, %mul3A_18 : i32
      "tpu.region"() ({
        %run_scoped3A = tpu.sem_alloc : memref<!tpu.dma_semaphore, #tpu.memory_space<semaphore_mem>>
        %dma_start3A_27 = tpu.memref_slice %arg2[%add3A_19] : memref<819200xi32, #tpu.memory_space<hbm>> -> memref<1600xi32, #tpu.memory_space<hbm>>
        %dma_start3A_28 = tpu.memref_slice %arg2[%add3A_19] : memref<819200xi32, #tpu.memory_space<hbm>> -> memref<1600xi32, #tpu.memory_space<hbm>>
        tpu.enqueue_dma source(%dma_start3A_28 : memref<1600xi32, #tpu.memory_space<hbm>>) target(%arg7 : memref<1600xi32, #tpu.memory_space<vmem>>) target_semaphore(%run_scoped3A : memref<!tpu.dma_semaphore, #tpu.memory_space<semaphore_mem>>)
        %dma_wait3A_29 = tpu.memref_slice %arg2[%add3A_19] : memref<819200xi32, #tpu.memory_space<hbm>> -> memref<1600xi32, #tpu.memory_space<hbm>>
        %dma_wait3A_30 = tpu.memref_slice %arg2[%add3A_19] : memref<819200xi32, #tpu.memory_space<hbm>> -> memref<1600xi32, #tpu.memory_space<hbm>>
        tpu.wait_dma2 semaphore(%run_scoped3A : memref<!tpu.dma_semaphore, #tpu.memory_space<semaphore_mem>>) src(%dma_wait3A_30 : memref<1600xi32, #tpu.memory_space<hbm>>) dst(%arg7 : memref<1600xi32, #tpu.memory_space<vmem>>)
        tpu.yield
      }) : () -> ()
      %mul3A_20 = arith.constant 1600 : i32
      %mul3A_21 = arith.muli %scan3A_16, %mul3A_20 : i32
      %add3A_22 = arith.addi %mul3A_6, %mul3A_21 : i32
      "tpu.region"() ({
        %run_scoped3A = tpu.sem_alloc : memref<!tpu.dma_semaphore, #tpu.memory_space<semaphore_mem>>
        %dma_start3A_27 = tpu.memref_slice %arg3[%add3A_22] : memref<409600xi32, #tpu.memory_space<hbm>> -> memref<1600xi32, #tpu.memory_space<hbm>>
        %dma_start3A_28 = tpu.memref_slice %arg3[%add3A_22] : memref<409600xi32, #tpu.memory_space<hbm>> -> memref<1600xi32, #tpu.memory_space<hbm>>
        tpu.enqueue_dma source(%dma_start3A_28 : memref<1600xi32, #tpu.memory_space<hbm>>) target(%arg8 : memref<1600xi32, #tpu.memory_space<vmem>>) target_semaphore(%run_scoped3A : memref<!tpu.dma_semaphore, #tpu.memory_space<semaphore_mem>>)
        %dma_wait3A_29 = tpu.memref_slice %arg3[%add3A_22] : memref<409600xi32, #tpu.memory_space<hbm>> -> memref<1600xi32, #tpu.memory_space<hbm>>
        %dma_wait3A_30 = tpu.memref_slice %arg3[%add3A_22] : memref<409600xi32, #tpu.memory_space<hbm>> -> memref<1600xi32, #tpu.memory_space<hbm>>
        tpu.wait_dma2 semaphore(%run_scoped3A : memref<!tpu.dma_semaphore, #tpu.memory_space<semaphore_mem>>) src(%dma_wait3A_30 : memref<1600xi32, #tpu.memory_space<hbm>>) dst(%arg8 : memref<1600xi32, #tpu.memory_space<vmem>>)
        tpu.yield
      }) : () -> ()
      %dma_start3A = arith.constant 0 : i32
      %dma_start3A_23 = arith.constant 0 : i32
      %dma_start3A_24 = tpu.memref_slice %arg5[%dma_start3A, %dma_start3A_23] : memref<1000000x64xf32, #tpu.memory_space<hbm>> -> memref<1000000x64xf32, #tpu.memory_space<hbm>>
      tpu.enqueue_indirect_dma source(%dma_start3A_24 : memref<1000000x64xf32, #tpu.memory_space<hbm>>) target(%arg9 : memref<1600x64xf32, #tpu.memory_space<vmem>>) offsets(%arg7 : memref<1600xi32, #tpu.memory_space<vmem>>) semaphore(%arg11 : memref<!tpu.dma_semaphore, #tpu.memory_space<semaphore_mem>>)
      %dma_wait3A = arith.constant 0 : i32
      %dma_wait3A_25 = arith.constant 0 : i32
      %dma_wait3A_26 = tpu.memref_slice %arg5[%dma_wait3A, %dma_wait3A_25] : memref<1000000x64xf32, #tpu.memory_space<hbm>> -> memref<1000000x64xf32, #tpu.memory_space<hbm>>
      tpu.wait_indirect_dma semaphore(%arg11 : memref<!tpu.dma_semaphore, #tpu.memory_space<semaphore_mem>>) src(%dma_wait3A_26 : memref<1000000x64xf32, #tpu.memory_space<hbm>>) dst(%arg9 : memref<1600x64xf32, #tpu.memory_space<vmem>>)
      "tpu.region"() ({
        %run_scoped3A = tpu.sem_alloc : memref<!tpu.dma_semaphore, #tpu.memory_space<semaphore_mem>>
        %dma_start3A_27 = arith.constant 0 : i32
        %dma_start3A_28 = arith.constant 0 : i32
        %dma_start3A_29 = tpu.memref_slice %arg10[%dma_start3A_27, %dma_start3A_28] : memref<2048x64xf32, #tpu.memory_space<vmem_shared>> -> memref<2048x64xf32, #tpu.memory_space<vmem_shared>>
        tpu.enqueue_indirect_dma source(%arg9 : memref<1600x64xf32, #tpu.memory_space<vmem>>) target(%dma_start3A_29 : memref<2048x64xf32, #tpu.memory_space<vmem_shared>>) offsets(%arg8 : memref<1600xi32, #tpu.memory_space<vmem>>) semaphore(%run_scoped3A : memref<!tpu.dma_semaphore, #tpu.memory_space<semaphore_mem>>) {add = true}
        %dma_wait3A_30 = arith.constant 0 : i32
        %dma_wait3A_31 = arith.constant 0 : i32
        %dma_wait3A_32 = tpu.memref_slice %arg10[%dma_wait3A_30, %dma_wait3A_31] : memref<2048x64xf32, #tpu.memory_space<vmem_shared>> -> memref<2048x64xf32, #tpu.memory_space<vmem_shared>>
        tpu.wait_indirect_dma semaphore(%run_scoped3A : memref<!tpu.dma_semaphore, #tpu.memory_space<semaphore_mem>>) src(%arg9 : memref<1600x64xf32, #tpu.memory_space<vmem>>) dst(%dma_wait3A_32 : memref<2048x64xf32, #tpu.memory_space<vmem_shared>>)
        tpu.yield
      }) : () -> ()
    }
    %scan3A_11 = arith.constant 16 : i32
    %mul3A_12 = arith.constant 128 : i32
    %mul3A_13 = arith.muli %arg1, %mul3A_12 : i32
    %mul3A_14 = arith.constant 128 : i32
    %mul3A_15 = arith.muli %add3A, %mul3A_14 : i32
    "tpu.region"() ({
      %run_scoped3A = tpu.sem_alloc : memref<!tpu.dma_semaphore, #tpu.memory_space<semaphore_mem>>
      %dma_start3A = arith.constant 0 : i32
      %dma_start3A_16 = tpu.memref_slice %arg6[%mul3A_15, %dma_start3A] : memref<4096x64xf32, #tpu.memory_space<hbm>> -> memref<128x64xf32, #tpu.memory_space<hbm>>
      %dma_start3A_17 = arith.constant 0 : i32
      %dma_start3A_18 = tpu.memref_slice %arg10[%mul3A_13, %dma_start3A_17] : memref<2048x64xf32, #tpu.memory_space<vmem_shared>> -> memref<128x64xf32, #tpu.memory_space<vmem_shared>>
      tpu.enqueue_dma source(%dma_start3A_18 : memref<128x64xf32, #tpu.memory_space<vmem_shared>>) target(%dma_start3A_16 : memref<128x64xf32, #tpu.memory_space<hbm>>) target_semaphore(%run_scoped3A : memref<!tpu.dma_semaphore, #tpu.memory_space<semaphore_mem>>)
      %dma_wait3A = arith.constant 0 : i32
      %dma_wait3A_19 = tpu.memref_slice %arg6[%mul3A_15, %dma_wait3A] : memref<4096x64xf32, #tpu.memory_space<hbm>> -> memref<128x64xf32, #tpu.memory_space<hbm>>
      %dma_wait3A_20 = arith.constant 0 : i32
      %dma_wait3A_21 = tpu.memref_slice %arg10[%mul3A_13, %dma_wait3A_20] : memref<2048x64xf32, #tpu.memory_space<vmem_shared>> -> memref<128x64xf32, #tpu.memory_space<vmem_shared>>
      tpu.wait_dma2 semaphore(%run_scoped3A : memref<!tpu.dma_semaphore, #tpu.memory_space<semaphore_mem>>) src(%dma_wait3A_21 : memref<128x64xf32, #tpu.memory_space<vmem_shared>>) dst(%dma_wait3A_19 : memref<128x64xf32, #tpu.memory_space<hbm>>)
      tpu.yield
    }) : () -> ()
    return
  }
}

module attributes {stable_mosaic.version = 14 : i64} {
  func.func @_tc_pack_body(%arg0: i32, %arg1: memref<64x32768xf32, #tpu.memory_space<vmem>>, %arg2: memref<16384x128xf32, #tpu.memory_space<vmem>>) attributes {dimension_semantics = [#tpu.dimension_semantics<arbitrary>], iteration_bounds = array<i64: 31>, scalar_prefetch = 0 : i64, scratch_operands = 0 : i64, tpu.core_type = #tpu.core_type<tc>, window_params = [{transform_indices = @transform_0, window_bounds = array<i64: 64, 32768>}, {transform_indices = @transform_1, window_bounds = array<i64: 16384, 128>}]} {
    %iota3A = tpu.iota {dimensions = array<i32: 0>} : vector<128x128xi32>
    %iota3A_0 = tpu.iota {dimensions = array<i32: 1>} : vector<128x128xi32>
    %lt3A = arith.constant 64 : i32
    %lt3A_1 = vector.broadcast %lt3A : i32 to vector<128x128xi32>
    %lt3A_2 = arith.cmpi slt, %iota3A, %lt3A_1 : vector<128x128xi32>
    %mul3A = arith.constant 2 : i32
    %mul3A_3 = vector.broadcast %mul3A : i32 to vector<128x128xi32>
    %mul3A_4 = arith.muli %mul3A_3, %iota3A : vector<128x128xi32>
    %eq3A = arith.cmpi eq, %iota3A_0, %mul3A_4 : vector<128x128xi32>
    %and3A = arith.andi %lt3A_2, %eq3A : vector<128x128xi1>
    %ge3A = arith.constant 64 : i32
    %ge3A_5 = vector.broadcast %ge3A : i32 to vector<128x128xi32>
    %ge3A_6 = arith.cmpi sge, %iota3A, %ge3A_5 : vector<128x128xi32>
    %mul3A_7 = arith.constant 2 : i32
    %mul3A_8 = vector.broadcast %mul3A_7 : i32 to vector<128x128xi32>
    %mul3A_9 = arith.muli %mul3A_8, %iota3A : vector<128x128xi32>
    %sub3A = arith.constant 127 : i32
    %sub3A_10 = vector.broadcast %sub3A : i32 to vector<128x128xi32>
    %sub3A_11 = arith.subi %mul3A_9, %sub3A_10 : vector<128x128xi32>
    %eq3A_12 = arith.cmpi eq, %iota3A_0, %sub3A_11 : vector<128x128xi32>
    %and3A_13 = arith.andi %ge3A_6, %eq3A_12 : vector<128x128xi1>
    %or3A = arith.ori %and3A, %and3A_13 : vector<128x128xi1>
    %convert_element_type3A = arith.extui %or3A : vector<128x128xi1> to vector<128x128xi32>
    %convert_element_type3A_14 = arith.sitofp %convert_element_type3A : vector<128x128xi32> to vector<128x128xf32>
    %get3A = arith.constant 0 : index
    %get3A_15 = arith.constant 0 : index
    %get3A_16 = vector.load %arg1[%get3A, %get3A_15] : memref<64x32768xf32, #tpu.memory_space<vmem>>, vector<64x128xf32>
    %dot_general3A = arith.constant dense<0.000000e+00> : vector<128x64xf32>
    %dot_general3A_17 = tpu.matmul %convert_element_type3A_14, %get3A_16, %dot_general3A {dimension_numbers = #tpu.dot_dimension_numbers<[1], [1], [0], [0], [0, 0, 1, 0], [], []>, transpose_lhs_hint = false} : vector<128x128xf32>, vector<64x128xf32>, vector<128x64xf32> -> vector<128x64xf32>
    %slice3A = vector.extract_strided_slice %dot_general3A_17 {offsets = [0, 0], sizes = [64, 64], strides = [1, 1]} : vector<128x64xf32> to vector<64x64xf32>
    %swap3A = arith.constant 0 : index
    %swap3A_18 = arith.constant 0 : index
    %swap3A_19 = vector.load %arg2[%swap3A, %swap3A_18] : memref<16384x128xf32, #tpu.memory_space<vmem>>, vector<64x64xf32>
    tpu.vector_store %arg2[%swap3A, %swap3A_18], %slice3A {strides = array<i32>} : memref<16384x128xf32, #tpu.memory_space<vmem>>, vector<64x64xf32>,
    %slice3A_20 = vector.extract_strided_slice %dot_general3A_17 {offsets = [64, 0], sizes = [64, 64], strides = [1, 1]} : vector<128x64xf32> to vector<64x64xf32>
    %swap3A_21 = arith.constant 0 : index
    %swap3A_22 = arith.constant 64 : index
    %swap3A_23 = vector.load %arg2[%swap3A_21, %swap3A_22] : memref<16384x128xf32, #tpu.memory_space<vmem>>, vector<64x64xf32>
    tpu.vector_store %arg2[%swap3A_21, %swap3A_22], %slice3A_20 {strides = array<i32>} : memref<16384x128xf32, #tpu.memory_space<vmem>>, vector<64x64xf32>,
    %get3A_24 = arith.constant 0 : index
    %get3A_25 = arith.constant 128 : index
    %get3A_26 = vector.load %arg1[%get3A_24, %get3A_25] : memref<64x32768xf32, #tpu.memory_space<vmem>>, vector<64x128xf32>
    %dot_general3A_27 = arith.constant dense<0.000000e+00> : vector<128x64xf32>
    %dot_general3A_28 = tpu.matmul %convert_element_type3A_14, %get3A_26, %dot_general3A_27 {dimension_numbers = #tpu.dot_dimension_numbers<[1], [1], [0], [0], [0, 0, 1, 0], [], []>, transpose_lhs_hint = false} : vector<128x128xf32>, vector<64x128xf32>, vector<128x64xf32> -> vector<128x64xf32>
    %slice3A_29 = vector.extract_strided_slice %dot_general3A_28 {offsets = [0, 0], sizes = [64, 64], strides = [1, 1]} : vector<128x64xf32> to vector<64x64xf32>
    %swap3A_30 = arith.constant 64 : index
    %swap3A_31 = arith.constant 0 : index
    %swap3A_32 = vector.load %arg2[%swap3A_30, %swap3A_31] : memref<16384x128xf32, #tpu.memory_space<vmem>>, vector<64x64xf32>
    tpu.vector_store %arg2[%swap3A_30, %swap3A_31], %slice3A_29 {strides = array<i32>} : memref<16384x128xf32, #tpu.memory_space<vmem>>, vector<64x64xf32>,
    %slice3A_33 = vector.extract_strided_slice %dot_general3A_28 {offsets = [64, 0], sizes = [64, 64], strides = [1, 1]} : vector<128x64xf32> to vector<64x64xf32>
    %swap3A_34 = arith.constant 64 : index
    %swap3A_35 = arith.constant 64 : index
    %swap3A_36 = vector.load %arg2[%swap3A_34, %swap3A_35] : memref<16384x128xf32, #tpu.memory_space<vmem>>, vector<64x64xf32>
    tpu.vector_store %arg2[%swap3A_34, %swap3A_35], %slice3A_33 {strides = array<i32>} : memref<16384x128xf32, #tpu.memory_space<vmem>>, vector<64x64xf32>,
    %get3A_37 = arith.constant 0 : index
    %get3A_38 = arith.constant 256 : index
    %get3A_39 = vector.load %arg1[%get3A_37, %get3A_38] : memref<64x32768xf32, #tpu.memory_space<vmem>>, vector<64x128xf32>
    %dot_general3A_40 = arith.constant dense<0.000000e+00> : vector<128x64xf32>
    %dot_general3A_41 = tpu.matmul %convert_element_type3A_14, %get3A_39, %dot_general3A_40 {dimension_numbers = #tpu.dot_dimension_numbers<[1], [1], [0], [0], [0, 0, 1, 0], [], []>, transpose_lhs_hint = false} : vector<128x128xf32>, vector<64x128xf32>, vector<128x64xf32> -> vector<128x64xf32>
    %slice3A_42 = vector.extract_strided_slice %dot_general3A_41 {offsets = [0, 0], sizes = [64, 64], strides = [1, 1]} : vector<128x64xf32> to vector<64x64xf32>
    %swap3A_43 = arith.constant 128 : index
    %swap3A_44 = arith.constant 0 : index
    %swap3A_45 = vector.load %arg2[%swap3A_43, %swap3A_44] : memref<16384x128xf32, #tpu.memory_space<vmem>>, vector<64x64xf32>
    tpu.vector_store %arg2[%swap3A_43, %swap3A_44], %slice3A_42 {strides = array<i32>} : memref<16384x128xf32, #tpu.memory_space<vmem>>, vector<64x64xf32>,
    %slice3A_46 = vector.extract_strided_slice %dot_general3A_41 {offsets = [64, 0], sizes = [64, 64], strides = [1, 1]} : vector<128x64xf32> to vector<64x64xf32>
    %swap3A_47 = arith.constant 128 : index
    %swap3A_48 = arith.constant 64 : index
    %swap3A_49 = vector.load %arg2[%swap3A_47, %swap3A_48] : memref<16384x128xf32, #tpu.memory_space<vmem>>, vector<64x64xf32>
    tpu.vector_store %arg2[%swap3A_47, %swap3A_48], %slice3A_46 {strides = array<i32>} : memref<16384x128xf32, #tpu.memory_space<vmem>>, vector<64x64xf32>,
    %get3A_50 = arith.constant 0 : index
    %get3A_51 = arith.constant 384 : index
    %get3A_52 = vector.load %arg1[%get3A_50, %get3A_51] : memref<64x32768xf32, #tpu.memory_space<vmem>>, vector<64x128xf32>
    %dot_general3A_53 = arith.constant dense<0.000000e+00> : vector<128x64xf32>
    %dot_general3A_54 = tpu.matmul %convert_element_type3A_14, %get3A_52, %dot_general3A_53 {dimension_numbers = #tpu.dot_dimension_numbers<[1], [1], [0], [0], [0, 0, 1, 0], [], []>, transpose_lhs_hint = false} : vector<128x128xf32>, vector<64x128xf32>, vector<128x64xf32> -> vector<128x64xf32>
    %slice3A_55 = vector.extract_strided_slice %dot_general3A_54 {offsets = [0, 0], sizes = [64, 64], strides = [1, 1]} : vector<128x64xf32> to vector<64x64xf32>
    %swap3A_56 = arith.constant 192 : index
    %swap3A_57 = arith.constant 0 : index
    %swap3A_58 = vector.load %arg2[%swap3A_56, %swap3A_57] : memref<16384x128xf32, #tpu.memory_space<vmem>>, vector<64x64xf32>
    tpu.vector_store %arg2[%swap3A_56, %swap3A_57], %slice3A_55 {strides = array<i32>} : memref<16384x128xf32, #tpu.memory_space<vmem>>, vector<64x64xf32>,
    %slice3A_59 = vector.extract_strided_slice %dot_general3A_54 {offsets = [64, 0], sizes = [64, 64], strides = [1, 1]} : vector<128x64xf32> to vector<64x64xf32>
    %swap3A_60 = arith.constant 192 : index
    %swap3A_61 = arith.constant 64 : index
    %swap3A_62 = vector.load %arg2[%swap3A_60, %swap3A_61] : memref<16384x128xf32, #tpu.memory_space<vmem>>, vector<64x64xf32>
    tpu.vector_store %arg2[%swap3A_60, %swap3A_61], %slice3A_59 {strides = array<i32>} : memref<16384x128xf32, #tpu.memory_space<vmem>>, vector<64x64xf32>,
    %get3A_63 = arith.constant 0 : index
    %get3A_64 = arith.constant 512 : index
    %get3A_65 = vector.load %arg1[%get3A_63, %get3A_64] : memref<64x32768xf32, #tpu.memory_space<vmem>>, vector<64x128xf32>
    %dot_general3A_66 = arith.constant dense<0.000000e+00> : vector<128x64xf32>
    %dot_general3A_67 = tpu.matmul %convert_element_type3A_14, %get3A_65, %dot_general3A_66 {dimension_numbers = #tpu.dot_dimension_numbers<[1], [1], [0], [0], [0, 0, 1, 0], [], []>, transpose_lhs_hint = false} : vector<128x128xf32>, vector<64x128xf32>, vector<128x64xf32> -> vector<128x64xf32>
    %slice3A_68 = vector.extract_strided_slice %dot_general3A_67 {offsets = [0, 0], sizes = [64, 64], strides = [1, 1]} : vector<128x64xf32> to vector<64x64xf32>
    %swap3A_69 = arith.constant 256 : index
    %swap3A_70 = arith.constant 0 : index
    %swap3A_71 = vector.load %arg2[%swap3A_69, %swap3A_70] : memref<16384x128xf32, #tpu.memory_space<vmem>>, vector<64x64xf32>
    tpu.vector_store %arg2[%swap3A_69, %swap3A_70], %slice3A_68 {strides = array<i32>} : memref<16384x128xf32, #tpu.memory_space<vmem>>, vector<64x64xf32>,
    %slice3A_72 = vector.extract_strided_slice %dot_general3A_67 {offsets = [64, 0], sizes = [64, 64], strides = [1, 1]} : vector<128x64xf32> to vector<64x64xf32>
    %swap3A_73 = arith.constant 256 : index
    %swap3A_74 = arith.constant 64 : index
    %swap3A_75 = vector.load %arg2[%swap3A_73, %swap3A_74] : memref<16384x128xf32, #tpu.memory_space<vmem>>, vector<64x64xf32>
    tpu.vector_store %arg2[%swap3A_73, %swap3A_74], %slice3A_72 {strides = array<i32>} : memref<16384x128xf32, #tpu.memory_space<vmem>>, vector<64x64xf32>,
    %get3A_76 = arith.constant 0 : index
    %get3A_77 = arith.constant 640 : index
    %get3A_78 = vector.load %arg1[%get3A_76, %get3A_77] : memref<64x32768xf32, #tpu.memory_space<vmem>>, vector<64x128xf32>
    %dot_general3A_79 = arith.constant dense<0.000000e+00> : vector<128x64xf32>
    %dot_general3A_80 = tpu.matmul %convert_element_type3A_14, %get3A_78, %dot_general3A_79 {dimension_numbers = #tpu.dot_dimension_numbers<[1], [1], [0], [0], [0, 0, 1, 0], [], []>, transpose_lhs_hint = false} : vector<128x128xf32>, vector<64x128xf32>, vector<128x64xf32> -> vector<128x64xf32>
    %slice3A_81 = vector.extract_strided_slice %dot_general3A_80 {offsets = [0, 0], sizes = [64, 64], strides = [1, 1]} : vector<128x64xf32> to vector<64x64xf32>
    %swap3A_82 = arith.constant 320 : index
    %swap3A_83 = arith.constant 0 : index
    %swap3A_84 = vector.load %arg2[%swap3A_82, %swap3A_83] : memref<16384x128xf32, #tpu.memory_space<vmem>>, vector<64x64xf32>
    tpu.vector_store %arg2[%swap3A_82, %swap3A_83], %slice3A_81 {strides = array<i32>} : memref<16384x128xf32, #tpu.memory_space<vmem>>, vector<64x64xf32>,
    %slice3A_85 = vector.extract_strided_slice %dot_general3A_80 {offsets = [64, 0], sizes = [64, 64], strides = [1, 1]} : vector<128x64xf32> to vector<64x64xf32>
    %swap3A_86 = arith.constant 320 : index
    %swap3A_87 = arith.constant 64 : index
    %swap3A_88 = vector.load %arg2[%swap3A_86, %swap3A_87] : memref<16384x128xf32, #tpu.memory_space<vmem>>, vector<64x64xf32>
    tpu.vector_store %arg2[%swap3A_86, %swap3A_87], %slice3A_85 {strides = array<i32>} : memref<16384x128xf32, #tpu.memory_space<vmem>>, vector<64x64xf32>,
    %get3A_89 = arith.constant 0 : index
    %get3A_90 = arith.constant 768 : index
    %get3A_91 = vector.load %arg1[%get3A_89, %get3A_90] : memref<64x32768xf32, #tpu.memory_space<vmem>>, vector<64x128xf32>
    %dot_general3A_92 = arith.constant dense<0.000000e+00> : vector<128x64xf32>
    %dot_general3A_93 = tpu.matmul %convert_element_type3A_14, %get3A_91, %dot_general3A_92 {dimension_numbers = #tpu.dot_dimension_numbers<[1], [1], [0], [0], [0, 0, 1, 0], [], []>, transpose_lhs_hint = false} : vector<128x128xf32>, vector<64x128xf32>, vector<128x64xf32> -> vector<128x64xf32>
    %slice3A_94 = vector.extract_strided_slice %dot_general3A_93 {offsets = [0, 0], sizes = [64, 64], strides = [1, 1]} : vector<128x64xf32> to vector<64x64xf32>
    %swap3A_95 = arith.constant 384 : index
    %swap3A_96 = arith.constant 0 : index
    %swap3A_97 = vector.load %arg2[%swap3A_95, %swap3A_96] : memref<16384x128xf32, #tpu.memory_space<vmem>>, vector<64x64xf32>
    tpu.vector_store %arg2[%swap3A_95, %swap3A_96], %slice3A_94 {strides = array<i32>} : memref<16384x128xf32, #tpu.memory_space<vmem>>, vector<64x64xf32>,
    %slice3A_98 = vector.extract_strided_slice %dot_general3A_93 {offsets = [64, 0], sizes = [64, 64], strides = [1, 1]} : vector<128x64xf32> to vector<64x64xf32>
    %swap3A_99 = arith.constant 384 : index
    %swap3A_100 = arith.constant 64 : index
    %swap3A_101 = vector.load %arg2[%swap3A_99, %swap3A_100] : memref<16384x128xf32, #tpu.memory_space<vmem>>, vector<64x64xf32>
    tpu.vector_store %arg2[%swap3A_99, %swap3A_100], %slice3A_98 {strides = array<i32>} : memref<16384x128xf32, #tpu.memory_space<vmem>>, vector<64x64xf32>,
    %get3A_102 = arith.constant 0 : index
    %get3A_103 = arith.constant 896 : index
    %get3A_104 = vector.load %arg1[%get3A_102, %get3A_103] : memref<64x32768xf32, #tpu.memory_space<vmem>>, vector<64x128xf32>
    %dot_general3A_105 = arith.constant dense<0.000000e+00> : vector<128x64xf32>
    %dot_general3A_106 = tpu.matmul %convert_element_type3A_14, %get3A_104, %dot_general3A_105 {dimension_numbers = #tpu.dot_dimension_numbers<[1], [1], [0], [0], [0, 0, 1, 0], [], []>, transpose_lhs_hint = false} : vector<128x128xf32>, vector<64x128xf32>, vector<128x64xf32> -> vector<128x64xf32>
    %slice3A_107 = vector.extract_strided_slice %dot_general3A_106 {offsets = [0, 0], sizes = [64, 64], strides = [1, 1]} : vector<128x64xf32> to vector<64x64xf32>
    %swap3A_108 = arith.constant 448 : index
    %swap3A_109 = arith.constant 0 : index
    %swap3A_110 = vector.load %arg2[%swap3A_108, %swap3A_109] : memref<16384x128xf32, #tpu.memory_space<vmem>>, vector<64x64xf32>
    tpu.vector_store %arg2[%swap3A_108, %swap3A_109], %slice3A_107 {strides = array<i32>} : memref<16384x128xf32, #tpu.memory_space<vmem>>, vector<64x64xf32>,
    %slice3A_111 = vector.extract_strided_slice %dot_general3A_106 {offsets = [64, 0], sizes = [64, 64], strides = [1, 1]} : vector<128x64xf32> to vector<64x64xf32>
    %swap3A_112 = arith.constant 448 : index
    %swap3A_113 = arith.constant 64 : index
    %swap3A_114 = vector.load %arg2[%swap3A_112, %swap3A_113] : memref<16384x128xf32, #tpu.memory_space<vmem>>, vector<64x64xf32>
    tpu.vector_store %arg2[%swap3A_112, %swap3A_113], %slice3A_111 {strides = array<i32>} : memref<16384x128xf32, #tpu.memory_space<vmem>>, vector<64x64xf32>,
    %get3A_115 = arith.constant 0 : index
    %get3A_116 = arith.constant 1024 : index
    %get3A_117 = vector.load %arg1[%get3A_115, %get3A_116] : memref<64x32768xf32, #tpu.memory_space<vmem>>, vector<64x128xf32>
    %dot_general3A_118 = arith.constant dense<0.000000e+00> : vector<128x64xf32>
    %dot_general3A_119 = tpu.matmul %convert_element_type3A_14, %get3A_117, %dot_general3A_118 {dimension_numbers = #tpu.dot_dimension_numbers<[1], [1], [0], [0], [0, 0, 1, 0], [], []>, transpose_lhs_hint = false} : vector<128x128xf32>, vector<64x128xf32>, vector<128x64xf32> -> vector<128x64xf32>
    %slice3A_120 = vector.extract_strided_slice %dot_general3A_119 {offsets = [0, 0], sizes = [64, 64], strides = [1, 1]} : vector<128x64xf32> to vector<64x64xf32>
    %swap3A_121 = arith.constant 512 : index
    %swap3A_122 = arith.constant 0 : index
    %swap3A_123 = vector.load %arg2[%swap3A_121, %swap3A_122] : memref<16384x128xf32, #tpu.memory_space<vmem>>, vector<64x64xf32>
    tpu.vector_store %arg2[%swap3A_121, %swap3A_122], %slice3A_120 {strides = array<i32>} : memref<16384x128xf32, #tpu.memory_space<vmem>>, vector<64x64xf32>,
    %slice3A_124 = vector.extract_strided_slice %dot_general3A_119 {offsets = [64, 0], sizes = [64, 64], strides = [1, 1]} : vector<128x64xf32> to vector<64x64xf32>
    %swap3A_125 = arith.constant 512 : index
    %swap3A_126 = arith.constant 64 : index
    %swap3A_127 = vector.load %arg2[%swap3A_125, %swap3A_126] : memref<16384x128xf32, #tpu.memory_space<vmem>>, vector<64x64xf32>
    tpu.vector_store %arg2[%swap3A_125, %swap3A_126], %slice3A_124 {strides = array<i32>} : memref<16384x128xf32, #tpu.memory_space<vmem>>, vector<64x64xf32>,
    %get3A_128 = arith.constant 0 : index
    %get3A_129 = arith.constant 1152 : index
    %get3A_130 = vector.load %arg1[%get3A_128, %get3A_129] : memref<64x32768xf32, #tpu.memory_space<vmem>>, vector<64x128xf32>
    %dot_general3A_131 = arith.constant dense<0.000000e+00> : vector<128x64xf32>
    %dot_general3A_132 = tpu.matmul %convert_element_type3A_14, %get3A_130, %dot_general3A_131 {dimension_numbers = #tpu.dot_dimension_numbers<[1], [1], [0], [0], [0, 0, 1, 0], [], []>, transpose_lhs_hint = false} : vector<128x128xf32>, vector<64x128xf32>, vector<128x64xf32> -> vector<128x64xf32>
    %slice3A_133 = vector.extract_strided_slice %dot_general3A_132 {offsets = [0, 0], sizes = [64, 64], strides = [1, 1]} : vector<128x64xf32> to vector<64x64xf32>
    %swap3A_134 = arith.constant 576 : index
    %swap3A_135 = arith.constant 0 : index
    %swap3A_136 = vector.load %arg2[%swap3A_134, %swap3A_135] : memref<16384x128xf32, #tpu.memory_space<vmem>>, vector<64x64xf32>
    tpu.vector_store %arg2[%swap3A_134, %swap3A_135], %slice3A_133 {strides = array<i32>} : memref<16384x128xf32, #tpu.memory_space<vmem>>, vector<64x64xf32>,
    %slice3A_137 = vector.extract_strided_slice %dot_general3A_132 {offsets = [64, 0], sizes = [64, 64], strides = [1, 1]} : vector<128x64xf32> to vector<64x64xf32>
    %swap3A_138 = arith.constant 576 : index
    %swap3A_139 = arith.constant 64 : index
    %swap3A_140 = vector.load %arg2[%swap3A_138, %swap3A_139] : memref<16384x128xf32, #tpu.memory_space<vmem>>, vector<64x64xf32>
    tpu.vector_store %arg2[%swap3A_138, %swap3A_139], %slice3A_137 {strides = array<i32>} : memref<16384x128xf32, #tpu.memory_space<vmem>>, vector<64x64xf32>,
    %get3A_141 = arith.constant 0 : index
    %get3A_142 = arith.constant 1280 : index
    %get3A_143 = vector.load %arg1[%get3A_141, %get3A_142] : memref<64x32768xf32, #tpu.memory_space<vmem>>, vector<64x128xf32>
    %dot_general3A_144 = arith.constant dense<0.000000e+00> : vector<128x64xf32>
    %dot_general3A_145 = tpu.matmul %convert_element_type3A_14, %get3A_143, %dot_general3A_144 {dimension_numbers = #tpu.dot_dimension_numbers<[1], [1], [0], [0], [0, 0, 1, 0], [], []>, transpose_lhs_hint = false} : vector<128x128xf32>, vector<64x128xf32>, vector<128x64xf32> -> vector<128x64xf32>
    %slice3A_146 = vector.extract_strided_slice %dot_general3A_145 {offsets = [0, 0], sizes = [64, 64], strides = [1, 1]} : vector<128x64xf32> to vector<64x64xf32>
    %swap3A_147 = arith.constant 640 : index
    %swap3A_148 = arith.constant 0 : index
    %swap3A_149 = vector.load %arg2[%swap3A_147, %swap3A_148] : memref<16384x128xf32, #tpu.memory_space<vmem>>, vector<64x64xf32>
    tpu.vector_store %arg2[%swap3A_147, %swap3A_148], %slice3A_146 {strides = array<i32>} : memref<16384x128xf32, #tpu.memory_space<vmem>>, vector<64x64xf32>,
    %slice3A_150 = vector.extract_strided_slice %dot_general3A_145 {offsets = [64, 0], sizes = [64, 64], strides = [1, 1]} : vector<128x64xf32> to vector<64x64xf32>
    %swap3A_151 = arith.constant 640 : index
    %swap3A_152 = arith.constant 64 : index
    %swap3A_153 = vector.load %arg2[%swap3A_151, %swap3A_152] : memref<16384x128xf32, #tpu.memory_space<vmem>>, vector<64x64xf32>
    tpu.vector_store %arg2[%swap3A_151, %swap3A_152], %slice3A_150 {strides = array<i32>} : memref<16384x128xf32, #tpu.memory_space<vmem>>, vector<64x64xf32>,
    %get3A_154 = arith.constant 0 : index
    %get3A_155 = arith.constant 1408 : index
    %get3A_156 = vector.load %arg1[%get3A_154, %get3A_155] : memref<64x32768xf32, #tpu.memory_space<vmem>>, vector<64x128xf32>
    %dot_general3A_157 = arith.constant dense<0.000000e+00> : vector<128x64xf32>
    %dot_general3A_158 = tpu.matmul %convert_element_type3A_14, %get3A_156, %dot_general3A_157 {dimension_numbers = #tpu.dot_dimension_numbers<[1], [1], [0], [0], [0, 0, 1, 0], [], []>, transpose_lhs_hint = false} : vector<128x128xf32>, vector<64x128xf32>, vector<128x64xf32> -> vector<128x64xf32>
    %slice3A_159 = vector.extract_strided_slice %dot_general3A_158 {offsets = [0, 0], sizes = [64, 64], strides = [1, 1]} : vector<128x64xf32> to vector<64x64xf32>
    %swap3A_160 = arith.constant 704 : index
    %swap3A_161 = arith.constant 0 : index
    %swap3A_162 = vector.load %arg2[%swap3A_160, %swap3A_161] : memref<16384x128xf32, #tpu.memory_space<vmem>>, vector<64x64xf32>
    tpu.vector_store %arg2[%swap3A_160, %swap3A_161], %slice3A_159 {strides = array<i32>} : memref<16384x128xf32, #tpu.memory_space<vmem>>, vector<64x64xf32>,
    %slice3A_163 = vector.extract_strided_slice %dot_general3A_158 {offsets = [64, 0], sizes = [64, 64], strides = [1, 1]} : vector<128x64xf32> to vector<64x64xf32>
    %swap3A_164 = arith.constant 704 : index
    %swap3A_165 = arith.constant 64 : index
    %swap3A_166 = vector.load %arg2[%swap3A_164, %swap3A_165] : memref<16384x128xf32, #tpu.memory_space<vmem>>, vector<64x64xf32>
    tpu.vector_store %arg2[%swap3A_164, %swap3A_165], %slice3A_163 {strides = array<i32>} : memref<16384x128xf32, #tpu.memory_space<vmem>>, vector<64x64xf32>,
    %get3A_167 = arith.constant 0 : index
    %get3A_168 = arith.constant 1536 : index
    %get3A_169 = vector.load %arg1[%get3A_167, %get3A_168] : memref<64x32768xf32, #tpu.memory_space<vmem>>, vector<64x128xf32>
    %dot_general3A_170 = arith.constant dense<0.000000e+00> : vector<128x64xf32>
    %dot_general3A_171 = tpu.matmul %convert_element_type3A_14, %get3A_169, %dot_general3A_170 {dimension_numbers = #tpu.dot_dimension_numbers<[1], [1], [0], [0], [0, 0, 1, 0], [], []>, transpose_lhs_hint = false} : vector<128x128xf32>, vector<64x128xf32>, vector<128x64xf32> -> vector<128x64xf32>
    %slice3A_172 = vector.extract_strided_slice %dot_general3A_171 {offsets = [0, 0], sizes = [64, 64], strides = [1, 1]} : vector<128x64xf32> to vector<64x64xf32>
    %swap3A_173 = arith.constant 768 : index
    %swap3A_174 = arith.constant 0 : index
    %swap3A_175 = vector.load %arg2[%swap3A_173, %swap3A_174] : memref<16384x128xf32, #tpu.memory_space<vmem>>, vector<64x64xf32>
    tpu.vector_store %arg2[%swap3A_173, %swap3A_174], %slice3A_172 {strides = array<i32>} : memref<16384x128xf32, #tpu.memory_space<vmem>>, vector<64x64xf32>,
    %slice3A_176 = vector.extract_strided_slice %dot_general3A_171 {offsets = [64, 0], sizes = [64, 64], strides = [1, 1]} : vector<128x64xf32> to vector<64x64xf32>
    %swap3A_177 = arith.constant 768 : index
    %swap3A_178 = arith.constant 64 : index
    %swap3A_179 = vector.load %arg2[%swap3A_177, %swap3A_178] : memref<16384x128xf32, #tpu.memory_space<vmem>>, vector<64x64xf32>
    tpu.vector_store %arg2[%swap3A_177, %swap3A_178], %slice3A_176 {strides = array<i32>} : memref<16384x128xf32, #tpu.memory_space<vmem>>, vector<64x64xf32>,
    %get3A_180 = arith.constant 0 : index
    %get3A_181 = arith.constant 1664 : index
    %get3A_182 = vector.load %arg1[%get3A_180, %get3A_181] : memref<64x32768xf32, #tpu.memory_space<vmem>>, vector<64x128xf32>
    %dot_general3A_183 = arith.constant dense<0.000000e+00> : vector<128x64xf32>
    %dot_general3A_184 = tpu.matmul %convert_element_type3A_14, %get3A_182, %dot_general3A_183 {dimension_numbers = #tpu.dot_dimension_numbers<[1], [1], [0], [0], [0, 0, 1, 0], [], []>, transpose_lhs_hint = false} : vector<128x128xf32>, vector<64x128xf32>, vector<128x64xf32> -> vector<128x64xf32>
    %slice3A_185 = vector.extract_strided_slice %dot_general3A_184 {offsets = [0, 0], sizes = [64, 64], strides = [1, 1]} : vector<128x64xf32> to vector<64x64xf32>
    %swap3A_186 = arith.constant 832 : index
    %swap3A_187 = arith.constant 0 : index
    %swap3A_188 = vector.load %arg2[%swap3A_186, %swap3A_187] : memref<16384x128xf32, #tpu.memory_space<vmem>>, vector<64x64xf32>
    tpu.vector_store %arg2[%swap3A_186, %swap3A_187], %slice3A_185 {strides = array<i32>} : memref<16384x128xf32, #tpu.memory_space<vmem>>, vector<64x64xf32>,
    %slice3A_189 = vector.extract_strided_slice %dot_general3A_184 {offsets = [64, 0], sizes = [64, 64], strides = [1, 1]} : vector<128x64xf32> to vector<64x64xf32>
    %swap3A_190 = arith.constant 832 : index
    %swap3A_191 = arith.constant 64 : index
    %swap3A_192 = vector.load %arg2[%swap3A_190, %swap3A_191] : memref<16384x128xf32, #tpu.memory_space<vmem>>, vector<64x64xf32>
    tpu.vector_store %arg2[%swap3A_190, %swap3A_191], %slice3A_189 {strides = array<i32>} : memref<16384x128xf32, #tpu.memory_space<vmem>>, vector<64x64xf32>,
    %get3A_193 = arith.constant 0 : index
    %get3A_194 = arith.constant 1792 : index
    %get3A_195 = vector.load %arg1[%get3A_193, %get3A_194] : memref<64x32768xf32, #tpu.memory_space<vmem>>, vector<64x128xf32>
    %dot_general3A_196 = arith.constant dense<0.000000e+00> : vector<128x64xf32>
    %dot_general3A_197 = tpu.matmul %convert_element_type3A_14, %get3A_195, %dot_general3A_196 {dimension_numbers = #tpu.dot_dimension_numbers<[1], [1], [0], [0], [0, 0, 1, 0], [], []>, transpose_lhs_hint = false} : vector<128x128xf32>, vector<64x128xf32>, vector<128x64xf32> -> vector<128x64xf32>
    %slice3A_198 = vector.extract_strided_slice %dot_general3A_197 {offsets = [0, 0], sizes = [64, 64], strides = [1, 1]} : vector<128x64xf32> to vector<64x64xf32>
    %swap3A_199 = arith.constant 896 : index
    %swap3A_200 = arith.constant 0 : index
    %swap3A_201 = vector.load %arg2[%swap3A_199, %swap3A_200] : memref<16384x128xf32, #tpu.memory_space<vmem>>, vector<64x64xf32>
    tpu.vector_store %arg2[%swap3A_199, %swap3A_200], %slice3A_198 {strides = array<i32>} : memref<16384x128xf32, #tpu.memory_space<vmem>>, vector<64x64xf32>,
    %slice3A_202 = vector.extract_strided_slice %dot_general3A_197 {offsets = [64, 0], sizes = [64, 64], strides = [1, 1]} : vector<128x64xf32> to vector<64x64xf32>
    %swap3A_203 = arith.constant 896 : index
    %swap3A_204 = arith.constant 64 : index
    %swap3A_205 = vector.load %arg2[%swap3A_203, %swap3A_204] : memref<16384x128xf32, #tpu.memory_space<vmem>>, vector<64x64xf32>
    tpu.vector_store %arg2[%swap3A_203, %swap3A_204], %slice3A_202 {strides = array<i32>} : memref<16384x128xf32, #tpu.memory_space<vmem>>, vector<64x64xf32>,
    %get3A_206 = arith.constant 0 : index
    %get3A_207 = arith.constant 1920 : index
    %get3A_208 = vector.load %arg1[%get3A_206, %get3A_207] : memref<64x32768xf32, #tpu.memory_space<vmem>>, vector<64x128xf32>
    %dot_general3A_209 = arith.constant dense<0.000000e+00> : vector<128x64xf32>
    %dot_general3A_210 = tpu.matmul %convert_element_type3A_14, %get3A_208, %dot_general3A_209 {dimension_numbers = #tpu.dot_dimension_numbers<[1], [1], [0], [0], [0, 0, 1, 0], [], []>, transpose_lhs_hint = false} : vector<128x128xf32>, vector<64x128xf32>, vector<128x64xf32> -> vector<128x64xf32>
    %slice3A_211 = vector.extract_strided_slice %dot_general3A_210 {offsets = [0, 0], sizes = [64, 64], strides = [1, 1]} : vector<128x64xf32> to vector<64x64xf32>
    %swap3A_212 = arith.constant 960 : index
    %swap3A_213 = arith.constant 0 : index
    %swap3A_214 = vector.load %arg2[%swap3A_212, %swap3A_213] : memref<16384x128xf32, #tpu.memory_space<vmem>>, vector<64x64xf32>
    tpu.vector_store %arg2[%swap3A_212, %swap3A_213], %slice3A_211 {strides = array<i32>} : memref<16384x128xf32, #tpu.memory_space<vmem>>, vector<64x64xf32>,
    %slice3A_215 = vector.extract_strided_slice %dot_general3A_210 {offsets = [64, 0], sizes = [64, 64], strides = [1, 1]} : vector<128x64xf32> to vector<64x64xf32>
    %swap3A_216 = arith.constant 960 : index
    %swap3A_217 = arith.constant 64 : index
    %swap3A_218 = vector.load %arg2[%swap3A_216, %swap3A_217] : memref<16384x128xf32, #tpu.memory_space<vmem>>, vector<64x64xf32>
    tpu.vector_store %arg2[%swap3A_216, %swap3A_217], %slice3A_215 {strides = array<i32>} : memref<16384x128xf32, #tpu.memory_space<vmem>>, vector<64x64xf32>,
    %get3A_219 = arith.constant 0 : index
    %get3A_220 = arith.constant 2048 : index
    %get3A_221 = vector.load %arg1[%get3A_219, %get3A_220] : memref<64x32768xf32, #tpu.memory_space<vmem>>, vector<64x128xf32>
    %dot_general3A_222 = arith.constant dense<0.000000e+00> : vector<128x64xf32>
    %dot_general3A_223 = tpu.matmul %convert_element_type3A_14, %get3A_221, %dot_general3A_222 {dimension_numbers = #tpu.dot_dimension_numbers<[1], [1], [0], [0], [0, 0, 1, 0], [], []>, transpose_lhs_hint = false} : vector<128x128xf32>, vector<64x128xf32>, vector<128x64xf32> -> vector<128x64xf32>
    %slice3A_224 = vector.extract_strided_slice %dot_general3A_223 {offsets = [0, 0], sizes = [64, 64], strides = [1, 1]} : vector<128x64xf32> to vector<64x64xf32>
    %swap3A_225 = arith.constant 1024 : index
    %swap3A_226 = arith.constant 0 : index
    %swap3A_227 = vector.load %arg2[%swap3A_225, %swap3A_226] : memref<16384x128xf32, #tpu.memory_space<vmem>>, vector<64x64xf32>
    tpu.vector_store %arg2[%swap3A_225, %swap3A_226], %slice3A_224 {strides = array<i32>} : memref<16384x128xf32, #tpu.memory_space<vmem>>, vector<64x64xf32>,
    %slice3A_228 = vector.extract_strided_slice %dot_general3A_223 {offsets = [64, 0], sizes = [64, 64], strides = [1, 1]} : vector<128x64xf32> to vector<64x64xf32>
    %swap3A_229 = arith.constant 1024 : index
    %swap3A_230 = arith.constant 64 : index
    %swap3A_231 = vector.load %arg2[%swap3A_229, %swap3A_230] : memref<16384x128xf32, #tpu.memory_space<vmem>>, vector<64x64xf32>
    tpu.vector_store %arg2[%swap3A_229, %swap3A_230], %slice3A_228 {strides = array<i32>} : memref<16384x128xf32, #tpu.memory_space<vmem>>, vector<64x64xf32>,
    %get3A_232 = arith.constant 0 : index
    %get3A_233 = arith.constant 2176 : index
    %get3A_234 = vector.load %arg1[%get3A_232, %get3A_233] : memref<64x32768xf32, #tpu.memory_space<vmem>>, vector<64x128xf32>
    %dot_general3A_235 = arith.constant dense<0.000000e+00> : vector<128x64xf32>
    %dot_general3A_236 = tpu.matmul %convert_element_type3A_14, %get3A_234, %dot_general3A_235 {dimension_numbers = #tpu.dot_dimension_numbers<[1], [1], [0], [0], [0, 0, 1, 0], [], []>, transpose_lhs_hint = false} : vector<128x128xf32>, vector<64x128xf32>, vector<128x64xf32> -> vector<128x64xf32>
    %slice3A_237 = vector.extract_strided_slice %dot_general3A_236 {offsets = [0, 0], sizes = [64, 64], strides = [1, 1]} : vector<128x64xf32> to vector<64x64xf32>
    %swap3A_238 = arith.constant 1088 : index
    %swap3A_239 = arith.constant 0 : index
    %swap3A_240 = vector.load %arg2[%swap3A_238, %swap3A_239] : memref<16384x128xf32, #tpu.memory_space<vmem>>, vector<64x64xf32>
    tpu.vector_store %arg2[%swap3A_238, %swap3A_239], %slice3A_237 {strides = array<i32>} : memref<16384x128xf32, #tpu.memory_space<vmem>>, vector<64x64xf32>,
    %slice3A_241 = vector.extract_strided_slice %dot_general3A_236 {offsets = [64, 0], sizes = [64, 64], strides = [1, 1]} : vector<128x64xf32> to vector<64x64xf32>
    %swap3A_242 = arith.constant 1088 : index
    %swap3A_243 = arith.constant 64 : index
    %swap3A_244 = vector.load %arg2[%swap3A_242, %swap3A_243] : memref<16384x128xf32, #tpu.memory_space<vmem>>, vector<64x64xf32>
    tpu.vector_store %arg2[%swap3A_242, %swap3A_243], %slice3A_241 {strides = array<i32>} : memref<16384x128xf32, #tpu.memory_space<vmem>>, vector<64x64xf32>,
    %get3A_245 = arith.constant 0 : index
    %get3A_246 = arith.constant 2304 : index
    %get3A_247 = vector.load %arg1[%get3A_245, %get3A_246] : memref<64x32768xf32, #tpu.memory_space<vmem>>, vector<64x128xf32>
    %dot_general3A_248 = arith.constant dense<0.000000e+00> : vector<128x64xf32>
    %dot_general3A_249 = tpu.matmul %convert_element_type3A_14, %get3A_247, %dot_general3A_248 {dimension_numbers = #tpu.dot_dimension_numbers<[1], [1], [0], [0], [0, 0, 1, 0], [], []>, transpose_lhs_hint = false} : vector<128x128xf32>, vector<64x128xf32>, vector<128x64xf32> -> vector<128x64xf32>
    %slice3A_250 = vector.extract_strided_slice %dot_general3A_249 {offsets = [0, 0], sizes = [64, 64], strides = [1, 1]} : vector<128x64xf32> to vector<64x64xf32>
    %swap3A_251 = arith.constant 1152 : index
    %swap3A_252 = arith.constant 0 : index
    %swap3A_253 = vector.load %arg2[%swap3A_251, %swap3A_252] : memref<16384x128xf32, #tpu.memory_space<vmem>>, vector<64x64xf32>
    tpu.vector_store %arg2[%swap3A_251, %swap3A_252], %slice3A_250 {strides = array<i32>} : memref<16384x128xf32, #tpu.memory_space<vmem>>, vector<64x64xf32>,
    %slice3A_254 = vector.extract_strided_slice %dot_general3A_249 {offsets = [64, 0], sizes = [64, 64], strides = [1, 1]} : vector<128x64xf32> to vector<64x64xf32>
    %swap3A_255 = arith.constant 1152 : index
    %swap3A_256 = arith.constant 64 : index
    %swap3A_257 = vector.load %arg2[%swap3A_255, %swap3A_256] : memref<16384x128xf32, #tpu.memory_space<vmem>>, vector<64x64xf32>
    tpu.vector_store %arg2[%swap3A_255, %swap3A_256], %slice3A_254 {strides = array<i32>} : memref<16384x128xf32, #tpu.memory_space<vmem>>, vector<64x64xf32>,
    %get3A_258 = arith.constant 0 : index
    %get3A_259 = arith.constant 2432 : index
    %get3A_260 = vector.load %arg1[%get3A_258, %get3A_259] : memref<64x32768xf32, #tpu.memory_space<vmem>>, vector<64x128xf32>
    %dot_general3A_261 = arith.constant dense<0.000000e+00> : vector<128x64xf32>
    %dot_general3A_262 = tpu.matmul %convert_element_type3A_14, %get3A_260, %dot_general3A_261 {dimension_numbers = #tpu.dot_dimension_numbers<[1], [1], [0], [0], [0, 0, 1, 0], [], []>, transpose_lhs_hint = false} : vector<128x128xf32>, vector<64x128xf32>, vector<128x64xf32> -> vector<128x64xf32>
    %slice3A_263 = vector.extract_strided_slice %dot_general3A_262 {offsets = [0, 0], sizes = [64, 64], strides = [1, 1]} : vector<128x64xf32> to vector<64x64xf32>
    %swap3A_264 = arith.constant 1216 : index
    %swap3A_265 = arith.constant 0 : index
    %swap3A_266 = vector.load %arg2[%swap3A_264, %swap3A_265] : memref<16384x128xf32, #tpu.memory_space<vmem>>, vector<64x64xf32>
    tpu.vector_store %arg2[%swap3A_264, %swap3A_265], %slice3A_263 {strides = array<i32>} : memref<16384x128xf32, #tpu.memory_space<vmem>>, vector<64x64xf32>,
    %slice3A_267 = vector.extract_strided_slice %dot_general3A_262 {offsets = [64, 0], sizes = [64, 64], strides = [1, 1]} : vector<128x64xf32> to vector<64x64xf32>
    %swap3A_268 = arith.constant 1216 : index
    %swap3A_269 = arith.constant 64 : index
    %swap3A_270 = vector.load %arg2[%swap3A_268, %swap3A_269] : memref<16384x128xf32, #tpu.memory_space<vmem>>, vector<64x64xf32>
    tpu.vector_store %arg2[%swap3A_268, %swap3A_269], %slice3A_267 {strides = array<i32>} : memref<16384x128xf32, #tpu.memory_space<vmem>>, vector<64x64xf32>,
    %get3A_271 = arith.constant 0 : index
    %get3A_272 = arith.constant 2560 : index
    %get3A_273 = vector.load %arg1[%get3A_271, %get3A_272] : memref<64x32768xf32, #tpu.memory_space<vmem>>, vector<64x128xf32>
    %dot_general3A_274 = arith.constant dense<0.000000e+00> : vector<128x64xf32>
    %dot_general3A_275 = tpu.matmul %convert_element_type3A_14, %get3A_273, %dot_general3A_274 {dimension_numbers = #tpu.dot_dimension_numbers<[1], [1], [0], [0], [0, 0, 1, 0], [], []>, transpose_lhs_hint = false} : vector<128x128xf32>, vector<64x128xf32>, vector<128x64xf32> -> vector<128x64xf32>
    %slice3A_276 = vector.extract_strided_slice %dot_general3A_275 {offsets = [0, 0], sizes = [64, 64], strides = [1, 1]} : vector<128x64xf32> to vector<64x64xf32>
    %swap3A_277 = arith.constant 1280 : index
    %swap3A_278 = arith.constant 0 : index
    %swap3A_279 = vector.load %arg2[%swap3A_277, %swap3A_278] : memref<16384x128xf32, #tpu.memory_space<vmem>>, vector<64x64xf32>
    tpu.vector_store %arg2[%swap3A_277, %swap3A_278], %slice3A_276 {strides = array<i32>} : memref<16384x128xf32, #tpu.memory_space<vmem>>, vector<64x64xf32>,
    %slice3A_280 = vector.extract_strided_slice %dot_general3A_275 {offsets = [64, 0], sizes = [64, 64], strides = [1, 1]} : vector<128x64xf32> to vector<64x64xf32>
    %swap3A_281 = arith.constant 1280 : index
    %swap3A_282 = arith.constant 64 : index
    %swap3A_283 = vector.load %arg2[%swap3A_281, %swap3A_282] : memref<16384x128xf32, #tpu.memory_space<vmem>>, vector<64x64xf32>
    tpu.vector_store %arg2[%swap3A_281, %swap3A_282], %slice3A_280 {strides = array<i32>} : memref<16384x128xf32, #tpu.memory_space<vmem>>, vector<64x64xf32>,
    %get3A_284 = arith.constant 0 : index
    %get3A_285 = arith.constant 2688 : index
    %get3A_286 = vector.load %arg1[%get3A_284, %get3A_285] : memref<64x32768xf32, #tpu.memory_space<vmem>>, vector<64x128xf32>
    %dot_general3A_287 = arith.constant dense<0.000000e+00> : vector<128x64xf32>
    %dot_general3A_288 = tpu.matmul %convert_element_type3A_14, %get3A_286, %dot_general3A_287 {dimension_numbers = #tpu.dot_dimension_numbers<[1], [1], [0], [0], [0, 0, 1, 0], [], []>, transpose_lhs_hint = false} : vector<128x128xf32>, vector<64x128xf32>, vector<128x64xf32> -> vector<128x64xf32>
    %slice3A_289 = vector.extract_strided_slice %dot_general3A_288 {offsets = [0, 0], sizes = [64, 64], strides = [1, 1]} : vector<128x64xf32> to vector<64x64xf32>
    %swap3A_290 = arith.constant 1344 : index
    %swap3A_291 = arith.constant 0 : index
    %swap3A_292 = vector.load %arg2[%swap3A_290, %swap3A_291] : memref<16384x128xf32, #tpu.memory_space<vmem>>, vector<64x64xf32>
    tpu.vector_store %arg2[%swap3A_290, %swap3A_291], %slice3A_289 {strides = array<i32>} : memref<16384x128xf32, #tpu.memory_space<vmem>>, vector<64x64xf32>,
    %slice3A_293 = vector.extract_strided_slice %dot_general3A_288 {offsets = [64, 0], sizes = [64, 64], strides = [1, 1]} : vector<128x64xf32> to vector<64x64xf32>
    %swap3A_294 = arith.constant 1344 : index
    %swap3A_295 = arith.constant 64 : index
    %swap3A_296 = vector.load %arg2[%swap3A_294, %swap3A_295] : memref<16384x128xf32, #tpu.memory_space<vmem>>, vector<64x64xf32>
    tpu.vector_store %arg2[%swap3A_294, %swap3A_295], %slice3A_293 {strides = array<i32>} : memref<16384x128xf32, #tpu.memory_space<vmem>>, vector<64x64xf32>,
    %get3A_297 = arith.constant 0 : index
    %get3A_298 = arith.constant 2816 : index
    %get3A_299 = vector.load %arg1[%get3A_297, %get3A_298] : memref<64x32768xf32, #tpu.memory_space<vmem>>, vector<64x128xf32>
    %dot_general3A_300 = arith.constant dense<0.000000e+00> : vector<128x64xf32>
    %dot_general3A_301 = tpu.matmul %convert_element_type3A_14, %get3A_299, %dot_general3A_300 {dimension_numbers = #tpu.dot_dimension_numbers<[1], [1], [0], [0], [0, 0, 1, 0], [], []>, transpose_lhs_hint = false} : vector<128x128xf32>, vector<64x128xf32>, vector<128x64xf32> -> vector<128x64xf32>
    %slice3A_302 = vector.extract_strided_slice %dot_general3A_301 {offsets = [0, 0], sizes = [64, 64], strides = [1, 1]} : vector<128x64xf32> to vector<64x64xf32>
    %swap3A_303 = arith.constant 1408 : index
    %swap3A_304 = arith.constant 0 : index
    %swap3A_305 = vector.load %arg2[%swap3A_303, %swap3A_304] : memref<16384x128xf32, #tpu.memory_space<vmem>>, vector<64x64xf32>
    tpu.vector_store %arg2[%swap3A_303, %swap3A_304], %slice3A_302 {strides = array<i32>} : memref<16384x128xf32, #tpu.memory_space<vmem>>, vector<64x64xf32>,
    %slice3A_306 = vector.extract_strided_slice %dot_general3A_301 {offsets = [64, 0], sizes = [64, 64], strides = [1, 1]} : vector<128x64xf32> to vector<64x64xf32>
    %swap3A_307 = arith.constant 1408 : index
    %swap3A_308 = arith.constant 64 : index
    %swap3A_309 = vector.load %arg2[%swap3A_307, %swap3A_308] : memref<16384x128xf32, #tpu.memory_space<vmem>>, vector<64x64xf32>
    tpu.vector_store %arg2[%swap3A_307, %swap3A_308], %slice3A_306 {strides = array<i32>} : memref<16384x128xf32, #tpu.memory_space<vmem>>, vector<64x64xf32>,
    %get3A_310 = arith.constant 0 : index
    %get3A_311 = arith.constant 2944 : index
    %get3A_312 = vector.load %arg1[%get3A_310, %get3A_311] : memref<64x32768xf32, #tpu.memory_space<vmem>>, vector<64x128xf32>
    %dot_general3A_313 = arith.constant dense<0.000000e+00> : vector<128x64xf32>
    %dot_general3A_314 = tpu.matmul %convert_element_type3A_14, %get3A_312, %dot_general3A_313 {dimension_numbers = #tpu.dot_dimension_numbers<[1], [1], [0], [0], [0, 0, 1, 0], [], []>, transpose_lhs_hint = false} : vector<128x128xf32>, vector<64x128xf32>, vector<128x64xf32> -> vector<128x64xf32>
    %slice3A_315 = vector.extract_strided_slice %dot_general3A_314 {offsets = [0, 0], sizes = [64, 64], strides = [1, 1]} : vector<128x64xf32> to vector<64x64xf32>
    %swap3A_316 = arith.constant 1472 : index
    %swap3A_317 = arith.constant 0 : index
    %swap3A_318 = vector.load %arg2[%swap3A_316, %swap3A_317] : memref<16384x128xf32, #tpu.memory_space<vmem>>, vector<64x64xf32>
    tpu.vector_store %arg2[%swap3A_316, %swap3A_317], %slice3A_315 {strides = array<i32>} : memref<16384x128xf32, #tpu.memory_space<vmem>>, vector<64x64xf32>,
    %slice3A_319 = vector.extract_strided_slice %dot_general3A_314 {offsets = [64, 0], sizes = [64, 64], strides = [1, 1]} : vector<128x64xf32> to vector<64x64xf32>
    %swap3A_320 = arith.constant 1472 : index
    %swap3A_321 = arith.constant 64 : index
    %swap3A_322 = vector.load %arg2[%swap3A_320, %swap3A_321] : memref<16384x128xf32, #tpu.memory_space<vmem>>, vector<64x64xf32>
    tpu.vector_store %arg2[%swap3A_320, %swap3A_321], %slice3A_319 {strides = array<i32>} : memref<16384x128xf32, #tpu.memory_space<vmem>>, vector<64x64xf32>,
    %get3A_323 = arith.constant 0 : index
    %get3A_324 = arith.constant 3072 : index
    %get3A_325 = vector.load %arg1[%get3A_323, %get3A_324] : memref<64x32768xf32, #tpu.memory_space<vmem>>, vector<64x128xf32>
    %dot_general3A_326 = arith.constant dense<0.000000e+00> : vector<128x64xf32>
    %dot_general3A_327 = tpu.matmul %convert_element_type3A_14, %get3A_325, %dot_general3A_326 {dimension_numbers = #tpu.dot_dimension_numbers<[1], [1], [0], [0], [0, 0, 1, 0], [], []>, transpose_lhs_hint = false} : vector<128x128xf32>, vector<64x128xf32>, vector<128x64xf32> -> vector<128x64xf32>
    %slice3A_328 = vector.extract_strided_slice %dot_general3A_327 {offsets = [0, 0], sizes = [64, 64], strides = [1, 1]} : vector<128x64xf32> to vector<64x64xf32>
    %swap3A_329 = arith.constant 1536 : index
    %swap3A_330 = arith.constant 0 : index
    %swap3A_331 = vector.load %arg2[%swap3A_329, %swap3A_330] : memref<16384x128xf32, #tpu.memory_space<vmem>>, vector<64x64xf32>
    tpu.vector_store %arg2[%swap3A_329, %swap3A_330], %slice3A_328 {strides = array<i32>} : memref<16384x128xf32, #tpu.memory_space<vmem>>, vector<64x64xf32>,
    %slice3A_332 = vector.extract_strided_slice %dot_general3A_327 {offsets = [64, 0], sizes = [64, 64], strides = [1, 1]} : vector<128x64xf32> to vector<64x64xf32>
    %swap3A_333 = arith.constant 1536 : index
    %swap3A_334 = arith.constant 64 : index
    %swap3A_335 = vector.load %arg2[%swap3A_333, %swap3A_334] : memref<16384x128xf32, #tpu.memory_space<vmem>>, vector<64x64xf32>
    tpu.vector_store %arg2[%swap3A_333, %swap3A_334], %slice3A_332 {strides = array<i32>} : memref<16384x128xf32, #tpu.memory_space<vmem>>, vector<64x64xf32>,
    %get3A_336 = arith.constant 0 : index
    %get3A_337 = arith.constant 3200 : index
    %get3A_338 = vector.load %arg1[%get3A_336, %get3A_337] : memref<64x32768xf32, #tpu.memory_space<vmem>>, vector<64x128xf32>
    %dot_general3A_339 = arith.constant dense<0.000000e+00> : vector<128x64xf32>
    %dot_general3A_340 = tpu.matmul %convert_element_type3A_14, %get3A_338, %dot_general3A_339 {dimension_numbers = #tpu.dot_dimension_numbers<[1], [1], [0], [0], [0, 0, 1, 0], [], []>, transpose_lhs_hint = false} : vector<128x128xf32>, vector<64x128xf32>, vector<128x64xf32> -> vector<128x64xf32>
    %slice3A_341 = vector.extract_strided_slice %dot_general3A_340 {offsets = [0, 0], sizes = [64, 64], strides = [1, 1]} : vector<128x64xf32> to vector<64x64xf32>
    %swap3A_342 = arith.constant 1600 : index
    %swap3A_343 = arith.constant 0 : index
    %swap3A_344 = vector.load %arg2[%swap3A_342, %swap3A_343] : memref<16384x128xf32, #tpu.memory_space<vmem>>, vector<64x64xf32>
    tpu.vector_store %arg2[%swap3A_342, %swap3A_343], %slice3A_341 {strides = array<i32>} : memref<16384x128xf32, #tpu.memory_space<vmem>>, vector<64x64xf32>,
    %slice3A_345 = vector.extract_strided_slice %dot_general3A_340 {offsets = [64, 0], sizes = [64, 64], strides = [1, 1]} : vector<128x64xf32> to vector<64x64xf32>
    %swap3A_346 = arith.constant 1600 : index
    %swap3A_347 = arith.constant 64 : index
    %swap3A_348 = vector.load %arg2[%swap3A_346, %swap3A_347] : memref<16384x128xf32, #tpu.memory_space<vmem>>, vector<64x64xf32>
    tpu.vector_store %arg2[%swap3A_346, %swap3A_347], %slice3A_345 {strides = array<i32>} : memref<16384x128xf32, #tpu.memory_space<vmem>>, vector<64x64xf32>,
    %get3A_349 = arith.constant 0 : index
    %get3A_350 = arith.constant 3328 : index
    %get3A_351 = vector.load %arg1[%get3A_349, %get3A_350] : memref<64x32768xf32, #tpu.memory_space<vmem>>, vector<64x128xf32>
    %dot_general3A_352 = arith.constant dense<0.000000e+00> : vector<128x64xf32>
    %dot_general3A_353 = tpu.matmul %convert_element_type3A_14, %get3A_351, %dot_general3A_352 {dimension_numbers = #tpu.dot_dimension_numbers<[1], [1], [0], [0], [0, 0, 1, 0], [], []>, transpose_lhs_hint = false} : vector<128x128xf32>, vector<64x128xf32>, vector<128x64xf32> -> vector<128x64xf32>
    %slice3A_354 = vector.extract_strided_slice %dot_general3A_353 {offsets = [0, 0], sizes = [64, 64], strides = [1, 1]} : vector<128x64xf32> to vector<64x64xf32>
    %swap3A_355 = arith.constant 1664 : index
    %swap3A_356 = arith.constant 0 : index
    %swap3A_357 = vector.load %arg2[%swap3A_355, %swap3A_356] : memref<16384x128xf32, #tpu.memory_space<vmem>>, vector<64x64xf32>
    tpu.vector_store %arg2[%swap3A_355, %swap3A_356], %slice3A_354 {strides = array<i32>} : memref<16384x128xf32, #tpu.memory_space<vmem>>, vector<64x64xf32>,
    %slice3A_358 = vector.extract_strided_slice %dot_general3A_353 {offsets = [64, 0], sizes = [64, 64], strides = [1, 1]} : vector<128x64xf32> to vector<64x64xf32>
    %swap3A_359 = arith.constant 1664 : index
    %swap3A_360 = arith.constant 64 : index
    %swap3A_361 = vector.load %arg2[%swap3A_359, %swap3A_360] : memref<16384x128xf32, #tpu.memory_space<vmem>>, vector<64x64xf32>
    tpu.vector_store %arg2[%swap3A_359, %swap3A_360], %slice3A_358 {strides = array<i32>} : memref<16384x128xf32, #tpu.memory_space<vmem>>, vector<64x64xf32>,
    %get3A_362 = arith.constant 0 : index
    %get3A_363 = arith.constant 3456 : index
    %get3A_364 = vector.load %arg1[%get3A_362, %get3A_363] : memref<64x32768xf32, #tpu.memory_space<vmem>>, vector<64x128xf32>
    %dot_general3A_365 = arith.constant dense<0.000000e+00> : vector<128x64xf32>
    %dot_general3A_366 = tpu.matmul %convert_element_type3A_14, %get3A_364, %dot_general3A_365 {dimension_numbers = #tpu.dot_dimension_numbers<[1], [1], [0], [0], [0, 0, 1, 0], [], []>, transpose_lhs_hint = false} : vector<128x128xf32>, vector<64x128xf32>, vector<128x64xf32> -> vector<128x64xf32>
    %slice3A_367 = vector.extract_strided_slice %dot_general3A_366 {offsets = [0, 0], sizes = [64, 64], strides = [1, 1]} : vector<128x64xf32> to vector<64x64xf32>
    %swap3A_368 = arith.constant 1728 : index
    %swap3A_369 = arith.constant 0 : index
    %swap3A_370 = vector.load %arg2[%swap3A_368, %swap3A_369] : memref<16384x128xf32, #tpu.memory_space<vmem>>, vector<64x64xf32>
    tpu.vector_store %arg2[%swap3A_368, %swap3A_369], %slice3A_367 {strides = array<i32>} : memref<16384x128xf32, #tpu.memory_space<vmem>>, vector<64x64xf32>,
    %slice3A_371 = vector.extract_strided_slice %dot_general3A_366 {offsets = [64, 0], sizes = [64, 64], strides = [1, 1]} : vector<128x64xf32> to vector<64x64xf32>
    %swap3A_372 = arith.constant 1728 : index
    %swap3A_373 = arith.constant 64 : index
    %swap3A_374 = vector.load %arg2[%swap3A_372, %swap3A_373] : memref<16384x128xf32, #tpu.memory_space<vmem>>, vector<64x64xf32>
    tpu.vector_store %arg2[%swap3A_372, %swap3A_373], %slice3A_371 {strides = array<i32>} : memref<16384x128xf32, #tpu.memory_space<vmem>>, vector<64x64xf32>,
    %get3A_375 = arith.constant 0 : index
    %get3A_376 = arith.constant 3584 : index
    %get3A_377 = vector.load %arg1[%get3A_375, %get3A_376] : memref<64x32768xf32, #tpu.memory_space<vmem>>, vector<64x128xf32>
    %dot_general3A_378 = arith.constant dense<0.000000e+00> : vector<128x64xf32>
    %dot_general3A_379 = tpu.matmul %convert_element_type3A_14, %get3A_377, %dot_general3A_378 {dimension_numbers = #tpu.dot_dimension_numbers<[1], [1], [0], [0], [0, 0, 1, 0], [], []>, transpose_lhs_hint = false} : vector<128x128xf32>, vector<64x128xf32>, vector<128x64xf32> -> vector<128x64xf32>
    %slice3A_380 = vector.extract_strided_slice %dot_general3A_379 {offsets = [0, 0], sizes = [64, 64], strides = [1, 1]} : vector<128x64xf32> to vector<64x64xf32>
    %swap3A_381 = arith.constant 1792 : index
    %swap3A_382 = arith.constant 0 : index
    %swap3A_383 = vector.load %arg2[%swap3A_381, %swap3A_382] : memref<16384x128xf32, #tpu.memory_space<vmem>>, vector<64x64xf32>
    tpu.vector_store %arg2[%swap3A_381, %swap3A_382], %slice3A_380 {strides = array<i32>} : memref<16384x128xf32, #tpu.memory_space<vmem>>, vector<64x64xf32>,
    %slice3A_384 = vector.extract_strided_slice %dot_general3A_379 {offsets = [64, 0], sizes = [64, 64], strides = [1, 1]} : vector<128x64xf32> to vector<64x64xf32>
    %swap3A_385 = arith.constant 1792 : index
    %swap3A_386 = arith.constant 64 : index
    %swap3A_387 = vector.load %arg2[%swap3A_385, %swap3A_386] : memref<16384x128xf32, #tpu.memory_space<vmem>>, vector<64x64xf32>
    tpu.vector_store %arg2[%swap3A_385, %swap3A_386], %slice3A_384 {strides = array<i32>} : memref<16384x128xf32, #tpu.memory_space<vmem>>, vector<64x64xf32>,
    %get3A_388 = arith.constant 0 : index
    %get3A_389 = arith.constant 3712 : index
    %get3A_390 = vector.load %arg1[%get3A_388, %get3A_389] : memref<64x32768xf32, #tpu.memory_space<vmem>>, vector<64x128xf32>
    %dot_general3A_391 = arith.constant dense<0.000000e+00> : vector<128x64xf32>
    %dot_general3A_392 = tpu.matmul %convert_element_type3A_14, %get3A_390, %dot_general3A_391 {dimension_numbers = #tpu.dot_dimension_numbers<[1], [1], [0], [0], [0, 0, 1, 0], [], []>, transpose_lhs_hint = false} : vector<128x128xf32>, vector<64x128xf32>, vector<128x64xf32> -> vector<128x64xf32>
    %slice3A_393 = vector.extract_strided_slice %dot_general3A_392 {offsets = [0, 0], sizes = [64, 64], strides = [1, 1]} : vector<128x64xf32> to vector<64x64xf32>
    %swap3A_394 = arith.constant 1856 : index
    %swap3A_395 = arith.constant 0 : index
    %swap3A_396 = vector.load %arg2[%swap3A_394, %swap3A_395] : memref<16384x128xf32, #tpu.memory_space<vmem>>, vector<64x64xf32>
    tpu.vector_store %arg2[%swap3A_394, %swap3A_395], %slice3A_393 {strides = array<i32>} : memref<16384x128xf32, #tpu.memory_space<vmem>>, vector<64x64xf32>,
    %slice3A_397 = vector.extract_strided_slice %dot_general3A_392 {offsets = [64, 0], sizes = [64, 64], strides = [1, 1]} : vector<128x64xf32> to vector<64x64xf32>
    %swap3A_398 = arith.constant 1856 : index
    %swap3A_399 = arith.constant 64 : index
    %swap3A_400 = vector.load %arg2[%swap3A_398, %swap3A_399] : memref<16384x128xf32, #tpu.memory_space<vmem>>, vector<64x64xf32>
    tpu.vector_store %arg2[%swap3A_398, %swap3A_399], %slice3A_397 {strides = array<i32>} : memref<16384x128xf32, #tpu.memory_space<vmem>>, vector<64x64xf32>,
    %get3A_401 = arith.constant 0 : index
    %get3A_402 = arith.constant 3840 : index
    %get3A_403 = vector.load %arg1[%get3A_401, %get3A_402] : memref<64x32768xf32, #tpu.memory_space<vmem>>, vector<64x128xf32>
    %dot_general3A_404 = arith.constant dense<0.000000e+00> : vector<128x64xf32>
    %dot_general3A_405 = tpu.matmul %convert_element_type3A_14, %get3A_403, %dot_general3A_404 {dimension_numbers = #tpu.dot_dimension_numbers<[1], [1], [0], [0], [0, 0, 1, 0], [], []>, transpose_lhs_hint = false} : vector<128x128xf32>, vector<64x128xf32>, vector<128x64xf32> -> vector<128x64xf32>
    %slice3A_406 = vector.extract_strided_slice %dot_general3A_405 {offsets = [0, 0], sizes = [64, 64], strides = [1, 1]} : vector<128x64xf32> to vector<64x64xf32>
    %swap3A_407 = arith.constant 1920 : index
    %swap3A_408 = arith.constant 0 : index
    %swap3A_409 = vector.load %arg2[%swap3A_407, %swap3A_408] : memref<16384x128xf32, #tpu.memory_space<vmem>>, vector<64x64xf32>
    tpu.vector_store %arg2[%swap3A_407, %swap3A_408], %slice3A_406 {strides = array<i32>} : memref<16384x128xf32, #tpu.memory_space<vmem>>, vector<64x64xf32>,
    %slice3A_410 = vector.extract_strided_slice %dot_general3A_405 {offsets = [64, 0], sizes = [64, 64], strides = [1, 1]} : vector<128x64xf32> to vector<64x64xf32>
    %swap3A_411 = arith.constant 1920 : index
    %swap3A_412 = arith.constant 64 : index
    %swap3A_413 = vector.load %arg2[%swap3A_411, %swap3A_412] : memref<16384x128xf32, #tpu.memory_space<vmem>>, vector<64x64xf32>
    tpu.vector_store %arg2[%swap3A_411, %swap3A_412], %slice3A_410 {strides = array<i32>} : memref<16384x128xf32, #tpu.memory_space<vmem>>, vector<64x64xf32>,
    %get3A_414 = arith.constant 0 : index
    %get3A_415 = arith.constant 3968 : index
    %get3A_416 = vector.load %arg1[%get3A_414, %get3A_415] : memref<64x32768xf32, #tpu.memory_space<vmem>>, vector<64x128xf32>
    %dot_general3A_417 = arith.constant dense<0.000000e+00> : vector<128x64xf32>
    %dot_general3A_418 = tpu.matmul %convert_element_type3A_14, %get3A_416, %dot_general3A_417 {dimension_numbers = #tpu.dot_dimension_numbers<[1], [1], [0], [0], [0, 0, 1, 0], [], []>, transpose_lhs_hint = false} : vector<128x128xf32>, vector<64x128xf32>, vector<128x64xf32> -> vector<128x64xf32>
    %slice3A_419 = vector.extract_strided_slice %dot_general3A_418 {offsets = [0, 0], sizes = [64, 64], strides = [1, 1]} : vector<128x64xf32> to vector<64x64xf32>
    %swap3A_420 = arith.constant 1984 : index
    %swap3A_421 = arith.constant 0 : index
    %swap3A_422 = vector.load %arg2[%swap3A_420, %swap3A_421] : memref<16384x128xf32, #tpu.memory_space<vmem>>, vector<64x64xf32>
    tpu.vector_store %arg2[%swap3A_420, %swap3A_421], %slice3A_419 {strides = array<i32>} : memref<16384x128xf32, #tpu.memory_space<vmem>>, vector<64x64xf32>,
    %slice3A_423 = vector.extract_strided_slice %dot_general3A_418 {offsets = [64, 0], sizes = [64, 64], strides = [1, 1]} : vector<128x64xf32> to vector<64x64xf32>
    %swap3A_424 = arith.constant 1984 : index
    %swap3A_425 = arith.constant 64 : index
    %swap3A_426 = vector.load %arg2[%swap3A_424, %swap3A_425] : memref<16384x128xf32, #tpu.memory_space<vmem>>, vector<64x64xf32>
    tpu.vector_store %arg2[%swap3A_424, %swap3A_425], %slice3A_423 {strides = array<i32>} : memref<16384x128xf32, #tpu.memory_space<vmem>>, vector<64x64xf32>,
    %get3A_427 = arith.constant 0 : index
    %get3A_428 = arith.constant 4096 : index
    %get3A_429 = vector.load %arg1[%get3A_427, %get3A_428] : memref<64x32768xf32, #tpu.memory_space<vmem>>, vector<64x128xf32>
    %dot_general3A_430 = arith.constant dense<0.000000e+00> : vector<128x64xf32>
    %dot_general3A_431 = tpu.matmul %convert_element_type3A_14, %get3A_429, %dot_general3A_430 {dimension_numbers = #tpu.dot_dimension_numbers<[1], [1], [0], [0], [0, 0, 1, 0], [], []>, transpose_lhs_hint = false} : vector<128x128xf32>, vector<64x128xf32>, vector<128x64xf32> -> vector<128x64xf32>
    %slice3A_432 = vector.extract_strided_slice %dot_general3A_431 {offsets = [0, 0], sizes = [64, 64], strides = [1, 1]} : vector<128x64xf32> to vector<64x64xf32>
    %swap3A_433 = arith.constant 2048 : index
    %swap3A_434 = arith.constant 0 : index
    %swap3A_435 = vector.load %arg2[%swap3A_433, %swap3A_434] : memref<16384x128xf32, #tpu.memory_space<vmem>>, vector<64x64xf32>
    tpu.vector_store %arg2[%swap3A_433, %swap3A_434], %slice3A_432 {strides = array<i32>} : memref<16384x128xf32, #tpu.memory_space<vmem>>, vector<64x64xf32>,
    %slice3A_436 = vector.extract_strided_slice %dot_general3A_431 {offsets = [64, 0], sizes = [64, 64], strides = [1, 1]} : vector<128x64xf32> to vector<64x64xf32>
    %swap3A_437 = arith.constant 2048 : index
    %swap3A_438 = arith.constant 64 : index
    %swap3A_439 = vector.load %arg2[%swap3A_437, %swap3A_438] : memref<16384x128xf32, #tpu.memory_space<vmem>>, vector<64x64xf32>
    tpu.vector_store %arg2[%swap3A_437, %swap3A_438], %slice3A_436 {strides = array<i32>} : memref<16384x128xf32, #tpu.memory_space<vmem>>, vector<64x64xf32>,
    %get3A_440 = arith.constant 0 : index
    %get3A_441 = arith.constant 4224 : index
    %get3A_442 = vector.load %arg1[%get3A_440, %get3A_441] : memref<64x32768xf32, #tpu.memory_space<vmem>>, vector<64x128xf32>
    %dot_general3A_443 = arith.constant dense<0.000000e+00> : vector<128x64xf32>
    %dot_general3A_444 = tpu.matmul %convert_element_type3A_14, %get3A_442, %dot_general3A_443 {dimension_numbers = #tpu.dot_dimension_numbers<[1], [1], [0], [0], [0, 0, 1, 0], [], []>, transpose_lhs_hint = false} : vector<128x128xf32>, vector<64x128xf32>, vector<128x64xf32> -> vector<128x64xf32>
    %slice3A_445 = vector.extract_strided_slice %dot_general3A_444 {offsets = [0, 0], sizes = [64, 64], strides = [1, 1]} : vector<128x64xf32> to vector<64x64xf32>
    %swap3A_446 = arith.constant 2112 : index
    %swap3A_447 = arith.constant 0 : index
    %swap3A_448 = vector.load %arg2[%swap3A_446, %swap3A_447] : memref<16384x128xf32, #tpu.memory_space<vmem>>, vector<64x64xf32>
    tpu.vector_store %arg2[%swap3A_446, %swap3A_447], %slice3A_445 {strides = array<i32>} : memref<16384x128xf32, #tpu.memory_space<vmem>>, vector<64x64xf32>,
    %slice3A_449 = vector.extract_strided_slice %dot_general3A_444 {offsets = [64, 0], sizes = [64, 64], strides = [1, 1]} : vector<128x64xf32> to vector<64x64xf32>
    %swap3A_450 = arith.constant 2112 : index
    %swap3A_451 = arith.constant 64 : index
    %swap3A_452 = vector.load %arg2[%swap3A_450, %swap3A_451] : memref<16384x128xf32, #tpu.memory_space<vmem>>, vector<64x64xf32>
    tpu.vector_store %arg2[%swap3A_450, %swap3A_451], %slice3A_449 {strides = array<i32>} : memref<16384x128xf32, #tpu.memory_space<vmem>>, vector<64x64xf32>,
    %get3A_453 = arith.constant 0 : index
    %get3A_454 = arith.constant 4352 : index
    %get3A_455 = vector.load %arg1[%get3A_453, %get3A_454] : memref<64x32768xf32, #tpu.memory_space<vmem>>, vector<64x128xf32>
    %dot_general3A_456 = arith.constant dense<0.000000e+00> : vector<128x64xf32>
    %dot_general3A_457 = tpu.matmul %convert_element_type3A_14, %get3A_455, %dot_general3A_456 {dimension_numbers = #tpu.dot_dimension_numbers<[1], [1], [0], [0], [0, 0, 1, 0], [], []>, transpose_lhs_hint = false} : vector<128x128xf32>, vector<64x128xf32>, vector<128x64xf32> -> vector<128x64xf32>
    %slice3A_458 = vector.extract_strided_slice %dot_general3A_457 {offsets = [0, 0], sizes = [64, 64], strides = [1, 1]} : vector<128x64xf32> to vector<64x64xf32>
    %swap3A_459 = arith.constant 2176 : index
    %swap3A_460 = arith.constant 0 : index
    %swap3A_461 = vector.load %arg2[%swap3A_459, %swap3A_460] : memref<16384x128xf32, #tpu.memory_space<vmem>>, vector<64x64xf32>
    tpu.vector_store %arg2[%swap3A_459, %swap3A_460], %slice3A_458 {strides = array<i32>} : memref<16384x128xf32, #tpu.memory_space<vmem>>, vector<64x64xf32>,
    %slice3A_462 = vector.extract_strided_slice %dot_general3A_457 {offsets = [64, 0], sizes = [64, 64], strides = [1, 1]} : vector<128x64xf32> to vector<64x64xf32>
    %swap3A_463 = arith.constant 2176 : index
    %swap3A_464 = arith.constant 64 : index
    %swap3A_465 = vector.load %arg2[%swap3A_463, %swap3A_464] : memref<16384x128xf32, #tpu.memory_space<vmem>>, vector<64x64xf32>
    tpu.vector_store %arg2[%swap3A_463, %swap3A_464], %slice3A_462 {strides = array<i32>} : memref<16384x128xf32, #tpu.memory_space<vmem>>, vector<64x64xf32>,
    %get3A_466 = arith.constant 0 : index
    %get3A_467 = arith.constant 4480 : index
    %get3A_468 = vector.load %arg1[%get3A_466, %get3A_467] : memref<64x32768xf32, #tpu.memory_space<vmem>>, vector<64x128xf32>
    %dot_general3A_469 = arith.constant dense<0.000000e+00> : vector<128x64xf32>
    %dot_general3A_470 = tpu.matmul %convert_element_type3A_14, %get3A_468, %dot_general3A_469 {dimension_numbers = #tpu.dot_dimension_numbers<[1], [1], [0], [0], [0, 0, 1, 0], [], []>, transpose_lhs_hint = false} : vector<128x128xf32>, vector<64x128xf32>, vector<128x64xf32> -> vector<128x64xf32>
    %slice3A_471 = vector.extract_strided_slice %dot_general3A_470 {offsets = [0, 0], sizes = [64, 64], strides = [1, 1]} : vector<128x64xf32> to vector<64x64xf32>
    %swap3A_472 = arith.constant 2240 : index
    %swap3A_473 = arith.constant 0 : index
    %swap3A_474 = vector.load %arg2[%swap3A_472, %swap3A_473] : memref<16384x128xf32, #tpu.memory_space<vmem>>, vector<64x64xf32>
    tpu.vector_store %arg2[%swap3A_472, %swap3A_473], %slice3A_471 {strides = array<i32>} : memref<16384x128xf32, #tpu.memory_space<vmem>>, vector<64x64xf32>,
    %slice3A_475 = vector.extract_strided_slice %dot_general3A_470 {offsets = [64, 0], sizes = [64, 64], strides = [1, 1]} : vector<128x64xf32> to vector<64x64xf32>
    %swap3A_476 = arith.constant 2240 : index
    %swap3A_477 = arith.constant 64 : index
    %swap3A_478 = vector.load %arg2[%swap3A_476, %swap3A_477] : memref<16384x128xf32, #tpu.memory_space<vmem>>, vector<64x64xf32>
    tpu.vector_store %arg2[%swap3A_476, %swap3A_477], %slice3A_475 {strides = array<i32>} : memref<16384x128xf32, #tpu.memory_space<vmem>>, vector<64x64xf32>,
    %get3A_479 = arith.constant 0 : index
    %get3A_480 = arith.constant 4608 : index
    %get3A_481 = vector.load %arg1[%get3A_479, %get3A_480] : memref<64x32768xf32, #tpu.memory_space<vmem>>, vector<64x128xf32>
    %dot_general3A_482 = arith.constant dense<0.000000e+00> : vector<128x64xf32>
    %dot_general3A_483 = tpu.matmul %convert_element_type3A_14, %get3A_481, %dot_general3A_482 {dimension_numbers = #tpu.dot_dimension_numbers<[1], [1], [0], [0], [0, 0, 1, 0], [], []>, transpose_lhs_hint = false} : vector<128x128xf32>, vector<64x128xf32>, vector<128x64xf32> -> vector<128x64xf32>
    %slice3A_484 = vector.extract_strided_slice %dot_general3A_483 {offsets = [0, 0], sizes = [64, 64], strides = [1, 1]} : vector<128x64xf32> to vector<64x64xf32>
    %swap3A_485 = arith.constant 2304 : index
    %swap3A_486 = arith.constant 0 : index
    %swap3A_487 = vector.load %arg2[%swap3A_485, %swap3A_486] : memref<16384x128xf32, #tpu.memory_space<vmem>>, vector<64x64xf32>
    tpu.vector_store %arg2[%swap3A_485, %swap3A_486], %slice3A_484 {strides = array<i32>} : memref<16384x128xf32, #tpu.memory_space<vmem>>, vector<64x64xf32>,
    %slice3A_488 = vector.extract_strided_slice %dot_general3A_483 {offsets = [64, 0], sizes = [64, 64], strides = [1, 1]} : vector<128x64xf32> to vector<64x64xf32>
    %swap3A_489 = arith.constant 2304 : index
    %swap3A_490 = arith.constant 64 : index
    %swap3A_491 = vector.load %arg2[%swap3A_489, %swap3A_490] : memref<16384x128xf32, #tpu.memory_space<vmem>>, vector<64x64xf32>
    tpu.vector_store %arg2[%swap3A_489, %swap3A_490], %slice3A_488 {strides = array<i32>} : memref<16384x128xf32, #tpu.memory_space<vmem>>, vector<64x64xf32>,
    %get3A_492 = arith.constant 0 : index
    %get3A_493 = arith.constant 4736 : index
    %get3A_494 = vector.load %arg1[%get3A_492, %get3A_493] : memref<64x32768xf32, #tpu.memory_space<vmem>>, vector<64x128xf32>
    %dot_general3A_495 = arith.constant dense<0.000000e+00> : vector<128x64xf32>
    %dot_general3A_496 = tpu.matmul %convert_element_type3A_14, %get3A_494, %dot_general3A_495 {dimension_numbers = #tpu.dot_dimension_numbers<[1], [1], [0], [0], [0, 0, 1, 0], [], []>, transpose_lhs_hint = false} : vector<128x128xf32>, vector<64x128xf32>, vector<128x64xf32> -> vector<128x64xf32>
    %slice3A_497 = vector.extract_strided_slice %dot_general3A_496 {offsets = [0, 0], sizes = [64, 64], strides = [1, 1]} : vector<128x64xf32> to vector<64x64xf32>
    %swap3A_498 = arith.constant 2368 : index
    %swap3A_499 = arith.constant 0 : index
    %swap3A_500 = vector.load %arg2[%swap3A_498, %swap3A_499] : memref<16384x128xf32, #tpu.memory_space<vmem>>, vector<64x64xf32>
    tpu.vector_store %arg2[%swap3A_498, %swap3A_499], %slice3A_497 {strides = array<i32>} : memref<16384x128xf32, #tpu.memory_space<vmem>>, vector<64x64xf32>,
    %slice3A_501 = vector.extract_strided_slice %dot_general3A_496 {offsets = [64, 0], sizes = [64, 64], strides = [1, 1]} : vector<128x64xf32> to vector<64x64xf32>
    %swap3A_502 = arith.constant 2368 : index
    %swap3A_503 = arith.constant 64 : index
    %swap3A_504 = vector.load %arg2[%swap3A_502, %swap3A_503] : memref<16384x128xf32, #tpu.memory_space<vmem>>, vector<64x64xf32>
    tpu.vector_store %arg2[%swap3A_502, %swap3A_503], %slice3A_501 {strides = array<i32>} : memref<16384x128xf32, #tpu.memory_space<vmem>>, vector<64x64xf32>,
    %get3A_505 = arith.constant 0 : index
    %get3A_506 = arith.constant 4864 : index
    %get3A_507 = vector.load %arg1[%get3A_505, %get3A_506] : memref<64x32768xf32, #tpu.memory_space<vmem>>, vector<64x128xf32>
    %dot_general3A_508 = arith.constant dense<0.000000e+00> : vector<128x64xf32>
    %dot_general3A_509 = tpu.matmul %convert_element_type3A_14, %get3A_507, %dot_general3A_508 {dimension_numbers = #tpu.dot_dimension_numbers<[1], [1], [0], [0], [0, 0, 1, 0], [], []>, transpose_lhs_hint = false} : vector<128x128xf32>, vector<64x128xf32>, vector<128x64xf32> -> vector<128x64xf32>
    %slice3A_510 = vector.extract_strided_slice %dot_general3A_509 {offsets = [0, 0], sizes = [64, 64], strides = [1, 1]} : vector<128x64xf32> to vector<64x64xf32>
    %swap3A_511 = arith.constant 2432 : index
    %swap3A_512 = arith.constant 0 : index
    %swap3A_513 = vector.load %arg2[%swap3A_511, %swap3A_512] : memref<16384x128xf32, #tpu.memory_space<vmem>>, vector<64x64xf32>
    tpu.vector_store %arg2[%swap3A_511, %swap3A_512], %slice3A_510 {strides = array<i32>} : memref<16384x128xf32, #tpu.memory_space<vmem>>, vector<64x64xf32>,
    %slice3A_514 = vector.extract_strided_slice %dot_general3A_509 {offsets = [64, 0], sizes = [64, 64], strides = [1, 1]} : vector<128x64xf32> to vector<64x64xf32>
    %swap3A_515 = arith.constant 2432 : index
    %swap3A_516 = arith.constant 64 : index
    %swap3A_517 = vector.load %arg2[%swap3A_515, %swap3A_516] : memref<16384x128xf32, #tpu.memory_space<vmem>>, vector<64x64xf32>
    tpu.vector_store %arg2[%swap3A_515, %swap3A_516], %slice3A_514 {strides = array<i32>} : memref<16384x128xf32, #tpu.memory_space<vmem>>, vector<64x64xf32>,
    %get3A_518 = arith.constant 0 : index
    %get3A_519 = arith.constant 4992 : index
    %get3A_520 = vector.load %arg1[%get3A_518, %get3A_519] : memref<64x32768xf32, #tpu.memory_space<vmem>>, vector<64x128xf32>
    %dot_general3A_521 = arith.constant dense<0.000000e+00> : vector<128x64xf32>
    %dot_general3A_522 = tpu.matmul %convert_element_type3A_14, %get3A_520, %dot_general3A_521 {dimension_numbers = #tpu.dot_dimension_numbers<[1], [1], [0], [0], [0, 0, 1, 0], [], []>, transpose_lhs_hint = false} : vector<128x128xf32>, vector<64x128xf32>, vector<128x64xf32> -> vector<128x64xf32>
    %slice3A_523 = vector.extract_strided_slice %dot_general3A_522 {offsets = [0, 0], sizes = [64, 64], strides = [1, 1]} : vector<128x64xf32> to vector<64x64xf32>
    %swap3A_524 = arith.constant 2496 : index
    %swap3A_525 = arith.constant 0 : index
    %swap3A_526 = vector.load %arg2[%swap3A_524, %swap3A_525] : memref<16384x128xf32, #tpu.memory_space<vmem>>, vector<64x64xf32>
    tpu.vector_store %arg2[%swap3A_524, %swap3A_525], %slice3A_523 {strides = array<i32>} : memref<16384x128xf32, #tpu.memory_space<vmem>>, vector<64x64xf32>,
    %slice3A_527 = vector.extract_strided_slice %dot_general3A_522 {offsets = [64, 0], sizes = [64, 64], strides = [1, 1]} : vector<128x64xf32> to vector<64x64xf32>
    %swap3A_528 = arith.constant 2496 : index
    %swap3A_529 = arith.constant 64 : index
    %swap3A_530 = vector.load %arg2[%swap3A_528, %swap3A_529] : memref<16384x128xf32, #tpu.memory_space<vmem>>, vector<64x64xf32>
    tpu.vector_store %arg2[%swap3A_528, %swap3A_529], %slice3A_527 {strides = array<i32>} : memref<16384x128xf32, #tpu.memory_space<vmem>>, vector<64x64xf32>,
    %get3A_531 = arith.constant 0 : index
    %get3A_532 = arith.constant 5120 : index
    %get3A_533 = vector.load %arg1[%get3A_531, %get3A_532] : memref<64x32768xf32, #tpu.memory_space<vmem>>, vector<64x128xf32>
    %dot_general3A_534 = arith.constant dense<0.000000e+00> : vector<128x64xf32>
    %dot_general3A_535 = tpu.matmul %convert_element_type3A_14, %get3A_533, %dot_general3A_534 {dimension_numbers = #tpu.dot_dimension_numbers<[1], [1], [0], [0], [0, 0, 1, 0], [], []>, transpose_lhs_hint = false} : vector<128x128xf32>, vector<64x128xf32>, vector<128x64xf32> -> vector<128x64xf32>
    %slice3A_536 = vector.extract_strided_slice %dot_general3A_535 {offsets = [0, 0], sizes = [64, 64], strides = [1, 1]} : vector<128x64xf32> to vector<64x64xf32>
    %swap3A_537 = arith.constant 2560 : index
    %swap3A_538 = arith.constant 0 : index
    %swap3A_539 = vector.load %arg2[%swap3A_537, %swap3A_538] : memref<16384x128xf32, #tpu.memory_space<vmem>>, vector<64x64xf32>
    tpu.vector_store %arg2[%swap3A_537, %swap3A_538], %slice3A_536 {strides = array<i32>} : memref<16384x128xf32, #tpu.memory_space<vmem>>, vector<64x64xf32>,
    %slice3A_540 = vector.extract_strided_slice %dot_general3A_535 {offsets = [64, 0], sizes = [64, 64], strides = [1, 1]} : vector<128x64xf32> to vector<64x64xf32>
    %swap3A_541 = arith.constant 2560 : index
    %swap3A_542 = arith.constant 64 : index
    %swap3A_543 = vector.load %arg2[%swap3A_541, %swap3A_542] : memref<16384x128xf32, #tpu.memory_space<vmem>>, vector<64x64xf32>
    tpu.vector_store %arg2[%swap3A_541, %swap3A_542], %slice3A_540 {strides = array<i32>} : memref<16384x128xf32, #tpu.memory_space<vmem>>, vector<64x64xf32>,
    %get3A_544 = arith.constant 0 : index
    %get3A_545 = arith.constant 5248 : index
    %get3A_546 = vector.load %arg1[%get3A_544, %get3A_545] : memref<64x32768xf32, #tpu.memory_space<vmem>>, vector<64x128xf32>
    %dot_general3A_547 = arith.constant dense<0.000000e+00> : vector<128x64xf32>
    %dot_general3A_548 = tpu.matmul %convert_element_type3A_14, %get3A_546, %dot_general3A_547 {dimension_numbers = #tpu.dot_dimension_numbers<[1], [1], [0], [0], [0, 0, 1, 0], [], []>, transpose_lhs_hint = false} : vector<128x128xf32>, vector<64x128xf32>, vector<128x64xf32> -> vector<128x64xf32>
    %slice3A_549 = vector.extract_strided_slice %dot_general3A_548 {offsets = [0, 0], sizes = [64, 64], strides = [1, 1]} : vector<128x64xf32> to vector<64x64xf32>
    %swap3A_550 = arith.constant 2624 : index
    %swap3A_551 = arith.constant 0 : index
    %swap3A_552 = vector.load %arg2[%swap3A_550, %swap3A_551] : memref<16384x128xf32, #tpu.memory_space<vmem>>, vector<64x64xf32>
    tpu.vector_store %arg2[%swap3A_550, %swap3A_551], %slice3A_549 {strides = array<i32>} : memref<16384x128xf32, #tpu.memory_space<vmem>>, vector<64x64xf32>,
    %slice3A_553 = vector.extract_strided_slice %dot_general3A_548 {offsets = [64, 0], sizes = [64, 64], strides = [1, 1]} : vector<128x64xf32> to vector<64x64xf32>
    %swap3A_554 = arith.constant 2624 : index
    %swap3A_555 = arith.constant 64 : index
    %swap3A_556 = vector.load %arg2[%swap3A_554, %swap3A_555] : memref<16384x128xf32, #tpu.memory_space<vmem>>, vector<64x64xf32>
    tpu.vector_store %arg2[%swap3A_554, %swap3A_555], %slice3A_553 {strides = array<i32>} : memref<16384x128xf32, #tpu.memory_space<vmem>>, vector<64x64xf32>,
    %get3A_557 = arith.constant 0 : index
    %get3A_558 = arith.constant 5376 : index
    %get3A_559 = vector.load %arg1[%get3A_557, %get3A_558] : memref<64x32768xf32, #tpu.memory_space<vmem>>, vector<64x128xf32>
    %dot_general3A_560 = arith.constant dense<0.000000e+00> : vector<128x64xf32>
    %dot_general3A_561 = tpu.matmul %convert_element_type3A_14, %get3A_559, %dot_general3A_560 {dimension_numbers = #tpu.dot_dimension_numbers<[1], [1], [0], [0], [0, 0, 1, 0], [], []>, transpose_lhs_hint = false} : vector<128x128xf32>, vector<64x128xf32>, vector<128x64xf32> -> vector<128x64xf32>
    %slice3A_562 = vector.extract_strided_slice %dot_general3A_561 {offsets = [0, 0], sizes = [64, 64], strides = [1, 1]} : vector<128x64xf32> to vector<64x64xf32>
    %swap3A_563 = arith.constant 2688 : index
    %swap3A_564 = arith.constant 0 : index
    %swap3A_565 = vector.load %arg2[%swap3A_563, %swap3A_564] : memref<16384x128xf32, #tpu.memory_space<vmem>>, vector<64x64xf32>
    tpu.vector_store %arg2[%swap3A_563, %swap3A_564], %slice3A_562 {strides = array<i32>} : memref<16384x128xf32, #tpu.memory_space<vmem>>, vector<64x64xf32>,
    %slice3A_566 = vector.extract_strided_slice %dot_general3A_561 {offsets = [64, 0], sizes = [64, 64], strides = [1, 1]} : vector<128x64xf32> to vector<64x64xf32>
    %swap3A_567 = arith.constant 2688 : index
    %swap3A_568 = arith.constant 64 : index
    %swap3A_569 = vector.load %arg2[%swap3A_567, %swap3A_568] : memref<16384x128xf32, #tpu.memory_space<vmem>>, vector<64x64xf32>
    tpu.vector_store %arg2[%swap3A_567, %swap3A_568], %slice3A_566 {strides = array<i32>} : memref<16384x128xf32, #tpu.memory_space<vmem>>, vector<64x64xf32>,
    %get3A_570 = arith.constant 0 : index
    %get3A_571 = arith.constant 5504 : index
    %get3A_572 = vector.load %arg1[%get3A_570, %get3A_571] : memref<64x32768xf32, #tpu.memory_space<vmem>>, vector<64x128xf32>
    %dot_general3A_573 = arith.constant dense<0.000000e+00> : vector<128x64xf32>
    %dot_general3A_574 = tpu.matmul %convert_element_type3A_14, %get3A_572, %dot_general3A_573 {dimension_numbers = #tpu.dot_dimension_numbers<[1], [1], [0], [0], [0, 0, 1, 0], [], []>, transpose_lhs_hint = false} : vector<128x128xf32>, vector<64x128xf32>, vector<128x64xf32> -> vector<128x64xf32>
    %slice3A_575 = vector.extract_strided_slice %dot_general3A_574 {offsets = [0, 0], sizes = [64, 64], strides = [1, 1]} : vector<128x64xf32> to vector<64x64xf32>
    %swap3A_576 = arith.constant 2752 : index
    %swap3A_577 = arith.constant 0 : index
    %swap3A_578 = vector.load %arg2[%swap3A_576, %swap3A_577] : memref<16384x128xf32, #tpu.memory_space<vmem>>, vector<64x64xf32>
    tpu.vector_store %arg2[%swap3A_576, %swap3A_577], %slice3A_575 {strides = array<i32>} : memref<16384x128xf32, #tpu.memory_space<vmem>>, vector<64x64xf32>,
    %slice3A_579 = vector.extract_strided_slice %dot_general3A_574 {offsets = [64, 0], sizes = [64, 64], strides = [1, 1]} : vector<128x64xf32> to vector<64x64xf32>
    %swap3A_580 = arith.constant 2752 : index
    %swap3A_581 = arith.constant 64 : index
    %swap3A_582 = vector.load %arg2[%swap3A_580, %swap3A_581] : memref<16384x128xf32, #tpu.memory_space<vmem>>, vector<64x64xf32>
    tpu.vector_store %arg2[%swap3A_580, %swap3A_581], %slice3A_579 {strides = array<i32>} : memref<16384x128xf32, #tpu.memory_space<vmem>>, vector<64x64xf32>,
    %get3A_583 = arith.constant 0 : index
    %get3A_584 = arith.constant 5632 : index
    %get3A_585 = vector.load %arg1[%get3A_583, %get3A_584] : memref<64x32768xf32, #tpu.memory_space<vmem>>, vector<64x128xf32>
    %dot_general3A_586 = arith.constant dense<0.000000e+00> : vector<128x64xf32>
    %dot_general3A_587 = tpu.matmul %convert_element_type3A_14, %get3A_585, %dot_general3A_586 {dimension_numbers = #tpu.dot_dimension_numbers<[1], [1], [0], [0], [0, 0, 1, 0], [], []>, transpose_lhs_hint = false} : vector<128x128xf32>, vector<64x128xf32>, vector<128x64xf32> -> vector<128x64xf32>
    %slice3A_588 = vector.extract_strided_slice %dot_general3A_587 {offsets = [0, 0], sizes = [64, 64], strides = [1, 1]} : vector<128x64xf32> to vector<64x64xf32>
    %swap3A_589 = arith.constant 2816 : index
    %swap3A_590 = arith.constant 0 : index
    %swap3A_591 = vector.load %arg2[%swap3A_589, %swap3A_590] : memref<16384x128xf32, #tpu.memory_space<vmem>>, vector<64x64xf32>
    tpu.vector_store %arg2[%swap3A_589, %swap3A_590], %slice3A_588 {strides = array<i32>} : memref<16384x128xf32, #tpu.memory_space<vmem>>, vector<64x64xf32>,
    %slice3A_592 = vector.extract_strided_slice %dot_general3A_587 {offsets = [64, 0], sizes = [64, 64], strides = [1, 1]} : vector<128x64xf32> to vector<64x64xf32>
    %swap3A_593 = arith.constant 2816 : index
    %swap3A_594 = arith.constant 64 : index
    %swap3A_595 = vector.load %arg2[%swap3A_593, %swap3A_594] : memref<16384x128xf32, #tpu.memory_space<vmem>>, vector<64x64xf32>
    tpu.vector_store %arg2[%swap3A_593, %swap3A_594], %slice3A_592 {strides = array<i32>} : memref<16384x128xf32, #tpu.memory_space<vmem>>, vector<64x64xf32>,
    %get3A_596 = arith.constant 0 : index
    %get3A_597 = arith.constant 5760 : index
    %get3A_598 = vector.load %arg1[%get3A_596, %get3A_597] : memref<64x32768xf32, #tpu.memory_space<vmem>>, vector<64x128xf32>
    %dot_general3A_599 = arith.constant dense<0.000000e+00> : vector<128x64xf32>
    %dot_general3A_600 = tpu.matmul %convert_element_type3A_14, %get3A_598, %dot_general3A_599 {dimension_numbers = #tpu.dot_dimension_numbers<[1], [1], [0], [0], [0, 0, 1, 0], [], []>, transpose_lhs_hint = false} : vector<128x128xf32>, vector<64x128xf32>, vector<128x64xf32> -> vector<128x64xf32>
    %slice3A_601 = vector.extract_strided_slice %dot_general3A_600 {offsets = [0, 0], sizes = [64, 64], strides = [1, 1]} : vector<128x64xf32> to vector<64x64xf32>
    %swap3A_602 = arith.constant 2880 : index
    %swap3A_603 = arith.constant 0 : index
    %swap3A_604 = vector.load %arg2[%swap3A_602, %swap3A_603] : memref<16384x128xf32, #tpu.memory_space<vmem>>, vector<64x64xf32>
    tpu.vector_store %arg2[%swap3A_602, %swap3A_603], %slice3A_601 {strides = array<i32>} : memref<16384x128xf32, #tpu.memory_space<vmem>>, vector<64x64xf32>,
    %slice3A_605 = vector.extract_strided_slice %dot_general3A_600 {offsets = [64, 0], sizes = [64, 64], strides = [1, 1]} : vector<128x64xf32> to vector<64x64xf32>
    %swap3A_606 = arith.constant 2880 : index
    %swap3A_607 = arith.constant 64 : index
    %swap3A_608 = vector.load %arg2[%swap3A_606, %swap3A_607] : memref<16384x128xf32, #tpu.memory_space<vmem>>, vector<64x64xf32>
    tpu.vector_store %arg2[%swap3A_606, %swap3A_607], %slice3A_605 {strides = array<i32>} : memref<16384x128xf32, #tpu.memory_space<vmem>>, vector<64x64xf32>,
    %get3A_609 = arith.constant 0 : index
    %get3A_610 = arith.constant 5888 : index
    %get3A_611 = vector.load %arg1[%get3A_609, %get3A_610] : memref<64x32768xf32, #tpu.memory_space<vmem>>, vector<64x128xf32>
    %dot_general3A_612 = arith.constant dense<0.000000e+00> : vector<128x64xf32>
    %dot_general3A_613 = tpu.matmul %convert_element_type3A_14, %get3A_611, %dot_general3A_612 {dimension_numbers = #tpu.dot_dimension_numbers<[1], [1], [0], [0], [0, 0, 1, 0], [], []>, transpose_lhs_hint = false} : vector<128x128xf32>, vector<64x128xf32>, vector<128x64xf32> -> vector<128x64xf32>
    %slice3A_614 = vector.extract_strided_slice %dot_general3A_613 {offsets = [0, 0], sizes = [64, 64], strides = [1, 1]} : vector<128x64xf32> to vector<64x64xf32>
    %swap3A_615 = arith.constant 2944 : index
    %swap3A_616 = arith.constant 0 : index
    %swap3A_617 = vector.load %arg2[%swap3A_615, %swap3A_616] : memref<16384x128xf32, #tpu.memory_space<vmem>>, vector<64x64xf32>
    tpu.vector_store %arg2[%swap3A_615, %swap3A_616], %slice3A_614 {strides = array<i32>} : memref<16384x128xf32, #tpu.memory_space<vmem>>, vector<64x64xf32>,
    %slice3A_618 = vector.extract_strided_slice %dot_general3A_613 {offsets = [64, 0], sizes = [64, 64], strides = [1, 1]} : vector<128x64xf32> to vector<64x64xf32>
    %swap3A_619 = arith.constant 2944 : index
    %swap3A_620 = arith.constant 64 : index
    %swap3A_621 = vector.load %arg2[%swap3A_619, %swap3A_620] : memref<16384x128xf32, #tpu.memory_space<vmem>>, vector<64x64xf32>
    tpu.vector_store %arg2[%swap3A_619, %swap3A_620], %slice3A_618 {strides = array<i32>} : memref<16384x128xf32, #tpu.memory_space<vmem>>, vector<64x64xf32>,
    %get3A_622 = arith.constant 0 : index
    %get3A_623 = arith.constant 6016 : index
    %get3A_624 = vector.load %arg1[%get3A_622, %get3A_623] : memref<64x32768xf32, #tpu.memory_space<vmem>>, vector<64x128xf32>
    %dot_general3A_625 = arith.constant dense<0.000000e+00> : vector<128x64xf32>
    %dot_general3A_626 = tpu.matmul %convert_element_type3A_14, %get3A_624, %dot_general3A_625 {dimension_numbers = #tpu.dot_dimension_numbers<[1], [1], [0], [0], [0, 0, 1, 0], [], []>, transpose_lhs_hint = false} : vector<128x128xf32>, vector<64x128xf32>, vector<128x64xf32> -> vector<128x64xf32>
    %slice3A_627 = vector.extract_strided_slice %dot_general3A_626 {offsets = [0, 0], sizes = [64, 64], strides = [1, 1]} : vector<128x64xf32> to vector<64x64xf32>
    %swap3A_628 = arith.constant 3008 : index
    %swap3A_629 = arith.constant 0 : index
    %swap3A_630 = vector.load %arg2[%swap3A_628, %swap3A_629] : memref<16384x128xf32, #tpu.memory_space<vmem>>, vector<64x64xf32>
    tpu.vector_store %arg2[%swap3A_628, %swap3A_629], %slice3A_627 {strides = array<i32>} : memref<16384x128xf32, #tpu.memory_space<vmem>>, vector<64x64xf32>,
    %slice3A_631 = vector.extract_strided_slice %dot_general3A_626 {offsets = [64, 0], sizes = [64, 64], strides = [1, 1]} : vector<128x64xf32> to vector<64x64xf32>
    %swap3A_632 = arith.constant 3008 : index
    %swap3A_633 = arith.constant 64 : index
    %swap3A_634 = vector.load %arg2[%swap3A_632, %swap3A_633] : memref<16384x128xf32, #tpu.memory_space<vmem>>, vector<64x64xf32>
    tpu.vector_store %arg2[%swap3A_632, %swap3A_633], %slice3A_631 {strides = array<i32>} : memref<16384x128xf32, #tpu.memory_space<vmem>>, vector<64x64xf32>,
    %get3A_635 = arith.constant 0 : index
    %get3A_636 = arith.constant 6144 : index
    %get3A_637 = vector.load %arg1[%get3A_635, %get3A_636] : memref<64x32768xf32, #tpu.memory_space<vmem>>, vector<64x128xf32>
    %dot_general3A_638 = arith.constant dense<0.000000e+00> : vector<128x64xf32>
    %dot_general3A_639 = tpu.matmul %convert_element_type3A_14, %get3A_637, %dot_general3A_638 {dimension_numbers = #tpu.dot_dimension_numbers<[1], [1], [0], [0], [0, 0, 1, 0], [], []>, transpose_lhs_hint = false} : vector<128x128xf32>, vector<64x128xf32>, vector<128x64xf32> -> vector<128x64xf32>
    %slice3A_640 = vector.extract_strided_slice %dot_general3A_639 {offsets = [0, 0], sizes = [64, 64], strides = [1, 1]} : vector<128x64xf32> to vector<64x64xf32>
    %swap3A_641 = arith.constant 3072 : index
    %swap3A_642 = arith.constant 0 : index
    %swap3A_643 = vector.load %arg2[%swap3A_641, %swap3A_642] : memref<16384x128xf32, #tpu.memory_space<vmem>>, vector<64x64xf32>
    tpu.vector_store %arg2[%swap3A_641, %swap3A_642], %slice3A_640 {strides = array<i32>} : memref<16384x128xf32, #tpu.memory_space<vmem>>, vector<64x64xf32>,
    %slice3A_644 = vector.extract_strided_slice %dot_general3A_639 {offsets = [64, 0], sizes = [64, 64], strides = [1, 1]} : vector<128x64xf32> to vector<64x64xf32>
    %swap3A_645 = arith.constant 3072 : index
    %swap3A_646 = arith.constant 64 : index
    %swap3A_647 = vector.load %arg2[%swap3A_645, %swap3A_646] : memref<16384x128xf32, #tpu.memory_space<vmem>>, vector<64x64xf32>
    tpu.vector_store %arg2[%swap3A_645, %swap3A_646], %slice3A_644 {strides = array<i32>} : memref<16384x128xf32, #tpu.memory_space<vmem>>, vector<64x64xf32>,
    %get3A_648 = arith.constant 0 : index
    %get3A_649 = arith.constant 6272 : index
    %get3A_650 = vector.load %arg1[%get3A_648, %get3A_649] : memref<64x32768xf32, #tpu.memory_space<vmem>>, vector<64x128xf32>
    %dot_general3A_651 = arith.constant dense<0.000000e+00> : vector<128x64xf32>
    %dot_general3A_652 = tpu.matmul %convert_element_type3A_14, %get3A_650, %dot_general3A_651 {dimension_numbers = #tpu.dot_dimension_numbers<[1], [1], [0], [0], [0, 0, 1, 0], [], []>, transpose_lhs_hint = false} : vector<128x128xf32>, vector<64x128xf32>, vector<128x64xf32> -> vector<128x64xf32>
    %slice3A_653 = vector.extract_strided_slice %dot_general3A_652 {offsets = [0, 0], sizes = [64, 64], strides = [1, 1]} : vector<128x64xf32> to vector<64x64xf32>
    %swap3A_654 = arith.constant 3136 : index
    %swap3A_655 = arith.constant 0 : index
    %swap3A_656 = vector.load %arg2[%swap3A_654, %swap3A_655] : memref<16384x128xf32, #tpu.memory_space<vmem>>, vector<64x64xf32>
    tpu.vector_store %arg2[%swap3A_654, %swap3A_655], %slice3A_653 {strides = array<i32>} : memref<16384x128xf32, #tpu.memory_space<vmem>>, vector<64x64xf32>,
    %slice3A_657 = vector.extract_strided_slice %dot_general3A_652 {offsets = [64, 0], sizes = [64, 64], strides = [1, 1]} : vector<128x64xf32> to vector<64x64xf32>
    %swap3A_658 = arith.constant 3136 : index
    %swap3A_659 = arith.constant 64 : index
    %swap3A_660 = vector.load %arg2[%swap3A_658, %swap3A_659] : memref<16384x128xf32, #tpu.memory_space<vmem>>, vector<64x64xf32>
    tpu.vector_store %arg2[%swap3A_658, %swap3A_659], %slice3A_657 {strides = array<i32>} : memref<16384x128xf32, #tpu.memory_space<vmem>>, vector<64x64xf32>,
    %get3A_661 = arith.constant 0 : index
    %get3A_662 = arith.constant 6400 : index
    %get3A_663 = vector.load %arg1[%get3A_661, %get3A_662] : memref<64x32768xf32, #tpu.memory_space<vmem>>, vector<64x128xf32>
    %dot_general3A_664 = arith.constant dense<0.000000e+00> : vector<128x64xf32>
    %dot_general3A_665 = tpu.matmul %convert_element_type3A_14, %get3A_663, %dot_general3A_664 {dimension_numbers = #tpu.dot_dimension_numbers<[1], [1], [0], [0], [0, 0, 1, 0], [], []>, transpose_lhs_hint = false} : vector<128x128xf32>, vector<64x128xf32>, vector<128x64xf32> -> vector<128x64xf32>
    %slice3A_666 = vector.extract_strided_slice %dot_general3A_665 {offsets = [0, 0], sizes = [64, 64], strides = [1, 1]} : vector<128x64xf32> to vector<64x64xf32>
    %swap3A_667 = arith.constant 3200 : index
    %swap3A_668 = arith.constant 0 : index
    %swap3A_669 = vector.load %arg2[%swap3A_667, %swap3A_668] : memref<16384x128xf32, #tpu.memory_space<vmem>>, vector<64x64xf32>
    tpu.vector_store %arg2[%swap3A_667, %swap3A_668], %slice3A_666 {strides = array<i32>} : memref<16384x128xf32, #tpu.memory_space<vmem>>, vector<64x64xf32>,
    %slice3A_670 = vector.extract_strided_slice %dot_general3A_665 {offsets = [64, 0], sizes = [64, 64], strides = [1, 1]} : vector<128x64xf32> to vector<64x64xf32>
    %swap3A_671 = arith.constant 3200 : index
    %swap3A_672 = arith.constant 64 : index
    %swap3A_673 = vector.load %arg2[%swap3A_671, %swap3A_672] : memref<16384x128xf32, #tpu.memory_space<vmem>>, vector<64x64xf32>
    tpu.vector_store %arg2[%swap3A_671, %swap3A_672], %slice3A_670 {strides = array<i32>} : memref<16384x128xf32, #tpu.memory_space<vmem>>, vector<64x64xf32>,
    %get3A_674 = arith.constant 0 : index
    %get3A_675 = arith.constant 6528 : index
    %get3A_676 = vector.load %arg1[%get3A_674, %get3A_675] : memref<64x32768xf32, #tpu.memory_space<vmem>>, vector<64x128xf32>
    %dot_general3A_677 = arith.constant dense<0.000000e+00> : vector<128x64xf32>
    %dot_general3A_678 = tpu.matmul %convert_element_type3A_14, %get3A_676, %dot_general3A_677 {dimension_numbers = #tpu.dot_dimension_numbers<[1], [1], [0], [0], [0, 0, 1, 0], [], []>, transpose_lhs_hint = false} : vector<128x128xf32>, vector<64x128xf32>, vector<128x64xf32> -> vector<128x64xf32>
    %slice3A_679 = vector.extract_strided_slice %dot_general3A_678 {offsets = [0, 0], sizes = [64, 64], strides = [1, 1]} : vector<128x64xf32> to vector<64x64xf32>
    %swap3A_680 = arith.constant 3264 : index
    %swap3A_681 = arith.constant 0 : index
    %swap3A_682 = vector.load %arg2[%swap3A_680, %swap3A_681] : memref<16384x128xf32, #tpu.memory_space<vmem>>, vector<64x64xf32>
    tpu.vector_store %arg2[%swap3A_680, %swap3A_681], %slice3A_679 {strides = array<i32>} : memref<16384x128xf32, #tpu.memory_space<vmem>>, vector<64x64xf32>,
    %slice3A_683 = vector.extract_strided_slice %dot_general3A_678 {offsets = [64, 0], sizes = [64, 64], strides = [1, 1]} : vector<128x64xf32> to vector<64x64xf32>
    %swap3A_684 = arith.constant 3264 : index
    %swap3A_685 = arith.constant 64 : index
    %swap3A_686 = vector.load %arg2[%swap3A_684, %swap3A_685] : memref<16384x128xf32, #tpu.memory_space<vmem>>, vector<64x64xf32>
    tpu.vector_store %arg2[%swap3A_684, %swap3A_685], %slice3A_683 {strides = array<i32>} : memref<16384x128xf32, #tpu.memory_space<vmem>>, vector<64x64xf32>,
    %get3A_687 = arith.constant 0 : index
    %get3A_688 = arith.constant 6656 : index
    %get3A_689 = vector.load %arg1[%get3A_687, %get3A_688] : memref<64x32768xf32, #tpu.memory_space<vmem>>, vector<64x128xf32>
    %dot_general3A_690 = arith.constant dense<0.000000e+00> : vector<128x64xf32>
    %dot_general3A_691 = tpu.matmul %convert_element_type3A_14, %get3A_689, %dot_general3A_690 {dimension_numbers = #tpu.dot_dimension_numbers<[1], [1], [0], [0], [0, 0, 1, 0], [], []>, transpose_lhs_hint = false} : vector<128x128xf32>, vector<64x128xf32>, vector<128x64xf32> -> vector<128x64xf32>
    %slice3A_692 = vector.extract_strided_slice %dot_general3A_691 {offsets = [0, 0], sizes = [64, 64], strides = [1, 1]} : vector<128x64xf32> to vector<64x64xf32>
    %swap3A_693 = arith.constant 3328 : index
    %swap3A_694 = arith.constant 0 : index
    %swap3A_695 = vector.load %arg2[%swap3A_693, %swap3A_694] : memref<16384x128xf32, #tpu.memory_space<vmem>>, vector<64x64xf32>
    tpu.vector_store %arg2[%swap3A_693, %swap3A_694], %slice3A_692 {strides = array<i32>} : memref<16384x128xf32, #tpu.memory_space<vmem>>, vector<64x64xf32>,
    %slice3A_696 = vector.extract_strided_slice %dot_general3A_691 {offsets = [64, 0], sizes = [64, 64], strides = [1, 1]} : vector<128x64xf32> to vector<64x64xf32>
    %swap3A_697 = arith.constant 3328 : index
    %swap3A_698 = arith.constant 64 : index
    %swap3A_699 = vector.load %arg2[%swap3A_697, %swap3A_698] : memref<16384x128xf32, #tpu.memory_space<vmem>>, vector<64x64xf32>
    tpu.vector_store %arg2[%swap3A_697, %swap3A_698], %slice3A_696 {strides = array<i32>} : memref<16384x128xf32, #tpu.memory_space<vmem>>, vector<64x64xf32>,
    %get3A_700 = arith.constant 0 : index
    %get3A_701 = arith.constant 6784 : index
    %get3A_702 = vector.load %arg1[%get3A_700, %get3A_701] : memref<64x32768xf32, #tpu.memory_space<vmem>>, vector<64x128xf32>
    %dot_general3A_703 = arith.constant dense<0.000000e+00> : vector<128x64xf32>
    %dot_general3A_704 = tpu.matmul %convert_element_type3A_14, %get3A_702, %dot_general3A_703 {dimension_numbers = #tpu.dot_dimension_numbers<[1], [1], [0], [0], [0, 0, 1, 0], [], []>, transpose_lhs_hint = false} : vector<128x128xf32>, vector<64x128xf32>, vector<128x64xf32> -> vector<128x64xf32>
    %slice3A_705 = vector.extract_strided_slice %dot_general3A_704 {offsets = [0, 0], sizes = [64, 64], strides = [1, 1]} : vector<128x64xf32> to vector<64x64xf32>
    %swap3A_706 = arith.constant 3392 : index
    %swap3A_707 = arith.constant 0 : index
    %swap3A_708 = vector.load %arg2[%swap3A_706, %swap3A_707] : memref<16384x128xf32, #tpu.memory_space<vmem>>, vector<64x64xf32>
    tpu.vector_store %arg2[%swap3A_706, %swap3A_707], %slice3A_705 {strides = array<i32>} : memref<16384x128xf32, #tpu.memory_space<vmem>>, vector<64x64xf32>,
    %slice3A_709 = vector.extract_strided_slice %dot_general3A_704 {offsets = [64, 0], sizes = [64, 64], strides = [1, 1]} : vector<128x64xf32> to vector<64x64xf32>
    %swap3A_710 = arith.constant 3392 : index
    %swap3A_711 = arith.constant 64 : index
    %swap3A_712 = vector.load %arg2[%swap3A_710, %swap3A_711] : memref<16384x128xf32, #tpu.memory_space<vmem>>, vector<64x64xf32>
    tpu.vector_store %arg2[%swap3A_710, %swap3A_711], %slice3A_709 {strides = array<i32>} : memref<16384x128xf32, #tpu.memory_space<vmem>>, vector<64x64xf32>,
    %get3A_713 = arith.constant 0 : index
    %get3A_714 = arith.constant 6912 : index
    %get3A_715 = vector.load %arg1[%get3A_713, %get3A_714] : memref<64x32768xf32, #tpu.memory_space<vmem>>, vector<64x128xf32>
    %dot_general3A_716 = arith.constant dense<0.000000e+00> : vector<128x64xf32>
    %dot_general3A_717 = tpu.matmul %convert_element_type3A_14, %get3A_715, %dot_general3A_716 {dimension_numbers = #tpu.dot_dimension_numbers<[1], [1], [0], [0], [0, 0, 1, 0], [], []>, transpose_lhs_hint = false} : vector<128x128xf32>, vector<64x128xf32>, vector<128x64xf32> -> vector<128x64xf32>
    %slice3A_718 = vector.extract_strided_slice %dot_general3A_717 {offsets = [0, 0], sizes = [64, 64], strides = [1, 1]} : vector<128x64xf32> to vector<64x64xf32>
    %swap3A_719 = arith.constant 3456 : index
    %swap3A_720 = arith.constant 0 : index
    %swap3A_721 = vector.load %arg2[%swap3A_719, %swap3A_720] : memref<16384x128xf32, #tpu.memory_space<vmem>>, vector<64x64xf32>
    tpu.vector_store %arg2[%swap3A_719, %swap3A_720], %slice3A_718 {strides = array<i32>} : memref<16384x128xf32, #tpu.memory_space<vmem>>, vector<64x64xf32>,
    %slice3A_722 = vector.extract_strided_slice %dot_general3A_717 {offsets = [64, 0], sizes = [64, 64], strides = [1, 1]} : vector<128x64xf32> to vector<64x64xf32>
    %swap3A_723 = arith.constant 3456 : index
    %swap3A_724 = arith.constant 64 : index
    %swap3A_725 = vector.load %arg2[%swap3A_723, %swap3A_724] : memref<16384x128xf32, #tpu.memory_space<vmem>>, vector<64x64xf32>
    tpu.vector_store %arg2[%swap3A_723, %swap3A_724], %slice3A_722 {strides = array<i32>} : memref<16384x128xf32, #tpu.memory_space<vmem>>, vector<64x64xf32>,
    %get3A_726 = arith.constant 0 : index
    %get3A_727 = arith.constant 7040 : index
    %get3A_728 = vector.load %arg1[%get3A_726, %get3A_727] : memref<64x32768xf32, #tpu.memory_space<vmem>>, vector<64x128xf32>
    %dot_general3A_729 = arith.constant dense<0.000000e+00> : vector<128x64xf32>
    %dot_general3A_730 = tpu.matmul %convert_element_type3A_14, %get3A_728, %dot_general3A_729 {dimension_numbers = #tpu.dot_dimension_numbers<[1], [1], [0], [0], [0, 0, 1, 0], [], []>, transpose_lhs_hint = false} : vector<128x128xf32>, vector<64x128xf32>, vector<128x64xf32> -> vector<128x64xf32>
    %slice3A_731 = vector.extract_strided_slice %dot_general3A_730 {offsets = [0, 0], sizes = [64, 64], strides = [1, 1]} : vector<128x64xf32> to vector<64x64xf32>
    %swap3A_732 = arith.constant 3520 : index
    %swap3A_733 = arith.constant 0 : index
    %swap3A_734 = vector.load %arg2[%swap3A_732, %swap3A_733] : memref<16384x128xf32, #tpu.memory_space<vmem>>, vector<64x64xf32>
    tpu.vector_store %arg2[%swap3A_732, %swap3A_733], %slice3A_731 {strides = array<i32>} : memref<16384x128xf32, #tpu.memory_space<vmem>>, vector<64x64xf32>,
    %slice3A_735 = vector.extract_strided_slice %dot_general3A_730 {offsets = [64, 0], sizes = [64, 64], strides = [1, 1]} : vector<128x64xf32> to vector<64x64xf32>
    %swap3A_736 = arith.constant 3520 : index
    %swap3A_737 = arith.constant 64 : index
    %swap3A_738 = vector.load %arg2[%swap3A_736, %swap3A_737] : memref<16384x128xf32, #tpu.memory_space<vmem>>, vector<64x64xf32>
    tpu.vector_store %arg2[%swap3A_736, %swap3A_737], %slice3A_735 {strides = array<i32>} : memref<16384x128xf32, #tpu.memory_space<vmem>>, vector<64x64xf32>,
    %get3A_739 = arith.constant 0 : index
    %get3A_740 = arith.constant 7168 : index
    %get3A_741 = vector.load %arg1[%get3A_739, %get3A_740] : memref<64x32768xf32, #tpu.memory_space<vmem>>, vector<64x128xf32>
    %dot_general3A_742 = arith.constant dense<0.000000e+00> : vector<128x64xf32>
    %dot_general3A_743 = tpu.matmul %convert_element_type3A_14, %get3A_741, %dot_general3A_742 {dimension_numbers = #tpu.dot_dimension_numbers<[1], [1], [0], [0], [0, 0, 1, 0], [], []>, transpose_lhs_hint = false} : vector<128x128xf32>, vector<64x128xf32>, vector<128x64xf32> -> vector<128x64xf32>
    %slice3A_744 = vector.extract_strided_slice %dot_general3A_743 {offsets = [0, 0], sizes = [64, 64], strides = [1, 1]} : vector<128x64xf32> to vector<64x64xf32>
    %swap3A_745 = arith.constant 3584 : index
    %swap3A_746 = arith.constant 0 : index
    %swap3A_747 = vector.load %arg2[%swap3A_745, %swap3A_746] : memref<16384x128xf32, #tpu.memory_space<vmem>>, vector<64x64xf32>
    tpu.vector_store %arg2[%swap3A_745, %swap3A_746], %slice3A_744 {strides = array<i32>} : memref<16384x128xf32, #tpu.memory_space<vmem>>, vector<64x64xf32>,
    %slice3A_748 = vector.extract_strided_slice %dot_general3A_743 {offsets = [64, 0], sizes = [64, 64], strides = [1, 1]} : vector<128x64xf32> to vector<64x64xf32>
    %swap3A_749 = arith.constant 3584 : index
    %swap3A_750 = arith.constant 64 : index
    %swap3A_751 = vector.load %arg2[%swap3A_749, %swap3A_750] : memref<16384x128xf32, #tpu.memory_space<vmem>>, vector<64x64xf32>
    tpu.vector_store %arg2[%swap3A_749, %swap3A_750], %slice3A_748 {strides = array<i32>} : memref<16384x128xf32, #tpu.memory_space<vmem>>, vector<64x64xf32>,
    %get3A_752 = arith.constant 0 : index
    %get3A_753 = arith.constant 7296 : index
    %get3A_754 = vector.load %arg1[%get3A_752, %get3A_753] : memref<64x32768xf32, #tpu.memory_space<vmem>>, vector<64x128xf32>
    %dot_general3A_755 = arith.constant dense<0.000000e+00> : vector<128x64xf32>
    %dot_general3A_756 = tpu.matmul %convert_element_type3A_14, %get3A_754, %dot_general3A_755 {dimension_numbers = #tpu.dot_dimension_numbers<[1], [1], [0], [0], [0, 0, 1, 0], [], []>, transpose_lhs_hint = false} : vector<128x128xf32>, vector<64x128xf32>, vector<128x64xf32> -> vector<128x64xf32>
    %slice3A_757 = vector.extract_strided_slice %dot_general3A_756 {offsets = [0, 0], sizes = [64, 64], strides = [1, 1]} : vector<128x64xf32> to vector<64x64xf32>
    %swap3A_758 = arith.constant 3648 : index
    %swap3A_759 = arith.constant 0 : index
    %swap3A_760 = vector.load %arg2[%swap3A_758, %swap3A_759] : memref<16384x128xf32, #tpu.memory_space<vmem>>, vector<64x64xf32>
    tpu.vector_store %arg2[%swap3A_758, %swap3A_759], %slice3A_757 {strides = array<i32>} : memref<16384x128xf32, #tpu.memory_space<vmem>>, vector<64x64xf32>,
    %slice3A_761 = vector.extract_strided_slice %dot_general3A_756 {offsets = [64, 0], sizes = [64, 64], strides = [1, 1]} : vector<128x64xf32> to vector<64x64xf32>
    %swap3A_762 = arith.constant 3648 : index
    %swap3A_763 = arith.constant 64 : index
    %swap3A_764 = vector.load %arg2[%swap3A_762, %swap3A_763] : memref<16384x128xf32, #tpu.memory_space<vmem>>, vector<64x64xf32>
    tpu.vector_store %arg2[%swap3A_762, %swap3A_763], %slice3A_761 {strides = array<i32>} : memref<16384x128xf32, #tpu.memory_space<vmem>>, vector<64x64xf32>,
    %get3A_765 = arith.constant 0 : index
    %get3A_766 = arith.constant 7424 : index
    %get3A_767 = vector.load %arg1[%get3A_765, %get3A_766] : memref<64x32768xf32, #tpu.memory_space<vmem>>, vector<64x128xf32>
    %dot_general3A_768 = arith.constant dense<0.000000e+00> : vector<128x64xf32>
    %dot_general3A_769 = tpu.matmul %convert_element_type3A_14, %get3A_767, %dot_general3A_768 {dimension_numbers = #tpu.dot_dimension_numbers<[1], [1], [0], [0], [0, 0, 1, 0], [], []>, transpose_lhs_hint = false} : vector<128x128xf32>, vector<64x128xf32>, vector<128x64xf32> -> vector<128x64xf32>
    %slice3A_770 = vector.extract_strided_slice %dot_general3A_769 {offsets = [0, 0], sizes = [64, 64], strides = [1, 1]} : vector<128x64xf32> to vector<64x64xf32>
    %swap3A_771 = arith.constant 3712 : index
    %swap3A_772 = arith.constant 0 : index
    %swap3A_773 = vector.load %arg2[%swap3A_771, %swap3A_772] : memref<16384x128xf32, #tpu.memory_space<vmem>>, vector<64x64xf32>
    tpu.vector_store %arg2[%swap3A_771, %swap3A_772], %slice3A_770 {strides = array<i32>} : memref<16384x128xf32, #tpu.memory_space<vmem>>, vector<64x64xf32>,
    %slice3A_774 = vector.extract_strided_slice %dot_general3A_769 {offsets = [64, 0], sizes = [64, 64], strides = [1, 1]} : vector<128x64xf32> to vector<64x64xf32>
    %swap3A_775 = arith.constant 3712 : index
    %swap3A_776 = arith.constant 64 : index
    %swap3A_777 = vector.load %arg2[%swap3A_775, %swap3A_776] : memref<16384x128xf32, #tpu.memory_space<vmem>>, vector<64x64xf32>
    tpu.vector_store %arg2[%swap3A_775, %swap3A_776], %slice3A_774 {strides = array<i32>} : memref<16384x128xf32, #tpu.memory_space<vmem>>, vector<64x64xf32>,
    %get3A_778 = arith.constant 0 : index
    %get3A_779 = arith.constant 7552 : index
    %get3A_780 = vector.load %arg1[%get3A_778, %get3A_779] : memref<64x32768xf32, #tpu.memory_space<vmem>>, vector<64x128xf32>
    %dot_general3A_781 = arith.constant dense<0.000000e+00> : vector<128x64xf32>
    %dot_general3A_782 = tpu.matmul %convert_element_type3A_14, %get3A_780, %dot_general3A_781 {dimension_numbers = #tpu.dot_dimension_numbers<[1], [1], [0], [0], [0, 0, 1, 0], [], []>, transpose_lhs_hint = false} : vector<128x128xf32>, vector<64x128xf32>, vector<128x64xf32> -> vector<128x64xf32>
    %slice3A_783 = vector.extract_strided_slice %dot_general3A_782 {offsets = [0, 0], sizes = [64, 64], strides = [1, 1]} : vector<128x64xf32> to vector<64x64xf32>
    %swap3A_784 = arith.constant 3776 : index
    %swap3A_785 = arith.constant 0 : index
    %swap3A_786 = vector.load %arg2[%swap3A_784, %swap3A_785] : memref<16384x128xf32, #tpu.memory_space<vmem>>, vector<64x64xf32>
    tpu.vector_store %arg2[%swap3A_784, %swap3A_785], %slice3A_783 {strides = array<i32>} : memref<16384x128xf32, #tpu.memory_space<vmem>>, vector<64x64xf32>,
    %slice3A_787 = vector.extract_strided_slice %dot_general3A_782 {offsets = [64, 0], sizes = [64, 64], strides = [1, 1]} : vector<128x64xf32> to vector<64x64xf32>
    %swap3A_788 = arith.constant 3776 : index
    %swap3A_789 = arith.constant 64 : index
    %swap3A_790 = vector.load %arg2[%swap3A_788, %swap3A_789] : memref<16384x128xf32, #tpu.memory_space<vmem>>, vector<64x64xf32>
    tpu.vector_store %arg2[%swap3A_788, %swap3A_789], %slice3A_787 {strides = array<i32>} : memref<16384x128xf32, #tpu.memory_space<vmem>>, vector<64x64xf32>,
    %get3A_791 = arith.constant 0 : index
    %get3A_792 = arith.constant 7680 : index
    %get3A_793 = vector.load %arg1[%get3A_791, %get3A_792] : memref<64x32768xf32, #tpu.memory_space<vmem>>, vector<64x128xf32>
    %dot_general3A_794 = arith.constant dense<0.000000e+00> : vector<128x64xf32>
    %dot_general3A_795 = tpu.matmul %convert_element_type3A_14, %get3A_793, %dot_general3A_794 {dimension_numbers = #tpu.dot_dimension_numbers<[1], [1], [0], [0], [0, 0, 1, 0], [], []>, transpose_lhs_hint = false} : vector<128x128xf32>, vector<64x128xf32>, vector<128x64xf32> -> vector<128x64xf32>
    %slice3A_796 = vector.extract_strided_slice %dot_general3A_795 {offsets = [0, 0], sizes = [64, 64], strides = [1, 1]} : vector<128x64xf32> to vector<64x64xf32>
    %swap3A_797 = arith.constant 3840 : index
    %swap3A_798 = arith.constant 0 : index
    %swap3A_799 = vector.load %arg2[%swap3A_797, %swap3A_798] : memref<16384x128xf32, #tpu.memory_space<vmem>>, vector<64x64xf32>
    tpu.vector_store %arg2[%swap3A_797, %swap3A_798], %slice3A_796 {strides = array<i32>} : memref<16384x128xf32, #tpu.memory_space<vmem>>, vector<64x64xf32>,
    %slice3A_800 = vector.extract_strided_slice %dot_general3A_795 {offsets = [64, 0], sizes = [64, 64], strides = [1, 1]} : vector<128x64xf32> to vector<64x64xf32>
    %swap3A_801 = arith.constant 3840 : index
    %swap3A_802 = arith.constant 64 : index
    %swap3A_803 = vector.load %arg2[%swap3A_801, %swap3A_802] : memref<16384x128xf32, #tpu.memory_space<vmem>>, vector<64x64xf32>
    tpu.vector_store %arg2[%swap3A_801, %swap3A_802], %slice3A_800 {strides = array<i32>} : memref<16384x128xf32, #tpu.memory_space<vmem>>, vector<64x64xf32>,
    %get3A_804 = arith.constant 0 : index
    %get3A_805 = arith.constant 7808 : index
    %get3A_806 = vector.load %arg1[%get3A_804, %get3A_805] : memref<64x32768xf32, #tpu.memory_space<vmem>>, vector<64x128xf32>
    %dot_general3A_807 = arith.constant dense<0.000000e+00> : vector<128x64xf32>
    %dot_general3A_808 = tpu.matmul %convert_element_type3A_14, %get3A_806, %dot_general3A_807 {dimension_numbers = #tpu.dot_dimension_numbers<[1], [1], [0], [0], [0, 0, 1, 0], [], []>, transpose_lhs_hint = false} : vector<128x128xf32>, vector<64x128xf32>, vector<128x64xf32> -> vector<128x64xf32>
    %slice3A_809 = vector.extract_strided_slice %dot_general3A_808 {offsets = [0, 0], sizes = [64, 64], strides = [1, 1]} : vector<128x64xf32> to vector<64x64xf32>
    %swap3A_810 = arith.constant 3904 : index
    %swap3A_811 = arith.constant 0 : index
    %swap3A_812 = vector.load %arg2[%swap3A_810, %swap3A_811] : memref<16384x128xf32, #tpu.memory_space<vmem>>, vector<64x64xf32>
    tpu.vector_store %arg2[%swap3A_810, %swap3A_811], %slice3A_809 {strides = array<i32>} : memref<16384x128xf32, #tpu.memory_space<vmem>>, vector<64x64xf32>,
    %slice3A_813 = vector.extract_strided_slice %dot_general3A_808 {offsets = [64, 0], sizes = [64, 64], strides = [1, 1]} : vector<128x64xf32> to vector<64x64xf32>
    %swap3A_814 = arith.constant 3904 : index
    %swap3A_815 = arith.constant 64 : index
    %swap3A_816 = vector.load %arg2[%swap3A_814, %swap3A_815] : memref<16384x128xf32, #tpu.memory_space<vmem>>, vector<64x64xf32>
    tpu.vector_store %arg2[%swap3A_814, %swap3A_815], %slice3A_813 {strides = array<i32>} : memref<16384x128xf32, #tpu.memory_space<vmem>>, vector<64x64xf32>,
    %get3A_817 = arith.constant 0 : index
    %get3A_818 = arith.constant 7936 : index
    %get3A_819 = vector.load %arg1[%get3A_817, %get3A_818] : memref<64x32768xf32, #tpu.memory_space<vmem>>, vector<64x128xf32>
    %dot_general3A_820 = arith.constant dense<0.000000e+00> : vector<128x64xf32>
    %dot_general3A_821 = tpu.matmul %convert_element_type3A_14, %get3A_819, %dot_general3A_820 {dimension_numbers = #tpu.dot_dimension_numbers<[1], [1], [0], [0], [0, 0, 1, 0], [], []>, transpose_lhs_hint = false} : vector<128x128xf32>, vector<64x128xf32>, vector<128x64xf32> -> vector<128x64xf32>
    %slice3A_822 = vector.extract_strided_slice %dot_general3A_821 {offsets = [0, 0], sizes = [64, 64], strides = [1, 1]} : vector<128x64xf32> to vector<64x64xf32>
    %swap3A_823 = arith.constant 3968 : index
    %swap3A_824 = arith.constant 0 : index
    %swap3A_825 = vector.load %arg2[%swap3A_823, %swap3A_824] : memref<16384x128xf32, #tpu.memory_space<vmem>>, vector<64x64xf32>
    tpu.vector_store %arg2[%swap3A_823, %swap3A_824], %slice3A_822 {strides = array<i32>} : memref<16384x128xf32, #tpu.memory_space<vmem>>, vector<64x64xf32>,
    %slice3A_826 = vector.extract_strided_slice %dot_general3A_821 {offsets = [64, 0], sizes = [64, 64], strides = [1, 1]} : vector<128x64xf32> to vector<64x64xf32>
    %swap3A_827 = arith.constant 3968 : index
    %swap3A_828 = arith.constant 64 : index
    %swap3A_829 = vector.load %arg2[%swap3A_827, %swap3A_828] : memref<16384x128xf32, #tpu.memory_space<vmem>>, vector<64x64xf32>
    tpu.vector_store %arg2[%swap3A_827, %swap3A_828], %slice3A_826 {strides = array<i32>} : memref<16384x128xf32, #tpu.memory_space<vmem>>, vector<64x64xf32>,
    %get3A_830 = arith.constant 0 : index
    %get3A_831 = arith.constant 8064 : index
    %get3A_832 = vector.load %arg1[%get3A_830, %get3A_831] : memref<64x32768xf32, #tpu.memory_space<vmem>>, vector<64x128xf32>
    %dot_general3A_833 = arith.constant dense<0.000000e+00> : vector<128x64xf32>
    %dot_general3A_834 = tpu.matmul %convert_element_type3A_14, %get3A_832, %dot_general3A_833 {dimension_numbers = #tpu.dot_dimension_numbers<[1], [1], [0], [0], [0, 0, 1, 0], [], []>, transpose_lhs_hint = false} : vector<128x128xf32>, vector<64x128xf32>, vector<128x64xf32> -> vector<128x64xf32>
    %slice3A_835 = vector.extract_strided_slice %dot_general3A_834 {offsets = [0, 0], sizes = [64, 64], strides = [1, 1]} : vector<128x64xf32> to vector<64x64xf32>
    %swap3A_836 = arith.constant 4032 : index
    %swap3A_837 = arith.constant 0 : index
    %swap3A_838 = vector.load %arg2[%swap3A_836, %swap3A_837] : memref<16384x128xf32, #tpu.memory_space<vmem>>, vector<64x64xf32>
    tpu.vector_store %arg2[%swap3A_836, %swap3A_837], %slice3A_835 {strides = array<i32>} : memref<16384x128xf32, #tpu.memory_space<vmem>>, vector<64x64xf32>,
    %slice3A_839 = vector.extract_strided_slice %dot_general3A_834 {offsets = [64, 0], sizes = [64, 64], strides = [1, 1]} : vector<128x64xf32> to vector<64x64xf32>
    %swap3A_840 = arith.constant 4032 : index
    %swap3A_841 = arith.constant 64 : index
    %swap3A_842 = vector.load %arg2[%swap3A_840, %swap3A_841] : memref<16384x128xf32, #tpu.memory_space<vmem>>, vector<64x64xf32>
    tpu.vector_store %arg2[%swap3A_840, %swap3A_841], %slice3A_839 {strides = array<i32>} : memref<16384x128xf32, #tpu.memory_space<vmem>>, vector<64x64xf32>,
    %get3A_843 = arith.constant 0 : index
    %get3A_844 = arith.constant 8192 : index
    %get3A_845 = vector.load %arg1[%get3A_843, %get3A_844] : memref<64x32768xf32, #tpu.memory_space<vmem>>, vector<64x128xf32>
    %dot_general3A_846 = arith.constant dense<0.000000e+00> : vector<128x64xf32>
    %dot_general3A_847 = tpu.matmul %convert_element_type3A_14, %get3A_845, %dot_general3A_846 {dimension_numbers = #tpu.dot_dimension_numbers<[1], [1], [0], [0], [0, 0, 1, 0], [], []>, transpose_lhs_hint = false} : vector<128x128xf32>, vector<64x128xf32>, vector<128x64xf32> -> vector<128x64xf32>
    %slice3A_848 = vector.extract_strided_slice %dot_general3A_847 {offsets = [0, 0], sizes = [64, 64], strides = [1, 1]} : vector<128x64xf32> to vector<64x64xf32>
    %swap3A_849 = arith.constant 4096 : index
    %swap3A_850 = arith.constant 0 : index
    %swap3A_851 = vector.load %arg2[%swap3A_849, %swap3A_850] : memref<16384x128xf32, #tpu.memory_space<vmem>>, vector<64x64xf32>
    tpu.vector_store %arg2[%swap3A_849, %swap3A_850], %slice3A_848 {strides = array<i32>} : memref<16384x128xf32, #tpu.memory_space<vmem>>, vector<64x64xf32>,
    %slice3A_852 = vector.extract_strided_slice %dot_general3A_847 {offsets = [64, 0], sizes = [64, 64], strides = [1, 1]} : vector<128x64xf32> to vector<64x64xf32>
    %swap3A_853 = arith.constant 4096 : index
    %swap3A_854 = arith.constant 64 : index
    %swap3A_855 = vector.load %arg2[%swap3A_853, %swap3A_854] : memref<16384x128xf32, #tpu.memory_space<vmem>>, vector<64x64xf32>
    tpu.vector_store %arg2[%swap3A_853, %swap3A_854], %slice3A_852 {strides = array<i32>} : memref<16384x128xf32, #tpu.memory_space<vmem>>, vector<64x64xf32>,
    %get3A_856 = arith.constant 0 : index
    %get3A_857 = arith.constant 8320 : index
    %get3A_858 = vector.load %arg1[%get3A_856, %get3A_857] : memref<64x32768xf32, #tpu.memory_space<vmem>>, vector<64x128xf32>
    %dot_general3A_859 = arith.constant dense<0.000000e+00> : vector<128x64xf32>
    %dot_general3A_860 = tpu.matmul %convert_element_type3A_14, %get3A_858, %dot_general3A_859 {dimension_numbers = #tpu.dot_dimension_numbers<[1], [1], [0], [0], [0, 0, 1, 0], [], []>, transpose_lhs_hint = false} : vector<128x128xf32>, vector<64x128xf32>, vector<128x64xf32> -> vector<128x64xf32>
    %slice3A_861 = vector.extract_strided_slice %dot_general3A_860 {offsets = [0, 0], sizes = [64, 64], strides = [1, 1]} : vector<128x64xf32> to vector<64x64xf32>
    %swap3A_862 = arith.constant 4160 : index
    %swap3A_863 = arith.constant 0 : index
    %swap3A_864 = vector.load %arg2[%swap3A_862, %swap3A_863] : memref<16384x128xf32, #tpu.memory_space<vmem>>, vector<64x64xf32>
    tpu.vector_store %arg2[%swap3A_862, %swap3A_863], %slice3A_861 {strides = array<i32>} : memref<16384x128xf32, #tpu.memory_space<vmem>>, vector<64x64xf32>,
    %slice3A_865 = vector.extract_strided_slice %dot_general3A_860 {offsets = [64, 0], sizes = [64, 64], strides = [1, 1]} : vector<128x64xf32> to vector<64x64xf32>
    %swap3A_866 = arith.constant 4160 : index
    %swap3A_867 = arith.constant 64 : index
    %swap3A_868 = vector.load %arg2[%swap3A_866, %swap3A_867] : memref<16384x128xf32, #tpu.memory_space<vmem>>, vector<64x64xf32>
    tpu.vector_store %arg2[%swap3A_866, %swap3A_867], %slice3A_865 {strides = array<i32>} : memref<16384x128xf32, #tpu.memory_space<vmem>>, vector<64x64xf32>,
    %get3A_869 = arith.constant 0 : index
    %get3A_870 = arith.constant 8448 : index
    %get3A_871 = vector.load %arg1[%get3A_869, %get3A_870] : memref<64x32768xf32, #tpu.memory_space<vmem>>, vector<64x128xf32>
    %dot_general3A_872 = arith.constant dense<0.000000e+00> : vector<128x64xf32>
    %dot_general3A_873 = tpu.matmul %convert_element_type3A_14, %get3A_871, %dot_general3A_872 {dimension_numbers = #tpu.dot_dimension_numbers<[1], [1], [0], [0], [0, 0, 1, 0], [], []>, transpose_lhs_hint = false} : vector<128x128xf32>, vector<64x128xf32>, vector<128x64xf32> -> vector<128x64xf32>
    %slice3A_874 = vector.extract_strided_slice %dot_general3A_873 {offsets = [0, 0], sizes = [64, 64], strides = [1, 1]} : vector<128x64xf32> to vector<64x64xf32>
    %swap3A_875 = arith.constant 4224 : index
    %swap3A_876 = arith.constant 0 : index
    %swap3A_877 = vector.load %arg2[%swap3A_875, %swap3A_876] : memref<16384x128xf32, #tpu.memory_space<vmem>>, vector<64x64xf32>
    tpu.vector_store %arg2[%swap3A_875, %swap3A_876], %slice3A_874 {strides = array<i32>} : memref<16384x128xf32, #tpu.memory_space<vmem>>, vector<64x64xf32>,
    %slice3A_878 = vector.extract_strided_slice %dot_general3A_873 {offsets = [64, 0], sizes = [64, 64], strides = [1, 1]} : vector<128x64xf32> to vector<64x64xf32>
    %swap3A_879 = arith.constant 4224 : index
    %swap3A_880 = arith.constant 64 : index
    %swap3A_881 = vector.load %arg2[%swap3A_879, %swap3A_880] : memref<16384x128xf32, #tpu.memory_space<vmem>>, vector<64x64xf32>
    tpu.vector_store %arg2[%swap3A_879, %swap3A_880], %slice3A_878 {strides = array<i32>} : memref<16384x128xf32, #tpu.memory_space<vmem>>, vector<64x64xf32>,
    %get3A_882 = arith.constant 0 : index
    %get3A_883 = arith.constant 8576 : index
    %get3A_884 = vector.load %arg1[%get3A_882, %get3A_883] : memref<64x32768xf32, #tpu.memory_space<vmem>>, vector<64x128xf32>
    %dot_general3A_885 = arith.constant dense<0.000000e+00> : vector<128x64xf32>
    %dot_general3A_886 = tpu.matmul %convert_element_type3A_14, %get3A_884, %dot_general3A_885 {dimension_numbers = #tpu.dot_dimension_numbers<[1], [1], [0], [0], [0, 0, 1, 0], [], []>, transpose_lhs_hint = false} : vector<128x128xf32>, vector<64x128xf32>, vector<128x64xf32> -> vector<128x64xf32>
    %slice3A_887 = vector.extract_strided_slice %dot_general3A_886 {offsets = [0, 0], sizes = [64, 64], strides = [1, 1]} : vector<128x64xf32> to vector<64x64xf32>
    %swap3A_888 = arith.constant 4288 : index
    %swap3A_889 = arith.constant 0 : index
    %swap3A_890 = vector.load %arg2[%swap3A_888, %swap3A_889] : memref<16384x128xf32, #tpu.memory_space<vmem>>, vector<64x64xf32>
    tpu.vector_store %arg2[%swap3A_888, %swap3A_889], %slice3A_887 {strides = array<i32>} : memref<16384x128xf32, #tpu.memory_space<vmem>>, vector<64x64xf32>,
    %slice3A_891 = vector.extract_strided_slice %dot_general3A_886 {offsets = [64, 0], sizes = [64, 64], strides = [1, 1]} : vector<128x64xf32> to vector<64x64xf32>
    %swap3A_892 = arith.constant 4288 : index
    %swap3A_893 = arith.constant 64 : index
    %swap3A_894 = vector.load %arg2[%swap3A_892, %swap3A_893] : memref<16384x128xf32, #tpu.memory_space<vmem>>, vector<64x64xf32>
    tpu.vector_store %arg2[%swap3A_892, %swap3A_893], %slice3A_891 {strides = array<i32>} : memref<16384x128xf32, #tpu.memory_space<vmem>>, vector<64x64xf32>,
    %get3A_895 = arith.constant 0 : index
    %get3A_896 = arith.constant 8704 : index
    %get3A_897 = vector.load %arg1[%get3A_895, %get3A_896] : memref<64x32768xf32, #tpu.memory_space<vmem>>, vector<64x128xf32>
    %dot_general3A_898 = arith.constant dense<0.000000e+00> : vector<128x64xf32>
    %dot_general3A_899 = tpu.matmul %convert_element_type3A_14, %get3A_897, %dot_general3A_898 {dimension_numbers = #tpu.dot_dimension_numbers<[1], [1], [0], [0], [0, 0, 1, 0], [], []>, transpose_lhs_hint = false} : vector<128x128xf32>, vector<64x128xf32>, vector<128x64xf32> -> vector<128x64xf32>
    %slice3A_900 = vector.extract_strided_slice %dot_general3A_899 {offsets = [0, 0], sizes = [64, 64], strides = [1, 1]} : vector<128x64xf32> to vector<64x64xf32>
    %swap3A_901 = arith.constant 4352 : index
    %swap3A_902 = arith.constant 0 : index
    %swap3A_903 = vector.load %arg2[%swap3A_901, %swap3A_902] : memref<16384x128xf32, #tpu.memory_space<vmem>>, vector<64x64xf32>
    tpu.vector_store %arg2[%swap3A_901, %swap3A_902], %slice3A_900 {strides = array<i32>} : memref<16384x128xf32, #tpu.memory_space<vmem>>, vector<64x64xf32>,
    %slice3A_904 = vector.extract_strided_slice %dot_general3A_899 {offsets = [64, 0], sizes = [64, 64], strides = [1, 1]} : vector<128x64xf32> to vector<64x64xf32>
    %swap3A_905 = arith.constant 4352 : index
    %swap3A_906 = arith.constant 64 : index
    %swap3A_907 = vector.load %arg2[%swap3A_905, %swap3A_906] : memref<16384x128xf32, #tpu.memory_space<vmem>>, vector<64x64xf32>
    tpu.vector_store %arg2[%swap3A_905, %swap3A_906], %slice3A_904 {strides = array<i32>} : memref<16384x128xf32, #tpu.memory_space<vmem>>, vector<64x64xf32>,
    %get3A_908 = arith.constant 0 : index
    %get3A_909 = arith.constant 8832 : index
    %get3A_910 = vector.load %arg1[%get3A_908, %get3A_909] : memref<64x32768xf32, #tpu.memory_space<vmem>>, vector<64x128xf32>
    %dot_general3A_911 = arith.constant dense<0.000000e+00> : vector<128x64xf32>
    %dot_general3A_912 = tpu.matmul %convert_element_type3A_14, %get3A_910, %dot_general3A_911 {dimension_numbers = #tpu.dot_dimension_numbers<[1], [1], [0], [0], [0, 0, 1, 0], [], []>, transpose_lhs_hint = false} : vector<128x128xf32>, vector<64x128xf32>, vector<128x64xf32> -> vector<128x64xf32>
    %slice3A_913 = vector.extract_strided_slice %dot_general3A_912 {offsets = [0, 0], sizes = [64, 64], strides = [1, 1]} : vector<128x64xf32> to vector<64x64xf32>
    %swap3A_914 = arith.constant 4416 : index
    %swap3A_915 = arith.constant 0 : index
    %swap3A_916 = vector.load %arg2[%swap3A_914, %swap3A_915] : memref<16384x128xf32, #tpu.memory_space<vmem>>, vector<64x64xf32>
    tpu.vector_store %arg2[%swap3A_914, %swap3A_915], %slice3A_913 {strides = array<i32>} : memref<16384x128xf32, #tpu.memory_space<vmem>>, vector<64x64xf32>,
    %slice3A_917 = vector.extract_strided_slice %dot_general3A_912 {offsets = [64, 0], sizes = [64, 64], strides = [1, 1]} : vector<128x64xf32> to vector<64x64xf32>
    %swap3A_918 = arith.constant 4416 : index
    %swap3A_919 = arith.constant 64 : index
    %swap3A_920 = vector.load %arg2[%swap3A_918, %swap3A_919] : memref<16384x128xf32, #tpu.memory_space<vmem>>, vector<64x64xf32>
    tpu.vector_store %arg2[%swap3A_918, %swap3A_919], %slice3A_917 {strides = array<i32>} : memref<16384x128xf32, #tpu.memory_space<vmem>>, vector<64x64xf32>,
    %get3A_921 = arith.constant 0 : index
    %get3A_922 = arith.constant 8960 : index
    %get3A_923 = vector.load %arg1[%get3A_921, %get3A_922] : memref<64x32768xf32, #tpu.memory_space<vmem>>, vector<64x128xf32>
    %dot_general3A_924 = arith.constant dense<0.000000e+00> : vector<128x64xf32>
    %dot_general3A_925 = tpu.matmul %convert_element_type3A_14, %get3A_923, %dot_general3A_924 {dimension_numbers = #tpu.dot_dimension_numbers<[1], [1], [0], [0], [0, 0, 1, 0], [], []>, transpose_lhs_hint = false} : vector<128x128xf32>, vector<64x128xf32>, vector<128x64xf32> -> vector<128x64xf32>
    %slice3A_926 = vector.extract_strided_slice %dot_general3A_925 {offsets = [0, 0], sizes = [64, 64], strides = [1, 1]} : vector<128x64xf32> to vector<64x64xf32>
    %swap3A_927 = arith.constant 4480 : index
    %swap3A_928 = arith.constant 0 : index
    %swap3A_929 = vector.load %arg2[%swap3A_927, %swap3A_928] : memref<16384x128xf32, #tpu.memory_space<vmem>>, vector<64x64xf32>
    tpu.vector_store %arg2[%swap3A_927, %swap3A_928], %slice3A_926 {strides = array<i32>} : memref<16384x128xf32, #tpu.memory_space<vmem>>, vector<64x64xf32>,
    %slice3A_930 = vector.extract_strided_slice %dot_general3A_925 {offsets = [64, 0], sizes = [64, 64], strides = [1, 1]} : vector<128x64xf32> to vector<64x64xf32>
    %swap3A_931 = arith.constant 4480 : index
    %swap3A_932 = arith.constant 64 : index
    %swap3A_933 = vector.load %arg2[%swap3A_931, %swap3A_932] : memref<16384x128xf32, #tpu.memory_space<vmem>>, vector<64x64xf32>
    tpu.vector_store %arg2[%swap3A_931, %swap3A_932], %slice3A_930 {strides = array<i32>} : memref<16384x128xf32, #tpu.memory_space<vmem>>, vector<64x64xf32>,
    %get3A_934 = arith.constant 0 : index
    %get3A_935 = arith.constant 9088 : index
    %get3A_936 = vector.load %arg1[%get3A_934, %get3A_935] : memref<64x32768xf32, #tpu.memory_space<vmem>>, vector<64x128xf32>
    %dot_general3A_937 = arith.constant dense<0.000000e+00> : vector<128x64xf32>
    %dot_general3A_938 = tpu.matmul %convert_element_type3A_14, %get3A_936, %dot_general3A_937 {dimension_numbers = #tpu.dot_dimension_numbers<[1], [1], [0], [0], [0, 0, 1, 0], [], []>, transpose_lhs_hint = false} : vector<128x128xf32>, vector<64x128xf32>, vector<128x64xf32> -> vector<128x64xf32>
    %slice3A_939 = vector.extract_strided_slice %dot_general3A_938 {offsets = [0, 0], sizes = [64, 64], strides = [1, 1]} : vector<128x64xf32> to vector<64x64xf32>
    %swap3A_940 = arith.constant 4544 : index
    %swap3A_941 = arith.constant 0 : index
    %swap3A_942 = vector.load %arg2[%swap3A_940, %swap3A_941] : memref<16384x128xf32, #tpu.memory_space<vmem>>, vector<64x64xf32>
    tpu.vector_store %arg2[%swap3A_940, %swap3A_941], %slice3A_939 {strides = array<i32>} : memref<16384x128xf32, #tpu.memory_space<vmem>>, vector<64x64xf32>,
    %slice3A_943 = vector.extract_strided_slice %dot_general3A_938 {offsets = [64, 0], sizes = [64, 64], strides = [1, 1]} : vector<128x64xf32> to vector<64x64xf32>
    %swap3A_944 = arith.constant 4544 : index
    %swap3A_945 = arith.constant 64 : index
    %swap3A_946 = vector.load %arg2[%swap3A_944, %swap3A_945] : memref<16384x128xf32, #tpu.memory_space<vmem>>, vector<64x64xf32>
    tpu.vector_store %arg2[%swap3A_944, %swap3A_945], %slice3A_943 {strides = array<i32>} : memref<16384x128xf32, #tpu.memory_space<vmem>>, vector<64x64xf32>,
    %get3A_947 = arith.constant 0 : index
    %get3A_948 = arith.constant 9216 : index
    %get3A_949 = vector.load %arg1[%get3A_947, %get3A_948] : memref<64x32768xf32, #tpu.memory_space<vmem>>, vector<64x128xf32>
    %dot_general3A_950 = arith.constant dense<0.000000e+00> : vector<128x64xf32>
    %dot_general3A_951 = tpu.matmul %convert_element_type3A_14, %get3A_949, %dot_general3A_950 {dimension_numbers = #tpu.dot_dimension_numbers<[1], [1], [0], [0], [0, 0, 1, 0], [], []>, transpose_lhs_hint = false} : vector<128x128xf32>, vector<64x128xf32>, vector<128x64xf32> -> vector<128x64xf32>
    %slice3A_952 = vector.extract_strided_slice %dot_general3A_951 {offsets = [0, 0], sizes = [64, 64], strides = [1, 1]} : vector<128x64xf32> to vector<64x64xf32>
    %swap3A_953 = arith.constant 4608 : index
    %swap3A_954 = arith.constant 0 : index
    %swap3A_955 = vector.load %arg2[%swap3A_953, %swap3A_954] : memref<16384x128xf32, #tpu.memory_space<vmem>>, vector<64x64xf32>
    tpu.vector_store %arg2[%swap3A_953, %swap3A_954], %slice3A_952 {strides = array<i32>} : memref<16384x128xf32, #tpu.memory_space<vmem>>, vector<64x64xf32>,
    %slice3A_956 = vector.extract_strided_slice %dot_general3A_951 {offsets = [64, 0], sizes = [64, 64], strides = [1, 1]} : vector<128x64xf32> to vector<64x64xf32>
    %swap3A_957 = arith.constant 4608 : index
    %swap3A_958 = arith.constant 64 : index
    %swap3A_959 = vector.load %arg2[%swap3A_957, %swap3A_958] : memref<16384x128xf32, #tpu.memory_space<vmem>>, vector<64x64xf32>
    tpu.vector_store %arg2[%swap3A_957, %swap3A_958], %slice3A_956 {strides = array<i32>} : memref<16384x128xf32, #tpu.memory_space<vmem>>, vector<64x64xf32>,
    %get3A_960 = arith.constant 0 : index
    %get3A_961 = arith.constant 9344 : index
    %get3A_962 = vector.load %arg1[%get3A_960, %get3A_961] : memref<64x32768xf32, #tpu.memory_space<vmem>>, vector<64x128xf32>
    %dot_general3A_963 = arith.constant dense<0.000000e+00> : vector<128x64xf32>
    %dot_general3A_964 = tpu.matmul %convert_element_type3A_14, %get3A_962, %dot_general3A_963 {dimension_numbers = #tpu.dot_dimension_numbers<[1], [1], [0], [0], [0, 0, 1, 0], [], []>, transpose_lhs_hint = false} : vector<128x128xf32>, vector<64x128xf32>, vector<128x64xf32> -> vector<128x64xf32>
    %slice3A_965 = vector.extract_strided_slice %dot_general3A_964 {offsets = [0, 0], sizes = [64, 64], strides = [1, 1]} : vector<128x64xf32> to vector<64x64xf32>
    %swap3A_966 = arith.constant 4672 : index
    %swap3A_967 = arith.constant 0 : index
    %swap3A_968 = vector.load %arg2[%swap3A_966, %swap3A_967] : memref<16384x128xf32, #tpu.memory_space<vmem>>, vector<64x64xf32>
    tpu.vector_store %arg2[%swap3A_966, %swap3A_967], %slice3A_965 {strides = array<i32>} : memref<16384x128xf32, #tpu.memory_space<vmem>>, vector<64x64xf32>,
    %slice3A_969 = vector.extract_strided_slice %dot_general3A_964 {offsets = [64, 0], sizes = [64, 64], strides = [1, 1]} : vector<128x64xf32> to vector<64x64xf32>
    %swap3A_970 = arith.constant 4672 : index
    %swap3A_971 = arith.constant 64 : index
    %swap3A_972 = vector.load %arg2[%swap3A_970, %swap3A_971] : memref<16384x128xf32, #tpu.memory_space<vmem>>, vector<64x64xf32>
    tpu.vector_store %arg2[%swap3A_970, %swap3A_971], %slice3A_969 {strides = array<i32>} : memref<16384x128xf32, #tpu.memory_space<vmem>>, vector<64x64xf32>,
    %get3A_973 = arith.constant 0 : index
    %get3A_974 = arith.constant 9472 : index
    %get3A_975 = vector.load %arg1[%get3A_973, %get3A_974] : memref<64x32768xf32, #tpu.memory_space<vmem>>, vector<64x128xf32>
    %dot_general3A_976 = arith.constant dense<0.000000e+00> : vector<128x64xf32>
    %dot_general3A_977 = tpu.matmul %convert_element_type3A_14, %get3A_975, %dot_general3A_976 {dimension_numbers = #tpu.dot_dimension_numbers<[1], [1], [0], [0], [0, 0, 1, 0], [], []>, transpose_lhs_hint = false} : vector<128x128xf32>, vector<64x128xf32>, vector<128x64xf32> -> vector<128x64xf32>
    %slice3A_978 = vector.extract_strided_slice %dot_general3A_977 {offsets = [0, 0], sizes = [64, 64], strides = [1, 1]} : vector<128x64xf32> to vector<64x64xf32>
    %swap3A_979 = arith.constant 4736 : index
    %swap3A_980 = arith.constant 0 : index
    %swap3A_981 = vector.load %arg2[%swap3A_979, %swap3A_980] : memref<16384x128xf32, #tpu.memory_space<vmem>>, vector<64x64xf32>
    tpu.vector_store %arg2[%swap3A_979, %swap3A_980], %slice3A_978 {strides = array<i32>} : memref<16384x128xf32, #tpu.memory_space<vmem>>, vector<64x64xf32>,
    %slice3A_982 = vector.extract_strided_slice %dot_general3A_977 {offsets = [64, 0], sizes = [64, 64], strides = [1, 1]} : vector<128x64xf32> to vector<64x64xf32>
    %swap3A_983 = arith.constant 4736 : index
    %swap3A_984 = arith.constant 64 : index
    %swap3A_985 = vector.load %arg2[%swap3A_983, %swap3A_984] : memref<16384x128xf32, #tpu.memory_space<vmem>>, vector<64x64xf32>
    tpu.vector_store %arg2[%swap3A_983, %swap3A_984], %slice3A_982 {strides = array<i32>} : memref<16384x128xf32, #tpu.memory_space<vmem>>, vector<64x64xf32>,
    %get3A_986 = arith.constant 0 : index
    %get3A_987 = arith.constant 9600 : index
    %get3A_988 = vector.load %arg1[%get3A_986, %get3A_987] : memref<64x32768xf32, #tpu.memory_space<vmem>>, vector<64x128xf32>
    %dot_general3A_989 = arith.constant dense<0.000000e+00> : vector<128x64xf32>
    %dot_general3A_990 = tpu.matmul %convert_element_type3A_14, %get3A_988, %dot_general3A_989 {dimension_numbers = #tpu.dot_dimension_numbers<[1], [1], [0], [0], [0, 0, 1, 0], [], []>, transpose_lhs_hint = false} : vector<128x128xf32>, vector<64x128xf32>, vector<128x64xf32> -> vector<128x64xf32>
    %slice3A_991 = vector.extract_strided_slice %dot_general3A_990 {offsets = [0, 0], sizes = [64, 64], strides = [1, 1]} : vector<128x64xf32> to vector<64x64xf32>
    %swap3A_992 = arith.constant 4800 : index
    %swap3A_993 = arith.constant 0 : index
    %swap3A_994 = vector.load %arg2[%swap3A_992, %swap3A_993] : memref<16384x128xf32, #tpu.memory_space<vmem>>, vector<64x64xf32>
    tpu.vector_store %arg2[%swap3A_992, %swap3A_993], %slice3A_991 {strides = array<i32>} : memref<16384x128xf32, #tpu.memory_space<vmem>>, vector<64x64xf32>,
    %slice3A_995 = vector.extract_strided_slice %dot_general3A_990 {offsets = [64, 0], sizes = [64, 64], strides = [1, 1]} : vector<128x64xf32> to vector<64x64xf32>
    %swap3A_996 = arith.constant 4800 : index
    %swap3A_997 = arith.constant 64 : index
    %swap3A_998 = vector.load %arg2[%swap3A_996, %swap3A_997] : memref<16384x128xf32, #tpu.memory_space<vmem>>, vector<64x64xf32>
    tpu.vector_store %arg2[%swap3A_996, %swap3A_997], %slice3A_995 {strides = array<i32>} : memref<16384x128xf32, #tpu.memory_space<vmem>>, vector<64x64xf32>,
    %get3A_999 = arith.constant 0 : index
    %get3A_1000 = arith.constant 9728 : index
    %get3A_1001 = vector.load %arg1[%get3A_999, %get3A_1000] : memref<64x32768xf32, #tpu.memory_space<vmem>>, vector<64x128xf32>
    %dot_general3A_1002 = arith.constant dense<0.000000e+00> : vector<128x64xf32>
    %dot_general3A_1003 = tpu.matmul %convert_element_type3A_14, %get3A_1001, %dot_general3A_1002 {dimension_numbers = #tpu.dot_dimension_numbers<[1], [1], [0], [0], [0, 0, 1, 0], [], []>, transpose_lhs_hint = false} : vector<128x128xf32>, vector<64x128xf32>, vector<128x64xf32> -> vector<128x64xf32>
    %slice3A_1004 = vector.extract_strided_slice %dot_general3A_1003 {offsets = [0, 0], sizes = [64, 64], strides = [1, 1]} : vector<128x64xf32> to vector<64x64xf32>
    %swap3A_1005 = arith.constant 4864 : index
    %swap3A_1006 = arith.constant 0 : index
    %swap3A_1007 = vector.load %arg2[%swap3A_1005, %swap3A_1006] : memref<16384x128xf32, #tpu.memory_space<vmem>>, vector<64x64xf32>
    tpu.vector_store %arg2[%swap3A_1005, %swap3A_1006], %slice3A_1004 {strides = array<i32>} : memref<16384x128xf32, #tpu.memory_space<vmem>>, vector<64x64xf32>,
    %slice3A_1008 = vector.extract_strided_slice %dot_general3A_1003 {offsets = [64, 0], sizes = [64, 64], strides = [1, 1]} : vector<128x64xf32> to vector<64x64xf32>
    %swap3A_1009 = arith.constant 4864 : index
    %swap3A_1010 = arith.constant 64 : index
    %swap3A_1011 = vector.load %arg2[%swap3A_1009, %swap3A_1010] : memref<16384x128xf32, #tpu.memory_space<vmem>>, vector<64x64xf32>
    tpu.vector_store %arg2[%swap3A_1009, %swap3A_1010], %slice3A_1008 {strides = array<i32>} : memref<16384x128xf32, #tpu.memory_space<vmem>>, vector<64x64xf32>,
    %get3A_1012 = arith.constant 0 : index
    %get3A_1013 = arith.constant 9856 : index
    %get3A_1014 = vector.load %arg1[%get3A_1012, %get3A_1013] : memref<64x32768xf32, #tpu.memory_space<vmem>>, vector<64x128xf32>
    %dot_general3A_1015 = arith.constant dense<0.000000e+00> : vector<128x64xf32>
    %dot_general3A_1016 = tpu.matmul %convert_element_type3A_14, %get3A_1014, %dot_general3A_1015 {dimension_numbers = #tpu.dot_dimension_numbers<[1], [1], [0], [0], [0, 0, 1, 0], [], []>, transpose_lhs_hint = false} : vector<128x128xf32>, vector<64x128xf32>, vector<128x64xf32> -> vector<128x64xf32>
    %slice3A_1017 = vector.extract_strided_slice %dot_general3A_1016 {offsets = [0, 0], sizes = [64, 64], strides = [1, 1]} : vector<128x64xf32> to vector<64x64xf32>
    %swap3A_1018 = arith.constant 4928 : index
    %swap3A_1019 = arith.constant 0 : index
    %swap3A_1020 = vector.load %arg2[%swap3A_1018, %swap3A_1019] : memref<16384x128xf32, #tpu.memory_space<vmem>>, vector<64x64xf32>
    tpu.vector_store %arg2[%swap3A_1018, %swap3A_1019], %slice3A_1017 {strides = array<i32>} : memref<16384x128xf32, #tpu.memory_space<vmem>>, vector<64x64xf32>,
    %slice3A_1021 = vector.extract_strided_slice %dot_general3A_1016 {offsets = [64, 0], sizes = [64, 64], strides = [1, 1]} : vector<128x64xf32> to vector<64x64xf32>
    %swap3A_1022 = arith.constant 4928 : index
    %swap3A_1023 = arith.constant 64 : index
    %swap3A_1024 = vector.load %arg2[%swap3A_1022, %swap3A_1023] : memref<16384x128xf32, #tpu.memory_space<vmem>>, vector<64x64xf32>
    tpu.vector_store %arg2[%swap3A_1022, %swap3A_1023], %slice3A_1021 {strides = array<i32>} : memref<16384x128xf32, #tpu.memory_space<vmem>>, vector<64x64xf32>,
    %get3A_1025 = arith.constant 0 : index
    %get3A_1026 = arith.constant 9984 : index
    %get3A_1027 = vector.load %arg1[%get3A_1025, %get3A_1026] : memref<64x32768xf32, #tpu.memory_space<vmem>>, vector<64x128xf32>
    %dot_general3A_1028 = arith.constant dense<0.000000e+00> : vector<128x64xf32>
    %dot_general3A_1029 = tpu.matmul %convert_element_type3A_14, %get3A_1027, %dot_general3A_1028 {dimension_numbers = #tpu.dot_dimension_numbers<[1], [1], [0], [0], [0, 0, 1, 0], [], []>, transpose_lhs_hint = false} : vector<128x128xf32>, vector<64x128xf32>, vector<128x64xf32> -> vector<128x64xf32>
    %slice3A_1030 = vector.extract_strided_slice %dot_general3A_1029 {offsets = [0, 0], sizes = [64, 64], strides = [1, 1]} : vector<128x64xf32> to vector<64x64xf32>
    %swap3A_1031 = arith.constant 4992 : index
    %swap3A_1032 = arith.constant 0 : index
    %swap3A_1033 = vector.load %arg2[%swap3A_1031, %swap3A_1032] : memref<16384x128xf32, #tpu.memory_space<vmem>>, vector<64x64xf32>
    tpu.vector_store %arg2[%swap3A_1031, %swap3A_1032], %slice3A_1030 {strides = array<i32>} : memref<16384x128xf32, #tpu.memory_space<vmem>>, vector<64x64xf32>,
    %slice3A_1034 = vector.extract_strided_slice %dot_general3A_1029 {offsets = [64, 0], sizes = [64, 64], strides = [1, 1]} : vector<128x64xf32> to vector<64x64xf32>
    %swap3A_1035 = arith.constant 4992 : index
    %swap3A_1036 = arith.constant 64 : index
    %swap3A_1037 = vector.load %arg2[%swap3A_1035, %swap3A_1036] : memref<16384x128xf32, #tpu.memory_space<vmem>>, vector<64x64xf32>
    tpu.vector_store %arg2[%swap3A_1035, %swap3A_1036], %slice3A_1034 {strides = array<i32>} : memref<16384x128xf32, #tpu.memory_space<vmem>>, vector<64x64xf32>,
    %get3A_1038 = arith.constant 0 : index
    %get3A_1039 = arith.constant 10112 : index
    %get3A_1040 = vector.load %arg1[%get3A_1038, %get3A_1039] : memref<64x32768xf32, #tpu.memory_space<vmem>>, vector<64x128xf32>
    %dot_general3A_1041 = arith.constant dense<0.000000e+00> : vector<128x64xf32>
    %dot_general3A_1042 = tpu.matmul %convert_element_type3A_14, %get3A_1040, %dot_general3A_1041 {dimension_numbers = #tpu.dot_dimension_numbers<[1], [1], [0], [0], [0, 0, 1, 0], [], []>, transpose_lhs_hint = false} : vector<128x128xf32>, vector<64x128xf32>, vector<128x64xf32> -> vector<128x64xf32>
    %slice3A_1043 = vector.extract_strided_slice %dot_general3A_1042 {offsets = [0, 0], sizes = [64, 64], strides = [1, 1]} : vector<128x64xf32> to vector<64x64xf32>
    %swap3A_1044 = arith.constant 5056 : index
    %swap3A_1045 = arith.constant 0 : index
    %swap3A_1046 = vector.load %arg2[%swap3A_1044, %swap3A_1045] : memref<16384x128xf32, #tpu.memory_space<vmem>>, vector<64x64xf32>
    tpu.vector_store %arg2[%swap3A_1044, %swap3A_1045], %slice3A_1043 {strides = array<i32>} : memref<16384x128xf32, #tpu.memory_space<vmem>>, vector<64x64xf32>,
    %slice3A_1047 = vector.extract_strided_slice %dot_general3A_1042 {offsets = [64, 0], sizes = [64, 64], strides = [1, 1]} : vector<128x64xf32> to vector<64x64xf32>
    %swap3A_1048 = arith.constant 5056 : index
    %swap3A_1049 = arith.constant 64 : index
    %swap3A_1050 = vector.load %arg2[%swap3A_1048, %swap3A_1049] : memref<16384x128xf32, #tpu.memory_space<vmem>>, vector<64x64xf32>
    tpu.vector_store %arg2[%swap3A_1048, %swap3A_1049], %slice3A_1047 {strides = array<i32>} : memref<16384x128xf32, #tpu.memory_space<vmem>>, vector<64x64xf32>,
    %get3A_1051 = arith.constant 0 : index
    %get3A_1052 = arith.constant 10240 : index
    %get3A_1053 = vector.load %arg1[%get3A_1051, %get3A_1052] : memref<64x32768xf32, #tpu.memory_space<vmem>>, vector<64x128xf32>
    %dot_general3A_1054 = arith.constant dense<0.000000e+00> : vector<128x64xf32>
    %dot_general3A_1055 = tpu.matmul %convert_element_type3A_14, %get3A_1053, %dot_general3A_1054 {dimension_numbers = #tpu.dot_dimension_numbers<[1], [1], [0], [0], [0, 0, 1, 0], [], []>, transpose_lhs_hint = false} : vector<128x128xf32>, vector<64x128xf32>, vector<128x64xf32> -> vector<128x64xf32>
    %slice3A_1056 = vector.extract_strided_slice %dot_general3A_1055 {offsets = [0, 0], sizes = [64, 64], strides = [1, 1]} : vector<128x64xf32> to vector<64x64xf32>
    %swap3A_1057 = arith.constant 5120 : index
    %swap3A_1058 = arith.constant 0 : index
    %swap3A_1059 = vector.load %arg2[%swap3A_1057, %swap3A_1058] : memref<16384x128xf32, #tpu.memory_space<vmem>>, vector<64x64xf32>
    tpu.vector_store %arg2[%swap3A_1057, %swap3A_1058], %slice3A_1056 {strides = array<i32>} : memref<16384x128xf32, #tpu.memory_space<vmem>>, vector<64x64xf32>,
    %slice3A_1060 = vector.extract_strided_slice %dot_general3A_1055 {offsets = [64, 0], sizes = [64, 64], strides = [1, 1]} : vector<128x64xf32> to vector<64x64xf32>
    %swap3A_1061 = arith.constant 5120 : index
    %swap3A_1062 = arith.constant 64 : index
    %swap3A_1063 = vector.load %arg2[%swap3A_1061, %swap3A_1062] : memref<16384x128xf32, #tpu.memory_space<vmem>>, vector<64x64xf32>
    tpu.vector_store %arg2[%swap3A_1061, %swap3A_1062], %slice3A_1060 {strides = array<i32>} : memref<16384x128xf32, #tpu.memory_space<vmem>>, vector<64x64xf32>,
    %get3A_1064 = arith.constant 0 : index
    %get3A_1065 = arith.constant 10368 : index
    %get3A_1066 = vector.load %arg1[%get3A_1064, %get3A_1065] : memref<64x32768xf32, #tpu.memory_space<vmem>>, vector<64x128xf32>
    %dot_general3A_1067 = arith.constant dense<0.000000e+00> : vector<128x64xf32>
    %dot_general3A_1068 = tpu.matmul %convert_element_type3A_14, %get3A_1066, %dot_general3A_1067 {dimension_numbers = #tpu.dot_dimension_numbers<[1], [1], [0], [0], [0, 0, 1, 0], [], []>, transpose_lhs_hint = false} : vector<128x128xf32>, vector<64x128xf32>, vector<128x64xf32> -> vector<128x64xf32>
    %slice3A_1069 = vector.extract_strided_slice %dot_general3A_1068 {offsets = [0, 0], sizes = [64, 64], strides = [1, 1]} : vector<128x64xf32> to vector<64x64xf32>
    %swap3A_1070 = arith.constant 5184 : index
    %swap3A_1071 = arith.constant 0 : index
    %swap3A_1072 = vector.load %arg2[%swap3A_1070, %swap3A_1071] : memref<16384x128xf32, #tpu.memory_space<vmem>>, vector<64x64xf32>
    tpu.vector_store %arg2[%swap3A_1070, %swap3A_1071], %slice3A_1069 {strides = array<i32>} : memref<16384x128xf32, #tpu.memory_space<vmem>>, vector<64x64xf32>,
    %slice3A_1073 = vector.extract_strided_slice %dot_general3A_1068 {offsets = [64, 0], sizes = [64, 64], strides = [1, 1]} : vector<128x64xf32> to vector<64x64xf32>
    %swap3A_1074 = arith.constant 5184 : index
    %swap3A_1075 = arith.constant 64 : index
    %swap3A_1076 = vector.load %arg2[%swap3A_1074, %swap3A_1075] : memref<16384x128xf32, #tpu.memory_space<vmem>>, vector<64x64xf32>
    tpu.vector_store %arg2[%swap3A_1074, %swap3A_1075], %slice3A_1073 {strides = array<i32>} : memref<16384x128xf32, #tpu.memory_space<vmem>>, vector<64x64xf32>,
    %get3A_1077 = arith.constant 0 : index
    %get3A_1078 = arith.constant 10496 : index
    %get3A_1079 = vector.load %arg1[%get3A_1077, %get3A_1078] : memref<64x32768xf32, #tpu.memory_space<vmem>>, vector<64x128xf32>
    %dot_general3A_1080 = arith.constant dense<0.000000e+00> : vector<128x64xf32>
    %dot_general3A_1081 = tpu.matmul %convert_element_type3A_14, %get3A_1079, %dot_general3A_1080 {dimension_numbers = #tpu.dot_dimension_numbers<[1], [1], [0], [0], [0, 0, 1, 0], [], []>, transpose_lhs_hint = false} : vector<128x128xf32>, vector<64x128xf32>, vector<128x64xf32> -> vector<128x64xf32>
    %slice3A_1082 = vector.extract_strided_slice %dot_general3A_1081 {offsets = [0, 0], sizes = [64, 64], strides = [1, 1]} : vector<128x64xf32> to vector<64x64xf32>
    %swap3A_1083 = arith.constant 5248 : index
    %swap3A_1084 = arith.constant 0 : index
    %swap3A_1085 = vector.load %arg2[%swap3A_1083, %swap3A_1084] : memref<16384x128xf32, #tpu.memory_space<vmem>>, vector<64x64xf32>
    tpu.vector_store %arg2[%swap3A_1083, %swap3A_1084], %slice3A_1082 {strides = array<i32>} : memref<16384x128xf32, #tpu.memory_space<vmem>>, vector<64x64xf32>,
    %slice3A_1086 = vector.extract_strided_slice %dot_general3A_1081 {offsets = [64, 0], sizes = [64, 64], strides = [1, 1]} : vector<128x64xf32> to vector<64x64xf32>
    %swap3A_1087 = arith.constant 5248 : index
    %swap3A_1088 = arith.constant 64 : index
    %swap3A_1089 = vector.load %arg2[%swap3A_1087, %swap3A_1088] : memref<16384x128xf32, #tpu.memory_space<vmem>>, vector<64x64xf32>
    tpu.vector_store %arg2[%swap3A_1087, %swap3A_1088], %slice3A_1086 {strides = array<i32>} : memref<16384x128xf32, #tpu.memory_space<vmem>>, vector<64x64xf32>,
    %get3A_1090 = arith.constant 0 : index
    %get3A_1091 = arith.constant 10624 : index
    %get3A_1092 = vector.load %arg1[%get3A_1090, %get3A_1091] : memref<64x32768xf32, #tpu.memory_space<vmem>>, vector<64x128xf32>
    %dot_general3A_1093 = arith.constant dense<0.000000e+00> : vector<128x64xf32>
    %dot_general3A_1094 = tpu.matmul %convert_element_type3A_14, %get3A_1092, %dot_general3A_1093 {dimension_numbers = #tpu.dot_dimension_numbers<[1], [1], [0], [0], [0, 0, 1, 0], [], []>, transpose_lhs_hint = false} : vector<128x128xf32>, vector<64x128xf32>, vector<128x64xf32> -> vector<128x64xf32>
    %slice3A_1095 = vector.extract_strided_slice %dot_general3A_1094 {offsets = [0, 0], sizes = [64, 64], strides = [1, 1]} : vector<128x64xf32> to vector<64x64xf32>
    %swap3A_1096 = arith.constant 5312 : index
    %swap3A_1097 = arith.constant 0 : index
    %swap3A_1098 = vector.load %arg2[%swap3A_1096, %swap3A_1097] : memref<16384x128xf32, #tpu.memory_space<vmem>>, vector<64x64xf32>
    tpu.vector_store %arg2[%swap3A_1096, %swap3A_1097], %slice3A_1095 {strides = array<i32>} : memref<16384x128xf32, #tpu.memory_space<vmem>>, vector<64x64xf32>,
    %slice3A_1099 = vector.extract_strided_slice %dot_general3A_1094 {offsets = [64, 0], sizes = [64, 64], strides = [1, 1]} : vector<128x64xf32> to vector<64x64xf32>
    %swap3A_1100 = arith.constant 5312 : index
    %swap3A_1101 = arith.constant 64 : index
    %swap3A_1102 = vector.load %arg2[%swap3A_1100, %swap3A_1101] : memref<16384x128xf32, #tpu.memory_space<vmem>>, vector<64x64xf32>
    tpu.vector_store %arg2[%swap3A_1100, %swap3A_1101], %slice3A_1099 {strides = array<i32>} : memref<16384x128xf32, #tpu.memory_space<vmem>>, vector<64x64xf32>,
    %get3A_1103 = arith.constant 0 : index
    %get3A_1104 = arith.constant 10752 : index
    %get3A_1105 = vector.load %arg1[%get3A_1103, %get3A_1104] : memref<64x32768xf32, #tpu.memory_space<vmem>>, vector<64x128xf32>
    %dot_general3A_1106 = arith.constant dense<0.000000e+00> : vector<128x64xf32>
    %dot_general3A_1107 = tpu.matmul %convert_element_type3A_14, %get3A_1105, %dot_general3A_1106 {dimension_numbers = #tpu.dot_dimension_numbers<[1], [1], [0], [0], [0, 0, 1, 0], [], []>, transpose_lhs_hint = false} : vector<128x128xf32>, vector<64x128xf32>, vector<128x64xf32> -> vector<128x64xf32>
    %slice3A_1108 = vector.extract_strided_slice %dot_general3A_1107 {offsets = [0, 0], sizes = [64, 64], strides = [1, 1]} : vector<128x64xf32> to vector<64x64xf32>
    %swap3A_1109 = arith.constant 5376 : index
    %swap3A_1110 = arith.constant 0 : index
    %swap3A_1111 = vector.load %arg2[%swap3A_1109, %swap3A_1110] : memref<16384x128xf32, #tpu.memory_space<vmem>>, vector<64x64xf32>
    tpu.vector_store %arg2[%swap3A_1109, %swap3A_1110], %slice3A_1108 {strides = array<i32>} : memref<16384x128xf32, #tpu.memory_space<vmem>>, vector<64x64xf32>,
    %slice3A_1112 = vector.extract_strided_slice %dot_general3A_1107 {offsets = [64, 0], sizes = [64, 64], strides = [1, 1]} : vector<128x64xf32> to vector<64x64xf32>
    %swap3A_1113 = arith.constant 5376 : index
    %swap3A_1114 = arith.constant 64 : index
    %swap3A_1115 = vector.load %arg2[%swap3A_1113, %swap3A_1114] : memref<16384x128xf32, #tpu.memory_space<vmem>>, vector<64x64xf32>
    tpu.vector_store %arg2[%swap3A_1113, %swap3A_1114], %slice3A_1112 {strides = array<i32>} : memref<16384x128xf32, #tpu.memory_space<vmem>>, vector<64x64xf32>,
    %get3A_1116 = arith.constant 0 : index
    %get3A_1117 = arith.constant 10880 : index
    %get3A_1118 = vector.load %arg1[%get3A_1116, %get3A_1117] : memref<64x32768xf32, #tpu.memory_space<vmem>>, vector<64x128xf32>
    %dot_general3A_1119 = arith.constant dense<0.000000e+00> : vector<128x64xf32>
    %dot_general3A_1120 = tpu.matmul %convert_element_type3A_14, %get3A_1118, %dot_general3A_1119 {dimension_numbers = #tpu.dot_dimension_numbers<[1], [1], [0], [0], [0, 0, 1, 0], [], []>, transpose_lhs_hint = false} : vector<128x128xf32>, vector<64x128xf32>, vector<128x64xf32> -> vector<128x64xf32>
    %slice3A_1121 = vector.extract_strided_slice %dot_general3A_1120 {offsets = [0, 0], sizes = [64, 64], strides = [1, 1]} : vector<128x64xf32> to vector<64x64xf32>
    %swap3A_1122 = arith.constant 5440 : index
    %swap3A_1123 = arith.constant 0 : index
    %swap3A_1124 = vector.load %arg2[%swap3A_1122, %swap3A_1123] : memref<16384x128xf32, #tpu.memory_space<vmem>>, vector<64x64xf32>
    tpu.vector_store %arg2[%swap3A_1122, %swap3A_1123], %slice3A_1121 {strides = array<i32>} : memref<16384x128xf32, #tpu.memory_space<vmem>>, vector<64x64xf32>,
    %slice3A_1125 = vector.extract_strided_slice %dot_general3A_1120 {offsets = [64, 0], sizes = [64, 64], strides = [1, 1]} : vector<128x64xf32> to vector<64x64xf32>
    %swap3A_1126 = arith.constant 5440 : index
    %swap3A_1127 = arith.constant 64 : index
    %swap3A_1128 = vector.load %arg2[%swap3A_1126, %swap3A_1127] : memref<16384x128xf32, #tpu.memory_space<vmem>>, vector<64x64xf32>
    tpu.vector_store %arg2[%swap3A_1126, %swap3A_1127], %slice3A_1125 {strides = array<i32>} : memref<16384x128xf32, #tpu.memory_space<vmem>>, vector<64x64xf32>,
    %get3A_1129 = arith.constant 0 : index
    %get3A_1130 = arith.constant 11008 : index
    %get3A_1131 = vector.load %arg1[%get3A_1129, %get3A_1130] : memref<64x32768xf32, #tpu.memory_space<vmem>>, vector<64x128xf32>
    %dot_general3A_1132 = arith.constant dense<0.000000e+00> : vector<128x64xf32>
    %dot_general3A_1133 = tpu.matmul %convert_element_type3A_14, %get3A_1131, %dot_general3A_1132 {dimension_numbers = #tpu.dot_dimension_numbers<[1], [1], [0], [0], [0, 0, 1, 0], [], []>, transpose_lhs_hint = false} : vector<128x128xf32>, vector<64x128xf32>, vector<128x64xf32> -> vector<128x64xf32>
    %slice3A_1134 = vector.extract_strided_slice %dot_general3A_1133 {offsets = [0, 0], sizes = [64, 64], strides = [1, 1]} : vector<128x64xf32> to vector<64x64xf32>
    %swap3A_1135 = arith.constant 5504 : index
    %swap3A_1136 = arith.constant 0 : index
    %swap3A_1137 = vector.load %arg2[%swap3A_1135, %swap3A_1136] : memref<16384x128xf32, #tpu.memory_space<vmem>>, vector<64x64xf32>
    tpu.vector_store %arg2[%swap3A_1135, %swap3A_1136], %slice3A_1134 {strides = array<i32>} : memref<16384x128xf32, #tpu.memory_space<vmem>>, vector<64x64xf32>,
    %slice3A_1138 = vector.extract_strided_slice %dot_general3A_1133 {offsets = [64, 0], sizes = [64, 64], strides = [1, 1]} : vector<128x64xf32> to vector<64x64xf32>
    %swap3A_1139 = arith.constant 5504 : index
    %swap3A_1140 = arith.constant 64 : index
    %swap3A_1141 = vector.load %arg2[%swap3A_1139, %swap3A_1140] : memref<16384x128xf32, #tpu.memory_space<vmem>>, vector<64x64xf32>
    tpu.vector_store %arg2[%swap3A_1139, %swap3A_1140], %slice3A_1138 {strides = array<i32>} : memref<16384x128xf32, #tpu.memory_space<vmem>>, vector<64x64xf32>,
    %get3A_1142 = arith.constant 0 : index
    %get3A_1143 = arith.constant 11136 : index
    %get3A_1144 = vector.load %arg1[%get3A_1142, %get3A_1143] : memref<64x32768xf32, #tpu.memory_space<vmem>>, vector<64x128xf32>
    %dot_general3A_1145 = arith.constant dense<0.000000e+00> : vector<128x64xf32>
    %dot_general3A_1146 = tpu.matmul %convert_element_type3A_14, %get3A_1144, %dot_general3A_1145 {dimension_numbers = #tpu.dot_dimension_numbers<[1], [1], [0], [0], [0, 0, 1, 0], [], []>, transpose_lhs_hint = false} : vector<128x128xf32>, vector<64x128xf32>, vector<128x64xf32> -> vector<128x64xf32>
    %slice3A_1147 = vector.extract_strided_slice %dot_general3A_1146 {offsets = [0, 0], sizes = [64, 64], strides = [1, 1]} : vector<128x64xf32> to vector<64x64xf32>
    %swap3A_1148 = arith.constant 5568 : index
    %swap3A_1149 = arith.constant 0 : index
    %swap3A_1150 = vector.load %arg2[%swap3A_1148, %swap3A_1149] : memref<16384x128xf32, #tpu.memory_space<vmem>>, vector<64x64xf32>
    tpu.vector_store %arg2[%swap3A_1148, %swap3A_1149], %slice3A_1147 {strides = array<i32>} : memref<16384x128xf32, #tpu.memory_space<vmem>>, vector<64x64xf32>,
    %slice3A_1151 = vector.extract_strided_slice %dot_general3A_1146 {offsets = [64, 0], sizes = [64, 64], strides = [1, 1]} : vector<128x64xf32> to vector<64x64xf32>
    %swap3A_1152 = arith.constant 5568 : index
    %swap3A_1153 = arith.constant 64 : index
    %swap3A_1154 = vector.load %arg2[%swap3A_1152, %swap3A_1153] : memref<16384x128xf32, #tpu.memory_space<vmem>>, vector<64x64xf32>
    tpu.vector_store %arg2[%swap3A_1152, %swap3A_1153], %slice3A_1151 {strides = array<i32>} : memref<16384x128xf32, #tpu.memory_space<vmem>>, vector<64x64xf32>,
    %get3A_1155 = arith.constant 0 : index
    %get3A_1156 = arith.constant 11264 : index
    %get3A_1157 = vector.load %arg1[%get3A_1155, %get3A_1156] : memref<64x32768xf32, #tpu.memory_space<vmem>>, vector<64x128xf32>
    %dot_general3A_1158 = arith.constant dense<0.000000e+00> : vector<128x64xf32>
    %dot_general3A_1159 = tpu.matmul %convert_element_type3A_14, %get3A_1157, %dot_general3A_1158 {dimension_numbers = #tpu.dot_dimension_numbers<[1], [1], [0], [0], [0, 0, 1, 0], [], []>, transpose_lhs_hint = false} : vector<128x128xf32>, vector<64x128xf32>, vector<128x64xf32> -> vector<128x64xf32>
    %slice3A_1160 = vector.extract_strided_slice %dot_general3A_1159 {offsets = [0, 0], sizes = [64, 64], strides = [1, 1]} : vector<128x64xf32> to vector<64x64xf32>
    %swap3A_1161 = arith.constant 5632 : index
    %swap3A_1162 = arith.constant 0 : index
    %swap3A_1163 = vector.load %arg2[%swap3A_1161, %swap3A_1162] : memref<16384x128xf32, #tpu.memory_space<vmem>>, vector<64x64xf32>
    tpu.vector_store %arg2[%swap3A_1161, %swap3A_1162], %slice3A_1160 {strides = array<i32>} : memref<16384x128xf32, #tpu.memory_space<vmem>>, vector<64x64xf32>,
    %slice3A_1164 = vector.extract_strided_slice %dot_general3A_1159 {offsets = [64, 0], sizes = [64, 64], strides = [1, 1]} : vector<128x64xf32> to vector<64x64xf32>
    %swap3A_1165 = arith.constant 5632 : index
    %swap3A_1166 = arith.constant 64 : index
    %swap3A_1167 = vector.load %arg2[%swap3A_1165, %swap3A_1166] : memref<16384x128xf32, #tpu.memory_space<vmem>>, vector<64x64xf32>
    tpu.vector_store %arg2[%swap3A_1165, %swap3A_1166], %slice3A_1164 {strides = array<i32>} : memref<16384x128xf32, #tpu.memory_space<vmem>>, vector<64x64xf32>,
    %get3A_1168 = arith.constant 0 : index
    %get3A_1169 = arith.constant 11392 : index
    %get3A_1170 = vector.load %arg1[%get3A_1168, %get3A_1169] : memref<64x32768xf32, #tpu.memory_space<vmem>>, vector<64x128xf32>
    %dot_general3A_1171 = arith.constant dense<0.000000e+00> : vector<128x64xf32>
    %dot_general3A_1172 = tpu.matmul %convert_element_type3A_14, %get3A_1170, %dot_general3A_1171 {dimension_numbers = #tpu.dot_dimension_numbers<[1], [1], [0], [0], [0, 0, 1, 0], [], []>, transpose_lhs_hint = false} : vector<128x128xf32>, vector<64x128xf32>, vector<128x64xf32> -> vector<128x64xf32>
    %slice3A_1173 = vector.extract_strided_slice %dot_general3A_1172 {offsets = [0, 0], sizes = [64, 64], strides = [1, 1]} : vector<128x64xf32> to vector<64x64xf32>
    %swap3A_1174 = arith.constant 5696 : index
    %swap3A_1175 = arith.constant 0 : index
    %swap3A_1176 = vector.load %arg2[%swap3A_1174, %swap3A_1175] : memref<16384x128xf32, #tpu.memory_space<vmem>>, vector<64x64xf32>
    tpu.vector_store %arg2[%swap3A_1174, %swap3A_1175], %slice3A_1173 {strides = array<i32>} : memref<16384x128xf32, #tpu.memory_space<vmem>>, vector<64x64xf32>,
    %slice3A_1177 = vector.extract_strided_slice %dot_general3A_1172 {offsets = [64, 0], sizes = [64, 64], strides = [1, 1]} : vector<128x64xf32> to vector<64x64xf32>
    %swap3A_1178 = arith.constant 5696 : index
    %swap3A_1179 = arith.constant 64 : index
    %swap3A_1180 = vector.load %arg2[%swap3A_1178, %swap3A_1179] : memref<16384x128xf32, #tpu.memory_space<vmem>>, vector<64x64xf32>
    tpu.vector_store %arg2[%swap3A_1178, %swap3A_1179], %slice3A_1177 {strides = array<i32>} : memref<16384x128xf32, #tpu.memory_space<vmem>>, vector<64x64xf32>,
    %get3A_1181 = arith.constant 0 : index
    %get3A_1182 = arith.constant 11520 : index
    %get3A_1183 = vector.load %arg1[%get3A_1181, %get3A_1182] : memref<64x32768xf32, #tpu.memory_space<vmem>>, vector<64x128xf32>
    %dot_general3A_1184 = arith.constant dense<0.000000e+00> : vector<128x64xf32>
    %dot_general3A_1185 = tpu.matmul %convert_element_type3A_14, %get3A_1183, %dot_general3A_1184 {dimension_numbers = #tpu.dot_dimension_numbers<[1], [1], [0], [0], [0, 0, 1, 0], [], []>, transpose_lhs_hint = false} : vector<128x128xf32>, vector<64x128xf32>, vector<128x64xf32> -> vector<128x64xf32>
    %slice3A_1186 = vector.extract_strided_slice %dot_general3A_1185 {offsets = [0, 0], sizes = [64, 64], strides = [1, 1]} : vector<128x64xf32> to vector<64x64xf32>
    %swap3A_1187 = arith.constant 5760 : index
    %swap3A_1188 = arith.constant 0 : index
    %swap3A_1189 = vector.load %arg2[%swap3A_1187, %swap3A_1188] : memref<16384x128xf32, #tpu.memory_space<vmem>>, vector<64x64xf32>
    tpu.vector_store %arg2[%swap3A_1187, %swap3A_1188], %slice3A_1186 {strides = array<i32>} : memref<16384x128xf32, #tpu.memory_space<vmem>>, vector<64x64xf32>,
    %slice3A_1190 = vector.extract_strided_slice %dot_general3A_1185 {offsets = [64, 0], sizes = [64, 64], strides = [1, 1]} : vector<128x64xf32> to vector<64x64xf32>
    %swap3A_1191 = arith.constant 5760 : index
    %swap3A_1192 = arith.constant 64 : index
    %swap3A_1193 = vector.load %arg2[%swap3A_1191, %swap3A_1192] : memref<16384x128xf32, #tpu.memory_space<vmem>>, vector<64x64xf32>
    tpu.vector_store %arg2[%swap3A_1191, %swap3A_1192], %slice3A_1190 {strides = array<i32>} : memref<16384x128xf32, #tpu.memory_space<vmem>>, vector<64x64xf32>,
    %get3A_1194 = arith.constant 0 : index
    %get3A_1195 = arith.constant 11648 : index
    %get3A_1196 = vector.load %arg1[%get3A_1194, %get3A_1195] : memref<64x32768xf32, #tpu.memory_space<vmem>>, vector<64x128xf32>
    %dot_general3A_1197 = arith.constant dense<0.000000e+00> : vector<128x64xf32>
    %dot_general3A_1198 = tpu.matmul %convert_element_type3A_14, %get3A_1196, %dot_general3A_1197 {dimension_numbers = #tpu.dot_dimension_numbers<[1], [1], [0], [0], [0, 0, 1, 0], [], []>, transpose_lhs_hint = false} : vector<128x128xf32>, vector<64x128xf32>, vector<128x64xf32> -> vector<128x64xf32>
    %slice3A_1199 = vector.extract_strided_slice %dot_general3A_1198 {offsets = [0, 0], sizes = [64, 64], strides = [1, 1]} : vector<128x64xf32> to vector<64x64xf32>
    %swap3A_1200 = arith.constant 5824 : index
    %swap3A_1201 = arith.constant 0 : index
    %swap3A_1202 = vector.load %arg2[%swap3A_1200, %swap3A_1201] : memref<16384x128xf32, #tpu.memory_space<vmem>>, vector<64x64xf32>
    tpu.vector_store %arg2[%swap3A_1200, %swap3A_1201], %slice3A_1199 {strides = array<i32>} : memref<16384x128xf32, #tpu.memory_space<vmem>>, vector<64x64xf32>,
    %slice3A_1203 = vector.extract_strided_slice %dot_general3A_1198 {offsets = [64, 0], sizes = [64, 64], strides = [1, 1]} : vector<128x64xf32> to vector<64x64xf32>
    %swap3A_1204 = arith.constant 5824 : index
    %swap3A_1205 = arith.constant 64 : index
    %swap3A_1206 = vector.load %arg2[%swap3A_1204, %swap3A_1205] : memref<16384x128xf32, #tpu.memory_space<vmem>>, vector<64x64xf32>
    tpu.vector_store %arg2[%swap3A_1204, %swap3A_1205], %slice3A_1203 {strides = array<i32>} : memref<16384x128xf32, #tpu.memory_space<vmem>>, vector<64x64xf32>,
    %get3A_1207 = arith.constant 0 : index
    %get3A_1208 = arith.constant 11776 : index
    %get3A_1209 = vector.load %arg1[%get3A_1207, %get3A_1208] : memref<64x32768xf32, #tpu.memory_space<vmem>>, vector<64x128xf32>
    %dot_general3A_1210 = arith.constant dense<0.000000e+00> : vector<128x64xf32>
    %dot_general3A_1211 = tpu.matmul %convert_element_type3A_14, %get3A_1209, %dot_general3A_1210 {dimension_numbers = #tpu.dot_dimension_numbers<[1], [1], [0], [0], [0, 0, 1, 0], [], []>, transpose_lhs_hint = false} : vector<128x128xf32>, vector<64x128xf32>, vector<128x64xf32> -> vector<128x64xf32>
    %slice3A_1212 = vector.extract_strided_slice %dot_general3A_1211 {offsets = [0, 0], sizes = [64, 64], strides = [1, 1]} : vector<128x64xf32> to vector<64x64xf32>
    %swap3A_1213 = arith.constant 5888 : index
    %swap3A_1214 = arith.constant 0 : index
    %swap3A_1215 = vector.load %arg2[%swap3A_1213, %swap3A_1214] : memref<16384x128xf32, #tpu.memory_space<vmem>>, vector<64x64xf32>
    tpu.vector_store %arg2[%swap3A_1213, %swap3A_1214], %slice3A_1212 {strides = array<i32>} : memref<16384x128xf32, #tpu.memory_space<vmem>>, vector<64x64xf32>,
    %slice3A_1216 = vector.extract_strided_slice %dot_general3A_1211 {offsets = [64, 0], sizes = [64, 64], strides = [1, 1]} : vector<128x64xf32> to vector<64x64xf32>
    %swap3A_1217 = arith.constant 5888 : index
    %swap3A_1218 = arith.constant 64 : index
    %swap3A_1219 = vector.load %arg2[%swap3A_1217, %swap3A_1218] : memref<16384x128xf32, #tpu.memory_space<vmem>>, vector<64x64xf32>
    tpu.vector_store %arg2[%swap3A_1217, %swap3A_1218], %slice3A_1216 {strides = array<i32>} : memref<16384x128xf32, #tpu.memory_space<vmem>>, vector<64x64xf32>,
    %get3A_1220 = arith.constant 0 : index
    %get3A_1221 = arith.constant 11904 : index
    %get3A_1222 = vector.load %arg1[%get3A_1220, %get3A_1221] : memref<64x32768xf32, #tpu.memory_space<vmem>>, vector<64x128xf32>
    %dot_general3A_1223 = arith.constant dense<0.000000e+00> : vector<128x64xf32>
    %dot_general3A_1224 = tpu.matmul %convert_element_type3A_14, %get3A_1222, %dot_general3A_1223 {dimension_numbers = #tpu.dot_dimension_numbers<[1], [1], [0], [0], [0, 0, 1, 0], [], []>, transpose_lhs_hint = false} : vector<128x128xf32>, vector<64x128xf32>, vector<128x64xf32> -> vector<128x64xf32>
    %slice3A_1225 = vector.extract_strided_slice %dot_general3A_1224 {offsets = [0, 0], sizes = [64, 64], strides = [1, 1]} : vector<128x64xf32> to vector<64x64xf32>
    %swap3A_1226 = arith.constant 5952 : index
    %swap3A_1227 = arith.constant 0 : index
    %swap3A_1228 = vector.load %arg2[%swap3A_1226, %swap3A_1227] : memref<16384x128xf32, #tpu.memory_space<vmem>>, vector<64x64xf32>
    tpu.vector_store %arg2[%swap3A_1226, %swap3A_1227], %slice3A_1225 {strides = array<i32>} : memref<16384x128xf32, #tpu.memory_space<vmem>>, vector<64x64xf32>,
    %slice3A_1229 = vector.extract_strided_slice %dot_general3A_1224 {offsets = [64, 0], sizes = [64, 64], strides = [1, 1]} : vector<128x64xf32> to vector<64x64xf32>
    %swap3A_1230 = arith.constant 5952 : index
    %swap3A_1231 = arith.constant 64 : index
    %swap3A_1232 = vector.load %arg2[%swap3A_1230, %swap3A_1231] : memref<16384x128xf32, #tpu.memory_space<vmem>>, vector<64x64xf32>
    tpu.vector_store %arg2[%swap3A_1230, %swap3A_1231], %slice3A_1229 {strides = array<i32>} : memref<16384x128xf32, #tpu.memory_space<vmem>>, vector<64x64xf32>,
    %get3A_1233 = arith.constant 0 : index
    %get3A_1234 = arith.constant 12032 : index
    %get3A_1235 = vector.load %arg1[%get3A_1233, %get3A_1234] : memref<64x32768xf32, #tpu.memory_space<vmem>>, vector<64x128xf32>
    %dot_general3A_1236 = arith.constant dense<0.000000e+00> : vector<128x64xf32>
    %dot_general3A_1237 = tpu.matmul %convert_element_type3A_14, %get3A_1235, %dot_general3A_1236 {dimension_numbers = #tpu.dot_dimension_numbers<[1], [1], [0], [0], [0, 0, 1, 0], [], []>, transpose_lhs_hint = false} : vector<128x128xf32>, vector<64x128xf32>, vector<128x64xf32> -> vector<128x64xf32>
    %slice3A_1238 = vector.extract_strided_slice %dot_general3A_1237 {offsets = [0, 0], sizes = [64, 64], strides = [1, 1]} : vector<128x64xf32> to vector<64x64xf32>
    %swap3A_1239 = arith.constant 6016 : index
    %swap3A_1240 = arith.constant 0 : index
    %swap3A_1241 = vector.load %arg2[%swap3A_1239, %swap3A_1240] : memref<16384x128xf32, #tpu.memory_space<vmem>>, vector<64x64xf32>
    tpu.vector_store %arg2[%swap3A_1239, %swap3A_1240], %slice3A_1238 {strides = array<i32>} : memref<16384x128xf32, #tpu.memory_space<vmem>>, vector<64x64xf32>,
    %slice3A_1242 = vector.extract_strided_slice %dot_general3A_1237 {offsets = [64, 0], sizes = [64, 64], strides = [1, 1]} : vector<128x64xf32> to vector<64x64xf32>
    %swap3A_1243 = arith.constant 6016 : index
    %swap3A_1244 = arith.constant 64 : index
    %swap3A_1245 = vector.load %arg2[%swap3A_1243, %swap3A_1244] : memref<16384x128xf32, #tpu.memory_space<vmem>>, vector<64x64xf32>
    tpu.vector_store %arg2[%swap3A_1243, %swap3A_1244], %slice3A_1242 {strides = array<i32>} : memref<16384x128xf32, #tpu.memory_space<vmem>>, vector<64x64xf32>,
    %get3A_1246 = arith.constant 0 : index
    %get3A_1247 = arith.constant 12160 : index
    %get3A_1248 = vector.load %arg1[%get3A_1246, %get3A_1247] : memref<64x32768xf32, #tpu.memory_space<vmem>>, vector<64x128xf32>
    %dot_general3A_1249 = arith.constant dense<0.000000e+00> : vector<128x64xf32>
    %dot_general3A_1250 = tpu.matmul %convert_element_type3A_14, %get3A_1248, %dot_general3A_1249 {dimension_numbers = #tpu.dot_dimension_numbers<[1], [1], [0], [0], [0, 0, 1, 0], [], []>, transpose_lhs_hint = false} : vector<128x128xf32>, vector<64x128xf32>, vector<128x64xf32> -> vector<128x64xf32>
    %slice3A_1251 = vector.extract_strided_slice %dot_general3A_1250 {offsets = [0, 0], sizes = [64, 64], strides = [1, 1]} : vector<128x64xf32> to vector<64x64xf32>
    %swap3A_1252 = arith.constant 6080 : index
    %swap3A_1253 = arith.constant 0 : index
    %swap3A_1254 = vector.load %arg2[%swap3A_1252, %swap3A_1253] : memref<16384x128xf32, #tpu.memory_space<vmem>>, vector<64x64xf32>
    tpu.vector_store %arg2[%swap3A_1252, %swap3A_1253], %slice3A_1251 {strides = array<i32>} : memref<16384x128xf32, #tpu.memory_space<vmem>>, vector<64x64xf32>,
    %slice3A_1255 = vector.extract_strided_slice %dot_general3A_1250 {offsets = [64, 0], sizes = [64, 64], strides = [1, 1]} : vector<128x64xf32> to vector<64x64xf32>
    %swap3A_1256 = arith.constant 6080 : index
    %swap3A_1257 = arith.constant 64 : index
    %swap3A_1258 = vector.load %arg2[%swap3A_1256, %swap3A_1257] : memref<16384x128xf32, #tpu.memory_space<vmem>>, vector<64x64xf32>
    tpu.vector_store %arg2[%swap3A_1256, %swap3A_1257], %slice3A_1255 {strides = array<i32>} : memref<16384x128xf32, #tpu.memory_space<vmem>>, vector<64x64xf32>,
    %get3A_1259 = arith.constant 0 : index
    %get3A_1260 = arith.constant 12288 : index
    %get3A_1261 = vector.load %arg1[%get3A_1259, %get3A_1260] : memref<64x32768xf32, #tpu.memory_space<vmem>>, vector<64x128xf32>
    %dot_general3A_1262 = arith.constant dense<0.000000e+00> : vector<128x64xf32>
    %dot_general3A_1263 = tpu.matmul %convert_element_type3A_14, %get3A_1261, %dot_general3A_1262 {dimension_numbers = #tpu.dot_dimension_numbers<[1], [1], [0], [0], [0, 0, 1, 0], [], []>, transpose_lhs_hint = false} : vector<128x128xf32>, vector<64x128xf32>, vector<128x64xf32> -> vector<128x64xf32>
    %slice3A_1264 = vector.extract_strided_slice %dot_general3A_1263 {offsets = [0, 0], sizes = [64, 64], strides = [1, 1]} : vector<128x64xf32> to vector<64x64xf32>
    %swap3A_1265 = arith.constant 6144 : index
    %swap3A_1266 = arith.constant 0 : index
    %swap3A_1267 = vector.load %arg2[%swap3A_1265, %swap3A_1266] : memref<16384x128xf32, #tpu.memory_space<vmem>>, vector<64x64xf32>
    tpu.vector_store %arg2[%swap3A_1265, %swap3A_1266], %slice3A_1264 {strides = array<i32>} : memref<16384x128xf32, #tpu.memory_space<vmem>>, vector<64x64xf32>,
    %slice3A_1268 = vector.extract_strided_slice %dot_general3A_1263 {offsets = [64, 0], sizes = [64, 64], strides = [1, 1]} : vector<128x64xf32> to vector<64x64xf32>
    %swap3A_1269 = arith.constant 6144 : index
    %swap3A_1270 = arith.constant 64 : index
    %swap3A_1271 = vector.load %arg2[%swap3A_1269, %swap3A_1270] : memref<16384x128xf32, #tpu.memory_space<vmem>>, vector<64x64xf32>
    tpu.vector_store %arg2[%swap3A_1269, %swap3A_1270], %slice3A_1268 {strides = array<i32>} : memref<16384x128xf32, #tpu.memory_space<vmem>>, vector<64x64xf32>,
    %get3A_1272 = arith.constant 0 : index
    %get3A_1273 = arith.constant 12416 : index
    %get3A_1274 = vector.load %arg1[%get3A_1272, %get3A_1273] : memref<64x32768xf32, #tpu.memory_space<vmem>>, vector<64x128xf32>
    %dot_general3A_1275 = arith.constant dense<0.000000e+00> : vector<128x64xf32>
    %dot_general3A_1276 = tpu.matmul %convert_element_type3A_14, %get3A_1274, %dot_general3A_1275 {dimension_numbers = #tpu.dot_dimension_numbers<[1], [1], [0], [0], [0, 0, 1, 0], [], []>, transpose_lhs_hint = false} : vector<128x128xf32>, vector<64x128xf32>, vector<128x64xf32> -> vector<128x64xf32>
    %slice3A_1277 = vector.extract_strided_slice %dot_general3A_1276 {offsets = [0, 0], sizes = [64, 64], strides = [1, 1]} : vector<128x64xf32> to vector<64x64xf32>
    %swap3A_1278 = arith.constant 6208 : index
    %swap3A_1279 = arith.constant 0 : index
    %swap3A_1280 = vector.load %arg2[%swap3A_1278, %swap3A_1279] : memref<16384x128xf32, #tpu.memory_space<vmem>>, vector<64x64xf32>
    tpu.vector_store %arg2[%swap3A_1278, %swap3A_1279], %slice3A_1277 {strides = array<i32>} : memref<16384x128xf32, #tpu.memory_space<vmem>>, vector<64x64xf32>,
    %slice3A_1281 = vector.extract_strided_slice %dot_general3A_1276 {offsets = [64, 0], sizes = [64, 64], strides = [1, 1]} : vector<128x64xf32> to vector<64x64xf32>
    %swap3A_1282 = arith.constant 6208 : index
    %swap3A_1283 = arith.constant 64 : index
    %swap3A_1284 = vector.load %arg2[%swap3A_1282, %swap3A_1283] : memref<16384x128xf32, #tpu.memory_space<vmem>>, vector<64x64xf32>
    tpu.vector_store %arg2[%swap3A_1282, %swap3A_1283], %slice3A_1281 {strides = array<i32>} : memref<16384x128xf32, #tpu.memory_space<vmem>>, vector<64x64xf32>,
    %get3A_1285 = arith.constant 0 : index
    %get3A_1286 = arith.constant 12544 : index
    %get3A_1287 = vector.load %arg1[%get3A_1285, %get3A_1286] : memref<64x32768xf32, #tpu.memory_space<vmem>>, vector<64x128xf32>
    %dot_general3A_1288 = arith.constant dense<0.000000e+00> : vector<128x64xf32>
    %dot_general3A_1289 = tpu.matmul %convert_element_type3A_14, %get3A_1287, %dot_general3A_1288 {dimension_numbers = #tpu.dot_dimension_numbers<[1], [1], [0], [0], [0, 0, 1, 0], [], []>, transpose_lhs_hint = false} : vector<128x128xf32>, vector<64x128xf32>, vector<128x64xf32> -> vector<128x64xf32>
    %slice3A_1290 = vector.extract_strided_slice %dot_general3A_1289 {offsets = [0, 0], sizes = [64, 64], strides = [1, 1]} : vector<128x64xf32> to vector<64x64xf32>
    %swap3A_1291 = arith.constant 6272 : index
    %swap3A_1292 = arith.constant 0 : index
    %swap3A_1293 = vector.load %arg2[%swap3A_1291, %swap3A_1292] : memref<16384x128xf32, #tpu.memory_space<vmem>>, vector<64x64xf32>
    tpu.vector_store %arg2[%swap3A_1291, %swap3A_1292], %slice3A_1290 {strides = array<i32>} : memref<16384x128xf32, #tpu.memory_space<vmem>>, vector<64x64xf32>,
    %slice3A_1294 = vector.extract_strided_slice %dot_general3A_1289 {offsets = [64, 0], sizes = [64, 64], strides = [1, 1]} : vector<128x64xf32> to vector<64x64xf32>
    %swap3A_1295 = arith.constant 6272 : index
    %swap3A_1296 = arith.constant 64 : index
    %swap3A_1297 = vector.load %arg2[%swap3A_1295, %swap3A_1296] : memref<16384x128xf32, #tpu.memory_space<vmem>>, vector<64x64xf32>
    tpu.vector_store %arg2[%swap3A_1295, %swap3A_1296], %slice3A_1294 {strides = array<i32>} : memref<16384x128xf32, #tpu.memory_space<vmem>>, vector<64x64xf32>,
    %get3A_1298 = arith.constant 0 : index
    %get3A_1299 = arith.constant 12672 : index
    %get3A_1300 = vector.load %arg1[%get3A_1298, %get3A_1299] : memref<64x32768xf32, #tpu.memory_space<vmem>>, vector<64x128xf32>
    %dot_general3A_1301 = arith.constant dense<0.000000e+00> : vector<128x64xf32>
    %dot_general3A_1302 = tpu.matmul %convert_element_type3A_14, %get3A_1300, %dot_general3A_1301 {dimension_numbers = #tpu.dot_dimension_numbers<[1], [1], [0], [0], [0, 0, 1, 0], [], []>, transpose_lhs_hint = false} : vector<128x128xf32>, vector<64x128xf32>, vector<128x64xf32> -> vector<128x64xf32>
    %slice3A_1303 = vector.extract_strided_slice %dot_general3A_1302 {offsets = [0, 0], sizes = [64, 64], strides = [1, 1]} : vector<128x64xf32> to vector<64x64xf32>
    %swap3A_1304 = arith.constant 6336 : index
    %swap3A_1305 = arith.constant 0 : index
    %swap3A_1306 = vector.load %arg2[%swap3A_1304, %swap3A_1305] : memref<16384x128xf32, #tpu.memory_space<vmem>>, vector<64x64xf32>
    tpu.vector_store %arg2[%swap3A_1304, %swap3A_1305], %slice3A_1303 {strides = array<i32>} : memref<16384x128xf32, #tpu.memory_space<vmem>>, vector<64x64xf32>,
    %slice3A_1307 = vector.extract_strided_slice %dot_general3A_1302 {offsets = [64, 0], sizes = [64, 64], strides = [1, 1]} : vector<128x64xf32> to vector<64x64xf32>
    %swap3A_1308 = arith.constant 6336 : index
    %swap3A_1309 = arith.constant 64 : index
    %swap3A_1310 = vector.load %arg2[%swap3A_1308, %swap3A_1309] : memref<16384x128xf32, #tpu.memory_space<vmem>>, vector<64x64xf32>
    tpu.vector_store %arg2[%swap3A_1308, %swap3A_1309], %slice3A_1307 {strides = array<i32>} : memref<16384x128xf32, #tpu.memory_space<vmem>>, vector<64x64xf32>,
    %get3A_1311 = arith.constant 0 : index
    %get3A_1312 = arith.constant 12800 : index
    %get3A_1313 = vector.load %arg1[%get3A_1311, %get3A_1312] : memref<64x32768xf32, #tpu.memory_space<vmem>>, vector<64x128xf32>
    %dot_general3A_1314 = arith.constant dense<0.000000e+00> : vector<128x64xf32>
    %dot_general3A_1315 = tpu.matmul %convert_element_type3A_14, %get3A_1313, %dot_general3A_1314 {dimension_numbers = #tpu.dot_dimension_numbers<[1], [1], [0], [0], [0, 0, 1, 0], [], []>, transpose_lhs_hint = false} : vector<128x128xf32>, vector<64x128xf32>, vector<128x64xf32> -> vector<128x64xf32>
    %slice3A_1316 = vector.extract_strided_slice %dot_general3A_1315 {offsets = [0, 0], sizes = [64, 64], strides = [1, 1]} : vector<128x64xf32> to vector<64x64xf32>
    %swap3A_1317 = arith.constant 6400 : index
    %swap3A_1318 = arith.constant 0 : index
    %swap3A_1319 = vector.load %arg2[%swap3A_1317, %swap3A_1318] : memref<16384x128xf32, #tpu.memory_space<vmem>>, vector<64x64xf32>
    tpu.vector_store %arg2[%swap3A_1317, %swap3A_1318], %slice3A_1316 {strides = array<i32>} : memref<16384x128xf32, #tpu.memory_space<vmem>>, vector<64x64xf32>,
    %slice3A_1320 = vector.extract_strided_slice %dot_general3A_1315 {offsets = [64, 0], sizes = [64, 64], strides = [1, 1]} : vector<128x64xf32> to vector<64x64xf32>
    %swap3A_1321 = arith.constant 6400 : index
    %swap3A_1322 = arith.constant 64 : index
    %swap3A_1323 = vector.load %arg2[%swap3A_1321, %swap3A_1322] : memref<16384x128xf32, #tpu.memory_space<vmem>>, vector<64x64xf32>
    tpu.vector_store %arg2[%swap3A_1321, %swap3A_1322], %slice3A_1320 {strides = array<i32>} : memref<16384x128xf32, #tpu.memory_space<vmem>>, vector<64x64xf32>,
    %get3A_1324 = arith.constant 0 : index
    %get3A_1325 = arith.constant 12928 : index
    %get3A_1326 = vector.load %arg1[%get3A_1324, %get3A_1325] : memref<64x32768xf32, #tpu.memory_space<vmem>>, vector<64x128xf32>
    %dot_general3A_1327 = arith.constant dense<0.000000e+00> : vector<128x64xf32>
    %dot_general3A_1328 = tpu.matmul %convert_element_type3A_14, %get3A_1326, %dot_general3A_1327 {dimension_numbers = #tpu.dot_dimension_numbers<[1], [1], [0], [0], [0, 0, 1, 0], [], []>, transpose_lhs_hint = false} : vector<128x128xf32>, vector<64x128xf32>, vector<128x64xf32> -> vector<128x64xf32>
    %slice3A_1329 = vector.extract_strided_slice %dot_general3A_1328 {offsets = [0, 0], sizes = [64, 64], strides = [1, 1]} : vector<128x64xf32> to vector<64x64xf32>
    %swap3A_1330 = arith.constant 6464 : index
    %swap3A_1331 = arith.constant 0 : index
    %swap3A_1332 = vector.load %arg2[%swap3A_1330, %swap3A_1331] : memref<16384x128xf32, #tpu.memory_space<vmem>>, vector<64x64xf32>
    tpu.vector_store %arg2[%swap3A_1330, %swap3A_1331], %slice3A_1329 {strides = array<i32>} : memref<16384x128xf32, #tpu.memory_space<vmem>>, vector<64x64xf32>,
    %slice3A_1333 = vector.extract_strided_slice %dot_general3A_1328 {offsets = [64, 0], sizes = [64, 64], strides = [1, 1]} : vector<128x64xf32> to vector<64x64xf32>
    %swap3A_1334 = arith.constant 6464 : index
    %swap3A_1335 = arith.constant 64 : index
    %swap3A_1336 = vector.load %arg2[%swap3A_1334, %swap3A_1335] : memref<16384x128xf32, #tpu.memory_space<vmem>>, vector<64x64xf32>
    tpu.vector_store %arg2[%swap3A_1334, %swap3A_1335], %slice3A_1333 {strides = array<i32>} : memref<16384x128xf32, #tpu.memory_space<vmem>>, vector<64x64xf32>,
    %get3A_1337 = arith.constant 0 : index
    %get3A_1338 = arith.constant 13056 : index
    %get3A_1339 = vector.load %arg1[%get3A_1337, %get3A_1338] : memref<64x32768xf32, #tpu.memory_space<vmem>>, vector<64x128xf32>
    %dot_general3A_1340 = arith.constant dense<0.000000e+00> : vector<128x64xf32>
    %dot_general3A_1341 = tpu.matmul %convert_element_type3A_14, %get3A_1339, %dot_general3A_1340 {dimension_numbers = #tpu.dot_dimension_numbers<[1], [1], [0], [0], [0, 0, 1, 0], [], []>, transpose_lhs_hint = false} : vector<128x128xf32>, vector<64x128xf32>, vector<128x64xf32> -> vector<128x64xf32>
    %slice3A_1342 = vector.extract_strided_slice %dot_general3A_1341 {offsets = [0, 0], sizes = [64, 64], strides = [1, 1]} : vector<128x64xf32> to vector<64x64xf32>
    %swap3A_1343 = arith.constant 6528 : index
    %swap3A_1344 = arith.constant 0 : index
    %swap3A_1345 = vector.load %arg2[%swap3A_1343, %swap3A_1344] : memref<16384x128xf32, #tpu.memory_space<vmem>>, vector<64x64xf32>
    tpu.vector_store %arg2[%swap3A_1343, %swap3A_1344], %slice3A_1342 {strides = array<i32>} : memref<16384x128xf32, #tpu.memory_space<vmem>>, vector<64x64xf32>,
    %slice3A_1346 = vector.extract_strided_slice %dot_general3A_1341 {offsets = [64, 0], sizes = [64, 64], strides = [1, 1]} : vector<128x64xf32> to vector<64x64xf32>
    %swap3A_1347 = arith.constant 6528 : index
    %swap3A_1348 = arith.constant 64 : index
    %swap3A_1349 = vector.load %arg2[%swap3A_1347, %swap3A_1348] : memref<16384x128xf32, #tpu.memory_space<vmem>>, vector<64x64xf32>
    tpu.vector_store %arg2[%swap3A_1347, %swap3A_1348], %slice3A_1346 {strides = array<i32>} : memref<16384x128xf32, #tpu.memory_space<vmem>>, vector<64x64xf32>,
    %get3A_1350 = arith.constant 0 : index
    %get3A_1351 = arith.constant 13184 : index
    %get3A_1352 = vector.load %arg1[%get3A_1350, %get3A_1351] : memref<64x32768xf32, #tpu.memory_space<vmem>>, vector<64x128xf32>
    %dot_general3A_1353 = arith.constant dense<0.000000e+00> : vector<128x64xf32>
    %dot_general3A_1354 = tpu.matmul %convert_element_type3A_14, %get3A_1352, %dot_general3A_1353 {dimension_numbers = #tpu.dot_dimension_numbers<[1], [1], [0], [0], [0, 0, 1, 0], [], []>, transpose_lhs_hint = false} : vector<128x128xf32>, vector<64x128xf32>, vector<128x64xf32> -> vector<128x64xf32>
    %slice3A_1355 = vector.extract_strided_slice %dot_general3A_1354 {offsets = [0, 0], sizes = [64, 64], strides = [1, 1]} : vector<128x64xf32> to vector<64x64xf32>
    %swap3A_1356 = arith.constant 6592 : index
    %swap3A_1357 = arith.constant 0 : index
    %swap3A_1358 = vector.load %arg2[%swap3A_1356, %swap3A_1357] : memref<16384x128xf32, #tpu.memory_space<vmem>>, vector<64x64xf32>
    tpu.vector_store %arg2[%swap3A_1356, %swap3A_1357], %slice3A_1355 {strides = array<i32>} : memref<16384x128xf32, #tpu.memory_space<vmem>>, vector<64x64xf32>,
    %slice3A_1359 = vector.extract_strided_slice %dot_general3A_1354 {offsets = [64, 0], sizes = [64, 64], strides = [1, 1]} : vector<128x64xf32> to vector<64x64xf32>
    %swap3A_1360 = arith.constant 6592 : index
    %swap3A_1361 = arith.constant 64 : index
    %swap3A_1362 = vector.load %arg2[%swap3A_1360, %swap3A_1361] : memref<16384x128xf32, #tpu.memory_space<vmem>>, vector<64x64xf32>
    tpu.vector_store %arg2[%swap3A_1360, %swap3A_1361], %slice3A_1359 {strides = array<i32>} : memref<16384x128xf32, #tpu.memory_space<vmem>>, vector<64x64xf32>,
    %get3A_1363 = arith.constant 0 : index
    %get3A_1364 = arith.constant 13312 : index
    %get3A_1365 = vector.load %arg1[%get3A_1363, %get3A_1364] : memref<64x32768xf32, #tpu.memory_space<vmem>>, vector<64x128xf32>
    %dot_general3A_1366 = arith.constant dense<0.000000e+00> : vector<128x64xf32>
    %dot_general3A_1367 = tpu.matmul %convert_element_type3A_14, %get3A_1365, %dot_general3A_1366 {dimension_numbers = #tpu.dot_dimension_numbers<[1], [1], [0], [0], [0, 0, 1, 0], [], []>, transpose_lhs_hint = false} : vector<128x128xf32>, vector<64x128xf32>, vector<128x64xf32> -> vector<128x64xf32>
    %slice3A_1368 = vector.extract_strided_slice %dot_general3A_1367 {offsets = [0, 0], sizes = [64, 64], strides = [1, 1]} : vector<128x64xf32> to vector<64x64xf32>
    %swap3A_1369 = arith.constant 6656 : index
    %swap3A_1370 = arith.constant 0 : index
    %swap3A_1371 = vector.load %arg2[%swap3A_1369, %swap3A_1370] : memref<16384x128xf32, #tpu.memory_space<vmem>>, vector<64x64xf32>
    tpu.vector_store %arg2[%swap3A_1369, %swap3A_1370], %slice3A_1368 {strides = array<i32>} : memref<16384x128xf32, #tpu.memory_space<vmem>>, vector<64x64xf32>,
    %slice3A_1372 = vector.extract_strided_slice %dot_general3A_1367 {offsets = [64, 0], sizes = [64, 64], strides = [1, 1]} : vector<128x64xf32> to vector<64x64xf32>
    %swap3A_1373 = arith.constant 6656 : index
    %swap3A_1374 = arith.constant 64 : index
    %swap3A_1375 = vector.load %arg2[%swap3A_1373, %swap3A_1374] : memref<16384x128xf32, #tpu.memory_space<vmem>>, vector<64x64xf32>
    tpu.vector_store %arg2[%swap3A_1373, %swap3A_1374], %slice3A_1372 {strides = array<i32>} : memref<16384x128xf32, #tpu.memory_space<vmem>>, vector<64x64xf32>,
    %get3A_1376 = arith.constant 0 : index
    %get3A_1377 = arith.constant 13440 : index
    %get3A_1378 = vector.load %arg1[%get3A_1376, %get3A_1377] : memref<64x32768xf32, #tpu.memory_space<vmem>>, vector<64x128xf32>
    %dot_general3A_1379 = arith.constant dense<0.000000e+00> : vector<128x64xf32>
    %dot_general3A_1380 = tpu.matmul %convert_element_type3A_14, %get3A_1378, %dot_general3A_1379 {dimension_numbers = #tpu.dot_dimension_numbers<[1], [1], [0], [0], [0, 0, 1, 0], [], []>, transpose_lhs_hint = false} : vector<128x128xf32>, vector<64x128xf32>, vector<128x64xf32> -> vector<128x64xf32>
    %slice3A_1381 = vector.extract_strided_slice %dot_general3A_1380 {offsets = [0, 0], sizes = [64, 64], strides = [1, 1]} : vector<128x64xf32> to vector<64x64xf32>
    %swap3A_1382 = arith.constant 6720 : index
    %swap3A_1383 = arith.constant 0 : index
    %swap3A_1384 = vector.load %arg2[%swap3A_1382, %swap3A_1383] : memref<16384x128xf32, #tpu.memory_space<vmem>>, vector<64x64xf32>
    tpu.vector_store %arg2[%swap3A_1382, %swap3A_1383], %slice3A_1381 {strides = array<i32>} : memref<16384x128xf32, #tpu.memory_space<vmem>>, vector<64x64xf32>,
    %slice3A_1385 = vector.extract_strided_slice %dot_general3A_1380 {offsets = [64, 0], sizes = [64, 64], strides = [1, 1]} : vector<128x64xf32> to vector<64x64xf32>
    %swap3A_1386 = arith.constant 6720 : index
    %swap3A_1387 = arith.constant 64 : index
    %swap3A_1388 = vector.load %arg2[%swap3A_1386, %swap3A_1387] : memref<16384x128xf32, #tpu.memory_space<vmem>>, vector<64x64xf32>
    tpu.vector_store %arg2[%swap3A_1386, %swap3A_1387], %slice3A_1385 {strides = array<i32>} : memref<16384x128xf32, #tpu.memory_space<vmem>>, vector<64x64xf32>,
    %get3A_1389 = arith.constant 0 : index
    %get3A_1390 = arith.constant 13568 : index
    %get3A_1391 = vector.load %arg1[%get3A_1389, %get3A_1390] : memref<64x32768xf32, #tpu.memory_space<vmem>>, vector<64x128xf32>
    %dot_general3A_1392 = arith.constant dense<0.000000e+00> : vector<128x64xf32>
    %dot_general3A_1393 = tpu.matmul %convert_element_type3A_14, %get3A_1391, %dot_general3A_1392 {dimension_numbers = #tpu.dot_dimension_numbers<[1], [1], [0], [0], [0, 0, 1, 0], [], []>, transpose_lhs_hint = false} : vector<128x128xf32>, vector<64x128xf32>, vector<128x64xf32> -> vector<128x64xf32>
    %slice3A_1394 = vector.extract_strided_slice %dot_general3A_1393 {offsets = [0, 0], sizes = [64, 64], strides = [1, 1]} : vector<128x64xf32> to vector<64x64xf32>
    %swap3A_1395 = arith.constant 6784 : index
    %swap3A_1396 = arith.constant 0 : index
    %swap3A_1397 = vector.load %arg2[%swap3A_1395, %swap3A_1396] : memref<16384x128xf32, #tpu.memory_space<vmem>>, vector<64x64xf32>
    tpu.vector_store %arg2[%swap3A_1395, %swap3A_1396], %slice3A_1394 {strides = array<i32>} : memref<16384x128xf32, #tpu.memory_space<vmem>>, vector<64x64xf32>,
    %slice3A_1398 = vector.extract_strided_slice %dot_general3A_1393 {offsets = [64, 0], sizes = [64, 64], strides = [1, 1]} : vector<128x64xf32> to vector<64x64xf32>
    %swap3A_1399 = arith.constant 6784 : index
    %swap3A_1400 = arith.constant 64 : index
    %swap3A_1401 = vector.load %arg2[%swap3A_1399, %swap3A_1400] : memref<16384x128xf32, #tpu.memory_space<vmem>>, vector<64x64xf32>
    tpu.vector_store %arg2[%swap3A_1399, %swap3A_1400], %slice3A_1398 {strides = array<i32>} : memref<16384x128xf32, #tpu.memory_space<vmem>>, vector<64x64xf32>,
    %get3A_1402 = arith.constant 0 : index
    %get3A_1403 = arith.constant 13696 : index
    %get3A_1404 = vector.load %arg1[%get3A_1402, %get3A_1403] : memref<64x32768xf32, #tpu.memory_space<vmem>>, vector<64x128xf32>
    %dot_general3A_1405 = arith.constant dense<0.000000e+00> : vector<128x64xf32>
    %dot_general3A_1406 = tpu.matmul %convert_element_type3A_14, %get3A_1404, %dot_general3A_1405 {dimension_numbers = #tpu.dot_dimension_numbers<[1], [1], [0], [0], [0, 0, 1, 0], [], []>, transpose_lhs_hint = false} : vector<128x128xf32>, vector<64x128xf32>, vector<128x64xf32> -> vector<128x64xf32>
    %slice3A_1407 = vector.extract_strided_slice %dot_general3A_1406 {offsets = [0, 0], sizes = [64, 64], strides = [1, 1]} : vector<128x64xf32> to vector<64x64xf32>
    %swap3A_1408 = arith.constant 6848 : index
    %swap3A_1409 = arith.constant 0 : index
    %swap3A_1410 = vector.load %arg2[%swap3A_1408, %swap3A_1409] : memref<16384x128xf32, #tpu.memory_space<vmem>>, vector<64x64xf32>
    tpu.vector_store %arg2[%swap3A_1408, %swap3A_1409], %slice3A_1407 {strides = array<i32>} : memref<16384x128xf32, #tpu.memory_space<vmem>>, vector<64x64xf32>,
    %slice3A_1411 = vector.extract_strided_slice %dot_general3A_1406 {offsets = [64, 0], sizes = [64, 64], strides = [1, 1]} : vector<128x64xf32> to vector<64x64xf32>
    %swap3A_1412 = arith.constant 6848 : index
    %swap3A_1413 = arith.constant 64 : index
    %swap3A_1414 = vector.load %arg2[%swap3A_1412, %swap3A_1413] : memref<16384x128xf32, #tpu.memory_space<vmem>>, vector<64x64xf32>
    tpu.vector_store %arg2[%swap3A_1412, %swap3A_1413], %slice3A_1411 {strides = array<i32>} : memref<16384x128xf32, #tpu.memory_space<vmem>>, vector<64x64xf32>,
    %get3A_1415 = arith.constant 0 : index
    %get3A_1416 = arith.constant 13824 : index
    %get3A_1417 = vector.load %arg1[%get3A_1415, %get3A_1416] : memref<64x32768xf32, #tpu.memory_space<vmem>>, vector<64x128xf32>
    %dot_general3A_1418 = arith.constant dense<0.000000e+00> : vector<128x64xf32>
    %dot_general3A_1419 = tpu.matmul %convert_element_type3A_14, %get3A_1417, %dot_general3A_1418 {dimension_numbers = #tpu.dot_dimension_numbers<[1], [1], [0], [0], [0, 0, 1, 0], [], []>, transpose_lhs_hint = false} : vector<128x128xf32>, vector<64x128xf32>, vector<128x64xf32> -> vector<128x64xf32>
    %slice3A_1420 = vector.extract_strided_slice %dot_general3A_1419 {offsets = [0, 0], sizes = [64, 64], strides = [1, 1]} : vector<128x64xf32> to vector<64x64xf32>
    %swap3A_1421 = arith.constant 6912 : index
    %swap3A_1422 = arith.constant 0 : index
    %swap3A_1423 = vector.load %arg2[%swap3A_1421, %swap3A_1422] : memref<16384x128xf32, #tpu.memory_space<vmem>>, vector<64x64xf32>
    tpu.vector_store %arg2[%swap3A_1421, %swap3A_1422], %slice3A_1420 {strides = array<i32>} : memref<16384x128xf32, #tpu.memory_space<vmem>>, vector<64x64xf32>,
    %slice3A_1424 = vector.extract_strided_slice %dot_general3A_1419 {offsets = [64, 0], sizes = [64, 64], strides = [1, 1]} : vector<128x64xf32> to vector<64x64xf32>
    %swap3A_1425 = arith.constant 6912 : index
    %swap3A_1426 = arith.constant 64 : index
    %swap3A_1427 = vector.load %arg2[%swap3A_1425, %swap3A_1426] : memref<16384x128xf32, #tpu.memory_space<vmem>>, vector<64x64xf32>
    tpu.vector_store %arg2[%swap3A_1425, %swap3A_1426], %slice3A_1424 {strides = array<i32>} : memref<16384x128xf32, #tpu.memory_space<vmem>>, vector<64x64xf32>,
    %get3A_1428 = arith.constant 0 : index
    %get3A_1429 = arith.constant 13952 : index
    %get3A_1430 = vector.load %arg1[%get3A_1428, %get3A_1429] : memref<64x32768xf32, #tpu.memory_space<vmem>>, vector<64x128xf32>
    %dot_general3A_1431 = arith.constant dense<0.000000e+00> : vector<128x64xf32>
    %dot_general3A_1432 = tpu.matmul %convert_element_type3A_14, %get3A_1430, %dot_general3A_1431 {dimension_numbers = #tpu.dot_dimension_numbers<[1], [1], [0], [0], [0, 0, 1, 0], [], []>, transpose_lhs_hint = false} : vector<128x128xf32>, vector<64x128xf32>, vector<128x64xf32> -> vector<128x64xf32>
    %slice3A_1433 = vector.extract_strided_slice %dot_general3A_1432 {offsets = [0, 0], sizes = [64, 64], strides = [1, 1]} : vector<128x64xf32> to vector<64x64xf32>
    %swap3A_1434 = arith.constant 6976 : index
    %swap3A_1435 = arith.constant 0 : index
    %swap3A_1436 = vector.load %arg2[%swap3A_1434, %swap3A_1435] : memref<16384x128xf32, #tpu.memory_space<vmem>>, vector<64x64xf32>
    tpu.vector_store %arg2[%swap3A_1434, %swap3A_1435], %slice3A_1433 {strides = array<i32>} : memref<16384x128xf32, #tpu.memory_space<vmem>>, vector<64x64xf32>,
    %slice3A_1437 = vector.extract_strided_slice %dot_general3A_1432 {offsets = [64, 0], sizes = [64, 64], strides = [1, 1]} : vector<128x64xf32> to vector<64x64xf32>
    %swap3A_1438 = arith.constant 6976 : index
    %swap3A_1439 = arith.constant 64 : index
    %swap3A_1440 = vector.load %arg2[%swap3A_1438, %swap3A_1439] : memref<16384x128xf32, #tpu.memory_space<vmem>>, vector<64x64xf32>
    tpu.vector_store %arg2[%swap3A_1438, %swap3A_1439], %slice3A_1437 {strides = array<i32>} : memref<16384x128xf32, #tpu.memory_space<vmem>>, vector<64x64xf32>,
    %get3A_1441 = arith.constant 0 : index
    %get3A_1442 = arith.constant 14080 : index
    %get3A_1443 = vector.load %arg1[%get3A_1441, %get3A_1442] : memref<64x32768xf32, #tpu.memory_space<vmem>>, vector<64x128xf32>
    %dot_general3A_1444 = arith.constant dense<0.000000e+00> : vector<128x64xf32>
    %dot_general3A_1445 = tpu.matmul %convert_element_type3A_14, %get3A_1443, %dot_general3A_1444 {dimension_numbers = #tpu.dot_dimension_numbers<[1], [1], [0], [0], [0, 0, 1, 0], [], []>, transpose_lhs_hint = false} : vector<128x128xf32>, vector<64x128xf32>, vector<128x64xf32> -> vector<128x64xf32>
    %slice3A_1446 = vector.extract_strided_slice %dot_general3A_1445 {offsets = [0, 0], sizes = [64, 64], strides = [1, 1]} : vector<128x64xf32> to vector<64x64xf32>
    %swap3A_1447 = arith.constant 7040 : index
    %swap3A_1448 = arith.constant 0 : index
    %swap3A_1449 = vector.load %arg2[%swap3A_1447, %swap3A_1448] : memref<16384x128xf32, #tpu.memory_space<vmem>>, vector<64x64xf32>
    tpu.vector_store %arg2[%swap3A_1447, %swap3A_1448], %slice3A_1446 {strides = array<i32>} : memref<16384x128xf32, #tpu.memory_space<vmem>>, vector<64x64xf32>,
    %slice3A_1450 = vector.extract_strided_slice %dot_general3A_1445 {offsets = [64, 0], sizes = [64, 64], strides = [1, 1]} : vector<128x64xf32> to vector<64x64xf32>
    %swap3A_1451 = arith.constant 7040 : index
    %swap3A_1452 = arith.constant 64 : index
    %swap3A_1453 = vector.load %arg2[%swap3A_1451, %swap3A_1452] : memref<16384x128xf32, #tpu.memory_space<vmem>>, vector<64x64xf32>
    tpu.vector_store %arg2[%swap3A_1451, %swap3A_1452], %slice3A_1450 {strides = array<i32>} : memref<16384x128xf32, #tpu.memory_space<vmem>>, vector<64x64xf32>,
    %get3A_1454 = arith.constant 0 : index
    %get3A_1455 = arith.constant 14208 : index
    %get3A_1456 = vector.load %arg1[%get3A_1454, %get3A_1455] : memref<64x32768xf32, #tpu.memory_space<vmem>>, vector<64x128xf32>
    %dot_general3A_1457 = arith.constant dense<0.000000e+00> : vector<128x64xf32>
    %dot_general3A_1458 = tpu.matmul %convert_element_type3A_14, %get3A_1456, %dot_general3A_1457 {dimension_numbers = #tpu.dot_dimension_numbers<[1], [1], [0], [0], [0, 0, 1, 0], [], []>, transpose_lhs_hint = false} : vector<128x128xf32>, vector<64x128xf32>, vector<128x64xf32> -> vector<128x64xf32>
    %slice3A_1459 = vector.extract_strided_slice %dot_general3A_1458 {offsets = [0, 0], sizes = [64, 64], strides = [1, 1]} : vector<128x64xf32> to vector<64x64xf32>
    %swap3A_1460 = arith.constant 7104 : index
    %swap3A_1461 = arith.constant 0 : index
    %swap3A_1462 = vector.load %arg2[%swap3A_1460, %swap3A_1461] : memref<16384x128xf32, #tpu.memory_space<vmem>>, vector<64x64xf32>
    tpu.vector_store %arg2[%swap3A_1460, %swap3A_1461], %slice3A_1459 {strides = array<i32>} : memref<16384x128xf32, #tpu.memory_space<vmem>>, vector<64x64xf32>,
    %slice3A_1463 = vector.extract_strided_slice %dot_general3A_1458 {offsets = [64, 0], sizes = [64, 64], strides = [1, 1]} : vector<128x64xf32> to vector<64x64xf32>
    %swap3A_1464 = arith.constant 7104 : index
    %swap3A_1465 = arith.constant 64 : index
    %swap3A_1466 = vector.load %arg2[%swap3A_1464, %swap3A_1465] : memref<16384x128xf32, #tpu.memory_space<vmem>>, vector<64x64xf32>
    tpu.vector_store %arg2[%swap3A_1464, %swap3A_1465], %slice3A_1463 {strides = array<i32>} : memref<16384x128xf32, #tpu.memory_space<vmem>>, vector<64x64xf32>,
    %get3A_1467 = arith.constant 0 : index
    %get3A_1468 = arith.constant 14336 : index
    %get3A_1469 = vector.load %arg1[%get3A_1467, %get3A_1468] : memref<64x32768xf32, #tpu.memory_space<vmem>>, vector<64x128xf32>
    %dot_general3A_1470 = arith.constant dense<0.000000e+00> : vector<128x64xf32>
    %dot_general3A_1471 = tpu.matmul %convert_element_type3A_14, %get3A_1469, %dot_general3A_1470 {dimension_numbers = #tpu.dot_dimension_numbers<[1], [1], [0], [0], [0, 0, 1, 0], [], []>, transpose_lhs_hint = false} : vector<128x128xf32>, vector<64x128xf32>, vector<128x64xf32> -> vector<128x64xf32>
    %slice3A_1472 = vector.extract_strided_slice %dot_general3A_1471 {offsets = [0, 0], sizes = [64, 64], strides = [1, 1]} : vector<128x64xf32> to vector<64x64xf32>
    %swap3A_1473 = arith.constant 7168 : index
    %swap3A_1474 = arith.constant 0 : index
    %swap3A_1475 = vector.load %arg2[%swap3A_1473, %swap3A_1474] : memref<16384x128xf32, #tpu.memory_space<vmem>>, vector<64x64xf32>
    tpu.vector_store %arg2[%swap3A_1473, %swap3A_1474], %slice3A_1472 {strides = array<i32>} : memref<16384x128xf32, #tpu.memory_space<vmem>>, vector<64x64xf32>,
    %slice3A_1476 = vector.extract_strided_slice %dot_general3A_1471 {offsets = [64, 0], sizes = [64, 64], strides = [1, 1]} : vector<128x64xf32> to vector<64x64xf32>
    %swap3A_1477 = arith.constant 7168 : index
    %swap3A_1478 = arith.constant 64 : index
    %swap3A_1479 = vector.load %arg2[%swap3A_1477, %swap3A_1478] : memref<16384x128xf32, #tpu.memory_space<vmem>>, vector<64x64xf32>
    tpu.vector_store %arg2[%swap3A_1477, %swap3A_1478], %slice3A_1476 {strides = array<i32>} : memref<16384x128xf32, #tpu.memory_space<vmem>>, vector<64x64xf32>,
    %get3A_1480 = arith.constant 0 : index
    %get3A_1481 = arith.constant 14464 : index
    %get3A_1482 = vector.load %arg1[%get3A_1480, %get3A_1481] : memref<64x32768xf32, #tpu.memory_space<vmem>>, vector<64x128xf32>
    %dot_general3A_1483 = arith.constant dense<0.000000e+00> : vector<128x64xf32>
    %dot_general3A_1484 = tpu.matmul %convert_element_type3A_14, %get3A_1482, %dot_general3A_1483 {dimension_numbers = #tpu.dot_dimension_numbers<[1], [1], [0], [0], [0, 0, 1, 0], [], []>, transpose_lhs_hint = false} : vector<128x128xf32>, vector<64x128xf32>, vector<128x64xf32> -> vector<128x64xf32>
    %slice3A_1485 = vector.extract_strided_slice %dot_general3A_1484 {offsets = [0, 0], sizes = [64, 64], strides = [1, 1]} : vector<128x64xf32> to vector<64x64xf32>
    %swap3A_1486 = arith.constant 7232 : index
    %swap3A_1487 = arith.constant 0 : index
    %swap3A_1488 = vector.load %arg2[%swap3A_1486, %swap3A_1487] : memref<16384x128xf32, #tpu.memory_space<vmem>>, vector<64x64xf32>
    tpu.vector_store %arg2[%swap3A_1486, %swap3A_1487], %slice3A_1485 {strides = array<i32>} : memref<16384x128xf32, #tpu.memory_space<vmem>>, vector<64x64xf32>,
    %slice3A_1489 = vector.extract_strided_slice %dot_general3A_1484 {offsets = [64, 0], sizes = [64, 64], strides = [1, 1]} : vector<128x64xf32> to vector<64x64xf32>
    %swap3A_1490 = arith.constant 7232 : index
    %swap3A_1491 = arith.constant 64 : index
    %swap3A_1492 = vector.load %arg2[%swap3A_1490, %swap3A_1491] : memref<16384x128xf32, #tpu.memory_space<vmem>>, vector<64x64xf32>
    tpu.vector_store %arg2[%swap3A_1490, %swap3A_1491], %slice3A_1489 {strides = array<i32>} : memref<16384x128xf32, #tpu.memory_space<vmem>>, vector<64x64xf32>,
    %get3A_1493 = arith.constant 0 : index
    %get3A_1494 = arith.constant 14592 : index
    %get3A_1495 = vector.load %arg1[%get3A_1493, %get3A_1494] : memref<64x32768xf32, #tpu.memory_space<vmem>>, vector<64x128xf32>
    %dot_general3A_1496 = arith.constant dense<0.000000e+00> : vector<128x64xf32>
    %dot_general3A_1497 = tpu.matmul %convert_element_type3A_14, %get3A_1495, %dot_general3A_1496 {dimension_numbers = #tpu.dot_dimension_numbers<[1], [1], [0], [0], [0, 0, 1, 0], [], []>, transpose_lhs_hint = false} : vector<128x128xf32>, vector<64x128xf32>, vector<128x64xf32> -> vector<128x64xf32>
    %slice3A_1498 = vector.extract_strided_slice %dot_general3A_1497 {offsets = [0, 0], sizes = [64, 64], strides = [1, 1]} : vector<128x64xf32> to vector<64x64xf32>
    %swap3A_1499 = arith.constant 7296 : index
    %swap3A_1500 = arith.constant 0 : index
    %swap3A_1501 = vector.load %arg2[%swap3A_1499, %swap3A_1500] : memref<16384x128xf32, #tpu.memory_space<vmem>>, vector<64x64xf32>
    tpu.vector_store %arg2[%swap3A_1499, %swap3A_1500], %slice3A_1498 {strides = array<i32>} : memref<16384x128xf32, #tpu.memory_space<vmem>>, vector<64x64xf32>,
    %slice3A_1502 = vector.extract_strided_slice %dot_general3A_1497 {offsets = [64, 0], sizes = [64, 64], strides = [1, 1]} : vector<128x64xf32> to vector<64x64xf32>
    %swap3A_1503 = arith.constant 7296 : index
    %swap3A_1504 = arith.constant 64 : index
    %swap3A_1505 = vector.load %arg2[%swap3A_1503, %swap3A_1504] : memref<16384x128xf32, #tpu.memory_space<vmem>>, vector<64x64xf32>
    tpu.vector_store %arg2[%swap3A_1503, %swap3A_1504], %slice3A_1502 {strides = array<i32>} : memref<16384x128xf32, #tpu.memory_space<vmem>>, vector<64x64xf32>,
    %get3A_1506 = arith.constant 0 : index
    %get3A_1507 = arith.constant 14720 : index
    %get3A_1508 = vector.load %arg1[%get3A_1506, %get3A_1507] : memref<64x32768xf32, #tpu.memory_space<vmem>>, vector<64x128xf32>
    %dot_general3A_1509 = arith.constant dense<0.000000e+00> : vector<128x64xf32>
    %dot_general3A_1510 = tpu.matmul %convert_element_type3A_14, %get3A_1508, %dot_general3A_1509 {dimension_numbers = #tpu.dot_dimension_numbers<[1], [1], [0], [0], [0, 0, 1, 0], [], []>, transpose_lhs_hint = false} : vector<128x128xf32>, vector<64x128xf32>, vector<128x64xf32> -> vector<128x64xf32>
    %slice3A_1511 = vector.extract_strided_slice %dot_general3A_1510 {offsets = [0, 0], sizes = [64, 64], strides = [1, 1]} : vector<128x64xf32> to vector<64x64xf32>
    %swap3A_1512 = arith.constant 7360 : index
    %swap3A_1513 = arith.constant 0 : index
    %swap3A_1514 = vector.load %arg2[%swap3A_1512, %swap3A_1513] : memref<16384x128xf32, #tpu.memory_space<vmem>>, vector<64x64xf32>
    tpu.vector_store %arg2[%swap3A_1512, %swap3A_1513], %slice3A_1511 {strides = array<i32>} : memref<16384x128xf32, #tpu.memory_space<vmem>>, vector<64x64xf32>,
    %slice3A_1515 = vector.extract_strided_slice %dot_general3A_1510 {offsets = [64, 0], sizes = [64, 64], strides = [1, 1]} : vector<128x64xf32> to vector<64x64xf32>
    %swap3A_1516 = arith.constant 7360 : index
    %swap3A_1517 = arith.constant 64 : index
    %swap3A_1518 = vector.load %arg2[%swap3A_1516, %swap3A_1517] : memref<16384x128xf32, #tpu.memory_space<vmem>>, vector<64x64xf32>
    tpu.vector_store %arg2[%swap3A_1516, %swap3A_1517], %slice3A_1515 {strides = array<i32>} : memref<16384x128xf32, #tpu.memory_space<vmem>>, vector<64x64xf32>,
    %get3A_1519 = arith.constant 0 : index
    %get3A_1520 = arith.constant 14848 : index
    %get3A_1521 = vector.load %arg1[%get3A_1519, %get3A_1520] : memref<64x32768xf32, #tpu.memory_space<vmem>>, vector<64x128xf32>
    %dot_general3A_1522 = arith.constant dense<0.000000e+00> : vector<128x64xf32>
    %dot_general3A_1523 = tpu.matmul %convert_element_type3A_14, %get3A_1521, %dot_general3A_1522 {dimension_numbers = #tpu.dot_dimension_numbers<[1], [1], [0], [0], [0, 0, 1, 0], [], []>, transpose_lhs_hint = false} : vector<128x128xf32>, vector<64x128xf32>, vector<128x64xf32> -> vector<128x64xf32>
    %slice3A_1524 = vector.extract_strided_slice %dot_general3A_1523 {offsets = [0, 0], sizes = [64, 64], strides = [1, 1]} : vector<128x64xf32> to vector<64x64xf32>
    %swap3A_1525 = arith.constant 7424 : index
    %swap3A_1526 = arith.constant 0 : index
    %swap3A_1527 = vector.load %arg2[%swap3A_1525, %swap3A_1526] : memref<16384x128xf32, #tpu.memory_space<vmem>>, vector<64x64xf32>
    tpu.vector_store %arg2[%swap3A_1525, %swap3A_1526], %slice3A_1524 {strides = array<i32>} : memref<16384x128xf32, #tpu.memory_space<vmem>>, vector<64x64xf32>,
    %slice3A_1528 = vector.extract_strided_slice %dot_general3A_1523 {offsets = [64, 0], sizes = [64, 64], strides = [1, 1]} : vector<128x64xf32> to vector<64x64xf32>
    %swap3A_1529 = arith.constant 7424 : index
    %swap3A_1530 = arith.constant 64 : index
    %swap3A_1531 = vector.load %arg2[%swap3A_1529, %swap3A_1530] : memref<16384x128xf32, #tpu.memory_space<vmem>>, vector<64x64xf32>
    tpu.vector_store %arg2[%swap3A_1529, %swap3A_1530], %slice3A_1528 {strides = array<i32>} : memref<16384x128xf32, #tpu.memory_space<vmem>>, vector<64x64xf32>,
    %get3A_1532 = arith.constant 0 : index
    %get3A_1533 = arith.constant 14976 : index
    %get3A_1534 = vector.load %arg1[%get3A_1532, %get3A_1533] : memref<64x32768xf32, #tpu.memory_space<vmem>>, vector<64x128xf32>
    %dot_general3A_1535 = arith.constant dense<0.000000e+00> : vector<128x64xf32>
    %dot_general3A_1536 = tpu.matmul %convert_element_type3A_14, %get3A_1534, %dot_general3A_1535 {dimension_numbers = #tpu.dot_dimension_numbers<[1], [1], [0], [0], [0, 0, 1, 0], [], []>, transpose_lhs_hint = false} : vector<128x128xf32>, vector<64x128xf32>, vector<128x64xf32> -> vector<128x64xf32>
    %slice3A_1537 = vector.extract_strided_slice %dot_general3A_1536 {offsets = [0, 0], sizes = [64, 64], strides = [1, 1]} : vector<128x64xf32> to vector<64x64xf32>
    %swap3A_1538 = arith.constant 7488 : index
    %swap3A_1539 = arith.constant 0 : index
    %swap3A_1540 = vector.load %arg2[%swap3A_1538, %swap3A_1539] : memref<16384x128xf32, #tpu.memory_space<vmem>>, vector<64x64xf32>
    tpu.vector_store %arg2[%swap3A_1538, %swap3A_1539], %slice3A_1537 {strides = array<i32>} : memref<16384x128xf32, #tpu.memory_space<vmem>>, vector<64x64xf32>,
    %slice3A_1541 = vector.extract_strided_slice %dot_general3A_1536 {offsets = [64, 0], sizes = [64, 64], strides = [1, 1]} : vector<128x64xf32> to vector<64x64xf32>
    %swap3A_1542 = arith.constant 7488 : index
    %swap3A_1543 = arith.constant 64 : index
    %swap3A_1544 = vector.load %arg2[%swap3A_1542, %swap3A_1543] : memref<16384x128xf32, #tpu.memory_space<vmem>>, vector<64x64xf32>
    tpu.vector_store %arg2[%swap3A_1542, %swap3A_1543], %slice3A_1541 {strides = array<i32>} : memref<16384x128xf32, #tpu.memory_space<vmem>>, vector<64x64xf32>,
    %get3A_1545 = arith.constant 0 : index
    %get3A_1546 = arith.constant 15104 : index
    %get3A_1547 = vector.load %arg1[%get3A_1545, %get3A_1546] : memref<64x32768xf32, #tpu.memory_space<vmem>>, vector<64x128xf32>
    %dot_general3A_1548 = arith.constant dense<0.000000e+00> : vector<128x64xf32>
    %dot_general3A_1549 = tpu.matmul %convert_element_type3A_14, %get3A_1547, %dot_general3A_1548 {dimension_numbers = #tpu.dot_dimension_numbers<[1], [1], [0], [0], [0, 0, 1, 0], [], []>, transpose_lhs_hint = false} : vector<128x128xf32>, vector<64x128xf32>, vector<128x64xf32> -> vector<128x64xf32>
    %slice3A_1550 = vector.extract_strided_slice %dot_general3A_1549 {offsets = [0, 0], sizes = [64, 64], strides = [1, 1]} : vector<128x64xf32> to vector<64x64xf32>
    %swap3A_1551 = arith.constant 7552 : index
    %swap3A_1552 = arith.constant 0 : index
    %swap3A_1553 = vector.load %arg2[%swap3A_1551, %swap3A_1552] : memref<16384x128xf32, #tpu.memory_space<vmem>>, vector<64x64xf32>
    tpu.vector_store %arg2[%swap3A_1551, %swap3A_1552], %slice3A_1550 {strides = array<i32>} : memref<16384x128xf32, #tpu.memory_space<vmem>>, vector<64x64xf32>,
    %slice3A_1554 = vector.extract_strided_slice %dot_general3A_1549 {offsets = [64, 0], sizes = [64, 64], strides = [1, 1]} : vector<128x64xf32> to vector<64x64xf32>
    %swap3A_1555 = arith.constant 7552 : index
    %swap3A_1556 = arith.constant 64 : index
    %swap3A_1557 = vector.load %arg2[%swap3A_1555, %swap3A_1556] : memref<16384x128xf32, #tpu.memory_space<vmem>>, vector<64x64xf32>
    tpu.vector_store %arg2[%swap3A_1555, %swap3A_1556], %slice3A_1554 {strides = array<i32>} : memref<16384x128xf32, #tpu.memory_space<vmem>>, vector<64x64xf32>,
    %get3A_1558 = arith.constant 0 : index
    %get3A_1559 = arith.constant 15232 : index
    %get3A_1560 = vector.load %arg1[%get3A_1558, %get3A_1559] : memref<64x32768xf32, #tpu.memory_space<vmem>>, vector<64x128xf32>
    %dot_general3A_1561 = arith.constant dense<0.000000e+00> : vector<128x64xf32>
    %dot_general3A_1562 = tpu.matmul %convert_element_type3A_14, %get3A_1560, %dot_general3A_1561 {dimension_numbers = #tpu.dot_dimension_numbers<[1], [1], [0], [0], [0, 0, 1, 0], [], []>, transpose_lhs_hint = false} : vector<128x128xf32>, vector<64x128xf32>, vector<128x64xf32> -> vector<128x64xf32>
    %slice3A_1563 = vector.extract_strided_slice %dot_general3A_1562 {offsets = [0, 0], sizes = [64, 64], strides = [1, 1]} : vector<128x64xf32> to vector<64x64xf32>
    %swap3A_1564 = arith.constant 7616 : index
    %swap3A_1565 = arith.constant 0 : index
    %swap3A_1566 = vector.load %arg2[%swap3A_1564, %swap3A_1565] : memref<16384x128xf32, #tpu.memory_space<vmem>>, vector<64x64xf32>
    tpu.vector_store %arg2[%swap3A_1564, %swap3A_1565], %slice3A_1563 {strides = array<i32>} : memref<16384x128xf32, #tpu.memory_space<vmem>>, vector<64x64xf32>,
    %slice3A_1567 = vector.extract_strided_slice %dot_general3A_1562 {offsets = [64, 0], sizes = [64, 64], strides = [1, 1]} : vector<128x64xf32> to vector<64x64xf32>
    %swap3A_1568 = arith.constant 7616 : index
    %swap3A_1569 = arith.constant 64 : index
    %swap3A_1570 = vector.load %arg2[%swap3A_1568, %swap3A_1569] : memref<16384x128xf32, #tpu.memory_space<vmem>>, vector<64x64xf32>
    tpu.vector_store %arg2[%swap3A_1568, %swap3A_1569], %slice3A_1567 {strides = array<i32>} : memref<16384x128xf32, #tpu.memory_space<vmem>>, vector<64x64xf32>,
    %get3A_1571 = arith.constant 0 : index
    %get3A_1572 = arith.constant 15360 : index
    %get3A_1573 = vector.load %arg1[%get3A_1571, %get3A_1572] : memref<64x32768xf32, #tpu.memory_space<vmem>>, vector<64x128xf32>
    %dot_general3A_1574 = arith.constant dense<0.000000e+00> : vector<128x64xf32>
    %dot_general3A_1575 = tpu.matmul %convert_element_type3A_14, %get3A_1573, %dot_general3A_1574 {dimension_numbers = #tpu.dot_dimension_numbers<[1], [1], [0], [0], [0, 0, 1, 0], [], []>, transpose_lhs_hint = false} : vector<128x128xf32>, vector<64x128xf32>, vector<128x64xf32> -> vector<128x64xf32>
    %slice3A_1576 = vector.extract_strided_slice %dot_general3A_1575 {offsets = [0, 0], sizes = [64, 64], strides = [1, 1]} : vector<128x64xf32> to vector<64x64xf32>
    %swap3A_1577 = arith.constant 7680 : index
    %swap3A_1578 = arith.constant 0 : index
    %swap3A_1579 = vector.load %arg2[%swap3A_1577, %swap3A_1578] : memref<16384x128xf32, #tpu.memory_space<vmem>>, vector<64x64xf32>
    tpu.vector_store %arg2[%swap3A_1577, %swap3A_1578], %slice3A_1576 {strides = array<i32>} : memref<16384x128xf32, #tpu.memory_space<vmem>>, vector<64x64xf32>,
    %slice3A_1580 = vector.extract_strided_slice %dot_general3A_1575 {offsets = [64, 0], sizes = [64, 64], strides = [1, 1]} : vector<128x64xf32> to vector<64x64xf32>
    %swap3A_1581 = arith.constant 7680 : index
    %swap3A_1582 = arith.constant 64 : index
    %swap3A_1583 = vector.load %arg2[%swap3A_1581, %swap3A_1582] : memref<16384x128xf32, #tpu.memory_space<vmem>>, vector<64x64xf32>
    tpu.vector_store %arg2[%swap3A_1581, %swap3A_1582], %slice3A_1580 {strides = array<i32>} : memref<16384x128xf32, #tpu.memory_space<vmem>>, vector<64x64xf32>,
    %get3A_1584 = arith.constant 0 : index
    %get3A_1585 = arith.constant 15488 : index
    %get3A_1586 = vector.load %arg1[%get3A_1584, %get3A_1585] : memref<64x32768xf32, #tpu.memory_space<vmem>>, vector<64x128xf32>
    %dot_general3A_1587 = arith.constant dense<0.000000e+00> : vector<128x64xf32>
    %dot_general3A_1588 = tpu.matmul %convert_element_type3A_14, %get3A_1586, %dot_general3A_1587 {dimension_numbers = #tpu.dot_dimension_numbers<[1], [1], [0], [0], [0, 0, 1, 0], [], []>, transpose_lhs_hint = false} : vector<128x128xf32>, vector<64x128xf32>, vector<128x64xf32> -> vector<128x64xf32>
    %slice3A_1589 = vector.extract_strided_slice %dot_general3A_1588 {offsets = [0, 0], sizes = [64, 64], strides = [1, 1]} : vector<128x64xf32> to vector<64x64xf32>
    %swap3A_1590 = arith.constant 7744 : index
    %swap3A_1591 = arith.constant 0 : index
    %swap3A_1592 = vector.load %arg2[%swap3A_1590, %swap3A_1591] : memref<16384x128xf32, #tpu.memory_space<vmem>>, vector<64x64xf32>
    tpu.vector_store %arg2[%swap3A_1590, %swap3A_1591], %slice3A_1589 {strides = array<i32>} : memref<16384x128xf32, #tpu.memory_space<vmem>>, vector<64x64xf32>,
    %slice3A_1593 = vector.extract_strided_slice %dot_general3A_1588 {offsets = [64, 0], sizes = [64, 64], strides = [1, 1]} : vector<128x64xf32> to vector<64x64xf32>
    %swap3A_1594 = arith.constant 7744 : index
    %swap3A_1595 = arith.constant 64 : index
    %swap3A_1596 = vector.load %arg2[%swap3A_1594, %swap3A_1595] : memref<16384x128xf32, #tpu.memory_space<vmem>>, vector<64x64xf32>
    tpu.vector_store %arg2[%swap3A_1594, %swap3A_1595], %slice3A_1593 {strides = array<i32>} : memref<16384x128xf32, #tpu.memory_space<vmem>>, vector<64x64xf32>,
    %get3A_1597 = arith.constant 0 : index
    %get3A_1598 = arith.constant 15616 : index
    %get3A_1599 = vector.load %arg1[%get3A_1597, %get3A_1598] : memref<64x32768xf32, #tpu.memory_space<vmem>>, vector<64x128xf32>
    %dot_general3A_1600 = arith.constant dense<0.000000e+00> : vector<128x64xf32>
    %dot_general3A_1601 = tpu.matmul %convert_element_type3A_14, %get3A_1599, %dot_general3A_1600 {dimension_numbers = #tpu.dot_dimension_numbers<[1], [1], [0], [0], [0, 0, 1, 0], [], []>, transpose_lhs_hint = false} : vector<128x128xf32>, vector<64x128xf32>, vector<128x64xf32> -> vector<128x64xf32>
    %slice3A_1602 = vector.extract_strided_slice %dot_general3A_1601 {offsets = [0, 0], sizes = [64, 64], strides = [1, 1]} : vector<128x64xf32> to vector<64x64xf32>
    %swap3A_1603 = arith.constant 7808 : index
    %swap3A_1604 = arith.constant 0 : index
    %swap3A_1605 = vector.load %arg2[%swap3A_1603, %swap3A_1604] : memref<16384x128xf32, #tpu.memory_space<vmem>>, vector<64x64xf32>
    tpu.vector_store %arg2[%swap3A_1603, %swap3A_1604], %slice3A_1602 {strides = array<i32>} : memref<16384x128xf32, #tpu.memory_space<vmem>>, vector<64x64xf32>,
    %slice3A_1606 = vector.extract_strided_slice %dot_general3A_1601 {offsets = [64, 0], sizes = [64, 64], strides = [1, 1]} : vector<128x64xf32> to vector<64x64xf32>
    %swap3A_1607 = arith.constant 7808 : index
    %swap3A_1608 = arith.constant 64 : index
    %swap3A_1609 = vector.load %arg2[%swap3A_1607, %swap3A_1608] : memref<16384x128xf32, #tpu.memory_space<vmem>>, vector<64x64xf32>
    tpu.vector_store %arg2[%swap3A_1607, %swap3A_1608], %slice3A_1606 {strides = array<i32>} : memref<16384x128xf32, #tpu.memory_space<vmem>>, vector<64x64xf32>,
    %get3A_1610 = arith.constant 0 : index
    %get3A_1611 = arith.constant 15744 : index
    %get3A_1612 = vector.load %arg1[%get3A_1610, %get3A_1611] : memref<64x32768xf32, #tpu.memory_space<vmem>>, vector<64x128xf32>
    %dot_general3A_1613 = arith.constant dense<0.000000e+00> : vector<128x64xf32>
    %dot_general3A_1614 = tpu.matmul %convert_element_type3A_14, %get3A_1612, %dot_general3A_1613 {dimension_numbers = #tpu.dot_dimension_numbers<[1], [1], [0], [0], [0, 0, 1, 0], [], []>, transpose_lhs_hint = false} : vector<128x128xf32>, vector<64x128xf32>, vector<128x64xf32> -> vector<128x64xf32>
    %slice3A_1615 = vector.extract_strided_slice %dot_general3A_1614 {offsets = [0, 0], sizes = [64, 64], strides = [1, 1]} : vector<128x64xf32> to vector<64x64xf32>
    %swap3A_1616 = arith.constant 7872 : index
    %swap3A_1617 = arith.constant 0 : index
    %swap3A_1618 = vector.load %arg2[%swap3A_1616, %swap3A_1617] : memref<16384x128xf32, #tpu.memory_space<vmem>>, vector<64x64xf32>
    tpu.vector_store %arg2[%swap3A_1616, %swap3A_1617], %slice3A_1615 {strides = array<i32>} : memref<16384x128xf32, #tpu.memory_space<vmem>>, vector<64x64xf32>,
    %slice3A_1619 = vector.extract_strided_slice %dot_general3A_1614 {offsets = [64, 0], sizes = [64, 64], strides = [1, 1]} : vector<128x64xf32> to vector<64x64xf32>
    %swap3A_1620 = arith.constant 7872 : index
    %swap3A_1621 = arith.constant 64 : index
    %swap3A_1622 = vector.load %arg2[%swap3A_1620, %swap3A_1621] : memref<16384x128xf32, #tpu.memory_space<vmem>>, vector<64x64xf32>
    tpu.vector_store %arg2[%swap3A_1620, %swap3A_1621], %slice3A_1619 {strides = array<i32>} : memref<16384x128xf32, #tpu.memory_space<vmem>>, vector<64x64xf32>,
    %get3A_1623 = arith.constant 0 : index
    %get3A_1624 = arith.constant 15872 : index
    %get3A_1625 = vector.load %arg1[%get3A_1623, %get3A_1624] : memref<64x32768xf32, #tpu.memory_space<vmem>>, vector<64x128xf32>
    %dot_general3A_1626 = arith.constant dense<0.000000e+00> : vector<128x64xf32>
    %dot_general3A_1627 = tpu.matmul %convert_element_type3A_14, %get3A_1625, %dot_general3A_1626 {dimension_numbers = #tpu.dot_dimension_numbers<[1], [1], [0], [0], [0, 0, 1, 0], [], []>, transpose_lhs_hint = false} : vector<128x128xf32>, vector<64x128xf32>, vector<128x64xf32> -> vector<128x64xf32>
    %slice3A_1628 = vector.extract_strided_slice %dot_general3A_1627 {offsets = [0, 0], sizes = [64, 64], strides = [1, 1]} : vector<128x64xf32> to vector<64x64xf32>
    %swap3A_1629 = arith.constant 7936 : index
    %swap3A_1630 = arith.constant 0 : index
    %swap3A_1631 = vector.load %arg2[%swap3A_1629, %swap3A_1630] : memref<16384x128xf32, #tpu.memory_space<vmem>>, vector<64x64xf32>
    tpu.vector_store %arg2[%swap3A_1629, %swap3A_1630], %slice3A_1628 {strides = array<i32>} : memref<16384x128xf32, #tpu.memory_space<vmem>>, vector<64x64xf32>,
    %slice3A_1632 = vector.extract_strided_slice %dot_general3A_1627 {offsets = [64, 0], sizes = [64, 64], strides = [1, 1]} : vector<128x64xf32> to vector<64x64xf32>
    %swap3A_1633 = arith.constant 7936 : index
    %swap3A_1634 = arith.constant 64 : index
    %swap3A_1635 = vector.load %arg2[%swap3A_1633, %swap3A_1634] : memref<16384x128xf32, #tpu.memory_space<vmem>>, vector<64x64xf32>
    tpu.vector_store %arg2[%swap3A_1633, %swap3A_1634], %slice3A_1632 {strides = array<i32>} : memref<16384x128xf32, #tpu.memory_space<vmem>>, vector<64x64xf32>,
    %get3A_1636 = arith.constant 0 : index
    %get3A_1637 = arith.constant 16000 : index
    %get3A_1638 = vector.load %arg1[%get3A_1636, %get3A_1637] : memref<64x32768xf32, #tpu.memory_space<vmem>>, vector<64x128xf32>
    %dot_general3A_1639 = arith.constant dense<0.000000e+00> : vector<128x64xf32>
    %dot_general3A_1640 = tpu.matmul %convert_element_type3A_14, %get3A_1638, %dot_general3A_1639 {dimension_numbers = #tpu.dot_dimension_numbers<[1], [1], [0], [0], [0, 0, 1, 0], [], []>, transpose_lhs_hint = false} : vector<128x128xf32>, vector<64x128xf32>, vector<128x64xf32> -> vector<128x64xf32>
    %slice3A_1641 = vector.extract_strided_slice %dot_general3A_1640 {offsets = [0, 0], sizes = [64, 64], strides = [1, 1]} : vector<128x64xf32> to vector<64x64xf32>
    %swap3A_1642 = arith.constant 8000 : index
    %swap3A_1643 = arith.constant 0 : index
    %swap3A_1644 = vector.load %arg2[%swap3A_1642, %swap3A_1643] : memref<16384x128xf32, #tpu.memory_space<vmem>>, vector<64x64xf32>
    tpu.vector_store %arg2[%swap3A_1642, %swap3A_1643], %slice3A_1641 {strides = array<i32>} : memref<16384x128xf32, #tpu.memory_space<vmem>>, vector<64x64xf32>,
    %slice3A_1645 = vector.extract_strided_slice %dot_general3A_1640 {offsets = [64, 0], sizes = [64, 64], strides = [1, 1]} : vector<128x64xf32> to vector<64x64xf32>
    %swap3A_1646 = arith.constant 8000 : index
    %swap3A_1647 = arith.constant 64 : index
    %swap3A_1648 = vector.load %arg2[%swap3A_1646, %swap3A_1647] : memref<16384x128xf32, #tpu.memory_space<vmem>>, vector<64x64xf32>
    tpu.vector_store %arg2[%swap3A_1646, %swap3A_1647], %slice3A_1645 {strides = array<i32>} : memref<16384x128xf32, #tpu.memory_space<vmem>>, vector<64x64xf32>,
    %get3A_1649 = arith.constant 0 : index
    %get3A_1650 = arith.constant 16128 : index
    %get3A_1651 = vector.load %arg1[%get3A_1649, %get3A_1650] : memref<64x32768xf32, #tpu.memory_space<vmem>>, vector<64x128xf32>
    %dot_general3A_1652 = arith.constant dense<0.000000e+00> : vector<128x64xf32>
    %dot_general3A_1653 = tpu.matmul %convert_element_type3A_14, %get3A_1651, %dot_general3A_1652 {dimension_numbers = #tpu.dot_dimension_numbers<[1], [1], [0], [0], [0, 0, 1, 0], [], []>, transpose_lhs_hint = false} : vector<128x128xf32>, vector<64x128xf32>, vector<128x64xf32> -> vector<128x64xf32>
    %slice3A_1654 = vector.extract_strided_slice %dot_general3A_1653 {offsets = [0, 0], sizes = [64, 64], strides = [1, 1]} : vector<128x64xf32> to vector<64x64xf32>
    %swap3A_1655 = arith.constant 8064 : index
    %swap3A_1656 = arith.constant 0 : index
    %swap3A_1657 = vector.load %arg2[%swap3A_1655, %swap3A_1656] : memref<16384x128xf32, #tpu.memory_space<vmem>>, vector<64x64xf32>
    tpu.vector_store %arg2[%swap3A_1655, %swap3A_1656], %slice3A_1654 {strides = array<i32>} : memref<16384x128xf32, #tpu.memory_space<vmem>>, vector<64x64xf32>,
    %slice3A_1658 = vector.extract_strided_slice %dot_general3A_1653 {offsets = [64, 0], sizes = [64, 64], strides = [1, 1]} : vector<128x64xf32> to vector<64x64xf32>
    %swap3A_1659 = arith.constant 8064 : index
    %swap3A_1660 = arith.constant 64 : index
    %swap3A_1661 = vector.load %arg2[%swap3A_1659, %swap3A_1660] : memref<16384x128xf32, #tpu.memory_space<vmem>>, vector<64x64xf32>
    tpu.vector_store %arg2[%swap3A_1659, %swap3A_1660], %slice3A_1658 {strides = array<i32>} : memref<16384x128xf32, #tpu.memory_space<vmem>>, vector<64x64xf32>,
    %get3A_1662 = arith.constant 0 : index
    %get3A_1663 = arith.constant 16256 : index
    %get3A_1664 = vector.load %arg1[%get3A_1662, %get3A_1663] : memref<64x32768xf32, #tpu.memory_space<vmem>>, vector<64x128xf32>
    %dot_general3A_1665 = arith.constant dense<0.000000e+00> : vector<128x64xf32>
    %dot_general3A_1666 = tpu.matmul %convert_element_type3A_14, %get3A_1664, %dot_general3A_1665 {dimension_numbers = #tpu.dot_dimension_numbers<[1], [1], [0], [0], [0, 0, 1, 0], [], []>, transpose_lhs_hint = false} : vector<128x128xf32>, vector<64x128xf32>, vector<128x64xf32> -> vector<128x64xf32>
    %slice3A_1667 = vector.extract_strided_slice %dot_general3A_1666 {offsets = [0, 0], sizes = [64, 64], strides = [1, 1]} : vector<128x64xf32> to vector<64x64xf32>
    %swap3A_1668 = arith.constant 8128 : index
    %swap3A_1669 = arith.constant 0 : index
    %swap3A_1670 = vector.load %arg2[%swap3A_1668, %swap3A_1669] : memref<16384x128xf32, #tpu.memory_space<vmem>>, vector<64x64xf32>
    tpu.vector_store %arg2[%swap3A_1668, %swap3A_1669], %slice3A_1667 {strides = array<i32>} : memref<16384x128xf32, #tpu.memory_space<vmem>>, vector<64x64xf32>,
    %slice3A_1671 = vector.extract_strided_slice %dot_general3A_1666 {offsets = [64, 0], sizes = [64, 64], strides = [1, 1]} : vector<128x64xf32> to vector<64x64xf32>
    %swap3A_1672 = arith.constant 8128 : index
    %swap3A_1673 = arith.constant 64 : index
    %swap3A_1674 = vector.load %arg2[%swap3A_1672, %swap3A_1673] : memref<16384x128xf32, #tpu.memory_space<vmem>>, vector<64x64xf32>
    tpu.vector_store %arg2[%swap3A_1672, %swap3A_1673], %slice3A_1671 {strides = array<i32>} : memref<16384x128xf32, #tpu.memory_space<vmem>>, vector<64x64xf32>,
    %get3A_1675 = arith.constant 0 : index
    %get3A_1676 = arith.constant 16384 : index
    %get3A_1677 = vector.load %arg1[%get3A_1675, %get3A_1676] : memref<64x32768xf32, #tpu.memory_space<vmem>>, vector<64x128xf32>
    %dot_general3A_1678 = arith.constant dense<0.000000e+00> : vector<128x64xf32>
    %dot_general3A_1679 = tpu.matmul %convert_element_type3A_14, %get3A_1677, %dot_general3A_1678 {dimension_numbers = #tpu.dot_dimension_numbers<[1], [1], [0], [0], [0, 0, 1, 0], [], []>, transpose_lhs_hint = false} : vector<128x128xf32>, vector<64x128xf32>, vector<128x64xf32> -> vector<128x64xf32>
    %slice3A_1680 = vector.extract_strided_slice %dot_general3A_1679 {offsets = [0, 0], sizes = [64, 64], strides = [1, 1]} : vector<128x64xf32> to vector<64x64xf32>
    %swap3A_1681 = arith.constant 8192 : index
    %swap3A_1682 = arith.constant 0 : index
    %swap3A_1683 = vector.load %arg2[%swap3A_1681, %swap3A_1682] : memref<16384x128xf32, #tpu.memory_space<vmem>>, vector<64x64xf32>
    tpu.vector_store %arg2[%swap3A_1681, %swap3A_1682], %slice3A_1680 {strides = array<i32>} : memref<16384x128xf32, #tpu.memory_space<vmem>>, vector<64x64xf32>,
    %slice3A_1684 = vector.extract_strided_slice %dot_general3A_1679 {offsets = [64, 0], sizes = [64, 64], strides = [1, 1]} : vector<128x64xf32> to vector<64x64xf32>
    %swap3A_1685 = arith.constant 8192 : index
    %swap3A_1686 = arith.constant 64 : index
    %swap3A_1687 = vector.load %arg2[%swap3A_1685, %swap3A_1686] : memref<16384x128xf32, #tpu.memory_space<vmem>>, vector<64x64xf32>
    tpu.vector_store %arg2[%swap3A_1685, %swap3A_1686], %slice3A_1684 {strides = array<i32>} : memref<16384x128xf32, #tpu.memory_space<vmem>>, vector<64x64xf32>,
    %get3A_1688 = arith.constant 0 : index
    %get3A_1689 = arith.constant 16512 : index
    %get3A_1690 = vector.load %arg1[%get3A_1688, %get3A_1689] : memref<64x32768xf32, #tpu.memory_space<vmem>>, vector<64x128xf32>
    %dot_general3A_1691 = arith.constant dense<0.000000e+00> : vector<128x64xf32>
    %dot_general3A_1692 = tpu.matmul %convert_element_type3A_14, %get3A_1690, %dot_general3A_1691 {dimension_numbers = #tpu.dot_dimension_numbers<[1], [1], [0], [0], [0, 0, 1, 0], [], []>, transpose_lhs_hint = false} : vector<128x128xf32>, vector<64x128xf32>, vector<128x64xf32> -> vector<128x64xf32>
    %slice3A_1693 = vector.extract_strided_slice %dot_general3A_1692 {offsets = [0, 0], sizes = [64, 64], strides = [1, 1]} : vector<128x64xf32> to vector<64x64xf32>
    %swap3A_1694 = arith.constant 8256 : index
    %swap3A_1695 = arith.constant 0 : index
    %swap3A_1696 = vector.load %arg2[%swap3A_1694, %swap3A_1695] : memref<16384x128xf32, #tpu.memory_space<vmem>>, vector<64x64xf32>
    tpu.vector_store %arg2[%swap3A_1694, %swap3A_1695], %slice3A_1693 {strides = array<i32>} : memref<16384x128xf32, #tpu.memory_space<vmem>>, vector<64x64xf32>,
    %slice3A_1697 = vector.extract_strided_slice %dot_general3A_1692 {offsets = [64, 0], sizes = [64, 64], strides = [1, 1]} : vector<128x64xf32> to vector<64x64xf32>
    %swap3A_1698 = arith.constant 8256 : index
    %swap3A_1699 = arith.constant 64 : index
    %swap3A_1700 = vector.load %arg2[%swap3A_1698, %swap3A_1699] : memref<16384x128xf32, #tpu.memory_space<vmem>>, vector<64x64xf32>
    tpu.vector_store %arg2[%swap3A_1698, %swap3A_1699], %slice3A_1697 {strides = array<i32>} : memref<16384x128xf32, #tpu.memory_space<vmem>>, vector<64x64xf32>,
    %get3A_1701 = arith.constant 0 : index
    %get3A_1702 = arith.constant 16640 : index
    %get3A_1703 = vector.load %arg1[%get3A_1701, %get3A_1702] : memref<64x32768xf32, #tpu.memory_space<vmem>>, vector<64x128xf32>
    %dot_general3A_1704 = arith.constant dense<0.000000e+00> : vector<128x64xf32>
    %dot_general3A_1705 = tpu.matmul %convert_element_type3A_14, %get3A_1703, %dot_general3A_1704 {dimension_numbers = #tpu.dot_dimension_numbers<[1], [1], [0], [0], [0, 0, 1, 0], [], []>, transpose_lhs_hint = false} : vector<128x128xf32>, vector<64x128xf32>, vector<128x64xf32> -> vector<128x64xf32>
    %slice3A_1706 = vector.extract_strided_slice %dot_general3A_1705 {offsets = [0, 0], sizes = [64, 64], strides = [1, 1]} : vector<128x64xf32> to vector<64x64xf32>
    %swap3A_1707 = arith.constant 8320 : index
    %swap3A_1708 = arith.constant 0 : index
    %swap3A_1709 = vector.load %arg2[%swap3A_1707, %swap3A_1708] : memref<16384x128xf32, #tpu.memory_space<vmem>>, vector<64x64xf32>
    tpu.vector_store %arg2[%swap3A_1707, %swap3A_1708], %slice3A_1706 {strides = array<i32>} : memref<16384x128xf32, #tpu.memory_space<vmem>>, vector<64x64xf32>,
    %slice3A_1710 = vector.extract_strided_slice %dot_general3A_1705 {offsets = [64, 0], sizes = [64, 64], strides = [1, 1]} : vector<128x64xf32> to vector<64x64xf32>
    %swap3A_1711 = arith.constant 8320 : index
    %swap3A_1712 = arith.constant 64 : index
    %swap3A_1713 = vector.load %arg2[%swap3A_1711, %swap3A_1712] : memref<16384x128xf32, #tpu.memory_space<vmem>>, vector<64x64xf32>
    tpu.vector_store %arg2[%swap3A_1711, %swap3A_1712], %slice3A_1710 {strides = array<i32>} : memref<16384x128xf32, #tpu.memory_space<vmem>>, vector<64x64xf32>,
    %get3A_1714 = arith.constant 0 : index
    %get3A_1715 = arith.constant 16768 : index
    %get3A_1716 = vector.load %arg1[%get3A_1714, %get3A_1715] : memref<64x32768xf32, #tpu.memory_space<vmem>>, vector<64x128xf32>
    %dot_general3A_1717 = arith.constant dense<0.000000e+00> : vector<128x64xf32>
    %dot_general3A_1718 = tpu.matmul %convert_element_type3A_14, %get3A_1716, %dot_general3A_1717 {dimension_numbers = #tpu.dot_dimension_numbers<[1], [1], [0], [0], [0, 0, 1, 0], [], []>, transpose_lhs_hint = false} : vector<128x128xf32>, vector<64x128xf32>, vector<128x64xf32> -> vector<128x64xf32>
    %slice3A_1719 = vector.extract_strided_slice %dot_general3A_1718 {offsets = [0, 0], sizes = [64, 64], strides = [1, 1]} : vector<128x64xf32> to vector<64x64xf32>
    %swap3A_1720 = arith.constant 8384 : index
    %swap3A_1721 = arith.constant 0 : index
    %swap3A_1722 = vector.load %arg2[%swap3A_1720, %swap3A_1721] : memref<16384x128xf32, #tpu.memory_space<vmem>>, vector<64x64xf32>
    tpu.vector_store %arg2[%swap3A_1720, %swap3A_1721], %slice3A_1719 {strides = array<i32>} : memref<16384x128xf32, #tpu.memory_space<vmem>>, vector<64x64xf32>,
    %slice3A_1723 = vector.extract_strided_slice %dot_general3A_1718 {offsets = [64, 0], sizes = [64, 64], strides = [1, 1]} : vector<128x64xf32> to vector<64x64xf32>
    %swap3A_1724 = arith.constant 8384 : index
    %swap3A_1725 = arith.constant 64 : index
    %swap3A_1726 = vector.load %arg2[%swap3A_1724, %swap3A_1725] : memref<16384x128xf32, #tpu.memory_space<vmem>>, vector<64x64xf32>
    tpu.vector_store %arg2[%swap3A_1724, %swap3A_1725], %slice3A_1723 {strides = array<i32>} : memref<16384x128xf32, #tpu.memory_space<vmem>>, vector<64x64xf32>,
    %get3A_1727 = arith.constant 0 : index
    %get3A_1728 = arith.constant 16896 : index
    %get3A_1729 = vector.load %arg1[%get3A_1727, %get3A_1728] : memref<64x32768xf32, #tpu.memory_space<vmem>>, vector<64x128xf32>
    %dot_general3A_1730 = arith.constant dense<0.000000e+00> : vector<128x64xf32>
    %dot_general3A_1731 = tpu.matmul %convert_element_type3A_14, %get3A_1729, %dot_general3A_1730 {dimension_numbers = #tpu.dot_dimension_numbers<[1], [1], [0], [0], [0, 0, 1, 0], [], []>, transpose_lhs_hint = false} : vector<128x128xf32>, vector<64x128xf32>, vector<128x64xf32> -> vector<128x64xf32>
    %slice3A_1732 = vector.extract_strided_slice %dot_general3A_1731 {offsets = [0, 0], sizes = [64, 64], strides = [1, 1]} : vector<128x64xf32> to vector<64x64xf32>
    %swap3A_1733 = arith.constant 8448 : index
    %swap3A_1734 = arith.constant 0 : index
    %swap3A_1735 = vector.load %arg2[%swap3A_1733, %swap3A_1734] : memref<16384x128xf32, #tpu.memory_space<vmem>>, vector<64x64xf32>
    tpu.vector_store %arg2[%swap3A_1733, %swap3A_1734], %slice3A_1732 {strides = array<i32>} : memref<16384x128xf32, #tpu.memory_space<vmem>>, vector<64x64xf32>,
    %slice3A_1736 = vector.extract_strided_slice %dot_general3A_1731 {offsets = [64, 0], sizes = [64, 64], strides = [1, 1]} : vector<128x64xf32> to vector<64x64xf32>
    %swap3A_1737 = arith.constant 8448 : index
    %swap3A_1738 = arith.constant 64 : index
    %swap3A_1739 = vector.load %arg2[%swap3A_1737, %swap3A_1738] : memref<16384x128xf32, #tpu.memory_space<vmem>>, vector<64x64xf32>
    tpu.vector_store %arg2[%swap3A_1737, %swap3A_1738], %slice3A_1736 {strides = array<i32>} : memref<16384x128xf32, #tpu.memory_space<vmem>>, vector<64x64xf32>,
    %get3A_1740 = arith.constant 0 : index
    %get3A_1741 = arith.constant 17024 : index
    %get3A_1742 = vector.load %arg1[%get3A_1740, %get3A_1741] : memref<64x32768xf32, #tpu.memory_space<vmem>>, vector<64x128xf32>
    %dot_general3A_1743 = arith.constant dense<0.000000e+00> : vector<128x64xf32>
    %dot_general3A_1744 = tpu.matmul %convert_element_type3A_14, %get3A_1742, %dot_general3A_1743 {dimension_numbers = #tpu.dot_dimension_numbers<[1], [1], [0], [0], [0, 0, 1, 0], [], []>, transpose_lhs_hint = false} : vector<128x128xf32>, vector<64x128xf32>, vector<128x64xf32> -> vector<128x64xf32>
    %slice3A_1745 = vector.extract_strided_slice %dot_general3A_1744 {offsets = [0, 0], sizes = [64, 64], strides = [1, 1]} : vector<128x64xf32> to vector<64x64xf32>
    %swap3A_1746 = arith.constant 8512 : index
    %swap3A_1747 = arith.constant 0 : index
    %swap3A_1748 = vector.load %arg2[%swap3A_1746, %swap3A_1747] : memref<16384x128xf32, #tpu.memory_space<vmem>>, vector<64x64xf32>
    tpu.vector_store %arg2[%swap3A_1746, %swap3A_1747], %slice3A_1745 {strides = array<i32>} : memref<16384x128xf32, #tpu.memory_space<vmem>>, vector<64x64xf32>,
    %slice3A_1749 = vector.extract_strided_slice %dot_general3A_1744 {offsets = [64, 0], sizes = [64, 64], strides = [1, 1]} : vector<128x64xf32> to vector<64x64xf32>
    %swap3A_1750 = arith.constant 8512 : index
    %swap3A_1751 = arith.constant 64 : index
    %swap3A_1752 = vector.load %arg2[%swap3A_1750, %swap3A_1751] : memref<16384x128xf32, #tpu.memory_space<vmem>>, vector<64x64xf32>
    tpu.vector_store %arg2[%swap3A_1750, %swap3A_1751], %slice3A_1749 {strides = array<i32>} : memref<16384x128xf32, #tpu.memory_space<vmem>>, vector<64x64xf32>,
    %get3A_1753 = arith.constant 0 : index
    %get3A_1754 = arith.constant 17152 : index
    %get3A_1755 = vector.load %arg1[%get3A_1753, %get3A_1754] : memref<64x32768xf32, #tpu.memory_space<vmem>>, vector<64x128xf32>
    %dot_general3A_1756 = arith.constant dense<0.000000e+00> : vector<128x64xf32>
    %dot_general3A_1757 = tpu.matmul %convert_element_type3A_14, %get3A_1755, %dot_general3A_1756 {dimension_numbers = #tpu.dot_dimension_numbers<[1], [1], [0], [0], [0, 0, 1, 0], [], []>, transpose_lhs_hint = false} : vector<128x128xf32>, vector<64x128xf32>, vector<128x64xf32> -> vector<128x64xf32>
    %slice3A_1758 = vector.extract_strided_slice %dot_general3A_1757 {offsets = [0, 0], sizes = [64, 64], strides = [1, 1]} : vector<128x64xf32> to vector<64x64xf32>
    %swap3A_1759 = arith.constant 8576 : index
    %swap3A_1760 = arith.constant 0 : index
    %swap3A_1761 = vector.load %arg2[%swap3A_1759, %swap3A_1760] : memref<16384x128xf32, #tpu.memory_space<vmem>>, vector<64x64xf32>
    tpu.vector_store %arg2[%swap3A_1759, %swap3A_1760], %slice3A_1758 {strides = array<i32>} : memref<16384x128xf32, #tpu.memory_space<vmem>>, vector<64x64xf32>,
    %slice3A_1762 = vector.extract_strided_slice %dot_general3A_1757 {offsets = [64, 0], sizes = [64, 64], strides = [1, 1]} : vector<128x64xf32> to vector<64x64xf32>
    %swap3A_1763 = arith.constant 8576 : index
    %swap3A_1764 = arith.constant 64 : index
    %swap3A_1765 = vector.load %arg2[%swap3A_1763, %swap3A_1764] : memref<16384x128xf32, #tpu.memory_space<vmem>>, vector<64x64xf32>
    tpu.vector_store %arg2[%swap3A_1763, %swap3A_1764], %slice3A_1762 {strides = array<i32>} : memref<16384x128xf32, #tpu.memory_space<vmem>>, vector<64x64xf32>,
    %get3A_1766 = arith.constant 0 : index
    %get3A_1767 = arith.constant 17280 : index
    %get3A_1768 = vector.load %arg1[%get3A_1766, %get3A_1767] : memref<64x32768xf32, #tpu.memory_space<vmem>>, vector<64x128xf32>
    %dot_general3A_1769 = arith.constant dense<0.000000e+00> : vector<128x64xf32>
    %dot_general3A_1770 = tpu.matmul %convert_element_type3A_14, %get3A_1768, %dot_general3A_1769 {dimension_numbers = #tpu.dot_dimension_numbers<[1], [1], [0], [0], [0, 0, 1, 0], [], []>, transpose_lhs_hint = false} : vector<128x128xf32>, vector<64x128xf32>, vector<128x64xf32> -> vector<128x64xf32>
    %slice3A_1771 = vector.extract_strided_slice %dot_general3A_1770 {offsets = [0, 0], sizes = [64, 64], strides = [1, 1]} : vector<128x64xf32> to vector<64x64xf32>
    %swap3A_1772 = arith.constant 8640 : index
    %swap3A_1773 = arith.constant 0 : index
    %swap3A_1774 = vector.load %arg2[%swap3A_1772, %swap3A_1773] : memref<16384x128xf32, #tpu.memory_space<vmem>>, vector<64x64xf32>
    tpu.vector_store %arg2[%swap3A_1772, %swap3A_1773], %slice3A_1771 {strides = array<i32>} : memref<16384x128xf32, #tpu.memory_space<vmem>>, vector<64x64xf32>,
    %slice3A_1775 = vector.extract_strided_slice %dot_general3A_1770 {offsets = [64, 0], sizes = [64, 64], strides = [1, 1]} : vector<128x64xf32> to vector<64x64xf32>
    %swap3A_1776 = arith.constant 8640 : index
    %swap3A_1777 = arith.constant 64 : index
    %swap3A_1778 = vector.load %arg2[%swap3A_1776, %swap3A_1777] : memref<16384x128xf32, #tpu.memory_space<vmem>>, vector<64x64xf32>
    tpu.vector_store %arg2[%swap3A_1776, %swap3A_1777], %slice3A_1775 {strides = array<i32>} : memref<16384x128xf32, #tpu.memory_space<vmem>>, vector<64x64xf32>,
    %get3A_1779 = arith.constant 0 : index
    %get3A_1780 = arith.constant 17408 : index
    %get3A_1781 = vector.load %arg1[%get3A_1779, %get3A_1780] : memref<64x32768xf32, #tpu.memory_space<vmem>>, vector<64x128xf32>
    %dot_general3A_1782 = arith.constant dense<0.000000e+00> : vector<128x64xf32>
    %dot_general3A_1783 = tpu.matmul %convert_element_type3A_14, %get3A_1781, %dot_general3A_1782 {dimension_numbers = #tpu.dot_dimension_numbers<[1], [1], [0], [0], [0, 0, 1, 0], [], []>, transpose_lhs_hint = false} : vector<128x128xf32>, vector<64x128xf32>, vector<128x64xf32> -> vector<128x64xf32>
    %slice3A_1784 = vector.extract_strided_slice %dot_general3A_1783 {offsets = [0, 0], sizes = [64, 64], strides = [1, 1]} : vector<128x64xf32> to vector<64x64xf32>
    %swap3A_1785 = arith.constant 8704 : index
    %swap3A_1786 = arith.constant 0 : index
    %swap3A_1787 = vector.load %arg2[%swap3A_1785, %swap3A_1786] : memref<16384x128xf32, #tpu.memory_space<vmem>>, vector<64x64xf32>
    tpu.vector_store %arg2[%swap3A_1785, %swap3A_1786], %slice3A_1784 {strides = array<i32>} : memref<16384x128xf32, #tpu.memory_space<vmem>>, vector<64x64xf32>,
    %slice3A_1788 = vector.extract_strided_slice %dot_general3A_1783 {offsets = [64, 0], sizes = [64, 64], strides = [1, 1]} : vector<128x64xf32> to vector<64x64xf32>
    %swap3A_1789 = arith.constant 8704 : index
    %swap3A_1790 = arith.constant 64 : index
    %swap3A_1791 = vector.load %arg2[%swap3A_1789, %swap3A_1790] : memref<16384x128xf32, #tpu.memory_space<vmem>>, vector<64x64xf32>
    tpu.vector_store %arg2[%swap3A_1789, %swap3A_1790], %slice3A_1788 {strides = array<i32>} : memref<16384x128xf32, #tpu.memory_space<vmem>>, vector<64x64xf32>,
    %get3A_1792 = arith.constant 0 : index
    %get3A_1793 = arith.constant 17536 : index
    %get3A_1794 = vector.load %arg1[%get3A_1792, %get3A_1793] : memref<64x32768xf32, #tpu.memory_space<vmem>>, vector<64x128xf32>
    %dot_general3A_1795 = arith.constant dense<0.000000e+00> : vector<128x64xf32>
    %dot_general3A_1796 = tpu.matmul %convert_element_type3A_14, %get3A_1794, %dot_general3A_1795 {dimension_numbers = #tpu.dot_dimension_numbers<[1], [1], [0], [0], [0, 0, 1, 0], [], []>, transpose_lhs_hint = false} : vector<128x128xf32>, vector<64x128xf32>, vector<128x64xf32> -> vector<128x64xf32>
    %slice3A_1797 = vector.extract_strided_slice %dot_general3A_1796 {offsets = [0, 0], sizes = [64, 64], strides = [1, 1]} : vector<128x64xf32> to vector<64x64xf32>
    %swap3A_1798 = arith.constant 8768 : index
    %swap3A_1799 = arith.constant 0 : index
    %swap3A_1800 = vector.load %arg2[%swap3A_1798, %swap3A_1799] : memref<16384x128xf32, #tpu.memory_space<vmem>>, vector<64x64xf32>
    tpu.vector_store %arg2[%swap3A_1798, %swap3A_1799], %slice3A_1797 {strides = array<i32>} : memref<16384x128xf32, #tpu.memory_space<vmem>>, vector<64x64xf32>,
    %slice3A_1801 = vector.extract_strided_slice %dot_general3A_1796 {offsets = [64, 0], sizes = [64, 64], strides = [1, 1]} : vector<128x64xf32> to vector<64x64xf32>
    %swap3A_1802 = arith.constant 8768 : index
    %swap3A_1803 = arith.constant 64 : index
    %swap3A_1804 = vector.load %arg2[%swap3A_1802, %swap3A_1803] : memref<16384x128xf32, #tpu.memory_space<vmem>>, vector<64x64xf32>
    tpu.vector_store %arg2[%swap3A_1802, %swap3A_1803], %slice3A_1801 {strides = array<i32>} : memref<16384x128xf32, #tpu.memory_space<vmem>>, vector<64x64xf32>,
    %get3A_1805 = arith.constant 0 : index
    %get3A_1806 = arith.constant 17664 : index
    %get3A_1807 = vector.load %arg1[%get3A_1805, %get3A_1806] : memref<64x32768xf32, #tpu.memory_space<vmem>>, vector<64x128xf32>
    %dot_general3A_1808 = arith.constant dense<0.000000e+00> : vector<128x64xf32>
    %dot_general3A_1809 = tpu.matmul %convert_element_type3A_14, %get3A_1807, %dot_general3A_1808 {dimension_numbers = #tpu.dot_dimension_numbers<[1], [1], [0], [0], [0, 0, 1, 0], [], []>, transpose_lhs_hint = false} : vector<128x128xf32>, vector<64x128xf32>, vector<128x64xf32> -> vector<128x64xf32>
    %slice3A_1810 = vector.extract_strided_slice %dot_general3A_1809 {offsets = [0, 0], sizes = [64, 64], strides = [1, 1]} : vector<128x64xf32> to vector<64x64xf32>
    %swap3A_1811 = arith.constant 8832 : index
    %swap3A_1812 = arith.constant 0 : index
    %swap3A_1813 = vector.load %arg2[%swap3A_1811, %swap3A_1812] : memref<16384x128xf32, #tpu.memory_space<vmem>>, vector<64x64xf32>
    tpu.vector_store %arg2[%swap3A_1811, %swap3A_1812], %slice3A_1810 {strides = array<i32>} : memref<16384x128xf32, #tpu.memory_space<vmem>>, vector<64x64xf32>,
    %slice3A_1814 = vector.extract_strided_slice %dot_general3A_1809 {offsets = [64, 0], sizes = [64, 64], strides = [1, 1]} : vector<128x64xf32> to vector<64x64xf32>
    %swap3A_1815 = arith.constant 8832 : index
    %swap3A_1816 = arith.constant 64 : index
    %swap3A_1817 = vector.load %arg2[%swap3A_1815, %swap3A_1816] : memref<16384x128xf32, #tpu.memory_space<vmem>>, vector<64x64xf32>
    tpu.vector_store %arg2[%swap3A_1815, %swap3A_1816], %slice3A_1814 {strides = array<i32>} : memref<16384x128xf32, #tpu.memory_space<vmem>>, vector<64x64xf32>,
    %get3A_1818 = arith.constant 0 : index
    %get3A_1819 = arith.constant 17792 : index
    %get3A_1820 = vector.load %arg1[%get3A_1818, %get3A_1819] : memref<64x32768xf32, #tpu.memory_space<vmem>>, vector<64x128xf32>
    %dot_general3A_1821 = arith.constant dense<0.000000e+00> : vector<128x64xf32>
    %dot_general3A_1822 = tpu.matmul %convert_element_type3A_14, %get3A_1820, %dot_general3A_1821 {dimension_numbers = #tpu.dot_dimension_numbers<[1], [1], [0], [0], [0, 0, 1, 0], [], []>, transpose_lhs_hint = false} : vector<128x128xf32>, vector<64x128xf32>, vector<128x64xf32> -> vector<128x64xf32>
    %slice3A_1823 = vector.extract_strided_slice %dot_general3A_1822 {offsets = [0, 0], sizes = [64, 64], strides = [1, 1]} : vector<128x64xf32> to vector<64x64xf32>
    %swap3A_1824 = arith.constant 8896 : index
    %swap3A_1825 = arith.constant 0 : index
    %swap3A_1826 = vector.load %arg2[%swap3A_1824, %swap3A_1825] : memref<16384x128xf32, #tpu.memory_space<vmem>>, vector<64x64xf32>
    tpu.vector_store %arg2[%swap3A_1824, %swap3A_1825], %slice3A_1823 {strides = array<i32>} : memref<16384x128xf32, #tpu.memory_space<vmem>>, vector<64x64xf32>,
    %slice3A_1827 = vector.extract_strided_slice %dot_general3A_1822 {offsets = [64, 0], sizes = [64, 64], strides = [1, 1]} : vector<128x64xf32> to vector<64x64xf32>
    %swap3A_1828 = arith.constant 8896 : index
    %swap3A_1829 = arith.constant 64 : index
    %swap3A_1830 = vector.load %arg2[%swap3A_1828, %swap3A_1829] : memref<16384x128xf32, #tpu.memory_space<vmem>>, vector<64x64xf32>
    tpu.vector_store %arg2[%swap3A_1828, %swap3A_1829], %slice3A_1827 {strides = array<i32>} : memref<16384x128xf32, #tpu.memory_space<vmem>>, vector<64x64xf32>,
    %get3A_1831 = arith.constant 0 : index
    %get3A_1832 = arith.constant 17920 : index
    %get3A_1833 = vector.load %arg1[%get3A_1831, %get3A_1832] : memref<64x32768xf32, #tpu.memory_space<vmem>>, vector<64x128xf32>
    %dot_general3A_1834 = arith.constant dense<0.000000e+00> : vector<128x64xf32>
    %dot_general3A_1835 = tpu.matmul %convert_element_type3A_14, %get3A_1833, %dot_general3A_1834 {dimension_numbers = #tpu.dot_dimension_numbers<[1], [1], [0], [0], [0, 0, 1, 0], [], []>, transpose_lhs_hint = false} : vector<128x128xf32>, vector<64x128xf32>, vector<128x64xf32> -> vector<128x64xf32>
    %slice3A_1836 = vector.extract_strided_slice %dot_general3A_1835 {offsets = [0, 0], sizes = [64, 64], strides = [1, 1]} : vector<128x64xf32> to vector<64x64xf32>
    %swap3A_1837 = arith.constant 8960 : index
    %swap3A_1838 = arith.constant 0 : index
    %swap3A_1839 = vector.load %arg2[%swap3A_1837, %swap3A_1838] : memref<16384x128xf32, #tpu.memory_space<vmem>>, vector<64x64xf32>
    tpu.vector_store %arg2[%swap3A_1837, %swap3A_1838], %slice3A_1836 {strides = array<i32>} : memref<16384x128xf32, #tpu.memory_space<vmem>>, vector<64x64xf32>,
    %slice3A_1840 = vector.extract_strided_slice %dot_general3A_1835 {offsets = [64, 0], sizes = [64, 64], strides = [1, 1]} : vector<128x64xf32> to vector<64x64xf32>
    %swap3A_1841 = arith.constant 8960 : index
    %swap3A_1842 = arith.constant 64 : index
    %swap3A_1843 = vector.load %arg2[%swap3A_1841, %swap3A_1842] : memref<16384x128xf32, #tpu.memory_space<vmem>>, vector<64x64xf32>
    tpu.vector_store %arg2[%swap3A_1841, %swap3A_1842], %slice3A_1840 {strides = array<i32>} : memref<16384x128xf32, #tpu.memory_space<vmem>>, vector<64x64xf32>,
    %get3A_1844 = arith.constant 0 : index
    %get3A_1845 = arith.constant 18048 : index
    %get3A_1846 = vector.load %arg1[%get3A_1844, %get3A_1845] : memref<64x32768xf32, #tpu.memory_space<vmem>>, vector<64x128xf32>
    %dot_general3A_1847 = arith.constant dense<0.000000e+00> : vector<128x64xf32>
    %dot_general3A_1848 = tpu.matmul %convert_element_type3A_14, %get3A_1846, %dot_general3A_1847 {dimension_numbers = #tpu.dot_dimension_numbers<[1], [1], [0], [0], [0, 0, 1, 0], [], []>, transpose_lhs_hint = false} : vector<128x128xf32>, vector<64x128xf32>, vector<128x64xf32> -> vector<128x64xf32>
    %slice3A_1849 = vector.extract_strided_slice %dot_general3A_1848 {offsets = [0, 0], sizes = [64, 64], strides = [1, 1]} : vector<128x64xf32> to vector<64x64xf32>
    %swap3A_1850 = arith.constant 9024 : index
    %swap3A_1851 = arith.constant 0 : index
    %swap3A_1852 = vector.load %arg2[%swap3A_1850, %swap3A_1851] : memref<16384x128xf32, #tpu.memory_space<vmem>>, vector<64x64xf32>
    tpu.vector_store %arg2[%swap3A_1850, %swap3A_1851], %slice3A_1849 {strides = array<i32>} : memref<16384x128xf32, #tpu.memory_space<vmem>>, vector<64x64xf32>,
    %slice3A_1853 = vector.extract_strided_slice %dot_general3A_1848 {offsets = [64, 0], sizes = [64, 64], strides = [1, 1]} : vector<128x64xf32> to vector<64x64xf32>
    %swap3A_1854 = arith.constant 9024 : index
    %swap3A_1855 = arith.constant 64 : index
    %swap3A_1856 = vector.load %arg2[%swap3A_1854, %swap3A_1855] : memref<16384x128xf32, #tpu.memory_space<vmem>>, vector<64x64xf32>
    tpu.vector_store %arg2[%swap3A_1854, %swap3A_1855], %slice3A_1853 {strides = array<i32>} : memref<16384x128xf32, #tpu.memory_space<vmem>>, vector<64x64xf32>,
    %get3A_1857 = arith.constant 0 : index
    %get3A_1858 = arith.constant 18176 : index
    %get3A_1859 = vector.load %arg1[%get3A_1857, %get3A_1858] : memref<64x32768xf32, #tpu.memory_space<vmem>>, vector<64x128xf32>
    %dot_general3A_1860 = arith.constant dense<0.000000e+00> : vector<128x64xf32>
    %dot_general3A_1861 = tpu.matmul %convert_element_type3A_14, %get3A_1859, %dot_general3A_1860 {dimension_numbers = #tpu.dot_dimension_numbers<[1], [1], [0], [0], [0, 0, 1, 0], [], []>, transpose_lhs_hint = false} : vector<128x128xf32>, vector<64x128xf32>, vector<128x64xf32> -> vector<128x64xf32>
    %slice3A_1862 = vector.extract_strided_slice %dot_general3A_1861 {offsets = [0, 0], sizes = [64, 64], strides = [1, 1]} : vector<128x64xf32> to vector<64x64xf32>
    %swap3A_1863 = arith.constant 9088 : index
    %swap3A_1864 = arith.constant 0 : index
    %swap3A_1865 = vector.load %arg2[%swap3A_1863, %swap3A_1864] : memref<16384x128xf32, #tpu.memory_space<vmem>>, vector<64x64xf32>
    tpu.vector_store %arg2[%swap3A_1863, %swap3A_1864], %slice3A_1862 {strides = array<i32>} : memref<16384x128xf32, #tpu.memory_space<vmem>>, vector<64x64xf32>,
    %slice3A_1866 = vector.extract_strided_slice %dot_general3A_1861 {offsets = [64, 0], sizes = [64, 64], strides = [1, 1]} : vector<128x64xf32> to vector<64x64xf32>
    %swap3A_1867 = arith.constant 9088 : index
    %swap3A_1868 = arith.constant 64 : index
    %swap3A_1869 = vector.load %arg2[%swap3A_1867, %swap3A_1868] : memref<16384x128xf32, #tpu.memory_space<vmem>>, vector<64x64xf32>
    tpu.vector_store %arg2[%swap3A_1867, %swap3A_1868], %slice3A_1866 {strides = array<i32>} : memref<16384x128xf32, #tpu.memory_space<vmem>>, vector<64x64xf32>,
    %get3A_1870 = arith.constant 0 : index
    %get3A_1871 = arith.constant 18304 : index
    %get3A_1872 = vector.load %arg1[%get3A_1870, %get3A_1871] : memref<64x32768xf32, #tpu.memory_space<vmem>>, vector<64x128xf32>
    %dot_general3A_1873 = arith.constant dense<0.000000e+00> : vector<128x64xf32>
    %dot_general3A_1874 = tpu.matmul %convert_element_type3A_14, %get3A_1872, %dot_general3A_1873 {dimension_numbers = #tpu.dot_dimension_numbers<[1], [1], [0], [0], [0, 0, 1, 0], [], []>, transpose_lhs_hint = false} : vector<128x128xf32>, vector<64x128xf32>, vector<128x64xf32> -> vector<128x64xf32>
    %slice3A_1875 = vector.extract_strided_slice %dot_general3A_1874 {offsets = [0, 0], sizes = [64, 64], strides = [1, 1]} : vector<128x64xf32> to vector<64x64xf32>
    %swap3A_1876 = arith.constant 9152 : index
    %swap3A_1877 = arith.constant 0 : index
    %swap3A_1878 = vector.load %arg2[%swap3A_1876, %swap3A_1877] : memref<16384x128xf32, #tpu.memory_space<vmem>>, vector<64x64xf32>
    tpu.vector_store %arg2[%swap3A_1876, %swap3A_1877], %slice3A_1875 {strides = array<i32>} : memref<16384x128xf32, #tpu.memory_space<vmem>>, vector<64x64xf32>,
    %slice3A_1879 = vector.extract_strided_slice %dot_general3A_1874 {offsets = [64, 0], sizes = [64, 64], strides = [1, 1]} : vector<128x64xf32> to vector<64x64xf32>
    %swap3A_1880 = arith.constant 9152 : index
    %swap3A_1881 = arith.constant 64 : index
    %swap3A_1882 = vector.load %arg2[%swap3A_1880, %swap3A_1881] : memref<16384x128xf32, #tpu.memory_space<vmem>>, vector<64x64xf32>
    tpu.vector_store %arg2[%swap3A_1880, %swap3A_1881], %slice3A_1879 {strides = array<i32>} : memref<16384x128xf32, #tpu.memory_space<vmem>>, vector<64x64xf32>,
    %get3A_1883 = arith.constant 0 : index
    %get3A_1884 = arith.constant 18432 : index
    %get3A_1885 = vector.load %arg1[%get3A_1883, %get3A_1884] : memref<64x32768xf32, #tpu.memory_space<vmem>>, vector<64x128xf32>
    %dot_general3A_1886 = arith.constant dense<0.000000e+00> : vector<128x64xf32>
    %dot_general3A_1887 = tpu.matmul %convert_element_type3A_14, %get3A_1885, %dot_general3A_1886 {dimension_numbers = #tpu.dot_dimension_numbers<[1], [1], [0], [0], [0, 0, 1, 0], [], []>, transpose_lhs_hint = false} : vector<128x128xf32>, vector<64x128xf32>, vector<128x64xf32> -> vector<128x64xf32>
    %slice3A_1888 = vector.extract_strided_slice %dot_general3A_1887 {offsets = [0, 0], sizes = [64, 64], strides = [1, 1]} : vector<128x64xf32> to vector<64x64xf32>
    %swap3A_1889 = arith.constant 9216 : index
    %swap3A_1890 = arith.constant 0 : index
    %swap3A_1891 = vector.load %arg2[%swap3A_1889, %swap3A_1890] : memref<16384x128xf32, #tpu.memory_space<vmem>>, vector<64x64xf32>
    tpu.vector_store %arg2[%swap3A_1889, %swap3A_1890], %slice3A_1888 {strides = array<i32>} : memref<16384x128xf32, #tpu.memory_space<vmem>>, vector<64x64xf32>,
    %slice3A_1892 = vector.extract_strided_slice %dot_general3A_1887 {offsets = [64, 0], sizes = [64, 64], strides = [1, 1]} : vector<128x64xf32> to vector<64x64xf32>
    %swap3A_1893 = arith.constant 9216 : index
    %swap3A_1894 = arith.constant 64 : index
    %swap3A_1895 = vector.load %arg2[%swap3A_1893, %swap3A_1894] : memref<16384x128xf32, #tpu.memory_space<vmem>>, vector<64x64xf32>
    tpu.vector_store %arg2[%swap3A_1893, %swap3A_1894], %slice3A_1892 {strides = array<i32>} : memref<16384x128xf32, #tpu.memory_space<vmem>>, vector<64x64xf32>,
    %get3A_1896 = arith.constant 0 : index
    %get3A_1897 = arith.constant 18560 : index
    %get3A_1898 = vector.load %arg1[%get3A_1896, %get3A_1897] : memref<64x32768xf32, #tpu.memory_space<vmem>>, vector<64x128xf32>
    %dot_general3A_1899 = arith.constant dense<0.000000e+00> : vector<128x64xf32>
    %dot_general3A_1900 = tpu.matmul %convert_element_type3A_14, %get3A_1898, %dot_general3A_1899 {dimension_numbers = #tpu.dot_dimension_numbers<[1], [1], [0], [0], [0, 0, 1, 0], [], []>, transpose_lhs_hint = false} : vector<128x128xf32>, vector<64x128xf32>, vector<128x64xf32> -> vector<128x64xf32>
    %slice3A_1901 = vector.extract_strided_slice %dot_general3A_1900 {offsets = [0, 0], sizes = [64, 64], strides = [1, 1]} : vector<128x64xf32> to vector<64x64xf32>
    %swap3A_1902 = arith.constant 9280 : index
    %swap3A_1903 = arith.constant 0 : index
    %swap3A_1904 = vector.load %arg2[%swap3A_1902, %swap3A_1903] : memref<16384x128xf32, #tpu.memory_space<vmem>>, vector<64x64xf32>
    tpu.vector_store %arg2[%swap3A_1902, %swap3A_1903], %slice3A_1901 {strides = array<i32>} : memref<16384x128xf32, #tpu.memory_space<vmem>>, vector<64x64xf32>,
    %slice3A_1905 = vector.extract_strided_slice %dot_general3A_1900 {offsets = [64, 0], sizes = [64, 64], strides = [1, 1]} : vector<128x64xf32> to vector<64x64xf32>
    %swap3A_1906 = arith.constant 9280 : index
    %swap3A_1907 = arith.constant 64 : index
    %swap3A_1908 = vector.load %arg2[%swap3A_1906, %swap3A_1907] : memref<16384x128xf32, #tpu.memory_space<vmem>>, vector<64x64xf32>
    tpu.vector_store %arg2[%swap3A_1906, %swap3A_1907], %slice3A_1905 {strides = array<i32>} : memref<16384x128xf32, #tpu.memory_space<vmem>>, vector<64x64xf32>,
    %get3A_1909 = arith.constant 0 : index
    %get3A_1910 = arith.constant 18688 : index
    %get3A_1911 = vector.load %arg1[%get3A_1909, %get3A_1910] : memref<64x32768xf32, #tpu.memory_space<vmem>>, vector<64x128xf32>
    %dot_general3A_1912 = arith.constant dense<0.000000e+00> : vector<128x64xf32>
    %dot_general3A_1913 = tpu.matmul %convert_element_type3A_14, %get3A_1911, %dot_general3A_1912 {dimension_numbers = #tpu.dot_dimension_numbers<[1], [1], [0], [0], [0, 0, 1, 0], [], []>, transpose_lhs_hint = false} : vector<128x128xf32>, vector<64x128xf32>, vector<128x64xf32> -> vector<128x64xf32>
    %slice3A_1914 = vector.extract_strided_slice %dot_general3A_1913 {offsets = [0, 0], sizes = [64, 64], strides = [1, 1]} : vector<128x64xf32> to vector<64x64xf32>
    %swap3A_1915 = arith.constant 9344 : index
    %swap3A_1916 = arith.constant 0 : index
    %swap3A_1917 = vector.load %arg2[%swap3A_1915, %swap3A_1916] : memref<16384x128xf32, #tpu.memory_space<vmem>>, vector<64x64xf32>
    tpu.vector_store %arg2[%swap3A_1915, %swap3A_1916], %slice3A_1914 {strides = array<i32>} : memref<16384x128xf32, #tpu.memory_space<vmem>>, vector<64x64xf32>,
    %slice3A_1918 = vector.extract_strided_slice %dot_general3A_1913 {offsets = [64, 0], sizes = [64, 64], strides = [1, 1]} : vector<128x64xf32> to vector<64x64xf32>
    %swap3A_1919 = arith.constant 9344 : index
    %swap3A_1920 = arith.constant 64 : index
    %swap3A_1921 = vector.load %arg2[%swap3A_1919, %swap3A_1920] : memref<16384x128xf32, #tpu.memory_space<vmem>>, vector<64x64xf32>
    tpu.vector_store %arg2[%swap3A_1919, %swap3A_1920], %slice3A_1918 {strides = array<i32>} : memref<16384x128xf32, #tpu.memory_space<vmem>>, vector<64x64xf32>,
    %get3A_1922 = arith.constant 0 : index
    %get3A_1923 = arith.constant 18816 : index
    %get3A_1924 = vector.load %arg1[%get3A_1922, %get3A_1923] : memref<64x32768xf32, #tpu.memory_space<vmem>>, vector<64x128xf32>
    %dot_general3A_1925 = arith.constant dense<0.000000e+00> : vector<128x64xf32>
    %dot_general3A_1926 = tpu.matmul %convert_element_type3A_14, %get3A_1924, %dot_general3A_1925 {dimension_numbers = #tpu.dot_dimension_numbers<[1], [1], [0], [0], [0, 0, 1, 0], [], []>, transpose_lhs_hint = false} : vector<128x128xf32>, vector<64x128xf32>, vector<128x64xf32> -> vector<128x64xf32>
    %slice3A_1927 = vector.extract_strided_slice %dot_general3A_1926 {offsets = [0, 0], sizes = [64, 64], strides = [1, 1]} : vector<128x64xf32> to vector<64x64xf32>
    %swap3A_1928 = arith.constant 9408 : index
    %swap3A_1929 = arith.constant 0 : index
    %swap3A_1930 = vector.load %arg2[%swap3A_1928, %swap3A_1929] : memref<16384x128xf32, #tpu.memory_space<vmem>>, vector<64x64xf32>
    tpu.vector_store %arg2[%swap3A_1928, %swap3A_1929], %slice3A_1927 {strides = array<i32>} : memref<16384x128xf32, #tpu.memory_space<vmem>>, vector<64x64xf32>,
    %slice3A_1931 = vector.extract_strided_slice %dot_general3A_1926 {offsets = [64, 0], sizes = [64, 64], strides = [1, 1]} : vector<128x64xf32> to vector<64x64xf32>
    %swap3A_1932 = arith.constant 9408 : index
    %swap3A_1933 = arith.constant 64 : index
    %swap3A_1934 = vector.load %arg2[%swap3A_1932, %swap3A_1933] : memref<16384x128xf32, #tpu.memory_space<vmem>>, vector<64x64xf32>
    tpu.vector_store %arg2[%swap3A_1932, %swap3A_1933], %slice3A_1931 {strides = array<i32>} : memref<16384x128xf32, #tpu.memory_space<vmem>>, vector<64x64xf32>,
    %get3A_1935 = arith.constant 0 : index
    %get3A_1936 = arith.constant 18944 : index
    %get3A_1937 = vector.load %arg1[%get3A_1935, %get3A_1936] : memref<64x32768xf32, #tpu.memory_space<vmem>>, vector<64x128xf32>
    %dot_general3A_1938 = arith.constant dense<0.000000e+00> : vector<128x64xf32>
    %dot_general3A_1939 = tpu.matmul %convert_element_type3A_14, %get3A_1937, %dot_general3A_1938 {dimension_numbers = #tpu.dot_dimension_numbers<[1], [1], [0], [0], [0, 0, 1, 0], [], []>, transpose_lhs_hint = false} : vector<128x128xf32>, vector<64x128xf32>, vector<128x64xf32> -> vector<128x64xf32>
    %slice3A_1940 = vector.extract_strided_slice %dot_general3A_1939 {offsets = [0, 0], sizes = [64, 64], strides = [1, 1]} : vector<128x64xf32> to vector<64x64xf32>
    %swap3A_1941 = arith.constant 9472 : index
    %swap3A_1942 = arith.constant 0 : index
    %swap3A_1943 = vector.load %arg2[%swap3A_1941, %swap3A_1942] : memref<16384x128xf32, #tpu.memory_space<vmem>>, vector<64x64xf32>
    tpu.vector_store %arg2[%swap3A_1941, %swap3A_1942], %slice3A_1940 {strides = array<i32>} : memref<16384x128xf32, #tpu.memory_space<vmem>>, vector<64x64xf32>,
    %slice3A_1944 = vector.extract_strided_slice %dot_general3A_1939 {offsets = [64, 0], sizes = [64, 64], strides = [1, 1]} : vector<128x64xf32> to vector<64x64xf32>
    %swap3A_1945 = arith.constant 9472 : index
    %swap3A_1946 = arith.constant 64 : index
    %swap3A_1947 = vector.load %arg2[%swap3A_1945, %swap3A_1946] : memref<16384x128xf32, #tpu.memory_space<vmem>>, vector<64x64xf32>
    tpu.vector_store %arg2[%swap3A_1945, %swap3A_1946], %slice3A_1944 {strides = array<i32>} : memref<16384x128xf32, #tpu.memory_space<vmem>>, vector<64x64xf32>,
    %get3A_1948 = arith.constant 0 : index
    %get3A_1949 = arith.constant 19072 : index
    %get3A_1950 = vector.load %arg1[%get3A_1948, %get3A_1949] : memref<64x32768xf32, #tpu.memory_space<vmem>>, vector<64x128xf32>
    %dot_general3A_1951 = arith.constant dense<0.000000e+00> : vector<128x64xf32>
    %dot_general3A_1952 = tpu.matmul %convert_element_type3A_14, %get3A_1950, %dot_general3A_1951 {dimension_numbers = #tpu.dot_dimension_numbers<[1], [1], [0], [0], [0, 0, 1, 0], [], []>, transpose_lhs_hint = false} : vector<128x128xf32>, vector<64x128xf32>, vector<128x64xf32> -> vector<128x64xf32>
    %slice3A_1953 = vector.extract_strided_slice %dot_general3A_1952 {offsets = [0, 0], sizes = [64, 64], strides = [1, 1]} : vector<128x64xf32> to vector<64x64xf32>
    %swap3A_1954 = arith.constant 9536 : index
    %swap3A_1955 = arith.constant 0 : index
    %swap3A_1956 = vector.load %arg2[%swap3A_1954, %swap3A_1955] : memref<16384x128xf32, #tpu.memory_space<vmem>>, vector<64x64xf32>
    tpu.vector_store %arg2[%swap3A_1954, %swap3A_1955], %slice3A_1953 {strides = array<i32>} : memref<16384x128xf32, #tpu.memory_space<vmem>>, vector<64x64xf32>,
    %slice3A_1957 = vector.extract_strided_slice %dot_general3A_1952 {offsets = [64, 0], sizes = [64, 64], strides = [1, 1]} : vector<128x64xf32> to vector<64x64xf32>
    %swap3A_1958 = arith.constant 9536 : index
    %swap3A_1959 = arith.constant 64 : index
    %swap3A_1960 = vector.load %arg2[%swap3A_1958, %swap3A_1959] : memref<16384x128xf32, #tpu.memory_space<vmem>>, vector<64x64xf32>
    tpu.vector_store %arg2[%swap3A_1958, %swap3A_1959], %slice3A_1957 {strides = array<i32>} : memref<16384x128xf32, #tpu.memory_space<vmem>>, vector<64x64xf32>,
    %get3A_1961 = arith.constant 0 : index
    %get3A_1962 = arith.constant 19200 : index
    %get3A_1963 = vector.load %arg1[%get3A_1961, %get3A_1962] : memref<64x32768xf32, #tpu.memory_space<vmem>>, vector<64x128xf32>
    %dot_general3A_1964 = arith.constant dense<0.000000e+00> : vector<128x64xf32>
    %dot_general3A_1965 = tpu.matmul %convert_element_type3A_14, %get3A_1963, %dot_general3A_1964 {dimension_numbers = #tpu.dot_dimension_numbers<[1], [1], [0], [0], [0, 0, 1, 0], [], []>, transpose_lhs_hint = false} : vector<128x128xf32>, vector<64x128xf32>, vector<128x64xf32> -> vector<128x64xf32>
    %slice3A_1966 = vector.extract_strided_slice %dot_general3A_1965 {offsets = [0, 0], sizes = [64, 64], strides = [1, 1]} : vector<128x64xf32> to vector<64x64xf32>
    %swap3A_1967 = arith.constant 9600 : index
    %swap3A_1968 = arith.constant 0 : index
    %swap3A_1969 = vector.load %arg2[%swap3A_1967, %swap3A_1968] : memref<16384x128xf32, #tpu.memory_space<vmem>>, vector<64x64xf32>
    tpu.vector_store %arg2[%swap3A_1967, %swap3A_1968], %slice3A_1966 {strides = array<i32>} : memref<16384x128xf32, #tpu.memory_space<vmem>>, vector<64x64xf32>,
    %slice3A_1970 = vector.extract_strided_slice %dot_general3A_1965 {offsets = [64, 0], sizes = [64, 64], strides = [1, 1]} : vector<128x64xf32> to vector<64x64xf32>
    %swap3A_1971 = arith.constant 9600 : index
    %swap3A_1972 = arith.constant 64 : index
    %swap3A_1973 = vector.load %arg2[%swap3A_1971, %swap3A_1972] : memref<16384x128xf32, #tpu.memory_space<vmem>>, vector<64x64xf32>
    tpu.vector_store %arg2[%swap3A_1971, %swap3A_1972], %slice3A_1970 {strides = array<i32>} : memref<16384x128xf32, #tpu.memory_space<vmem>>, vector<64x64xf32>,
    %get3A_1974 = arith.constant 0 : index
    %get3A_1975 = arith.constant 19328 : index
    %get3A_1976 = vector.load %arg1[%get3A_1974, %get3A_1975] : memref<64x32768xf32, #tpu.memory_space<vmem>>, vector<64x128xf32>
    %dot_general3A_1977 = arith.constant dense<0.000000e+00> : vector<128x64xf32>
    %dot_general3A_1978 = tpu.matmul %convert_element_type3A_14, %get3A_1976, %dot_general3A_1977 {dimension_numbers = #tpu.dot_dimension_numbers<[1], [1], [0], [0], [0, 0, 1, 0], [], []>, transpose_lhs_hint = false} : vector<128x128xf32>, vector<64x128xf32>, vector<128x64xf32> -> vector<128x64xf32>
    %slice3A_1979 = vector.extract_strided_slice %dot_general3A_1978 {offsets = [0, 0], sizes = [64, 64], strides = [1, 1]} : vector<128x64xf32> to vector<64x64xf32>
    %swap3A_1980 = arith.constant 9664 : index
    %swap3A_1981 = arith.constant 0 : index
    %swap3A_1982 = vector.load %arg2[%swap3A_1980, %swap3A_1981] : memref<16384x128xf32, #tpu.memory_space<vmem>>, vector<64x64xf32>
    tpu.vector_store %arg2[%swap3A_1980, %swap3A_1981], %slice3A_1979 {strides = array<i32>} : memref<16384x128xf32, #tpu.memory_space<vmem>>, vector<64x64xf32>,
    %slice3A_1983 = vector.extract_strided_slice %dot_general3A_1978 {offsets = [64, 0], sizes = [64, 64], strides = [1, 1]} : vector<128x64xf32> to vector<64x64xf32>
    %swap3A_1984 = arith.constant 9664 : index
    %swap3A_1985 = arith.constant 64 : index
    %swap3A_1986 = vector.load %arg2[%swap3A_1984, %swap3A_1985] : memref<16384x128xf32, #tpu.memory_space<vmem>>, vector<64x64xf32>
    tpu.vector_store %arg2[%swap3A_1984, %swap3A_1985], %slice3A_1983 {strides = array<i32>} : memref<16384x128xf32, #tpu.memory_space<vmem>>, vector<64x64xf32>,
    %get3A_1987 = arith.constant 0 : index
    %get3A_1988 = arith.constant 19456 : index
    %get3A_1989 = vector.load %arg1[%get3A_1987, %get3A_1988] : memref<64x32768xf32, #tpu.memory_space<vmem>>, vector<64x128xf32>
    %dot_general3A_1990 = arith.constant dense<0.000000e+00> : vector<128x64xf32>
    %dot_general3A_1991 = tpu.matmul %convert_element_type3A_14, %get3A_1989, %dot_general3A_1990 {dimension_numbers = #tpu.dot_dimension_numbers<[1], [1], [0], [0], [0, 0, 1, 0], [], []>, transpose_lhs_hint = false} : vector<128x128xf32>, vector<64x128xf32>, vector<128x64xf32> -> vector<128x64xf32>
    %slice3A_1992 = vector.extract_strided_slice %dot_general3A_1991 {offsets = [0, 0], sizes = [64, 64], strides = [1, 1]} : vector<128x64xf32> to vector<64x64xf32>
    %swap3A_1993 = arith.constant 9728 : index
    %swap3A_1994 = arith.constant 0 : index
    %swap3A_1995 = vector.load %arg2[%swap3A_1993, %swap3A_1994] : memref<16384x128xf32, #tpu.memory_space<vmem>>, vector<64x64xf32>
    tpu.vector_store %arg2[%swap3A_1993, %swap3A_1994], %slice3A_1992 {strides = array<i32>} : memref<16384x128xf32, #tpu.memory_space<vmem>>, vector<64x64xf32>,
    %slice3A_1996 = vector.extract_strided_slice %dot_general3A_1991 {offsets = [64, 0], sizes = [64, 64], strides = [1, 1]} : vector<128x64xf32> to vector<64x64xf32>
    %swap3A_1997 = arith.constant 9728 : index
    %swap3A_1998 = arith.constant 64 : index
    %swap3A_1999 = vector.load %arg2[%swap3A_1997, %swap3A_1998] : memref<16384x128xf32, #tpu.memory_space<vmem>>, vector<64x64xf32>
    tpu.vector_store %arg2[%swap3A_1997, %swap3A_1998], %slice3A_1996 {strides = array<i32>} : memref<16384x128xf32, #tpu.memory_space<vmem>>, vector<64x64xf32>,
    %get3A_2000 = arith.constant 0 : index
    %get3A_2001 = arith.constant 19584 : index
    %get3A_2002 = vector.load %arg1[%get3A_2000, %get3A_2001] : memref<64x32768xf32, #tpu.memory_space<vmem>>, vector<64x128xf32>
    %dot_general3A_2003 = arith.constant dense<0.000000e+00> : vector<128x64xf32>
    %dot_general3A_2004 = tpu.matmul %convert_element_type3A_14, %get3A_2002, %dot_general3A_2003 {dimension_numbers = #tpu.dot_dimension_numbers<[1], [1], [0], [0], [0, 0, 1, 0], [], []>, transpose_lhs_hint = false} : vector<128x128xf32>, vector<64x128xf32>, vector<128x64xf32> -> vector<128x64xf32>
    %slice3A_2005 = vector.extract_strided_slice %dot_general3A_2004 {offsets = [0, 0], sizes = [64, 64], strides = [1, 1]} : vector<128x64xf32> to vector<64x64xf32>
    %swap3A_2006 = arith.constant 9792 : index
    %swap3A_2007 = arith.constant 0 : index
    %swap3A_2008 = vector.load %arg2[%swap3A_2006, %swap3A_2007] : memref<16384x128xf32, #tpu.memory_space<vmem>>, vector<64x64xf32>
    tpu.vector_store %arg2[%swap3A_2006, %swap3A_2007], %slice3A_2005 {strides = array<i32>} : memref<16384x128xf32, #tpu.memory_space<vmem>>, vector<64x64xf32>,
    %slice3A_2009 = vector.extract_strided_slice %dot_general3A_2004 {offsets = [64, 0], sizes = [64, 64], strides = [1, 1]} : vector<128x64xf32> to vector<64x64xf32>
    %swap3A_2010 = arith.constant 9792 : index
    %swap3A_2011 = arith.constant 64 : index
    %swap3A_2012 = vector.load %arg2[%swap3A_2010, %swap3A_2011] : memref<16384x128xf32, #tpu.memory_space<vmem>>, vector<64x64xf32>
    tpu.vector_store %arg2[%swap3A_2010, %swap3A_2011], %slice3A_2009 {strides = array<i32>} : memref<16384x128xf32, #tpu.memory_space<vmem>>, vector<64x64xf32>,
    %get3A_2013 = arith.constant 0 : index
    %get3A_2014 = arith.constant 19712 : index
    %get3A_2015 = vector.load %arg1[%get3A_2013, %get3A_2014] : memref<64x32768xf32, #tpu.memory_space<vmem>>, vector<64x128xf32>
    %dot_general3A_2016 = arith.constant dense<0.000000e+00> : vector<128x64xf32>
    %dot_general3A_2017 = tpu.matmul %convert_element_type3A_14, %get3A_2015, %dot_general3A_2016 {dimension_numbers = #tpu.dot_dimension_numbers<[1], [1], [0], [0], [0, 0, 1, 0], [], []>, transpose_lhs_hint = false} : vector<128x128xf32>, vector<64x128xf32>, vector<128x64xf32> -> vector<128x64xf32>
    %slice3A_2018 = vector.extract_strided_slice %dot_general3A_2017 {offsets = [0, 0], sizes = [64, 64], strides = [1, 1]} : vector<128x64xf32> to vector<64x64xf32>
    %swap3A_2019 = arith.constant 9856 : index
    %swap3A_2020 = arith.constant 0 : index
    %swap3A_2021 = vector.load %arg2[%swap3A_2019, %swap3A_2020] : memref<16384x128xf32, #tpu.memory_space<vmem>>, vector<64x64xf32>
    tpu.vector_store %arg2[%swap3A_2019, %swap3A_2020], %slice3A_2018 {strides = array<i32>} : memref<16384x128xf32, #tpu.memory_space<vmem>>, vector<64x64xf32>,
    %slice3A_2022 = vector.extract_strided_slice %dot_general3A_2017 {offsets = [64, 0], sizes = [64, 64], strides = [1, 1]} : vector<128x64xf32> to vector<64x64xf32>
    %swap3A_2023 = arith.constant 9856 : index
    %swap3A_2024 = arith.constant 64 : index
    %swap3A_2025 = vector.load %arg2[%swap3A_2023, %swap3A_2024] : memref<16384x128xf32, #tpu.memory_space<vmem>>, vector<64x64xf32>
    tpu.vector_store %arg2[%swap3A_2023, %swap3A_2024], %slice3A_2022 {strides = array<i32>} : memref<16384x128xf32, #tpu.memory_space<vmem>>, vector<64x64xf32>,
    %get3A_2026 = arith.constant 0 : index
    %get3A_2027 = arith.constant 19840 : index
    %get3A_2028 = vector.load %arg1[%get3A_2026, %get3A_2027] : memref<64x32768xf32, #tpu.memory_space<vmem>>, vector<64x128xf32>
    %dot_general3A_2029 = arith.constant dense<0.000000e+00> : vector<128x64xf32>
    %dot_general3A_2030 = tpu.matmul %convert_element_type3A_14, %get3A_2028, %dot_general3A_2029 {dimension_numbers = #tpu.dot_dimension_numbers<[1], [1], [0], [0], [0, 0, 1, 0], [], []>, transpose_lhs_hint = false} : vector<128x128xf32>, vector<64x128xf32>, vector<128x64xf32> -> vector<128x64xf32>
    %slice3A_2031 = vector.extract_strided_slice %dot_general3A_2030 {offsets = [0, 0], sizes = [64, 64], strides = [1, 1]} : vector<128x64xf32> to vector<64x64xf32>
    %swap3A_2032 = arith.constant 9920 : index
    %swap3A_2033 = arith.constant 0 : index
    %swap3A_2034 = vector.load %arg2[%swap3A_2032, %swap3A_2033] : memref<16384x128xf32, #tpu.memory_space<vmem>>, vector<64x64xf32>
    tpu.vector_store %arg2[%swap3A_2032, %swap3A_2033], %slice3A_2031 {strides = array<i32>} : memref<16384x128xf32, #tpu.memory_space<vmem>>, vector<64x64xf32>,
    %slice3A_2035 = vector.extract_strided_slice %dot_general3A_2030 {offsets = [64, 0], sizes = [64, 64], strides = [1, 1]} : vector<128x64xf32> to vector<64x64xf32>
    %swap3A_2036 = arith.constant 9920 : index
    %swap3A_2037 = arith.constant 64 : index
    %swap3A_2038 = vector.load %arg2[%swap3A_2036, %swap3A_2037] : memref<16384x128xf32, #tpu.memory_space<vmem>>, vector<64x64xf32>
    tpu.vector_store %arg2[%swap3A_2036, %swap3A_2037], %slice3A_2035 {strides = array<i32>} : memref<16384x128xf32, #tpu.memory_space<vmem>>, vector<64x64xf32>,
    %get3A_2039 = arith.constant 0 : index
    %get3A_2040 = arith.constant 19968 : index
    %get3A_2041 = vector.load %arg1[%get3A_2039, %get3A_2040] : memref<64x32768xf32, #tpu.memory_space<vmem>>, vector<64x128xf32>
    %dot_general3A_2042 = arith.constant dense<0.000000e+00> : vector<128x64xf32>
    %dot_general3A_2043 = tpu.matmul %convert_element_type3A_14, %get3A_2041, %dot_general3A_2042 {dimension_numbers = #tpu.dot_dimension_numbers<[1], [1], [0], [0], [0, 0, 1, 0], [], []>, transpose_lhs_hint = false} : vector<128x128xf32>, vector<64x128xf32>, vector<128x64xf32> -> vector<128x64xf32>
    %slice3A_2044 = vector.extract_strided_slice %dot_general3A_2043 {offsets = [0, 0], sizes = [64, 64], strides = [1, 1]} : vector<128x64xf32> to vector<64x64xf32>
    %swap3A_2045 = arith.constant 9984 : index
    %swap3A_2046 = arith.constant 0 : index
    %swap3A_2047 = vector.load %arg2[%swap3A_2045, %swap3A_2046] : memref<16384x128xf32, #tpu.memory_space<vmem>>, vector<64x64xf32>
    tpu.vector_store %arg2[%swap3A_2045, %swap3A_2046], %slice3A_2044 {strides = array<i32>} : memref<16384x128xf32, #tpu.memory_space<vmem>>, vector<64x64xf32>,
    %slice3A_2048 = vector.extract_strided_slice %dot_general3A_2043 {offsets = [64, 0], sizes = [64, 64], strides = [1, 1]} : vector<128x64xf32> to vector<64x64xf32>
    %swap3A_2049 = arith.constant 9984 : index
    %swap3A_2050 = arith.constant 64 : index
    %swap3A_2051 = vector.load %arg2[%swap3A_2049, %swap3A_2050] : memref<16384x128xf32, #tpu.memory_space<vmem>>, vector<64x64xf32>
    tpu.vector_store %arg2[%swap3A_2049, %swap3A_2050], %slice3A_2048 {strides = array<i32>} : memref<16384x128xf32, #tpu.memory_space<vmem>>, vector<64x64xf32>,
    %get3A_2052 = arith.constant 0 : index
    %get3A_2053 = arith.constant 20096 : index
    %get3A_2054 = vector.load %arg1[%get3A_2052, %get3A_2053] : memref<64x32768xf32, #tpu.memory_space<vmem>>, vector<64x128xf32>
    %dot_general3A_2055 = arith.constant dense<0.000000e+00> : vector<128x64xf32>
    %dot_general3A_2056 = tpu.matmul %convert_element_type3A_14, %get3A_2054, %dot_general3A_2055 {dimension_numbers = #tpu.dot_dimension_numbers<[1], [1], [0], [0], [0, 0, 1, 0], [], []>, transpose_lhs_hint = false} : vector<128x128xf32>, vector<64x128xf32>, vector<128x64xf32> -> vector<128x64xf32>
    %slice3A_2057 = vector.extract_strided_slice %dot_general3A_2056 {offsets = [0, 0], sizes = [64, 64], strides = [1, 1]} : vector<128x64xf32> to vector<64x64xf32>
    %swap3A_2058 = arith.constant 10048 : index
    %swap3A_2059 = arith.constant 0 : index
    %swap3A_2060 = vector.load %arg2[%swap3A_2058, %swap3A_2059] : memref<16384x128xf32, #tpu.memory_space<vmem>>, vector<64x64xf32>
    tpu.vector_store %arg2[%swap3A_2058, %swap3A_2059], %slice3A_2057 {strides = array<i32>} : memref<16384x128xf32, #tpu.memory_space<vmem>>, vector<64x64xf32>,
    %slice3A_2061 = vector.extract_strided_slice %dot_general3A_2056 {offsets = [64, 0], sizes = [64, 64], strides = [1, 1]} : vector<128x64xf32> to vector<64x64xf32>
    %swap3A_2062 = arith.constant 10048 : index
    %swap3A_2063 = arith.constant 64 : index
    %swap3A_2064 = vector.load %arg2[%swap3A_2062, %swap3A_2063] : memref<16384x128xf32, #tpu.memory_space<vmem>>, vector<64x64xf32>
    tpu.vector_store %arg2[%swap3A_2062, %swap3A_2063], %slice3A_2061 {strides = array<i32>} : memref<16384x128xf32, #tpu.memory_space<vmem>>, vector<64x64xf32>,
    %get3A_2065 = arith.constant 0 : index
    %get3A_2066 = arith.constant 20224 : index
    %get3A_2067 = vector.load %arg1[%get3A_2065, %get3A_2066] : memref<64x32768xf32, #tpu.memory_space<vmem>>, vector<64x128xf32>
    %dot_general3A_2068 = arith.constant dense<0.000000e+00> : vector<128x64xf32>
    %dot_general3A_2069 = tpu.matmul %convert_element_type3A_14, %get3A_2067, %dot_general3A_2068 {dimension_numbers = #tpu.dot_dimension_numbers<[1], [1], [0], [0], [0, 0, 1, 0], [], []>, transpose_lhs_hint = false} : vector<128x128xf32>, vector<64x128xf32>, vector<128x64xf32> -> vector<128x64xf32>
    %slice3A_2070 = vector.extract_strided_slice %dot_general3A_2069 {offsets = [0, 0], sizes = [64, 64], strides = [1, 1]} : vector<128x64xf32> to vector<64x64xf32>
    %swap3A_2071 = arith.constant 10112 : index
    %swap3A_2072 = arith.constant 0 : index
    %swap3A_2073 = vector.load %arg2[%swap3A_2071, %swap3A_2072] : memref<16384x128xf32, #tpu.memory_space<vmem>>, vector<64x64xf32>
    tpu.vector_store %arg2[%swap3A_2071, %swap3A_2072], %slice3A_2070 {strides = array<i32>} : memref<16384x128xf32, #tpu.memory_space<vmem>>, vector<64x64xf32>,
    %slice3A_2074 = vector.extract_strided_slice %dot_general3A_2069 {offsets = [64, 0], sizes = [64, 64], strides = [1, 1]} : vector<128x64xf32> to vector<64x64xf32>
    %swap3A_2075 = arith.constant 10112 : index
    %swap3A_2076 = arith.constant 64 : index
    %swap3A_2077 = vector.load %arg2[%swap3A_2075, %swap3A_2076] : memref<16384x128xf32, #tpu.memory_space<vmem>>, vector<64x64xf32>
    tpu.vector_store %arg2[%swap3A_2075, %swap3A_2076], %slice3A_2074 {strides = array<i32>} : memref<16384x128xf32, #tpu.memory_space<vmem>>, vector<64x64xf32>,
    %get3A_2078 = arith.constant 0 : index
    %get3A_2079 = arith.constant 20352 : index
    %get3A_2080 = vector.load %arg1[%get3A_2078, %get3A_2079] : memref<64x32768xf32, #tpu.memory_space<vmem>>, vector<64x128xf32>
    %dot_general3A_2081 = arith.constant dense<0.000000e+00> : vector<128x64xf32>
    %dot_general3A_2082 = tpu.matmul %convert_element_type3A_14, %get3A_2080, %dot_general3A_2081 {dimension_numbers = #tpu.dot_dimension_numbers<[1], [1], [0], [0], [0, 0, 1, 0], [], []>, transpose_lhs_hint = false} : vector<128x128xf32>, vector<64x128xf32>, vector<128x64xf32> -> vector<128x64xf32>
    %slice3A_2083 = vector.extract_strided_slice %dot_general3A_2082 {offsets = [0, 0], sizes = [64, 64], strides = [1, 1]} : vector<128x64xf32> to vector<64x64xf32>
    %swap3A_2084 = arith.constant 10176 : index
    %swap3A_2085 = arith.constant 0 : index
    %swap3A_2086 = vector.load %arg2[%swap3A_2084, %swap3A_2085] : memref<16384x128xf32, #tpu.memory_space<vmem>>, vector<64x64xf32>
    tpu.vector_store %arg2[%swap3A_2084, %swap3A_2085], %slice3A_2083 {strides = array<i32>} : memref<16384x128xf32, #tpu.memory_space<vmem>>, vector<64x64xf32>,
    %slice3A_2087 = vector.extract_strided_slice %dot_general3A_2082 {offsets = [64, 0], sizes = [64, 64], strides = [1, 1]} : vector<128x64xf32> to vector<64x64xf32>
    %swap3A_2088 = arith.constant 10176 : index
    %swap3A_2089 = arith.constant 64 : index
    %swap3A_2090 = vector.load %arg2[%swap3A_2088, %swap3A_2089] : memref<16384x128xf32, #tpu.memory_space<vmem>>, vector<64x64xf32>
    tpu.vector_store %arg2[%swap3A_2088, %swap3A_2089], %slice3A_2087 {strides = array<i32>} : memref<16384x128xf32, #tpu.memory_space<vmem>>, vector<64x64xf32>,
    %get3A_2091 = arith.constant 0 : index
    %get3A_2092 = arith.constant 20480 : index
    %get3A_2093 = vector.load %arg1[%get3A_2091, %get3A_2092] : memref<64x32768xf32, #tpu.memory_space<vmem>>, vector<64x128xf32>
    %dot_general3A_2094 = arith.constant dense<0.000000e+00> : vector<128x64xf32>
    %dot_general3A_2095 = tpu.matmul %convert_element_type3A_14, %get3A_2093, %dot_general3A_2094 {dimension_numbers = #tpu.dot_dimension_numbers<[1], [1], [0], [0], [0, 0, 1, 0], [], []>, transpose_lhs_hint = false} : vector<128x128xf32>, vector<64x128xf32>, vector<128x64xf32> -> vector<128x64xf32>
    %slice3A_2096 = vector.extract_strided_slice %dot_general3A_2095 {offsets = [0, 0], sizes = [64, 64], strides = [1, 1]} : vector<128x64xf32> to vector<64x64xf32>
    %swap3A_2097 = arith.constant 10240 : index
    %swap3A_2098 = arith.constant 0 : index
    %swap3A_2099 = vector.load %arg2[%swap3A_2097, %swap3A_2098] : memref<16384x128xf32, #tpu.memory_space<vmem>>, vector<64x64xf32>
    tpu.vector_store %arg2[%swap3A_2097, %swap3A_2098], %slice3A_2096 {strides = array<i32>} : memref<16384x128xf32, #tpu.memory_space<vmem>>, vector<64x64xf32>,
    %slice3A_2100 = vector.extract_strided_slice %dot_general3A_2095 {offsets = [64, 0], sizes = [64, 64], strides = [1, 1]} : vector<128x64xf32> to vector<64x64xf32>
    %swap3A_2101 = arith.constant 10240 : index
    %swap3A_2102 = arith.constant 64 : index
    %swap3A_2103 = vector.load %arg2[%swap3A_2101, %swap3A_2102] : memref<16384x128xf32, #tpu.memory_space<vmem>>, vector<64x64xf32>
    tpu.vector_store %arg2[%swap3A_2101, %swap3A_2102], %slice3A_2100 {strides = array<i32>} : memref<16384x128xf32, #tpu.memory_space<vmem>>, vector<64x64xf32>,
    %get3A_2104 = arith.constant 0 : index
    %get3A_2105 = arith.constant 20608 : index
    %get3A_2106 = vector.load %arg1[%get3A_2104, %get3A_2105] : memref<64x32768xf32, #tpu.memory_space<vmem>>, vector<64x128xf32>
    %dot_general3A_2107 = arith.constant dense<0.000000e+00> : vector<128x64xf32>
    %dot_general3A_2108 = tpu.matmul %convert_element_type3A_14, %get3A_2106, %dot_general3A_2107 {dimension_numbers = #tpu.dot_dimension_numbers<[1], [1], [0], [0], [0, 0, 1, 0], [], []>, transpose_lhs_hint = false} : vector<128x128xf32>, vector<64x128xf32>, vector<128x64xf32> -> vector<128x64xf32>
    %slice3A_2109 = vector.extract_strided_slice %dot_general3A_2108 {offsets = [0, 0], sizes = [64, 64], strides = [1, 1]} : vector<128x64xf32> to vector<64x64xf32>
    %swap3A_2110 = arith.constant 10304 : index
    %swap3A_2111 = arith.constant 0 : index
    %swap3A_2112 = vector.load %arg2[%swap3A_2110, %swap3A_2111] : memref<16384x128xf32, #tpu.memory_space<vmem>>, vector<64x64xf32>
    tpu.vector_store %arg2[%swap3A_2110, %swap3A_2111], %slice3A_2109 {strides = array<i32>} : memref<16384x128xf32, #tpu.memory_space<vmem>>, vector<64x64xf32>,
    %slice3A_2113 = vector.extract_strided_slice %dot_general3A_2108 {offsets = [64, 0], sizes = [64, 64], strides = [1, 1]} : vector<128x64xf32> to vector<64x64xf32>
    %swap3A_2114 = arith.constant 10304 : index
    %swap3A_2115 = arith.constant 64 : index
    %swap3A_2116 = vector.load %arg2[%swap3A_2114, %swap3A_2115] : memref<16384x128xf32, #tpu.memory_space<vmem>>, vector<64x64xf32>
    tpu.vector_store %arg2[%swap3A_2114, %swap3A_2115], %slice3A_2113 {strides = array<i32>} : memref<16384x128xf32, #tpu.memory_space<vmem>>, vector<64x64xf32>,
    %get3A_2117 = arith.constant 0 : index
    %get3A_2118 = arith.constant 20736 : index
    %get3A_2119 = vector.load %arg1[%get3A_2117, %get3A_2118] : memref<64x32768xf32, #tpu.memory_space<vmem>>, vector<64x128xf32>
    %dot_general3A_2120 = arith.constant dense<0.000000e+00> : vector<128x64xf32>
    %dot_general3A_2121 = tpu.matmul %convert_element_type3A_14, %get3A_2119, %dot_general3A_2120 {dimension_numbers = #tpu.dot_dimension_numbers<[1], [1], [0], [0], [0, 0, 1, 0], [], []>, transpose_lhs_hint = false} : vector<128x128xf32>, vector<64x128xf32>, vector<128x64xf32> -> vector<128x64xf32>
    %slice3A_2122 = vector.extract_strided_slice %dot_general3A_2121 {offsets = [0, 0], sizes = [64, 64], strides = [1, 1]} : vector<128x64xf32> to vector<64x64xf32>
    %swap3A_2123 = arith.constant 10368 : index
    %swap3A_2124 = arith.constant 0 : index
    %swap3A_2125 = vector.load %arg2[%swap3A_2123, %swap3A_2124] : memref<16384x128xf32, #tpu.memory_space<vmem>>, vector<64x64xf32>
    tpu.vector_store %arg2[%swap3A_2123, %swap3A_2124], %slice3A_2122 {strides = array<i32>} : memref<16384x128xf32, #tpu.memory_space<vmem>>, vector<64x64xf32>,
    %slice3A_2126 = vector.extract_strided_slice %dot_general3A_2121 {offsets = [64, 0], sizes = [64, 64], strides = [1, 1]} : vector<128x64xf32> to vector<64x64xf32>
    %swap3A_2127 = arith.constant 10368 : index
    %swap3A_2128 = arith.constant 64 : index
    %swap3A_2129 = vector.load %arg2[%swap3A_2127, %swap3A_2128] : memref<16384x128xf32, #tpu.memory_space<vmem>>, vector<64x64xf32>
    tpu.vector_store %arg2[%swap3A_2127, %swap3A_2128], %slice3A_2126 {strides = array<i32>} : memref<16384x128xf32, #tpu.memory_space<vmem>>, vector<64x64xf32>,
    %get3A_2130 = arith.constant 0 : index
    %get3A_2131 = arith.constant 20864 : index
    %get3A_2132 = vector.load %arg1[%get3A_2130, %get3A_2131] : memref<64x32768xf32, #tpu.memory_space<vmem>>, vector<64x128xf32>
    %dot_general3A_2133 = arith.constant dense<0.000000e+00> : vector<128x64xf32>
    %dot_general3A_2134 = tpu.matmul %convert_element_type3A_14, %get3A_2132, %dot_general3A_2133 {dimension_numbers = #tpu.dot_dimension_numbers<[1], [1], [0], [0], [0, 0, 1, 0], [], []>, transpose_lhs_hint = false} : vector<128x128xf32>, vector<64x128xf32>, vector<128x64xf32> -> vector<128x64xf32>
    %slice3A_2135 = vector.extract_strided_slice %dot_general3A_2134 {offsets = [0, 0], sizes = [64, 64], strides = [1, 1]} : vector<128x64xf32> to vector<64x64xf32>
    %swap3A_2136 = arith.constant 10432 : index
    %swap3A_2137 = arith.constant 0 : index
    %swap3A_2138 = vector.load %arg2[%swap3A_2136, %swap3A_2137] : memref<16384x128xf32, #tpu.memory_space<vmem>>, vector<64x64xf32>
    tpu.vector_store %arg2[%swap3A_2136, %swap3A_2137], %slice3A_2135 {strides = array<i32>} : memref<16384x128xf32, #tpu.memory_space<vmem>>, vector<64x64xf32>,
    %slice3A_2139 = vector.extract_strided_slice %dot_general3A_2134 {offsets = [64, 0], sizes = [64, 64], strides = [1, 1]} : vector<128x64xf32> to vector<64x64xf32>
    %swap3A_2140 = arith.constant 10432 : index
    %swap3A_2141 = arith.constant 64 : index
    %swap3A_2142 = vector.load %arg2[%swap3A_2140, %swap3A_2141] : memref<16384x128xf32, #tpu.memory_space<vmem>>, vector<64x64xf32>
    tpu.vector_store %arg2[%swap3A_2140, %swap3A_2141], %slice3A_2139 {strides = array<i32>} : memref<16384x128xf32, #tpu.memory_space<vmem>>, vector<64x64xf32>,
    %get3A_2143 = arith.constant 0 : index
    %get3A_2144 = arith.constant 20992 : index
    %get3A_2145 = vector.load %arg1[%get3A_2143, %get3A_2144] : memref<64x32768xf32, #tpu.memory_space<vmem>>, vector<64x128xf32>
    %dot_general3A_2146 = arith.constant dense<0.000000e+00> : vector<128x64xf32>
    %dot_general3A_2147 = tpu.matmul %convert_element_type3A_14, %get3A_2145, %dot_general3A_2146 {dimension_numbers = #tpu.dot_dimension_numbers<[1], [1], [0], [0], [0, 0, 1, 0], [], []>, transpose_lhs_hint = false} : vector<128x128xf32>, vector<64x128xf32>, vector<128x64xf32> -> vector<128x64xf32>
    %slice3A_2148 = vector.extract_strided_slice %dot_general3A_2147 {offsets = [0, 0], sizes = [64, 64], strides = [1, 1]} : vector<128x64xf32> to vector<64x64xf32>
    %swap3A_2149 = arith.constant 10496 : index
    %swap3A_2150 = arith.constant 0 : index
    %swap3A_2151 = vector.load %arg2[%swap3A_2149, %swap3A_2150] : memref<16384x128xf32, #tpu.memory_space<vmem>>, vector<64x64xf32>
    tpu.vector_store %arg2[%swap3A_2149, %swap3A_2150], %slice3A_2148 {strides = array<i32>} : memref<16384x128xf32, #tpu.memory_space<vmem>>, vector<64x64xf32>,
    %slice3A_2152 = vector.extract_strided_slice %dot_general3A_2147 {offsets = [64, 0], sizes = [64, 64], strides = [1, 1]} : vector<128x64xf32> to vector<64x64xf32>
    %swap3A_2153 = arith.constant 10496 : index
    %swap3A_2154 = arith.constant 64 : index
    %swap3A_2155 = vector.load %arg2[%swap3A_2153, %swap3A_2154] : memref<16384x128xf32, #tpu.memory_space<vmem>>, vector<64x64xf32>
    tpu.vector_store %arg2[%swap3A_2153, %swap3A_2154], %slice3A_2152 {strides = array<i32>} : memref<16384x128xf32, #tpu.memory_space<vmem>>, vector<64x64xf32>,
    %get3A_2156 = arith.constant 0 : index
    %get3A_2157 = arith.constant 21120 : index
    %get3A_2158 = vector.load %arg1[%get3A_2156, %get3A_2157] : memref<64x32768xf32, #tpu.memory_space<vmem>>, vector<64x128xf32>
    %dot_general3A_2159 = arith.constant dense<0.000000e+00> : vector<128x64xf32>
    %dot_general3A_2160 = tpu.matmul %convert_element_type3A_14, %get3A_2158, %dot_general3A_2159 {dimension_numbers = #tpu.dot_dimension_numbers<[1], [1], [0], [0], [0, 0, 1, 0], [], []>, transpose_lhs_hint = false} : vector<128x128xf32>, vector<64x128xf32>, vector<128x64xf32> -> vector<128x64xf32>
    %slice3A_2161 = vector.extract_strided_slice %dot_general3A_2160 {offsets = [0, 0], sizes = [64, 64], strides = [1, 1]} : vector<128x64xf32> to vector<64x64xf32>
    %swap3A_2162 = arith.constant 10560 : index
    %swap3A_2163 = arith.constant 0 : index
    %swap3A_2164 = vector.load %arg2[%swap3A_2162, %swap3A_2163] : memref<16384x128xf32, #tpu.memory_space<vmem>>, vector<64x64xf32>
    tpu.vector_store %arg2[%swap3A_2162, %swap3A_2163], %slice3A_2161 {strides = array<i32>} : memref<16384x128xf32, #tpu.memory_space<vmem>>, vector<64x64xf32>,
    %slice3A_2165 = vector.extract_strided_slice %dot_general3A_2160 {offsets = [64, 0], sizes = [64, 64], strides = [1, 1]} : vector<128x64xf32> to vector<64x64xf32>
    %swap3A_2166 = arith.constant 10560 : index
    %swap3A_2167 = arith.constant 64 : index
    %swap3A_2168 = vector.load %arg2[%swap3A_2166, %swap3A_2167] : memref<16384x128xf32, #tpu.memory_space<vmem>>, vector<64x64xf32>
    tpu.vector_store %arg2[%swap3A_2166, %swap3A_2167], %slice3A_2165 {strides = array<i32>} : memref<16384x128xf32, #tpu.memory_space<vmem>>, vector<64x64xf32>,
    %get3A_2169 = arith.constant 0 : index
    %get3A_2170 = arith.constant 21248 : index
    %get3A_2171 = vector.load %arg1[%get3A_2169, %get3A_2170] : memref<64x32768xf32, #tpu.memory_space<vmem>>, vector<64x128xf32>
    %dot_general3A_2172 = arith.constant dense<0.000000e+00> : vector<128x64xf32>
    %dot_general3A_2173 = tpu.matmul %convert_element_type3A_14, %get3A_2171, %dot_general3A_2172 {dimension_numbers = #tpu.dot_dimension_numbers<[1], [1], [0], [0], [0, 0, 1, 0], [], []>, transpose_lhs_hint = false} : vector<128x128xf32>, vector<64x128xf32>, vector<128x64xf32> -> vector<128x64xf32>
    %slice3A_2174 = vector.extract_strided_slice %dot_general3A_2173 {offsets = [0, 0], sizes = [64, 64], strides = [1, 1]} : vector<128x64xf32> to vector<64x64xf32>
    %swap3A_2175 = arith.constant 10624 : index
    %swap3A_2176 = arith.constant 0 : index
    %swap3A_2177 = vector.load %arg2[%swap3A_2175, %swap3A_2176] : memref<16384x128xf32, #tpu.memory_space<vmem>>, vector<64x64xf32>
    tpu.vector_store %arg2[%swap3A_2175, %swap3A_2176], %slice3A_2174 {strides = array<i32>} : memref<16384x128xf32, #tpu.memory_space<vmem>>, vector<64x64xf32>,
    %slice3A_2178 = vector.extract_strided_slice %dot_general3A_2173 {offsets = [64, 0], sizes = [64, 64], strides = [1, 1]} : vector<128x64xf32> to vector<64x64xf32>
    %swap3A_2179 = arith.constant 10624 : index
    %swap3A_2180 = arith.constant 64 : index
    %swap3A_2181 = vector.load %arg2[%swap3A_2179, %swap3A_2180] : memref<16384x128xf32, #tpu.memory_space<vmem>>, vector<64x64xf32>
    tpu.vector_store %arg2[%swap3A_2179, %swap3A_2180], %slice3A_2178 {strides = array<i32>} : memref<16384x128xf32, #tpu.memory_space<vmem>>, vector<64x64xf32>,
    %get3A_2182 = arith.constant 0 : index
    %get3A_2183 = arith.constant 21376 : index
    %get3A_2184 = vector.load %arg1[%get3A_2182, %get3A_2183] : memref<64x32768xf32, #tpu.memory_space<vmem>>, vector<64x128xf32>
    %dot_general3A_2185 = arith.constant dense<0.000000e+00> : vector<128x64xf32>
    %dot_general3A_2186 = tpu.matmul %convert_element_type3A_14, %get3A_2184, %dot_general3A_2185 {dimension_numbers = #tpu.dot_dimension_numbers<[1], [1], [0], [0], [0, 0, 1, 0], [], []>, transpose_lhs_hint = false} : vector<128x128xf32>, vector<64x128xf32>, vector<128x64xf32> -> vector<128x64xf32>
    %slice3A_2187 = vector.extract_strided_slice %dot_general3A_2186 {offsets = [0, 0], sizes = [64, 64], strides = [1, 1]} : vector<128x64xf32> to vector<64x64xf32>
    %swap3A_2188 = arith.constant 10688 : index
    %swap3A_2189 = arith.constant 0 : index
    %swap3A_2190 = vector.load %arg2[%swap3A_2188, %swap3A_2189] : memref<16384x128xf32, #tpu.memory_space<vmem>>, vector<64x64xf32>
    tpu.vector_store %arg2[%swap3A_2188, %swap3A_2189], %slice3A_2187 {strides = array<i32>} : memref<16384x128xf32, #tpu.memory_space<vmem>>, vector<64x64xf32>,
    %slice3A_2191 = vector.extract_strided_slice %dot_general3A_2186 {offsets = [64, 0], sizes = [64, 64], strides = [1, 1]} : vector<128x64xf32> to vector<64x64xf32>
    %swap3A_2192 = arith.constant 10688 : index
    %swap3A_2193 = arith.constant 64 : index
    %swap3A_2194 = vector.load %arg2[%swap3A_2192, %swap3A_2193] : memref<16384x128xf32, #tpu.memory_space<vmem>>, vector<64x64xf32>
    tpu.vector_store %arg2[%swap3A_2192, %swap3A_2193], %slice3A_2191 {strides = array<i32>} : memref<16384x128xf32, #tpu.memory_space<vmem>>, vector<64x64xf32>,
    %get3A_2195 = arith.constant 0 : index
    %get3A_2196 = arith.constant 21504 : index
    %get3A_2197 = vector.load %arg1[%get3A_2195, %get3A_2196] : memref<64x32768xf32, #tpu.memory_space<vmem>>, vector<64x128xf32>
    %dot_general3A_2198 = arith.constant dense<0.000000e+00> : vector<128x64xf32>
    %dot_general3A_2199 = tpu.matmul %convert_element_type3A_14, %get3A_2197, %dot_general3A_2198 {dimension_numbers = #tpu.dot_dimension_numbers<[1], [1], [0], [0], [0, 0, 1, 0], [], []>, transpose_lhs_hint = false} : vector<128x128xf32>, vector<64x128xf32>, vector<128x64xf32> -> vector<128x64xf32>
    %slice3A_2200 = vector.extract_strided_slice %dot_general3A_2199 {offsets = [0, 0], sizes = [64, 64], strides = [1, 1]} : vector<128x64xf32> to vector<64x64xf32>
    %swap3A_2201 = arith.constant 10752 : index
    %swap3A_2202 = arith.constant 0 : index
    %swap3A_2203 = vector.load %arg2[%swap3A_2201, %swap3A_2202] : memref<16384x128xf32, #tpu.memory_space<vmem>>, vector<64x64xf32>
    tpu.vector_store %arg2[%swap3A_2201, %swap3A_2202], %slice3A_2200 {strides = array<i32>} : memref<16384x128xf32, #tpu.memory_space<vmem>>, vector<64x64xf32>,
    %slice3A_2204 = vector.extract_strided_slice %dot_general3A_2199 {offsets = [64, 0], sizes = [64, 64], strides = [1, 1]} : vector<128x64xf32> to vector<64x64xf32>
    %swap3A_2205 = arith.constant 10752 : index
    %swap3A_2206 = arith.constant 64 : index
    %swap3A_2207 = vector.load %arg2[%swap3A_2205, %swap3A_2206] : memref<16384x128xf32, #tpu.memory_space<vmem>>, vector<64x64xf32>
    tpu.vector_store %arg2[%swap3A_2205, %swap3A_2206], %slice3A_2204 {strides = array<i32>} : memref<16384x128xf32, #tpu.memory_space<vmem>>, vector<64x64xf32>,
    %get3A_2208 = arith.constant 0 : index
    %get3A_2209 = arith.constant 21632 : index
    %get3A_2210 = vector.load %arg1[%get3A_2208, %get3A_2209] : memref<64x32768xf32, #tpu.memory_space<vmem>>, vector<64x128xf32>
    %dot_general3A_2211 = arith.constant dense<0.000000e+00> : vector<128x64xf32>
    %dot_general3A_2212 = tpu.matmul %convert_element_type3A_14, %get3A_2210, %dot_general3A_2211 {dimension_numbers = #tpu.dot_dimension_numbers<[1], [1], [0], [0], [0, 0, 1, 0], [], []>, transpose_lhs_hint = false} : vector<128x128xf32>, vector<64x128xf32>, vector<128x64xf32> -> vector<128x64xf32>
    %slice3A_2213 = vector.extract_strided_slice %dot_general3A_2212 {offsets = [0, 0], sizes = [64, 64], strides = [1, 1]} : vector<128x64xf32> to vector<64x64xf32>
    %swap3A_2214 = arith.constant 10816 : index
    %swap3A_2215 = arith.constant 0 : index
    %swap3A_2216 = vector.load %arg2[%swap3A_2214, %swap3A_2215] : memref<16384x128xf32, #tpu.memory_space<vmem>>, vector<64x64xf32>
    tpu.vector_store %arg2[%swap3A_2214, %swap3A_2215], %slice3A_2213 {strides = array<i32>} : memref<16384x128xf32, #tpu.memory_space<vmem>>, vector<64x64xf32>,
    %slice3A_2217 = vector.extract_strided_slice %dot_general3A_2212 {offsets = [64, 0], sizes = [64, 64], strides = [1, 1]} : vector<128x64xf32> to vector<64x64xf32>
    %swap3A_2218 = arith.constant 10816 : index
    %swap3A_2219 = arith.constant 64 : index
    %swap3A_2220 = vector.load %arg2[%swap3A_2218, %swap3A_2219] : memref<16384x128xf32, #tpu.memory_space<vmem>>, vector<64x64xf32>
    tpu.vector_store %arg2[%swap3A_2218, %swap3A_2219], %slice3A_2217 {strides = array<i32>} : memref<16384x128xf32, #tpu.memory_space<vmem>>, vector<64x64xf32>,
    %get3A_2221 = arith.constant 0 : index
    %get3A_2222 = arith.constant 21760 : index
    %get3A_2223 = vector.load %arg1[%get3A_2221, %get3A_2222] : memref<64x32768xf32, #tpu.memory_space<vmem>>, vector<64x128xf32>
    %dot_general3A_2224 = arith.constant dense<0.000000e+00> : vector<128x64xf32>
    %dot_general3A_2225 = tpu.matmul %convert_element_type3A_14, %get3A_2223, %dot_general3A_2224 {dimension_numbers = #tpu.dot_dimension_numbers<[1], [1], [0], [0], [0, 0, 1, 0], [], []>, transpose_lhs_hint = false} : vector<128x128xf32>, vector<64x128xf32>, vector<128x64xf32> -> vector<128x64xf32>
    %slice3A_2226 = vector.extract_strided_slice %dot_general3A_2225 {offsets = [0, 0], sizes = [64, 64], strides = [1, 1]} : vector<128x64xf32> to vector<64x64xf32>
    %swap3A_2227 = arith.constant 10880 : index
    %swap3A_2228 = arith.constant 0 : index
    %swap3A_2229 = vector.load %arg2[%swap3A_2227, %swap3A_2228] : memref<16384x128xf32, #tpu.memory_space<vmem>>, vector<64x64xf32>
    tpu.vector_store %arg2[%swap3A_2227, %swap3A_2228], %slice3A_2226 {strides = array<i32>} : memref<16384x128xf32, #tpu.memory_space<vmem>>, vector<64x64xf32>,
    %slice3A_2230 = vector.extract_strided_slice %dot_general3A_2225 {offsets = [64, 0], sizes = [64, 64], strides = [1, 1]} : vector<128x64xf32> to vector<64x64xf32>
    %swap3A_2231 = arith.constant 10880 : index
    %swap3A_2232 = arith.constant 64 : index
    %swap3A_2233 = vector.load %arg2[%swap3A_2231, %swap3A_2232] : memref<16384x128xf32, #tpu.memory_space<vmem>>, vector<64x64xf32>
    tpu.vector_store %arg2[%swap3A_2231, %swap3A_2232], %slice3A_2230 {strides = array<i32>} : memref<16384x128xf32, #tpu.memory_space<vmem>>, vector<64x64xf32>,
    %get3A_2234 = arith.constant 0 : index
    %get3A_2235 = arith.constant 21888 : index
    %get3A_2236 = vector.load %arg1[%get3A_2234, %get3A_2235] : memref<64x32768xf32, #tpu.memory_space<vmem>>, vector<64x128xf32>
    %dot_general3A_2237 = arith.constant dense<0.000000e+00> : vector<128x64xf32>
    %dot_general3A_2238 = tpu.matmul %convert_element_type3A_14, %get3A_2236, %dot_general3A_2237 {dimension_numbers = #tpu.dot_dimension_numbers<[1], [1], [0], [0], [0, 0, 1, 0], [], []>, transpose_lhs_hint = false} : vector<128x128xf32>, vector<64x128xf32>, vector<128x64xf32> -> vector<128x64xf32>
    %slice3A_2239 = vector.extract_strided_slice %dot_general3A_2238 {offsets = [0, 0], sizes = [64, 64], strides = [1, 1]} : vector<128x64xf32> to vector<64x64xf32>
    %swap3A_2240 = arith.constant 10944 : index
    %swap3A_2241 = arith.constant 0 : index
    %swap3A_2242 = vector.load %arg2[%swap3A_2240, %swap3A_2241] : memref<16384x128xf32, #tpu.memory_space<vmem>>, vector<64x64xf32>
    tpu.vector_store %arg2[%swap3A_2240, %swap3A_2241], %slice3A_2239 {strides = array<i32>} : memref<16384x128xf32, #tpu.memory_space<vmem>>, vector<64x64xf32>,
    %slice3A_2243 = vector.extract_strided_slice %dot_general3A_2238 {offsets = [64, 0], sizes = [64, 64], strides = [1, 1]} : vector<128x64xf32> to vector<64x64xf32>
    %swap3A_2244 = arith.constant 10944 : index
    %swap3A_2245 = arith.constant 64 : index
    %swap3A_2246 = vector.load %arg2[%swap3A_2244, %swap3A_2245] : memref<16384x128xf32, #tpu.memory_space<vmem>>, vector<64x64xf32>
    tpu.vector_store %arg2[%swap3A_2244, %swap3A_2245], %slice3A_2243 {strides = array<i32>} : memref<16384x128xf32, #tpu.memory_space<vmem>>, vector<64x64xf32>,
    %get3A_2247 = arith.constant 0 : index
    %get3A_2248 = arith.constant 22016 : index
    %get3A_2249 = vector.load %arg1[%get3A_2247, %get3A_2248] : memref<64x32768xf32, #tpu.memory_space<vmem>>, vector<64x128xf32>
    %dot_general3A_2250 = arith.constant dense<0.000000e+00> : vector<128x64xf32>
    %dot_general3A_2251 = tpu.matmul %convert_element_type3A_14, %get3A_2249, %dot_general3A_2250 {dimension_numbers = #tpu.dot_dimension_numbers<[1], [1], [0], [0], [0, 0, 1, 0], [], []>, transpose_lhs_hint = false} : vector<128x128xf32>, vector<64x128xf32>, vector<128x64xf32> -> vector<128x64xf32>
    %slice3A_2252 = vector.extract_strided_slice %dot_general3A_2251 {offsets = [0, 0], sizes = [64, 64], strides = [1, 1]} : vector<128x64xf32> to vector<64x64xf32>
    %swap3A_2253 = arith.constant 11008 : index
    %swap3A_2254 = arith.constant 0 : index
    %swap3A_2255 = vector.load %arg2[%swap3A_2253, %swap3A_2254] : memref<16384x128xf32, #tpu.memory_space<vmem>>, vector<64x64xf32>
    tpu.vector_store %arg2[%swap3A_2253, %swap3A_2254], %slice3A_2252 {strides = array<i32>} : memref<16384x128xf32, #tpu.memory_space<vmem>>, vector<64x64xf32>,
    %slice3A_2256 = vector.extract_strided_slice %dot_general3A_2251 {offsets = [64, 0], sizes = [64, 64], strides = [1, 1]} : vector<128x64xf32> to vector<64x64xf32>
    %swap3A_2257 = arith.constant 11008 : index
    %swap3A_2258 = arith.constant 64 : index
    %swap3A_2259 = vector.load %arg2[%swap3A_2257, %swap3A_2258] : memref<16384x128xf32, #tpu.memory_space<vmem>>, vector<64x64xf32>
    tpu.vector_store %arg2[%swap3A_2257, %swap3A_2258], %slice3A_2256 {strides = array<i32>} : memref<16384x128xf32, #tpu.memory_space<vmem>>, vector<64x64xf32>,
    %get3A_2260 = arith.constant 0 : index
    %get3A_2261 = arith.constant 22144 : index
    %get3A_2262 = vector.load %arg1[%get3A_2260, %get3A_2261] : memref<64x32768xf32, #tpu.memory_space<vmem>>, vector<64x128xf32>
    %dot_general3A_2263 = arith.constant dense<0.000000e+00> : vector<128x64xf32>
    %dot_general3A_2264 = tpu.matmul %convert_element_type3A_14, %get3A_2262, %dot_general3A_2263 {dimension_numbers = #tpu.dot_dimension_numbers<[1], [1], [0], [0], [0, 0, 1, 0], [], []>, transpose_lhs_hint = false} : vector<128x128xf32>, vector<64x128xf32>, vector<128x64xf32> -> vector<128x64xf32>
    %slice3A_2265 = vector.extract_strided_slice %dot_general3A_2264 {offsets = [0, 0], sizes = [64, 64], strides = [1, 1]} : vector<128x64xf32> to vector<64x64xf32>
    %swap3A_2266 = arith.constant 11072 : index
    %swap3A_2267 = arith.constant 0 : index
    %swap3A_2268 = vector.load %arg2[%swap3A_2266, %swap3A_2267] : memref<16384x128xf32, #tpu.memory_space<vmem>>, vector<64x64xf32>
    tpu.vector_store %arg2[%swap3A_2266, %swap3A_2267], %slice3A_2265 {strides = array<i32>} : memref<16384x128xf32, #tpu.memory_space<vmem>>, vector<64x64xf32>,
    %slice3A_2269 = vector.extract_strided_slice %dot_general3A_2264 {offsets = [64, 0], sizes = [64, 64], strides = [1, 1]} : vector<128x64xf32> to vector<64x64xf32>
    %swap3A_2270 = arith.constant 11072 : index
    %swap3A_2271 = arith.constant 64 : index
    %swap3A_2272 = vector.load %arg2[%swap3A_2270, %swap3A_2271] : memref<16384x128xf32, #tpu.memory_space<vmem>>, vector<64x64xf32>
    tpu.vector_store %arg2[%swap3A_2270, %swap3A_2271], %slice3A_2269 {strides = array<i32>} : memref<16384x128xf32, #tpu.memory_space<vmem>>, vector<64x64xf32>,
    %get3A_2273 = arith.constant 0 : index
    %get3A_2274 = arith.constant 22272 : index
    %get3A_2275 = vector.load %arg1[%get3A_2273, %get3A_2274] : memref<64x32768xf32, #tpu.memory_space<vmem>>, vector<64x128xf32>
    %dot_general3A_2276 = arith.constant dense<0.000000e+00> : vector<128x64xf32>
    %dot_general3A_2277 = tpu.matmul %convert_element_type3A_14, %get3A_2275, %dot_general3A_2276 {dimension_numbers = #tpu.dot_dimension_numbers<[1], [1], [0], [0], [0, 0, 1, 0], [], []>, transpose_lhs_hint = false} : vector<128x128xf32>, vector<64x128xf32>, vector<128x64xf32> -> vector<128x64xf32>
    %slice3A_2278 = vector.extract_strided_slice %dot_general3A_2277 {offsets = [0, 0], sizes = [64, 64], strides = [1, 1]} : vector<128x64xf32> to vector<64x64xf32>
    %swap3A_2279 = arith.constant 11136 : index
    %swap3A_2280 = arith.constant 0 : index
    %swap3A_2281 = vector.load %arg2[%swap3A_2279, %swap3A_2280] : memref<16384x128xf32, #tpu.memory_space<vmem>>, vector<64x64xf32>
    tpu.vector_store %arg2[%swap3A_2279, %swap3A_2280], %slice3A_2278 {strides = array<i32>} : memref<16384x128xf32, #tpu.memory_space<vmem>>, vector<64x64xf32>,
    %slice3A_2282 = vector.extract_strided_slice %dot_general3A_2277 {offsets = [64, 0], sizes = [64, 64], strides = [1, 1]} : vector<128x64xf32> to vector<64x64xf32>
    %swap3A_2283 = arith.constant 11136 : index
    %swap3A_2284 = arith.constant 64 : index
    %swap3A_2285 = vector.load %arg2[%swap3A_2283, %swap3A_2284] : memref<16384x128xf32, #tpu.memory_space<vmem>>, vector<64x64xf32>
    tpu.vector_store %arg2[%swap3A_2283, %swap3A_2284], %slice3A_2282 {strides = array<i32>} : memref<16384x128xf32, #tpu.memory_space<vmem>>, vector<64x64xf32>,
    %get3A_2286 = arith.constant 0 : index
    %get3A_2287 = arith.constant 22400 : index
    %get3A_2288 = vector.load %arg1[%get3A_2286, %get3A_2287] : memref<64x32768xf32, #tpu.memory_space<vmem>>, vector<64x128xf32>
    %dot_general3A_2289 = arith.constant dense<0.000000e+00> : vector<128x64xf32>
    %dot_general3A_2290 = tpu.matmul %convert_element_type3A_14, %get3A_2288, %dot_general3A_2289 {dimension_numbers = #tpu.dot_dimension_numbers<[1], [1], [0], [0], [0, 0, 1, 0], [], []>, transpose_lhs_hint = false} : vector<128x128xf32>, vector<64x128xf32>, vector<128x64xf32> -> vector<128x64xf32>
    %slice3A_2291 = vector.extract_strided_slice %dot_general3A_2290 {offsets = [0, 0], sizes = [64, 64], strides = [1, 1]} : vector<128x64xf32> to vector<64x64xf32>
    %swap3A_2292 = arith.constant 11200 : index
    %swap3A_2293 = arith.constant 0 : index
    %swap3A_2294 = vector.load %arg2[%swap3A_2292, %swap3A_2293] : memref<16384x128xf32, #tpu.memory_space<vmem>>, vector<64x64xf32>
    tpu.vector_store %arg2[%swap3A_2292, %swap3A_2293], %slice3A_2291 {strides = array<i32>} : memref<16384x128xf32, #tpu.memory_space<vmem>>, vector<64x64xf32>,
    %slice3A_2295 = vector.extract_strided_slice %dot_general3A_2290 {offsets = [64, 0], sizes = [64, 64], strides = [1, 1]} : vector<128x64xf32> to vector<64x64xf32>
    %swap3A_2296 = arith.constant 11200 : index
    %swap3A_2297 = arith.constant 64 : index
    %swap3A_2298 = vector.load %arg2[%swap3A_2296, %swap3A_2297] : memref<16384x128xf32, #tpu.memory_space<vmem>>, vector<64x64xf32>
    tpu.vector_store %arg2[%swap3A_2296, %swap3A_2297], %slice3A_2295 {strides = array<i32>} : memref<16384x128xf32, #tpu.memory_space<vmem>>, vector<64x64xf32>,
    %get3A_2299 = arith.constant 0 : index
    %get3A_2300 = arith.constant 22528 : index
    %get3A_2301 = vector.load %arg1[%get3A_2299, %get3A_2300] : memref<64x32768xf32, #tpu.memory_space<vmem>>, vector<64x128xf32>
    %dot_general3A_2302 = arith.constant dense<0.000000e+00> : vector<128x64xf32>
    %dot_general3A_2303 = tpu.matmul %convert_element_type3A_14, %get3A_2301, %dot_general3A_2302 {dimension_numbers = #tpu.dot_dimension_numbers<[1], [1], [0], [0], [0, 0, 1, 0], [], []>, transpose_lhs_hint = false} : vector<128x128xf32>, vector<64x128xf32>, vector<128x64xf32> -> vector<128x64xf32>
    %slice3A_2304 = vector.extract_strided_slice %dot_general3A_2303 {offsets = [0, 0], sizes = [64, 64], strides = [1, 1]} : vector<128x64xf32> to vector<64x64xf32>
    %swap3A_2305 = arith.constant 11264 : index
    %swap3A_2306 = arith.constant 0 : index
    %swap3A_2307 = vector.load %arg2[%swap3A_2305, %swap3A_2306] : memref<16384x128xf32, #tpu.memory_space<vmem>>, vector<64x64xf32>
    tpu.vector_store %arg2[%swap3A_2305, %swap3A_2306], %slice3A_2304 {strides = array<i32>} : memref<16384x128xf32, #tpu.memory_space<vmem>>, vector<64x64xf32>,
    %slice3A_2308 = vector.extract_strided_slice %dot_general3A_2303 {offsets = [64, 0], sizes = [64, 64], strides = [1, 1]} : vector<128x64xf32> to vector<64x64xf32>
    %swap3A_2309 = arith.constant 11264 : index
    %swap3A_2310 = arith.constant 64 : index
    %swap3A_2311 = vector.load %arg2[%swap3A_2309, %swap3A_2310] : memref<16384x128xf32, #tpu.memory_space<vmem>>, vector<64x64xf32>
    tpu.vector_store %arg2[%swap3A_2309, %swap3A_2310], %slice3A_2308 {strides = array<i32>} : memref<16384x128xf32, #tpu.memory_space<vmem>>, vector<64x64xf32>,
    %get3A_2312 = arith.constant 0 : index
    %get3A_2313 = arith.constant 22656 : index
    %get3A_2314 = vector.load %arg1[%get3A_2312, %get3A_2313] : memref<64x32768xf32, #tpu.memory_space<vmem>>, vector<64x128xf32>
    %dot_general3A_2315 = arith.constant dense<0.000000e+00> : vector<128x64xf32>
    %dot_general3A_2316 = tpu.matmul %convert_element_type3A_14, %get3A_2314, %dot_general3A_2315 {dimension_numbers = #tpu.dot_dimension_numbers<[1], [1], [0], [0], [0, 0, 1, 0], [], []>, transpose_lhs_hint = false} : vector<128x128xf32>, vector<64x128xf32>, vector<128x64xf32> -> vector<128x64xf32>
    %slice3A_2317 = vector.extract_strided_slice %dot_general3A_2316 {offsets = [0, 0], sizes = [64, 64], strides = [1, 1]} : vector<128x64xf32> to vector<64x64xf32>
    %swap3A_2318 = arith.constant 11328 : index
    %swap3A_2319 = arith.constant 0 : index
    %swap3A_2320 = vector.load %arg2[%swap3A_2318, %swap3A_2319] : memref<16384x128xf32, #tpu.memory_space<vmem>>, vector<64x64xf32>
    tpu.vector_store %arg2[%swap3A_2318, %swap3A_2319], %slice3A_2317 {strides = array<i32>} : memref<16384x128xf32, #tpu.memory_space<vmem>>, vector<64x64xf32>,
    %slice3A_2321 = vector.extract_strided_slice %dot_general3A_2316 {offsets = [64, 0], sizes = [64, 64], strides = [1, 1]} : vector<128x64xf32> to vector<64x64xf32>
    %swap3A_2322 = arith.constant 11328 : index
    %swap3A_2323 = arith.constant 64 : index
    %swap3A_2324 = vector.load %arg2[%swap3A_2322, %swap3A_2323] : memref<16384x128xf32, #tpu.memory_space<vmem>>, vector<64x64xf32>
    tpu.vector_store %arg2[%swap3A_2322, %swap3A_2323], %slice3A_2321 {strides = array<i32>} : memref<16384x128xf32, #tpu.memory_space<vmem>>, vector<64x64xf32>,
    %get3A_2325 = arith.constant 0 : index
    %get3A_2326 = arith.constant 22784 : index
    %get3A_2327 = vector.load %arg1[%get3A_2325, %get3A_2326] : memref<64x32768xf32, #tpu.memory_space<vmem>>, vector<64x128xf32>
    %dot_general3A_2328 = arith.constant dense<0.000000e+00> : vector<128x64xf32>
    %dot_general3A_2329 = tpu.matmul %convert_element_type3A_14, %get3A_2327, %dot_general3A_2328 {dimension_numbers = #tpu.dot_dimension_numbers<[1], [1], [0], [0], [0, 0, 1, 0], [], []>, transpose_lhs_hint = false} : vector<128x128xf32>, vector<64x128xf32>, vector<128x64xf32> -> vector<128x64xf32>
    %slice3A_2330 = vector.extract_strided_slice %dot_general3A_2329 {offsets = [0, 0], sizes = [64, 64], strides = [1, 1]} : vector<128x64xf32> to vector<64x64xf32>
    %swap3A_2331 = arith.constant 11392 : index
    %swap3A_2332 = arith.constant 0 : index
    %swap3A_2333 = vector.load %arg2[%swap3A_2331, %swap3A_2332] : memref<16384x128xf32, #tpu.memory_space<vmem>>, vector<64x64xf32>
    tpu.vector_store %arg2[%swap3A_2331, %swap3A_2332], %slice3A_2330 {strides = array<i32>} : memref<16384x128xf32, #tpu.memory_space<vmem>>, vector<64x64xf32>,
    %slice3A_2334 = vector.extract_strided_slice %dot_general3A_2329 {offsets = [64, 0], sizes = [64, 64], strides = [1, 1]} : vector<128x64xf32> to vector<64x64xf32>
    %swap3A_2335 = arith.constant 11392 : index
    %swap3A_2336 = arith.constant 64 : index
    %swap3A_2337 = vector.load %arg2[%swap3A_2335, %swap3A_2336] : memref<16384x128xf32, #tpu.memory_space<vmem>>, vector<64x64xf32>
    tpu.vector_store %arg2[%swap3A_2335, %swap3A_2336], %slice3A_2334 {strides = array<i32>} : memref<16384x128xf32, #tpu.memory_space<vmem>>, vector<64x64xf32>,
    %get3A_2338 = arith.constant 0 : index
    %get3A_2339 = arith.constant 22912 : index
    %get3A_2340 = vector.load %arg1[%get3A_2338, %get3A_2339] : memref<64x32768xf32, #tpu.memory_space<vmem>>, vector<64x128xf32>
    %dot_general3A_2341 = arith.constant dense<0.000000e+00> : vector<128x64xf32>
    %dot_general3A_2342 = tpu.matmul %convert_element_type3A_14, %get3A_2340, %dot_general3A_2341 {dimension_numbers = #tpu.dot_dimension_numbers<[1], [1], [0], [0], [0, 0, 1, 0], [], []>, transpose_lhs_hint = false} : vector<128x128xf32>, vector<64x128xf32>, vector<128x64xf32> -> vector<128x64xf32>
    %slice3A_2343 = vector.extract_strided_slice %dot_general3A_2342 {offsets = [0, 0], sizes = [64, 64], strides = [1, 1]} : vector<128x64xf32> to vector<64x64xf32>
    %swap3A_2344 = arith.constant 11456 : index
    %swap3A_2345 = arith.constant 0 : index
    %swap3A_2346 = vector.load %arg2[%swap3A_2344, %swap3A_2345] : memref<16384x128xf32, #tpu.memory_space<vmem>>, vector<64x64xf32>
    tpu.vector_store %arg2[%swap3A_2344, %swap3A_2345], %slice3A_2343 {strides = array<i32>} : memref<16384x128xf32, #tpu.memory_space<vmem>>, vector<64x64xf32>,
    %slice3A_2347 = vector.extract_strided_slice %dot_general3A_2342 {offsets = [64, 0], sizes = [64, 64], strides = [1, 1]} : vector<128x64xf32> to vector<64x64xf32>
    %swap3A_2348 = arith.constant 11456 : index
    %swap3A_2349 = arith.constant 64 : index
    %swap3A_2350 = vector.load %arg2[%swap3A_2348, %swap3A_2349] : memref<16384x128xf32, #tpu.memory_space<vmem>>, vector<64x64xf32>
    tpu.vector_store %arg2[%swap3A_2348, %swap3A_2349], %slice3A_2347 {strides = array<i32>} : memref<16384x128xf32, #tpu.memory_space<vmem>>, vector<64x64xf32>,
    %get3A_2351 = arith.constant 0 : index
    %get3A_2352 = arith.constant 23040 : index
    %get3A_2353 = vector.load %arg1[%get3A_2351, %get3A_2352] : memref<64x32768xf32, #tpu.memory_space<vmem>>, vector<64x128xf32>
    %dot_general3A_2354 = arith.constant dense<0.000000e+00> : vector<128x64xf32>
    %dot_general3A_2355 = tpu.matmul %convert_element_type3A_14, %get3A_2353, %dot_general3A_2354 {dimension_numbers = #tpu.dot_dimension_numbers<[1], [1], [0], [0], [0, 0, 1, 0], [], []>, transpose_lhs_hint = false} : vector<128x128xf32>, vector<64x128xf32>, vector<128x64xf32> -> vector<128x64xf32>
    %slice3A_2356 = vector.extract_strided_slice %dot_general3A_2355 {offsets = [0, 0], sizes = [64, 64], strides = [1, 1]} : vector<128x64xf32> to vector<64x64xf32>
    %swap3A_2357 = arith.constant 11520 : index
    %swap3A_2358 = arith.constant 0 : index
    %swap3A_2359 = vector.load %arg2[%swap3A_2357, %swap3A_2358] : memref<16384x128xf32, #tpu.memory_space<vmem>>, vector<64x64xf32>
    tpu.vector_store %arg2[%swap3A_2357, %swap3A_2358], %slice3A_2356 {strides = array<i32>} : memref<16384x128xf32, #tpu.memory_space<vmem>>, vector<64x64xf32>,
    %slice3A_2360 = vector.extract_strided_slice %dot_general3A_2355 {offsets = [64, 0], sizes = [64, 64], strides = [1, 1]} : vector<128x64xf32> to vector<64x64xf32>
    %swap3A_2361 = arith.constant 11520 : index
    %swap3A_2362 = arith.constant 64 : index
    %swap3A_2363 = vector.load %arg2[%swap3A_2361, %swap3A_2362] : memref<16384x128xf32, #tpu.memory_space<vmem>>, vector<64x64xf32>
    tpu.vector_store %arg2[%swap3A_2361, %swap3A_2362], %slice3A_2360 {strides = array<i32>} : memref<16384x128xf32, #tpu.memory_space<vmem>>, vector<64x64xf32>,
    %get3A_2364 = arith.constant 0 : index
    %get3A_2365 = arith.constant 23168 : index
    %get3A_2366 = vector.load %arg1[%get3A_2364, %get3A_2365] : memref<64x32768xf32, #tpu.memory_space<vmem>>, vector<64x128xf32>
    %dot_general3A_2367 = arith.constant dense<0.000000e+00> : vector<128x64xf32>
    %dot_general3A_2368 = tpu.matmul %convert_element_type3A_14, %get3A_2366, %dot_general3A_2367 {dimension_numbers = #tpu.dot_dimension_numbers<[1], [1], [0], [0], [0, 0, 1, 0], [], []>, transpose_lhs_hint = false} : vector<128x128xf32>, vector<64x128xf32>, vector<128x64xf32> -> vector<128x64xf32>
    %slice3A_2369 = vector.extract_strided_slice %dot_general3A_2368 {offsets = [0, 0], sizes = [64, 64], strides = [1, 1]} : vector<128x64xf32> to vector<64x64xf32>
    %swap3A_2370 = arith.constant 11584 : index
    %swap3A_2371 = arith.constant 0 : index
    %swap3A_2372 = vector.load %arg2[%swap3A_2370, %swap3A_2371] : memref<16384x128xf32, #tpu.memory_space<vmem>>, vector<64x64xf32>
    tpu.vector_store %arg2[%swap3A_2370, %swap3A_2371], %slice3A_2369 {strides = array<i32>} : memref<16384x128xf32, #tpu.memory_space<vmem>>, vector<64x64xf32>,
    %slice3A_2373 = vector.extract_strided_slice %dot_general3A_2368 {offsets = [64, 0], sizes = [64, 64], strides = [1, 1]} : vector<128x64xf32> to vector<64x64xf32>
    %swap3A_2374 = arith.constant 11584 : index
    %swap3A_2375 = arith.constant 64 : index
    %swap3A_2376 = vector.load %arg2[%swap3A_2374, %swap3A_2375] : memref<16384x128xf32, #tpu.memory_space<vmem>>, vector<64x64xf32>
    tpu.vector_store %arg2[%swap3A_2374, %swap3A_2375], %slice3A_2373 {strides = array<i32>} : memref<16384x128xf32, #tpu.memory_space<vmem>>, vector<64x64xf32>,
    %get3A_2377 = arith.constant 0 : index
    %get3A_2378 = arith.constant 23296 : index
    %get3A_2379 = vector.load %arg1[%get3A_2377, %get3A_2378] : memref<64x32768xf32, #tpu.memory_space<vmem>>, vector<64x128xf32>
    %dot_general3A_2380 = arith.constant dense<0.000000e+00> : vector<128x64xf32>
    %dot_general3A_2381 = tpu.matmul %convert_element_type3A_14, %get3A_2379, %dot_general3A_2380 {dimension_numbers = #tpu.dot_dimension_numbers<[1], [1], [0], [0], [0, 0, 1, 0], [], []>, transpose_lhs_hint = false} : vector<128x128xf32>, vector<64x128xf32>, vector<128x64xf32> -> vector<128x64xf32>
    %slice3A_2382 = vector.extract_strided_slice %dot_general3A_2381 {offsets = [0, 0], sizes = [64, 64], strides = [1, 1]} : vector<128x64xf32> to vector<64x64xf32>
    %swap3A_2383 = arith.constant 11648 : index
    %swap3A_2384 = arith.constant 0 : index
    %swap3A_2385 = vector.load %arg2[%swap3A_2383, %swap3A_2384] : memref<16384x128xf32, #tpu.memory_space<vmem>>, vector<64x64xf32>
    tpu.vector_store %arg2[%swap3A_2383, %swap3A_2384], %slice3A_2382 {strides = array<i32>} : memref<16384x128xf32, #tpu.memory_space<vmem>>, vector<64x64xf32>,
    %slice3A_2386 = vector.extract_strided_slice %dot_general3A_2381 {offsets = [64, 0], sizes = [64, 64], strides = [1, 1]} : vector<128x64xf32> to vector<64x64xf32>
    %swap3A_2387 = arith.constant 11648 : index
    %swap3A_2388 = arith.constant 64 : index
    %swap3A_2389 = vector.load %arg2[%swap3A_2387, %swap3A_2388] : memref<16384x128xf32, #tpu.memory_space<vmem>>, vector<64x64xf32>
    tpu.vector_store %arg2[%swap3A_2387, %swap3A_2388], %slice3A_2386 {strides = array<i32>} : memref<16384x128xf32, #tpu.memory_space<vmem>>, vector<64x64xf32>,
    %get3A_2390 = arith.constant 0 : index
    %get3A_2391 = arith.constant 23424 : index
    %get3A_2392 = vector.load %arg1[%get3A_2390, %get3A_2391] : memref<64x32768xf32, #tpu.memory_space<vmem>>, vector<64x128xf32>
    %dot_general3A_2393 = arith.constant dense<0.000000e+00> : vector<128x64xf32>
    %dot_general3A_2394 = tpu.matmul %convert_element_type3A_14, %get3A_2392, %dot_general3A_2393 {dimension_numbers = #tpu.dot_dimension_numbers<[1], [1], [0], [0], [0, 0, 1, 0], [], []>, transpose_lhs_hint = false} : vector<128x128xf32>, vector<64x128xf32>, vector<128x64xf32> -> vector<128x64xf32>
    %slice3A_2395 = vector.extract_strided_slice %dot_general3A_2394 {offsets = [0, 0], sizes = [64, 64], strides = [1, 1]} : vector<128x64xf32> to vector<64x64xf32>
    %swap3A_2396 = arith.constant 11712 : index
    %swap3A_2397 = arith.constant 0 : index
    %swap3A_2398 = vector.load %arg2[%swap3A_2396, %swap3A_2397] : memref<16384x128xf32, #tpu.memory_space<vmem>>, vector<64x64xf32>
    tpu.vector_store %arg2[%swap3A_2396, %swap3A_2397], %slice3A_2395 {strides = array<i32>} : memref<16384x128xf32, #tpu.memory_space<vmem>>, vector<64x64xf32>,
    %slice3A_2399 = vector.extract_strided_slice %dot_general3A_2394 {offsets = [64, 0], sizes = [64, 64], strides = [1, 1]} : vector<128x64xf32> to vector<64x64xf32>
    %swap3A_2400 = arith.constant 11712 : index
    %swap3A_2401 = arith.constant 64 : index
    %swap3A_2402 = vector.load %arg2[%swap3A_2400, %swap3A_2401] : memref<16384x128xf32, #tpu.memory_space<vmem>>, vector<64x64xf32>
    tpu.vector_store %arg2[%swap3A_2400, %swap3A_2401], %slice3A_2399 {strides = array<i32>} : memref<16384x128xf32, #tpu.memory_space<vmem>>, vector<64x64xf32>,
    %get3A_2403 = arith.constant 0 : index
    %get3A_2404 = arith.constant 23552 : index
    %get3A_2405 = vector.load %arg1[%get3A_2403, %get3A_2404] : memref<64x32768xf32, #tpu.memory_space<vmem>>, vector<64x128xf32>
    %dot_general3A_2406 = arith.constant dense<0.000000e+00> : vector<128x64xf32>
    %dot_general3A_2407 = tpu.matmul %convert_element_type3A_14, %get3A_2405, %dot_general3A_2406 {dimension_numbers = #tpu.dot_dimension_numbers<[1], [1], [0], [0], [0, 0, 1, 0], [], []>, transpose_lhs_hint = false} : vector<128x128xf32>, vector<64x128xf32>, vector<128x64xf32> -> vector<128x64xf32>
    %slice3A_2408 = vector.extract_strided_slice %dot_general3A_2407 {offsets = [0, 0], sizes = [64, 64], strides = [1, 1]} : vector<128x64xf32> to vector<64x64xf32>
    %swap3A_2409 = arith.constant 11776 : index
    %swap3A_2410 = arith.constant 0 : index
    %swap3A_2411 = vector.load %arg2[%swap3A_2409, %swap3A_2410] : memref<16384x128xf32, #tpu.memory_space<vmem>>, vector<64x64xf32>
    tpu.vector_store %arg2[%swap3A_2409, %swap3A_2410], %slice3A_2408 {strides = array<i32>} : memref<16384x128xf32, #tpu.memory_space<vmem>>, vector<64x64xf32>,
    %slice3A_2412 = vector.extract_strided_slice %dot_general3A_2407 {offsets = [64, 0], sizes = [64, 64], strides = [1, 1]} : vector<128x64xf32> to vector<64x64xf32>
    %swap3A_2413 = arith.constant 11776 : index
    %swap3A_2414 = arith.constant 64 : index
    %swap3A_2415 = vector.load %arg2[%swap3A_2413, %swap3A_2414] : memref<16384x128xf32, #tpu.memory_space<vmem>>, vector<64x64xf32>
    tpu.vector_store %arg2[%swap3A_2413, %swap3A_2414], %slice3A_2412 {strides = array<i32>} : memref<16384x128xf32, #tpu.memory_space<vmem>>, vector<64x64xf32>,
    %get3A_2416 = arith.constant 0 : index
    %get3A_2417 = arith.constant 23680 : index
    %get3A_2418 = vector.load %arg1[%get3A_2416, %get3A_2417] : memref<64x32768xf32, #tpu.memory_space<vmem>>, vector<64x128xf32>
    %dot_general3A_2419 = arith.constant dense<0.000000e+00> : vector<128x64xf32>
    %dot_general3A_2420 = tpu.matmul %convert_element_type3A_14, %get3A_2418, %dot_general3A_2419 {dimension_numbers = #tpu.dot_dimension_numbers<[1], [1], [0], [0], [0, 0, 1, 0], [], []>, transpose_lhs_hint = false} : vector<128x128xf32>, vector<64x128xf32>, vector<128x64xf32> -> vector<128x64xf32>
    %slice3A_2421 = vector.extract_strided_slice %dot_general3A_2420 {offsets = [0, 0], sizes = [64, 64], strides = [1, 1]} : vector<128x64xf32> to vector<64x64xf32>
    %swap3A_2422 = arith.constant 11840 : index
    %swap3A_2423 = arith.constant 0 : index
    %swap3A_2424 = vector.load %arg2[%swap3A_2422, %swap3A_2423] : memref<16384x128xf32, #tpu.memory_space<vmem>>, vector<64x64xf32>
    tpu.vector_store %arg2[%swap3A_2422, %swap3A_2423], %slice3A_2421 {strides = array<i32>} : memref<16384x128xf32, #tpu.memory_space<vmem>>, vector<64x64xf32>,
    %slice3A_2425 = vector.extract_strided_slice %dot_general3A_2420 {offsets = [64, 0], sizes = [64, 64], strides = [1, 1]} : vector<128x64xf32> to vector<64x64xf32>
    %swap3A_2426 = arith.constant 11840 : index
    %swap3A_2427 = arith.constant 64 : index
    %swap3A_2428 = vector.load %arg2[%swap3A_2426, %swap3A_2427] : memref<16384x128xf32, #tpu.memory_space<vmem>>, vector<64x64xf32>
    tpu.vector_store %arg2[%swap3A_2426, %swap3A_2427], %slice3A_2425 {strides = array<i32>} : memref<16384x128xf32, #tpu.memory_space<vmem>>, vector<64x64xf32>,
    %get3A_2429 = arith.constant 0 : index
    %get3A_2430 = arith.constant 23808 : index
    %get3A_2431 = vector.load %arg1[%get3A_2429, %get3A_2430] : memref<64x32768xf32, #tpu.memory_space<vmem>>, vector<64x128xf32>
    %dot_general3A_2432 = arith.constant dense<0.000000e+00> : vector<128x64xf32>
    %dot_general3A_2433 = tpu.matmul %convert_element_type3A_14, %get3A_2431, %dot_general3A_2432 {dimension_numbers = #tpu.dot_dimension_numbers<[1], [1], [0], [0], [0, 0, 1, 0], [], []>, transpose_lhs_hint = false} : vector<128x128xf32>, vector<64x128xf32>, vector<128x64xf32> -> vector<128x64xf32>
    %slice3A_2434 = vector.extract_strided_slice %dot_general3A_2433 {offsets = [0, 0], sizes = [64, 64], strides = [1, 1]} : vector<128x64xf32> to vector<64x64xf32>
    %swap3A_2435 = arith.constant 11904 : index
    %swap3A_2436 = arith.constant 0 : index
    %swap3A_2437 = vector.load %arg2[%swap3A_2435, %swap3A_2436] : memref<16384x128xf32, #tpu.memory_space<vmem>>, vector<64x64xf32>
    tpu.vector_store %arg2[%swap3A_2435, %swap3A_2436], %slice3A_2434 {strides = array<i32>} : memref<16384x128xf32, #tpu.memory_space<vmem>>, vector<64x64xf32>,
    %slice3A_2438 = vector.extract_strided_slice %dot_general3A_2433 {offsets = [64, 0], sizes = [64, 64], strides = [1, 1]} : vector<128x64xf32> to vector<64x64xf32>
    %swap3A_2439 = arith.constant 11904 : index
    %swap3A_2440 = arith.constant 64 : index
    %swap3A_2441 = vector.load %arg2[%swap3A_2439, %swap3A_2440] : memref<16384x128xf32, #tpu.memory_space<vmem>>, vector<64x64xf32>
    tpu.vector_store %arg2[%swap3A_2439, %swap3A_2440], %slice3A_2438 {strides = array<i32>} : memref<16384x128xf32, #tpu.memory_space<vmem>>, vector<64x64xf32>,
    %get3A_2442 = arith.constant 0 : index
    %get3A_2443 = arith.constant 23936 : index
    %get3A_2444 = vector.load %arg1[%get3A_2442, %get3A_2443] : memref<64x32768xf32, #tpu.memory_space<vmem>>, vector<64x128xf32>
    %dot_general3A_2445 = arith.constant dense<0.000000e+00> : vector<128x64xf32>
    %dot_general3A_2446 = tpu.matmul %convert_element_type3A_14, %get3A_2444, %dot_general3A_2445 {dimension_numbers = #tpu.dot_dimension_numbers<[1], [1], [0], [0], [0, 0, 1, 0], [], []>, transpose_lhs_hint = false} : vector<128x128xf32>, vector<64x128xf32>, vector<128x64xf32> -> vector<128x64xf32>
    %slice3A_2447 = vector.extract_strided_slice %dot_general3A_2446 {offsets = [0, 0], sizes = [64, 64], strides = [1, 1]} : vector<128x64xf32> to vector<64x64xf32>
    %swap3A_2448 = arith.constant 11968 : index
    %swap3A_2449 = arith.constant 0 : index
    %swap3A_2450 = vector.load %arg2[%swap3A_2448, %swap3A_2449] : memref<16384x128xf32, #tpu.memory_space<vmem>>, vector<64x64xf32>
    tpu.vector_store %arg2[%swap3A_2448, %swap3A_2449], %slice3A_2447 {strides = array<i32>} : memref<16384x128xf32, #tpu.memory_space<vmem>>, vector<64x64xf32>,
    %slice3A_2451 = vector.extract_strided_slice %dot_general3A_2446 {offsets = [64, 0], sizes = [64, 64], strides = [1, 1]} : vector<128x64xf32> to vector<64x64xf32>
    %swap3A_2452 = arith.constant 11968 : index
    %swap3A_2453 = arith.constant 64 : index
    %swap3A_2454 = vector.load %arg2[%swap3A_2452, %swap3A_2453] : memref<16384x128xf32, #tpu.memory_space<vmem>>, vector<64x64xf32>
    tpu.vector_store %arg2[%swap3A_2452, %swap3A_2453], %slice3A_2451 {strides = array<i32>} : memref<16384x128xf32, #tpu.memory_space<vmem>>, vector<64x64xf32>,
    %get3A_2455 = arith.constant 0 : index
    %get3A_2456 = arith.constant 24064 : index
    %get3A_2457 = vector.load %arg1[%get3A_2455, %get3A_2456] : memref<64x32768xf32, #tpu.memory_space<vmem>>, vector<64x128xf32>
    %dot_general3A_2458 = arith.constant dense<0.000000e+00> : vector<128x64xf32>
    %dot_general3A_2459 = tpu.matmul %convert_element_type3A_14, %get3A_2457, %dot_general3A_2458 {dimension_numbers = #tpu.dot_dimension_numbers<[1], [1], [0], [0], [0, 0, 1, 0], [], []>, transpose_lhs_hint = false} : vector<128x128xf32>, vector<64x128xf32>, vector<128x64xf32> -> vector<128x64xf32>
    %slice3A_2460 = vector.extract_strided_slice %dot_general3A_2459 {offsets = [0, 0], sizes = [64, 64], strides = [1, 1]} : vector<128x64xf32> to vector<64x64xf32>
    %swap3A_2461 = arith.constant 12032 : index
    %swap3A_2462 = arith.constant 0 : index
    %swap3A_2463 = vector.load %arg2[%swap3A_2461, %swap3A_2462] : memref<16384x128xf32, #tpu.memory_space<vmem>>, vector<64x64xf32>
    tpu.vector_store %arg2[%swap3A_2461, %swap3A_2462], %slice3A_2460 {strides = array<i32>} : memref<16384x128xf32, #tpu.memory_space<vmem>>, vector<64x64xf32>,
    %slice3A_2464 = vector.extract_strided_slice %dot_general3A_2459 {offsets = [64, 0], sizes = [64, 64], strides = [1, 1]} : vector<128x64xf32> to vector<64x64xf32>
    %swap3A_2465 = arith.constant 12032 : index
    %swap3A_2466 = arith.constant 64 : index
    %swap3A_2467 = vector.load %arg2[%swap3A_2465, %swap3A_2466] : memref<16384x128xf32, #tpu.memory_space<vmem>>, vector<64x64xf32>
    tpu.vector_store %arg2[%swap3A_2465, %swap3A_2466], %slice3A_2464 {strides = array<i32>} : memref<16384x128xf32, #tpu.memory_space<vmem>>, vector<64x64xf32>,
    %get3A_2468 = arith.constant 0 : index
    %get3A_2469 = arith.constant 24192 : index
    %get3A_2470 = vector.load %arg1[%get3A_2468, %get3A_2469] : memref<64x32768xf32, #tpu.memory_space<vmem>>, vector<64x128xf32>
    %dot_general3A_2471 = arith.constant dense<0.000000e+00> : vector<128x64xf32>
    %dot_general3A_2472 = tpu.matmul %convert_element_type3A_14, %get3A_2470, %dot_general3A_2471 {dimension_numbers = #tpu.dot_dimension_numbers<[1], [1], [0], [0], [0, 0, 1, 0], [], []>, transpose_lhs_hint = false} : vector<128x128xf32>, vector<64x128xf32>, vector<128x64xf32> -> vector<128x64xf32>
    %slice3A_2473 = vector.extract_strided_slice %dot_general3A_2472 {offsets = [0, 0], sizes = [64, 64], strides = [1, 1]} : vector<128x64xf32> to vector<64x64xf32>
    %swap3A_2474 = arith.constant 12096 : index
    %swap3A_2475 = arith.constant 0 : index
    %swap3A_2476 = vector.load %arg2[%swap3A_2474, %swap3A_2475] : memref<16384x128xf32, #tpu.memory_space<vmem>>, vector<64x64xf32>
    tpu.vector_store %arg2[%swap3A_2474, %swap3A_2475], %slice3A_2473 {strides = array<i32>} : memref<16384x128xf32, #tpu.memory_space<vmem>>, vector<64x64xf32>,
    %slice3A_2477 = vector.extract_strided_slice %dot_general3A_2472 {offsets = [64, 0], sizes = [64, 64], strides = [1, 1]} : vector<128x64xf32> to vector<64x64xf32>
    %swap3A_2478 = arith.constant 12096 : index
    %swap3A_2479 = arith.constant 64 : index
    %swap3A_2480 = vector.load %arg2[%swap3A_2478, %swap3A_2479] : memref<16384x128xf32, #tpu.memory_space<vmem>>, vector<64x64xf32>
    tpu.vector_store %arg2[%swap3A_2478, %swap3A_2479], %slice3A_2477 {strides = array<i32>} : memref<16384x128xf32, #tpu.memory_space<vmem>>, vector<64x64xf32>,
    %get3A_2481 = arith.constant 0 : index
    %get3A_2482 = arith.constant 24320 : index
    %get3A_2483 = vector.load %arg1[%get3A_2481, %get3A_2482] : memref<64x32768xf32, #tpu.memory_space<vmem>>, vector<64x128xf32>
    %dot_general3A_2484 = arith.constant dense<0.000000e+00> : vector<128x64xf32>
    %dot_general3A_2485 = tpu.matmul %convert_element_type3A_14, %get3A_2483, %dot_general3A_2484 {dimension_numbers = #tpu.dot_dimension_numbers<[1], [1], [0], [0], [0, 0, 1, 0], [], []>, transpose_lhs_hint = false} : vector<128x128xf32>, vector<64x128xf32>, vector<128x64xf32> -> vector<128x64xf32>
    %slice3A_2486 = vector.extract_strided_slice %dot_general3A_2485 {offsets = [0, 0], sizes = [64, 64], strides = [1, 1]} : vector<128x64xf32> to vector<64x64xf32>
    %swap3A_2487 = arith.constant 12160 : index
    %swap3A_2488 = arith.constant 0 : index
    %swap3A_2489 = vector.load %arg2[%swap3A_2487, %swap3A_2488] : memref<16384x128xf32, #tpu.memory_space<vmem>>, vector<64x64xf32>
    tpu.vector_store %arg2[%swap3A_2487, %swap3A_2488], %slice3A_2486 {strides = array<i32>} : memref<16384x128xf32, #tpu.memory_space<vmem>>, vector<64x64xf32>,
    %slice3A_2490 = vector.extract_strided_slice %dot_general3A_2485 {offsets = [64, 0], sizes = [64, 64], strides = [1, 1]} : vector<128x64xf32> to vector<64x64xf32>
    %swap3A_2491 = arith.constant 12160 : index
    %swap3A_2492 = arith.constant 64 : index
    %swap3A_2493 = vector.load %arg2[%swap3A_2491, %swap3A_2492] : memref<16384x128xf32, #tpu.memory_space<vmem>>, vector<64x64xf32>
    tpu.vector_store %arg2[%swap3A_2491, %swap3A_2492], %slice3A_2490 {strides = array<i32>} : memref<16384x128xf32, #tpu.memory_space<vmem>>, vector<64x64xf32>,
    %get3A_2494 = arith.constant 0 : index
    %get3A_2495 = arith.constant 24448 : index
    %get3A_2496 = vector.load %arg1[%get3A_2494, %get3A_2495] : memref<64x32768xf32, #tpu.memory_space<vmem>>, vector<64x128xf32>
    %dot_general3A_2497 = arith.constant dense<0.000000e+00> : vector<128x64xf32>
    %dot_general3A_2498 = tpu.matmul %convert_element_type3A_14, %get3A_2496, %dot_general3A_2497 {dimension_numbers = #tpu.dot_dimension_numbers<[1], [1], [0], [0], [0, 0, 1, 0], [], []>, transpose_lhs_hint = false} : vector<128x128xf32>, vector<64x128xf32>, vector<128x64xf32> -> vector<128x64xf32>
    %slice3A_2499 = vector.extract_strided_slice %dot_general3A_2498 {offsets = [0, 0], sizes = [64, 64], strides = [1, 1]} : vector<128x64xf32> to vector<64x64xf32>
    %swap3A_2500 = arith.constant 12224 : index
    %swap3A_2501 = arith.constant 0 : index
    %swap3A_2502 = vector.load %arg2[%swap3A_2500, %swap3A_2501] : memref<16384x128xf32, #tpu.memory_space<vmem>>, vector<64x64xf32>
    tpu.vector_store %arg2[%swap3A_2500, %swap3A_2501], %slice3A_2499 {strides = array<i32>} : memref<16384x128xf32, #tpu.memory_space<vmem>>, vector<64x64xf32>,
    %slice3A_2503 = vector.extract_strided_slice %dot_general3A_2498 {offsets = [64, 0], sizes = [64, 64], strides = [1, 1]} : vector<128x64xf32> to vector<64x64xf32>
    %swap3A_2504 = arith.constant 12224 : index
    %swap3A_2505 = arith.constant 64 : index
    %swap3A_2506 = vector.load %arg2[%swap3A_2504, %swap3A_2505] : memref<16384x128xf32, #tpu.memory_space<vmem>>, vector<64x64xf32>
    tpu.vector_store %arg2[%swap3A_2504, %swap3A_2505], %slice3A_2503 {strides = array<i32>} : memref<16384x128xf32, #tpu.memory_space<vmem>>, vector<64x64xf32>,
    %get3A_2507 = arith.constant 0 : index
    %get3A_2508 = arith.constant 24576 : index
    %get3A_2509 = vector.load %arg1[%get3A_2507, %get3A_2508] : memref<64x32768xf32, #tpu.memory_space<vmem>>, vector<64x128xf32>
    %dot_general3A_2510 = arith.constant dense<0.000000e+00> : vector<128x64xf32>
    %dot_general3A_2511 = tpu.matmul %convert_element_type3A_14, %get3A_2509, %dot_general3A_2510 {dimension_numbers = #tpu.dot_dimension_numbers<[1], [1], [0], [0], [0, 0, 1, 0], [], []>, transpose_lhs_hint = false} : vector<128x128xf32>, vector<64x128xf32>, vector<128x64xf32> -> vector<128x64xf32>
    %slice3A_2512 = vector.extract_strided_slice %dot_general3A_2511 {offsets = [0, 0], sizes = [64, 64], strides = [1, 1]} : vector<128x64xf32> to vector<64x64xf32>
    %swap3A_2513 = arith.constant 12288 : index
    %swap3A_2514 = arith.constant 0 : index
    %swap3A_2515 = vector.load %arg2[%swap3A_2513, %swap3A_2514] : memref<16384x128xf32, #tpu.memory_space<vmem>>, vector<64x64xf32>
    tpu.vector_store %arg2[%swap3A_2513, %swap3A_2514], %slice3A_2512 {strides = array<i32>} : memref<16384x128xf32, #tpu.memory_space<vmem>>, vector<64x64xf32>,
    %slice3A_2516 = vector.extract_strided_slice %dot_general3A_2511 {offsets = [64, 0], sizes = [64, 64], strides = [1, 1]} : vector<128x64xf32> to vector<64x64xf32>
    %swap3A_2517 = arith.constant 12288 : index
    %swap3A_2518 = arith.constant 64 : index
    %swap3A_2519 = vector.load %arg2[%swap3A_2517, %swap3A_2518] : memref<16384x128xf32, #tpu.memory_space<vmem>>, vector<64x64xf32>
    tpu.vector_store %arg2[%swap3A_2517, %swap3A_2518], %slice3A_2516 {strides = array<i32>} : memref<16384x128xf32, #tpu.memory_space<vmem>>, vector<64x64xf32>,
    %get3A_2520 = arith.constant 0 : index
    %get3A_2521 = arith.constant 24704 : index
    %get3A_2522 = vector.load %arg1[%get3A_2520, %get3A_2521] : memref<64x32768xf32, #tpu.memory_space<vmem>>, vector<64x128xf32>
    %dot_general3A_2523 = arith.constant dense<0.000000e+00> : vector<128x64xf32>
    %dot_general3A_2524 = tpu.matmul %convert_element_type3A_14, %get3A_2522, %dot_general3A_2523 {dimension_numbers = #tpu.dot_dimension_numbers<[1], [1], [0], [0], [0, 0, 1, 0], [], []>, transpose_lhs_hint = false} : vector<128x128xf32>, vector<64x128xf32>, vector<128x64xf32> -> vector<128x64xf32>
    %slice3A_2525 = vector.extract_strided_slice %dot_general3A_2524 {offsets = [0, 0], sizes = [64, 64], strides = [1, 1]} : vector<128x64xf32> to vector<64x64xf32>
    %swap3A_2526 = arith.constant 12352 : index
    %swap3A_2527 = arith.constant 0 : index
    %swap3A_2528 = vector.load %arg2[%swap3A_2526, %swap3A_2527] : memref<16384x128xf32, #tpu.memory_space<vmem>>, vector<64x64xf32>
    tpu.vector_store %arg2[%swap3A_2526, %swap3A_2527], %slice3A_2525 {strides = array<i32>} : memref<16384x128xf32, #tpu.memory_space<vmem>>, vector<64x64xf32>,
    %slice3A_2529 = vector.extract_strided_slice %dot_general3A_2524 {offsets = [64, 0], sizes = [64, 64], strides = [1, 1]} : vector<128x64xf32> to vector<64x64xf32>
    %swap3A_2530 = arith.constant 12352 : index
    %swap3A_2531 = arith.constant 64 : index
    %swap3A_2532 = vector.load %arg2[%swap3A_2530, %swap3A_2531] : memref<16384x128xf32, #tpu.memory_space<vmem>>, vector<64x64xf32>
    tpu.vector_store %arg2[%swap3A_2530, %swap3A_2531], %slice3A_2529 {strides = array<i32>} : memref<16384x128xf32, #tpu.memory_space<vmem>>, vector<64x64xf32>,
    %get3A_2533 = arith.constant 0 : index
    %get3A_2534 = arith.constant 24832 : index
    %get3A_2535 = vector.load %arg1[%get3A_2533, %get3A_2534] : memref<64x32768xf32, #tpu.memory_space<vmem>>, vector<64x128xf32>
    %dot_general3A_2536 = arith.constant dense<0.000000e+00> : vector<128x64xf32>
    %dot_general3A_2537 = tpu.matmul %convert_element_type3A_14, %get3A_2535, %dot_general3A_2536 {dimension_numbers = #tpu.dot_dimension_numbers<[1], [1], [0], [0], [0, 0, 1, 0], [], []>, transpose_lhs_hint = false} : vector<128x128xf32>, vector<64x128xf32>, vector<128x64xf32> -> vector<128x64xf32>
    %slice3A_2538 = vector.extract_strided_slice %dot_general3A_2537 {offsets = [0, 0], sizes = [64, 64], strides = [1, 1]} : vector<128x64xf32> to vector<64x64xf32>
    %swap3A_2539 = arith.constant 12416 : index
    %swap3A_2540 = arith.constant 0 : index
    %swap3A_2541 = vector.load %arg2[%swap3A_2539, %swap3A_2540] : memref<16384x128xf32, #tpu.memory_space<vmem>>, vector<64x64xf32>
    tpu.vector_store %arg2[%swap3A_2539, %swap3A_2540], %slice3A_2538 {strides = array<i32>} : memref<16384x128xf32, #tpu.memory_space<vmem>>, vector<64x64xf32>,
    %slice3A_2542 = vector.extract_strided_slice %dot_general3A_2537 {offsets = [64, 0], sizes = [64, 64], strides = [1, 1]} : vector<128x64xf32> to vector<64x64xf32>
    %swap3A_2543 = arith.constant 12416 : index
    %swap3A_2544 = arith.constant 64 : index
    %swap3A_2545 = vector.load %arg2[%swap3A_2543, %swap3A_2544] : memref<16384x128xf32, #tpu.memory_space<vmem>>, vector<64x64xf32>
    tpu.vector_store %arg2[%swap3A_2543, %swap3A_2544], %slice3A_2542 {strides = array<i32>} : memref<16384x128xf32, #tpu.memory_space<vmem>>, vector<64x64xf32>,
    %get3A_2546 = arith.constant 0 : index
    %get3A_2547 = arith.constant 24960 : index
    %get3A_2548 = vector.load %arg1[%get3A_2546, %get3A_2547] : memref<64x32768xf32, #tpu.memory_space<vmem>>, vector<64x128xf32>
    %dot_general3A_2549 = arith.constant dense<0.000000e+00> : vector<128x64xf32>
    %dot_general3A_2550 = tpu.matmul %convert_element_type3A_14, %get3A_2548, %dot_general3A_2549 {dimension_numbers = #tpu.dot_dimension_numbers<[1], [1], [0], [0], [0, 0, 1, 0], [], []>, transpose_lhs_hint = false} : vector<128x128xf32>, vector<64x128xf32>, vector<128x64xf32> -> vector<128x64xf32>
    %slice3A_2551 = vector.extract_strided_slice %dot_general3A_2550 {offsets = [0, 0], sizes = [64, 64], strides = [1, 1]} : vector<128x64xf32> to vector<64x64xf32>
    %swap3A_2552 = arith.constant 12480 : index
    %swap3A_2553 = arith.constant 0 : index
    %swap3A_2554 = vector.load %arg2[%swap3A_2552, %swap3A_2553] : memref<16384x128xf32, #tpu.memory_space<vmem>>, vector<64x64xf32>
    tpu.vector_store %arg2[%swap3A_2552, %swap3A_2553], %slice3A_2551 {strides = array<i32>} : memref<16384x128xf32, #tpu.memory_space<vmem>>, vector<64x64xf32>,
    %slice3A_2555 = vector.extract_strided_slice %dot_general3A_2550 {offsets = [64, 0], sizes = [64, 64], strides = [1, 1]} : vector<128x64xf32> to vector<64x64xf32>
    %swap3A_2556 = arith.constant 12480 : index
    %swap3A_2557 = arith.constant 64 : index
    %swap3A_2558 = vector.load %arg2[%swap3A_2556, %swap3A_2557] : memref<16384x128xf32, #tpu.memory_space<vmem>>, vector<64x64xf32>
    tpu.vector_store %arg2[%swap3A_2556, %swap3A_2557], %slice3A_2555 {strides = array<i32>} : memref<16384x128xf32, #tpu.memory_space<vmem>>, vector<64x64xf32>,
    %get3A_2559 = arith.constant 0 : index
    %get3A_2560 = arith.constant 25088 : index
    %get3A_2561 = vector.load %arg1[%get3A_2559, %get3A_2560] : memref<64x32768xf32, #tpu.memory_space<vmem>>, vector<64x128xf32>
    %dot_general3A_2562 = arith.constant dense<0.000000e+00> : vector<128x64xf32>
    %dot_general3A_2563 = tpu.matmul %convert_element_type3A_14, %get3A_2561, %dot_general3A_2562 {dimension_numbers = #tpu.dot_dimension_numbers<[1], [1], [0], [0], [0, 0, 1, 0], [], []>, transpose_lhs_hint = false} : vector<128x128xf32>, vector<64x128xf32>, vector<128x64xf32> -> vector<128x64xf32>
    %slice3A_2564 = vector.extract_strided_slice %dot_general3A_2563 {offsets = [0, 0], sizes = [64, 64], strides = [1, 1]} : vector<128x64xf32> to vector<64x64xf32>
    %swap3A_2565 = arith.constant 12544 : index
    %swap3A_2566 = arith.constant 0 : index
    %swap3A_2567 = vector.load %arg2[%swap3A_2565, %swap3A_2566] : memref<16384x128xf32, #tpu.memory_space<vmem>>, vector<64x64xf32>
    tpu.vector_store %arg2[%swap3A_2565, %swap3A_2566], %slice3A_2564 {strides = array<i32>} : memref<16384x128xf32, #tpu.memory_space<vmem>>, vector<64x64xf32>,
    %slice3A_2568 = vector.extract_strided_slice %dot_general3A_2563 {offsets = [64, 0], sizes = [64, 64], strides = [1, 1]} : vector<128x64xf32> to vector<64x64xf32>
    %swap3A_2569 = arith.constant 12544 : index
    %swap3A_2570 = arith.constant 64 : index
    %swap3A_2571 = vector.load %arg2[%swap3A_2569, %swap3A_2570] : memref<16384x128xf32, #tpu.memory_space<vmem>>, vector<64x64xf32>
    tpu.vector_store %arg2[%swap3A_2569, %swap3A_2570], %slice3A_2568 {strides = array<i32>} : memref<16384x128xf32, #tpu.memory_space<vmem>>, vector<64x64xf32>,
    %get3A_2572 = arith.constant 0 : index
    %get3A_2573 = arith.constant 25216 : index
    %get3A_2574 = vector.load %arg1[%get3A_2572, %get3A_2573] : memref<64x32768xf32, #tpu.memory_space<vmem>>, vector<64x128xf32>
    %dot_general3A_2575 = arith.constant dense<0.000000e+00> : vector<128x64xf32>
    %dot_general3A_2576 = tpu.matmul %convert_element_type3A_14, %get3A_2574, %dot_general3A_2575 {dimension_numbers = #tpu.dot_dimension_numbers<[1], [1], [0], [0], [0, 0, 1, 0], [], []>, transpose_lhs_hint = false} : vector<128x128xf32>, vector<64x128xf32>, vector<128x64xf32> -> vector<128x64xf32>
    %slice3A_2577 = vector.extract_strided_slice %dot_general3A_2576 {offsets = [0, 0], sizes = [64, 64], strides = [1, 1]} : vector<128x64xf32> to vector<64x64xf32>
    %swap3A_2578 = arith.constant 12608 : index
    %swap3A_2579 = arith.constant 0 : index
    %swap3A_2580 = vector.load %arg2[%swap3A_2578, %swap3A_2579] : memref<16384x128xf32, #tpu.memory_space<vmem>>, vector<64x64xf32>
    tpu.vector_store %arg2[%swap3A_2578, %swap3A_2579], %slice3A_2577 {strides = array<i32>} : memref<16384x128xf32, #tpu.memory_space<vmem>>, vector<64x64xf32>,
    %slice3A_2581 = vector.extract_strided_slice %dot_general3A_2576 {offsets = [64, 0], sizes = [64, 64], strides = [1, 1]} : vector<128x64xf32> to vector<64x64xf32>
    %swap3A_2582 = arith.constant 12608 : index
    %swap3A_2583 = arith.constant 64 : index
    %swap3A_2584 = vector.load %arg2[%swap3A_2582, %swap3A_2583] : memref<16384x128xf32, #tpu.memory_space<vmem>>, vector<64x64xf32>
    tpu.vector_store %arg2[%swap3A_2582, %swap3A_2583], %slice3A_2581 {strides = array<i32>} : memref<16384x128xf32, #tpu.memory_space<vmem>>, vector<64x64xf32>,
    %get3A_2585 = arith.constant 0 : index
    %get3A_2586 = arith.constant 25344 : index
    %get3A_2587 = vector.load %arg1[%get3A_2585, %get3A_2586] : memref<64x32768xf32, #tpu.memory_space<vmem>>, vector<64x128xf32>
    %dot_general3A_2588 = arith.constant dense<0.000000e+00> : vector<128x64xf32>
    %dot_general3A_2589 = tpu.matmul %convert_element_type3A_14, %get3A_2587, %dot_general3A_2588 {dimension_numbers = #tpu.dot_dimension_numbers<[1], [1], [0], [0], [0, 0, 1, 0], [], []>, transpose_lhs_hint = false} : vector<128x128xf32>, vector<64x128xf32>, vector<128x64xf32> -> vector<128x64xf32>
    %slice3A_2590 = vector.extract_strided_slice %dot_general3A_2589 {offsets = [0, 0], sizes = [64, 64], strides = [1, 1]} : vector<128x64xf32> to vector<64x64xf32>
    %swap3A_2591 = arith.constant 12672 : index
    %swap3A_2592 = arith.constant 0 : index
    %swap3A_2593 = vector.load %arg2[%swap3A_2591, %swap3A_2592] : memref<16384x128xf32, #tpu.memory_space<vmem>>, vector<64x64xf32>
    tpu.vector_store %arg2[%swap3A_2591, %swap3A_2592], %slice3A_2590 {strides = array<i32>} : memref<16384x128xf32, #tpu.memory_space<vmem>>, vector<64x64xf32>,
    %slice3A_2594 = vector.extract_strided_slice %dot_general3A_2589 {offsets = [64, 0], sizes = [64, 64], strides = [1, 1]} : vector<128x64xf32> to vector<64x64xf32>
    %swap3A_2595 = arith.constant 12672 : index
    %swap3A_2596 = arith.constant 64 : index
    %swap3A_2597 = vector.load %arg2[%swap3A_2595, %swap3A_2596] : memref<16384x128xf32, #tpu.memory_space<vmem>>, vector<64x64xf32>
    tpu.vector_store %arg2[%swap3A_2595, %swap3A_2596], %slice3A_2594 {strides = array<i32>} : memref<16384x128xf32, #tpu.memory_space<vmem>>, vector<64x64xf32>,
    %get3A_2598 = arith.constant 0 : index
    %get3A_2599 = arith.constant 25472 : index
    %get3A_2600 = vector.load %arg1[%get3A_2598, %get3A_2599] : memref<64x32768xf32, #tpu.memory_space<vmem>>, vector<64x128xf32>
    %dot_general3A_2601 = arith.constant dense<0.000000e+00> : vector<128x64xf32>
    %dot_general3A_2602 = tpu.matmul %convert_element_type3A_14, %get3A_2600, %dot_general3A_2601 {dimension_numbers = #tpu.dot_dimension_numbers<[1], [1], [0], [0], [0, 0, 1, 0], [], []>, transpose_lhs_hint = false} : vector<128x128xf32>, vector<64x128xf32>, vector<128x64xf32> -> vector<128x64xf32>
    %slice3A_2603 = vector.extract_strided_slice %dot_general3A_2602 {offsets = [0, 0], sizes = [64, 64], strides = [1, 1]} : vector<128x64xf32> to vector<64x64xf32>
    %swap3A_2604 = arith.constant 12736 : index
    %swap3A_2605 = arith.constant 0 : index
    %swap3A_2606 = vector.load %arg2[%swap3A_2604, %swap3A_2605] : memref<16384x128xf32, #tpu.memory_space<vmem>>, vector<64x64xf32>
    tpu.vector_store %arg2[%swap3A_2604, %swap3A_2605], %slice3A_2603 {strides = array<i32>} : memref<16384x128xf32, #tpu.memory_space<vmem>>, vector<64x64xf32>,
    %slice3A_2607 = vector.extract_strided_slice %dot_general3A_2602 {offsets = [64, 0], sizes = [64, 64], strides = [1, 1]} : vector<128x64xf32> to vector<64x64xf32>
    %swap3A_2608 = arith.constant 12736 : index
    %swap3A_2609 = arith.constant 64 : index
    %swap3A_2610 = vector.load %arg2[%swap3A_2608, %swap3A_2609] : memref<16384x128xf32, #tpu.memory_space<vmem>>, vector<64x64xf32>
    tpu.vector_store %arg2[%swap3A_2608, %swap3A_2609], %slice3A_2607 {strides = array<i32>} : memref<16384x128xf32, #tpu.memory_space<vmem>>, vector<64x64xf32>,
    %get3A_2611 = arith.constant 0 : index
    %get3A_2612 = arith.constant 25600 : index
    %get3A_2613 = vector.load %arg1[%get3A_2611, %get3A_2612] : memref<64x32768xf32, #tpu.memory_space<vmem>>, vector<64x128xf32>
    %dot_general3A_2614 = arith.constant dense<0.000000e+00> : vector<128x64xf32>
    %dot_general3A_2615 = tpu.matmul %convert_element_type3A_14, %get3A_2613, %dot_general3A_2614 {dimension_numbers = #tpu.dot_dimension_numbers<[1], [1], [0], [0], [0, 0, 1, 0], [], []>, transpose_lhs_hint = false} : vector<128x128xf32>, vector<64x128xf32>, vector<128x64xf32> -> vector<128x64xf32>
    %slice3A_2616 = vector.extract_strided_slice %dot_general3A_2615 {offsets = [0, 0], sizes = [64, 64], strides = [1, 1]} : vector<128x64xf32> to vector<64x64xf32>
    %swap3A_2617 = arith.constant 12800 : index
    %swap3A_2618 = arith.constant 0 : index
    %swap3A_2619 = vector.load %arg2[%swap3A_2617, %swap3A_2618] : memref<16384x128xf32, #tpu.memory_space<vmem>>, vector<64x64xf32>
    tpu.vector_store %arg2[%swap3A_2617, %swap3A_2618], %slice3A_2616 {strides = array<i32>} : memref<16384x128xf32, #tpu.memory_space<vmem>>, vector<64x64xf32>,
    %slice3A_2620 = vector.extract_strided_slice %dot_general3A_2615 {offsets = [64, 0], sizes = [64, 64], strides = [1, 1]} : vector<128x64xf32> to vector<64x64xf32>
    %swap3A_2621 = arith.constant 12800 : index
    %swap3A_2622 = arith.constant 64 : index
    %swap3A_2623 = vector.load %arg2[%swap3A_2621, %swap3A_2622] : memref<16384x128xf32, #tpu.memory_space<vmem>>, vector<64x64xf32>
    tpu.vector_store %arg2[%swap3A_2621, %swap3A_2622], %slice3A_2620 {strides = array<i32>} : memref<16384x128xf32, #tpu.memory_space<vmem>>, vector<64x64xf32>,
    %get3A_2624 = arith.constant 0 : index
    %get3A_2625 = arith.constant 25728 : index
    %get3A_2626 = vector.load %arg1[%get3A_2624, %get3A_2625] : memref<64x32768xf32, #tpu.memory_space<vmem>>, vector<64x128xf32>
    %dot_general3A_2627 = arith.constant dense<0.000000e+00> : vector<128x64xf32>
    %dot_general3A_2628 = tpu.matmul %convert_element_type3A_14, %get3A_2626, %dot_general3A_2627 {dimension_numbers = #tpu.dot_dimension_numbers<[1], [1], [0], [0], [0, 0, 1, 0], [], []>, transpose_lhs_hint = false} : vector<128x128xf32>, vector<64x128xf32>, vector<128x64xf32> -> vector<128x64xf32>
    %slice3A_2629 = vector.extract_strided_slice %dot_general3A_2628 {offsets = [0, 0], sizes = [64, 64], strides = [1, 1]} : vector<128x64xf32> to vector<64x64xf32>
    %swap3A_2630 = arith.constant 12864 : index
    %swap3A_2631 = arith.constant 0 : index
    %swap3A_2632 = vector.load %arg2[%swap3A_2630, %swap3A_2631] : memref<16384x128xf32, #tpu.memory_space<vmem>>, vector<64x64xf32>
    tpu.vector_store %arg2[%swap3A_2630, %swap3A_2631], %slice3A_2629 {strides = array<i32>} : memref<16384x128xf32, #tpu.memory_space<vmem>>, vector<64x64xf32>,
    %slice3A_2633 = vector.extract_strided_slice %dot_general3A_2628 {offsets = [64, 0], sizes = [64, 64], strides = [1, 1]} : vector<128x64xf32> to vector<64x64xf32>
    %swap3A_2634 = arith.constant 12864 : index
    %swap3A_2635 = arith.constant 64 : index
    %swap3A_2636 = vector.load %arg2[%swap3A_2634, %swap3A_2635] : memref<16384x128xf32, #tpu.memory_space<vmem>>, vector<64x64xf32>
    tpu.vector_store %arg2[%swap3A_2634, %swap3A_2635], %slice3A_2633 {strides = array<i32>} : memref<16384x128xf32, #tpu.memory_space<vmem>>, vector<64x64xf32>,
    %get3A_2637 = arith.constant 0 : index
    %get3A_2638 = arith.constant 25856 : index
    %get3A_2639 = vector.load %arg1[%get3A_2637, %get3A_2638] : memref<64x32768xf32, #tpu.memory_space<vmem>>, vector<64x128xf32>
    %dot_general3A_2640 = arith.constant dense<0.000000e+00> : vector<128x64xf32>
    %dot_general3A_2641 = tpu.matmul %convert_element_type3A_14, %get3A_2639, %dot_general3A_2640 {dimension_numbers = #tpu.dot_dimension_numbers<[1], [1], [0], [0], [0, 0, 1, 0], [], []>, transpose_lhs_hint = false} : vector<128x128xf32>, vector<64x128xf32>, vector<128x64xf32> -> vector<128x64xf32>
    %slice3A_2642 = vector.extract_strided_slice %dot_general3A_2641 {offsets = [0, 0], sizes = [64, 64], strides = [1, 1]} : vector<128x64xf32> to vector<64x64xf32>
    %swap3A_2643 = arith.constant 12928 : index
    %swap3A_2644 = arith.constant 0 : index
    %swap3A_2645 = vector.load %arg2[%swap3A_2643, %swap3A_2644] : memref<16384x128xf32, #tpu.memory_space<vmem>>, vector<64x64xf32>
    tpu.vector_store %arg2[%swap3A_2643, %swap3A_2644], %slice3A_2642 {strides = array<i32>} : memref<16384x128xf32, #tpu.memory_space<vmem>>, vector<64x64xf32>,
    %slice3A_2646 = vector.extract_strided_slice %dot_general3A_2641 {offsets = [64, 0], sizes = [64, 64], strides = [1, 1]} : vector<128x64xf32> to vector<64x64xf32>
    %swap3A_2647 = arith.constant 12928 : index
    %swap3A_2648 = arith.constant 64 : index
    %swap3A_2649 = vector.load %arg2[%swap3A_2647, %swap3A_2648] : memref<16384x128xf32, #tpu.memory_space<vmem>>, vector<64x64xf32>
    tpu.vector_store %arg2[%swap3A_2647, %swap3A_2648], %slice3A_2646 {strides = array<i32>} : memref<16384x128xf32, #tpu.memory_space<vmem>>, vector<64x64xf32>,
    %get3A_2650 = arith.constant 0 : index
    %get3A_2651 = arith.constant 25984 : index
    %get3A_2652 = vector.load %arg1[%get3A_2650, %get3A_2651] : memref<64x32768xf32, #tpu.memory_space<vmem>>, vector<64x128xf32>
    %dot_general3A_2653 = arith.constant dense<0.000000e+00> : vector<128x64xf32>
    %dot_general3A_2654 = tpu.matmul %convert_element_type3A_14, %get3A_2652, %dot_general3A_2653 {dimension_numbers = #tpu.dot_dimension_numbers<[1], [1], [0], [0], [0, 0, 1, 0], [], []>, transpose_lhs_hint = false} : vector<128x128xf32>, vector<64x128xf32>, vector<128x64xf32> -> vector<128x64xf32>
    %slice3A_2655 = vector.extract_strided_slice %dot_general3A_2654 {offsets = [0, 0], sizes = [64, 64], strides = [1, 1]} : vector<128x64xf32> to vector<64x64xf32>
    %swap3A_2656 = arith.constant 12992 : index
    %swap3A_2657 = arith.constant 0 : index
    %swap3A_2658 = vector.load %arg2[%swap3A_2656, %swap3A_2657] : memref<16384x128xf32, #tpu.memory_space<vmem>>, vector<64x64xf32>
    tpu.vector_store %arg2[%swap3A_2656, %swap3A_2657], %slice3A_2655 {strides = array<i32>} : memref<16384x128xf32, #tpu.memory_space<vmem>>, vector<64x64xf32>,
    %slice3A_2659 = vector.extract_strided_slice %dot_general3A_2654 {offsets = [64, 0], sizes = [64, 64], strides = [1, 1]} : vector<128x64xf32> to vector<64x64xf32>
    %swap3A_2660 = arith.constant 12992 : index
    %swap3A_2661 = arith.constant 64 : index
    %swap3A_2662 = vector.load %arg2[%swap3A_2660, %swap3A_2661] : memref<16384x128xf32, #tpu.memory_space<vmem>>, vector<64x64xf32>
    tpu.vector_store %arg2[%swap3A_2660, %swap3A_2661], %slice3A_2659 {strides = array<i32>} : memref<16384x128xf32, #tpu.memory_space<vmem>>, vector<64x64xf32>,
    %get3A_2663 = arith.constant 0 : index
    %get3A_2664 = arith.constant 26112 : index
    %get3A_2665 = vector.load %arg1[%get3A_2663, %get3A_2664] : memref<64x32768xf32, #tpu.memory_space<vmem>>, vector<64x128xf32>
    %dot_general3A_2666 = arith.constant dense<0.000000e+00> : vector<128x64xf32>
    %dot_general3A_2667 = tpu.matmul %convert_element_type3A_14, %get3A_2665, %dot_general3A_2666 {dimension_numbers = #tpu.dot_dimension_numbers<[1], [1], [0], [0], [0, 0, 1, 0], [], []>, transpose_lhs_hint = false} : vector<128x128xf32>, vector<64x128xf32>, vector<128x64xf32> -> vector<128x64xf32>
    %slice3A_2668 = vector.extract_strided_slice %dot_general3A_2667 {offsets = [0, 0], sizes = [64, 64], strides = [1, 1]} : vector<128x64xf32> to vector<64x64xf32>
    %swap3A_2669 = arith.constant 13056 : index
    %swap3A_2670 = arith.constant 0 : index
    %swap3A_2671 = vector.load %arg2[%swap3A_2669, %swap3A_2670] : memref<16384x128xf32, #tpu.memory_space<vmem>>, vector<64x64xf32>
    tpu.vector_store %arg2[%swap3A_2669, %swap3A_2670], %slice3A_2668 {strides = array<i32>} : memref<16384x128xf32, #tpu.memory_space<vmem>>, vector<64x64xf32>,
    %slice3A_2672 = vector.extract_strided_slice %dot_general3A_2667 {offsets = [64, 0], sizes = [64, 64], strides = [1, 1]} : vector<128x64xf32> to vector<64x64xf32>
    %swap3A_2673 = arith.constant 13056 : index
    %swap3A_2674 = arith.constant 64 : index
    %swap3A_2675 = vector.load %arg2[%swap3A_2673, %swap3A_2674] : memref<16384x128xf32, #tpu.memory_space<vmem>>, vector<64x64xf32>
    tpu.vector_store %arg2[%swap3A_2673, %swap3A_2674], %slice3A_2672 {strides = array<i32>} : memref<16384x128xf32, #tpu.memory_space<vmem>>, vector<64x64xf32>,
    %get3A_2676 = arith.constant 0 : index
    %get3A_2677 = arith.constant 26240 : index
    %get3A_2678 = vector.load %arg1[%get3A_2676, %get3A_2677] : memref<64x32768xf32, #tpu.memory_space<vmem>>, vector<64x128xf32>
    %dot_general3A_2679 = arith.constant dense<0.000000e+00> : vector<128x64xf32>
    %dot_general3A_2680 = tpu.matmul %convert_element_type3A_14, %get3A_2678, %dot_general3A_2679 {dimension_numbers = #tpu.dot_dimension_numbers<[1], [1], [0], [0], [0, 0, 1, 0], [], []>, transpose_lhs_hint = false} : vector<128x128xf32>, vector<64x128xf32>, vector<128x64xf32> -> vector<128x64xf32>
    %slice3A_2681 = vector.extract_strided_slice %dot_general3A_2680 {offsets = [0, 0], sizes = [64, 64], strides = [1, 1]} : vector<128x64xf32> to vector<64x64xf32>
    %swap3A_2682 = arith.constant 13120 : index
    %swap3A_2683 = arith.constant 0 : index
    %swap3A_2684 = vector.load %arg2[%swap3A_2682, %swap3A_2683] : memref<16384x128xf32, #tpu.memory_space<vmem>>, vector<64x64xf32>
    tpu.vector_store %arg2[%swap3A_2682, %swap3A_2683], %slice3A_2681 {strides = array<i32>} : memref<16384x128xf32, #tpu.memory_space<vmem>>, vector<64x64xf32>,
    %slice3A_2685 = vector.extract_strided_slice %dot_general3A_2680 {offsets = [64, 0], sizes = [64, 64], strides = [1, 1]} : vector<128x64xf32> to vector<64x64xf32>
    %swap3A_2686 = arith.constant 13120 : index
    %swap3A_2687 = arith.constant 64 : index
    %swap3A_2688 = vector.load %arg2[%swap3A_2686, %swap3A_2687] : memref<16384x128xf32, #tpu.memory_space<vmem>>, vector<64x64xf32>
    tpu.vector_store %arg2[%swap3A_2686, %swap3A_2687], %slice3A_2685 {strides = array<i32>} : memref<16384x128xf32, #tpu.memory_space<vmem>>, vector<64x64xf32>,
    %get3A_2689 = arith.constant 0 : index
    %get3A_2690 = arith.constant 26368 : index
    %get3A_2691 = vector.load %arg1[%get3A_2689, %get3A_2690] : memref<64x32768xf32, #tpu.memory_space<vmem>>, vector<64x128xf32>
    %dot_general3A_2692 = arith.constant dense<0.000000e+00> : vector<128x64xf32>
    %dot_general3A_2693 = tpu.matmul %convert_element_type3A_14, %get3A_2691, %dot_general3A_2692 {dimension_numbers = #tpu.dot_dimension_numbers<[1], [1], [0], [0], [0, 0, 1, 0], [], []>, transpose_lhs_hint = false} : vector<128x128xf32>, vector<64x128xf32>, vector<128x64xf32> -> vector<128x64xf32>
    %slice3A_2694 = vector.extract_strided_slice %dot_general3A_2693 {offsets = [0, 0], sizes = [64, 64], strides = [1, 1]} : vector<128x64xf32> to vector<64x64xf32>
    %swap3A_2695 = arith.constant 13184 : index
    %swap3A_2696 = arith.constant 0 : index
    %swap3A_2697 = vector.load %arg2[%swap3A_2695, %swap3A_2696] : memref<16384x128xf32, #tpu.memory_space<vmem>>, vector<64x64xf32>
    tpu.vector_store %arg2[%swap3A_2695, %swap3A_2696], %slice3A_2694 {strides = array<i32>} : memref<16384x128xf32, #tpu.memory_space<vmem>>, vector<64x64xf32>,
    %slice3A_2698 = vector.extract_strided_slice %dot_general3A_2693 {offsets = [64, 0], sizes = [64, 64], strides = [1, 1]} : vector<128x64xf32> to vector<64x64xf32>
    %swap3A_2699 = arith.constant 13184 : index
    %swap3A_2700 = arith.constant 64 : index
    %swap3A_2701 = vector.load %arg2[%swap3A_2699, %swap3A_2700] : memref<16384x128xf32, #tpu.memory_space<vmem>>, vector<64x64xf32>
    tpu.vector_store %arg2[%swap3A_2699, %swap3A_2700], %slice3A_2698 {strides = array<i32>} : memref<16384x128xf32, #tpu.memory_space<vmem>>, vector<64x64xf32>,
    %get3A_2702 = arith.constant 0 : index
    %get3A_2703 = arith.constant 26496 : index
    %get3A_2704 = vector.load %arg1[%get3A_2702, %get3A_2703] : memref<64x32768xf32, #tpu.memory_space<vmem>>, vector<64x128xf32>
    %dot_general3A_2705 = arith.constant dense<0.000000e+00> : vector<128x64xf32>
    %dot_general3A_2706 = tpu.matmul %convert_element_type3A_14, %get3A_2704, %dot_general3A_2705 {dimension_numbers = #tpu.dot_dimension_numbers<[1], [1], [0], [0], [0, 0, 1, 0], [], []>, transpose_lhs_hint = false} : vector<128x128xf32>, vector<64x128xf32>, vector<128x64xf32> -> vector<128x64xf32>
    %slice3A_2707 = vector.extract_strided_slice %dot_general3A_2706 {offsets = [0, 0], sizes = [64, 64], strides = [1, 1]} : vector<128x64xf32> to vector<64x64xf32>
    %swap3A_2708 = arith.constant 13248 : index
    %swap3A_2709 = arith.constant 0 : index
    %swap3A_2710 = vector.load %arg2[%swap3A_2708, %swap3A_2709] : memref<16384x128xf32, #tpu.memory_space<vmem>>, vector<64x64xf32>
    tpu.vector_store %arg2[%swap3A_2708, %swap3A_2709], %slice3A_2707 {strides = array<i32>} : memref<16384x128xf32, #tpu.memory_space<vmem>>, vector<64x64xf32>,
    %slice3A_2711 = vector.extract_strided_slice %dot_general3A_2706 {offsets = [64, 0], sizes = [64, 64], strides = [1, 1]} : vector<128x64xf32> to vector<64x64xf32>
    %swap3A_2712 = arith.constant 13248 : index
    %swap3A_2713 = arith.constant 64 : index
    %swap3A_2714 = vector.load %arg2[%swap3A_2712, %swap3A_2713] : memref<16384x128xf32, #tpu.memory_space<vmem>>, vector<64x64xf32>
    tpu.vector_store %arg2[%swap3A_2712, %swap3A_2713], %slice3A_2711 {strides = array<i32>} : memref<16384x128xf32, #tpu.memory_space<vmem>>, vector<64x64xf32>,
    %get3A_2715 = arith.constant 0 : index
    %get3A_2716 = arith.constant 26624 : index
    %get3A_2717 = vector.load %arg1[%get3A_2715, %get3A_2716] : memref<64x32768xf32, #tpu.memory_space<vmem>>, vector<64x128xf32>
    %dot_general3A_2718 = arith.constant dense<0.000000e+00> : vector<128x64xf32>
    %dot_general3A_2719 = tpu.matmul %convert_element_type3A_14, %get3A_2717, %dot_general3A_2718 {dimension_numbers = #tpu.dot_dimension_numbers<[1], [1], [0], [0], [0, 0, 1, 0], [], []>, transpose_lhs_hint = false} : vector<128x128xf32>, vector<64x128xf32>, vector<128x64xf32> -> vector<128x64xf32>
    %slice3A_2720 = vector.extract_strided_slice %dot_general3A_2719 {offsets = [0, 0], sizes = [64, 64], strides = [1, 1]} : vector<128x64xf32> to vector<64x64xf32>
    %swap3A_2721 = arith.constant 13312 : index
    %swap3A_2722 = arith.constant 0 : index
    %swap3A_2723 = vector.load %arg2[%swap3A_2721, %swap3A_2722] : memref<16384x128xf32, #tpu.memory_space<vmem>>, vector<64x64xf32>
    tpu.vector_store %arg2[%swap3A_2721, %swap3A_2722], %slice3A_2720 {strides = array<i32>} : memref<16384x128xf32, #tpu.memory_space<vmem>>, vector<64x64xf32>,
    %slice3A_2724 = vector.extract_strided_slice %dot_general3A_2719 {offsets = [64, 0], sizes = [64, 64], strides = [1, 1]} : vector<128x64xf32> to vector<64x64xf32>
    %swap3A_2725 = arith.constant 13312 : index
    %swap3A_2726 = arith.constant 64 : index
    %swap3A_2727 = vector.load %arg2[%swap3A_2725, %swap3A_2726] : memref<16384x128xf32, #tpu.memory_space<vmem>>, vector<64x64xf32>
    tpu.vector_store %arg2[%swap3A_2725, %swap3A_2726], %slice3A_2724 {strides = array<i32>} : memref<16384x128xf32, #tpu.memory_space<vmem>>, vector<64x64xf32>,
    %get3A_2728 = arith.constant 0 : index
    %get3A_2729 = arith.constant 26752 : index
    %get3A_2730 = vector.load %arg1[%get3A_2728, %get3A_2729] : memref<64x32768xf32, #tpu.memory_space<vmem>>, vector<64x128xf32>
    %dot_general3A_2731 = arith.constant dense<0.000000e+00> : vector<128x64xf32>
    %dot_general3A_2732 = tpu.matmul %convert_element_type3A_14, %get3A_2730, %dot_general3A_2731 {dimension_numbers = #tpu.dot_dimension_numbers<[1], [1], [0], [0], [0, 0, 1, 0], [], []>, transpose_lhs_hint = false} : vector<128x128xf32>, vector<64x128xf32>, vector<128x64xf32> -> vector<128x64xf32>
    %slice3A_2733 = vector.extract_strided_slice %dot_general3A_2732 {offsets = [0, 0], sizes = [64, 64], strides = [1, 1]} : vector<128x64xf32> to vector<64x64xf32>
    %swap3A_2734 = arith.constant 13376 : index
    %swap3A_2735 = arith.constant 0 : index
    %swap3A_2736 = vector.load %arg2[%swap3A_2734, %swap3A_2735] : memref<16384x128xf32, #tpu.memory_space<vmem>>, vector<64x64xf32>
    tpu.vector_store %arg2[%swap3A_2734, %swap3A_2735], %slice3A_2733 {strides = array<i32>} : memref<16384x128xf32, #tpu.memory_space<vmem>>, vector<64x64xf32>,
    %slice3A_2737 = vector.extract_strided_slice %dot_general3A_2732 {offsets = [64, 0], sizes = [64, 64], strides = [1, 1]} : vector<128x64xf32> to vector<64x64xf32>
    %swap3A_2738 = arith.constant 13376 : index
    %swap3A_2739 = arith.constant 64 : index
    %swap3A_2740 = vector.load %arg2[%swap3A_2738, %swap3A_2739] : memref<16384x128xf32, #tpu.memory_space<vmem>>, vector<64x64xf32>
    tpu.vector_store %arg2[%swap3A_2738, %swap3A_2739], %slice3A_2737 {strides = array<i32>} : memref<16384x128xf32, #tpu.memory_space<vmem>>, vector<64x64xf32>,
    %get3A_2741 = arith.constant 0 : index
    %get3A_2742 = arith.constant 26880 : index
    %get3A_2743 = vector.load %arg1[%get3A_2741, %get3A_2742] : memref<64x32768xf32, #tpu.memory_space<vmem>>, vector<64x128xf32>
    %dot_general3A_2744 = arith.constant dense<0.000000e+00> : vector<128x64xf32>
    %dot_general3A_2745 = tpu.matmul %convert_element_type3A_14, %get3A_2743, %dot_general3A_2744 {dimension_numbers = #tpu.dot_dimension_numbers<[1], [1], [0], [0], [0, 0, 1, 0], [], []>, transpose_lhs_hint = false} : vector<128x128xf32>, vector<64x128xf32>, vector<128x64xf32> -> vector<128x64xf32>
    %slice3A_2746 = vector.extract_strided_slice %dot_general3A_2745 {offsets = [0, 0], sizes = [64, 64], strides = [1, 1]} : vector<128x64xf32> to vector<64x64xf32>
    %swap3A_2747 = arith.constant 13440 : index
    %swap3A_2748 = arith.constant 0 : index
    %swap3A_2749 = vector.load %arg2[%swap3A_2747, %swap3A_2748] : memref<16384x128xf32, #tpu.memory_space<vmem>>, vector<64x64xf32>
    tpu.vector_store %arg2[%swap3A_2747, %swap3A_2748], %slice3A_2746 {strides = array<i32>} : memref<16384x128xf32, #tpu.memory_space<vmem>>, vector<64x64xf32>,
    %slice3A_2750 = vector.extract_strided_slice %dot_general3A_2745 {offsets = [64, 0], sizes = [64, 64], strides = [1, 1]} : vector<128x64xf32> to vector<64x64xf32>
    %swap3A_2751 = arith.constant 13440 : index
    %swap3A_2752 = arith.constant 64 : index
    %swap3A_2753 = vector.load %arg2[%swap3A_2751, %swap3A_2752] : memref<16384x128xf32, #tpu.memory_space<vmem>>, vector<64x64xf32>
    tpu.vector_store %arg2[%swap3A_2751, %swap3A_2752], %slice3A_2750 {strides = array<i32>} : memref<16384x128xf32, #tpu.memory_space<vmem>>, vector<64x64xf32>,
    %get3A_2754 = arith.constant 0 : index
    %get3A_2755 = arith.constant 27008 : index
    %get3A_2756 = vector.load %arg1[%get3A_2754, %get3A_2755] : memref<64x32768xf32, #tpu.memory_space<vmem>>, vector<64x128xf32>
    %dot_general3A_2757 = arith.constant dense<0.000000e+00> : vector<128x64xf32>
    %dot_general3A_2758 = tpu.matmul %convert_element_type3A_14, %get3A_2756, %dot_general3A_2757 {dimension_numbers = #tpu.dot_dimension_numbers<[1], [1], [0], [0], [0, 0, 1, 0], [], []>, transpose_lhs_hint = false} : vector<128x128xf32>, vector<64x128xf32>, vector<128x64xf32> -> vector<128x64xf32>
    %slice3A_2759 = vector.extract_strided_slice %dot_general3A_2758 {offsets = [0, 0], sizes = [64, 64], strides = [1, 1]} : vector<128x64xf32> to vector<64x64xf32>
    %swap3A_2760 = arith.constant 13504 : index
    %swap3A_2761 = arith.constant 0 : index
    %swap3A_2762 = vector.load %arg2[%swap3A_2760, %swap3A_2761] : memref<16384x128xf32, #tpu.memory_space<vmem>>, vector<64x64xf32>
    tpu.vector_store %arg2[%swap3A_2760, %swap3A_2761], %slice3A_2759 {strides = array<i32>} : memref<16384x128xf32, #tpu.memory_space<vmem>>, vector<64x64xf32>,
    %slice3A_2763 = vector.extract_strided_slice %dot_general3A_2758 {offsets = [64, 0], sizes = [64, 64], strides = [1, 1]} : vector<128x64xf32> to vector<64x64xf32>
    %swap3A_2764 = arith.constant 13504 : index
    %swap3A_2765 = arith.constant 64 : index
    %swap3A_2766 = vector.load %arg2[%swap3A_2764, %swap3A_2765] : memref<16384x128xf32, #tpu.memory_space<vmem>>, vector<64x64xf32>
    tpu.vector_store %arg2[%swap3A_2764, %swap3A_2765], %slice3A_2763 {strides = array<i32>} : memref<16384x128xf32, #tpu.memory_space<vmem>>, vector<64x64xf32>,
    %get3A_2767 = arith.constant 0 : index
    %get3A_2768 = arith.constant 27136 : index
    %get3A_2769 = vector.load %arg1[%get3A_2767, %get3A_2768] : memref<64x32768xf32, #tpu.memory_space<vmem>>, vector<64x128xf32>
    %dot_general3A_2770 = arith.constant dense<0.000000e+00> : vector<128x64xf32>
    %dot_general3A_2771 = tpu.matmul %convert_element_type3A_14, %get3A_2769, %dot_general3A_2770 {dimension_numbers = #tpu.dot_dimension_numbers<[1], [1], [0], [0], [0, 0, 1, 0], [], []>, transpose_lhs_hint = false} : vector<128x128xf32>, vector<64x128xf32>, vector<128x64xf32> -> vector<128x64xf32>
    %slice3A_2772 = vector.extract_strided_slice %dot_general3A_2771 {offsets = [0, 0], sizes = [64, 64], strides = [1, 1]} : vector<128x64xf32> to vector<64x64xf32>
    %swap3A_2773 = arith.constant 13568 : index
    %swap3A_2774 = arith.constant 0 : index
    %swap3A_2775 = vector.load %arg2[%swap3A_2773, %swap3A_2774] : memref<16384x128xf32, #tpu.memory_space<vmem>>, vector<64x64xf32>
    tpu.vector_store %arg2[%swap3A_2773, %swap3A_2774], %slice3A_2772 {strides = array<i32>} : memref<16384x128xf32, #tpu.memory_space<vmem>>, vector<64x64xf32>,
    %slice3A_2776 = vector.extract_strided_slice %dot_general3A_2771 {offsets = [64, 0], sizes = [64, 64], strides = [1, 1]} : vector<128x64xf32> to vector<64x64xf32>
    %swap3A_2777 = arith.constant 13568 : index
    %swap3A_2778 = arith.constant 64 : index
    %swap3A_2779 = vector.load %arg2[%swap3A_2777, %swap3A_2778] : memref<16384x128xf32, #tpu.memory_space<vmem>>, vector<64x64xf32>
    tpu.vector_store %arg2[%swap3A_2777, %swap3A_2778], %slice3A_2776 {strides = array<i32>} : memref<16384x128xf32, #tpu.memory_space<vmem>>, vector<64x64xf32>,
    %get3A_2780 = arith.constant 0 : index
    %get3A_2781 = arith.constant 27264 : index
    %get3A_2782 = vector.load %arg1[%get3A_2780, %get3A_2781] : memref<64x32768xf32, #tpu.memory_space<vmem>>, vector<64x128xf32>
    %dot_general3A_2783 = arith.constant dense<0.000000e+00> : vector<128x64xf32>
    %dot_general3A_2784 = tpu.matmul %convert_element_type3A_14, %get3A_2782, %dot_general3A_2783 {dimension_numbers = #tpu.dot_dimension_numbers<[1], [1], [0], [0], [0, 0, 1, 0], [], []>, transpose_lhs_hint = false} : vector<128x128xf32>, vector<64x128xf32>, vector<128x64xf32> -> vector<128x64xf32>
    %slice3A_2785 = vector.extract_strided_slice %dot_general3A_2784 {offsets = [0, 0], sizes = [64, 64], strides = [1, 1]} : vector<128x64xf32> to vector<64x64xf32>
    %swap3A_2786 = arith.constant 13632 : index
    %swap3A_2787 = arith.constant 0 : index
    %swap3A_2788 = vector.load %arg2[%swap3A_2786, %swap3A_2787] : memref<16384x128xf32, #tpu.memory_space<vmem>>, vector<64x64xf32>
    tpu.vector_store %arg2[%swap3A_2786, %swap3A_2787], %slice3A_2785 {strides = array<i32>} : memref<16384x128xf32, #tpu.memory_space<vmem>>, vector<64x64xf32>,
    %slice3A_2789 = vector.extract_strided_slice %dot_general3A_2784 {offsets = [64, 0], sizes = [64, 64], strides = [1, 1]} : vector<128x64xf32> to vector<64x64xf32>
    %swap3A_2790 = arith.constant 13632 : index
    %swap3A_2791 = arith.constant 64 : index
    %swap3A_2792 = vector.load %arg2[%swap3A_2790, %swap3A_2791] : memref<16384x128xf32, #tpu.memory_space<vmem>>, vector<64x64xf32>
    tpu.vector_store %arg2[%swap3A_2790, %swap3A_2791], %slice3A_2789 {strides = array<i32>} : memref<16384x128xf32, #tpu.memory_space<vmem>>, vector<64x64xf32>,
    %get3A_2793 = arith.constant 0 : index
    %get3A_2794 = arith.constant 27392 : index
    %get3A_2795 = vector.load %arg1[%get3A_2793, %get3A_2794] : memref<64x32768xf32, #tpu.memory_space<vmem>>, vector<64x128xf32>
    %dot_general3A_2796 = arith.constant dense<0.000000e+00> : vector<128x64xf32>
    %dot_general3A_2797 = tpu.matmul %convert_element_type3A_14, %get3A_2795, %dot_general3A_2796 {dimension_numbers = #tpu.dot_dimension_numbers<[1], [1], [0], [0], [0, 0, 1, 0], [], []>, transpose_lhs_hint = false} : vector<128x128xf32>, vector<64x128xf32>, vector<128x64xf32> -> vector<128x64xf32>
    %slice3A_2798 = vector.extract_strided_slice %dot_general3A_2797 {offsets = [0, 0], sizes = [64, 64], strides = [1, 1]} : vector<128x64xf32> to vector<64x64xf32>
    %swap3A_2799 = arith.constant 13696 : index
    %swap3A_2800 = arith.constant 0 : index
    %swap3A_2801 = vector.load %arg2[%swap3A_2799, %swap3A_2800] : memref<16384x128xf32, #tpu.memory_space<vmem>>, vector<64x64xf32>
    tpu.vector_store %arg2[%swap3A_2799, %swap3A_2800], %slice3A_2798 {strides = array<i32>} : memref<16384x128xf32, #tpu.memory_space<vmem>>, vector<64x64xf32>,
    %slice3A_2802 = vector.extract_strided_slice %dot_general3A_2797 {offsets = [64, 0], sizes = [64, 64], strides = [1, 1]} : vector<128x64xf32> to vector<64x64xf32>
    %swap3A_2803 = arith.constant 13696 : index
    %swap3A_2804 = arith.constant 64 : index
    %swap3A_2805 = vector.load %arg2[%swap3A_2803, %swap3A_2804] : memref<16384x128xf32, #tpu.memory_space<vmem>>, vector<64x64xf32>
    tpu.vector_store %arg2[%swap3A_2803, %swap3A_2804], %slice3A_2802 {strides = array<i32>} : memref<16384x128xf32, #tpu.memory_space<vmem>>, vector<64x64xf32>,
    %get3A_2806 = arith.constant 0 : index
    %get3A_2807 = arith.constant 27520 : index
    %get3A_2808 = vector.load %arg1[%get3A_2806, %get3A_2807] : memref<64x32768xf32, #tpu.memory_space<vmem>>, vector<64x128xf32>
    %dot_general3A_2809 = arith.constant dense<0.000000e+00> : vector<128x64xf32>
    %dot_general3A_2810 = tpu.matmul %convert_element_type3A_14, %get3A_2808, %dot_general3A_2809 {dimension_numbers = #tpu.dot_dimension_numbers<[1], [1], [0], [0], [0, 0, 1, 0], [], []>, transpose_lhs_hint = false} : vector<128x128xf32>, vector<64x128xf32>, vector<128x64xf32> -> vector<128x64xf32>
    %slice3A_2811 = vector.extract_strided_slice %dot_general3A_2810 {offsets = [0, 0], sizes = [64, 64], strides = [1, 1]} : vector<128x64xf32> to vector<64x64xf32>
    %swap3A_2812 = arith.constant 13760 : index
    %swap3A_2813 = arith.constant 0 : index
    %swap3A_2814 = vector.load %arg2[%swap3A_2812, %swap3A_2813] : memref<16384x128xf32, #tpu.memory_space<vmem>>, vector<64x64xf32>
    tpu.vector_store %arg2[%swap3A_2812, %swap3A_2813], %slice3A_2811 {strides = array<i32>} : memref<16384x128xf32, #tpu.memory_space<vmem>>, vector<64x64xf32>,
    %slice3A_2815 = vector.extract_strided_slice %dot_general3A_2810 {offsets = [64, 0], sizes = [64, 64], strides = [1, 1]} : vector<128x64xf32> to vector<64x64xf32>
    %swap3A_2816 = arith.constant 13760 : index
    %swap3A_2817 = arith.constant 64 : index
    %swap3A_2818 = vector.load %arg2[%swap3A_2816, %swap3A_2817] : memref<16384x128xf32, #tpu.memory_space<vmem>>, vector<64x64xf32>
    tpu.vector_store %arg2[%swap3A_2816, %swap3A_2817], %slice3A_2815 {strides = array<i32>} : memref<16384x128xf32, #tpu.memory_space<vmem>>, vector<64x64xf32>,
    %get3A_2819 = arith.constant 0 : index
    %get3A_2820 = arith.constant 27648 : index
    %get3A_2821 = vector.load %arg1[%get3A_2819, %get3A_2820] : memref<64x32768xf32, #tpu.memory_space<vmem>>, vector<64x128xf32>
    %dot_general3A_2822 = arith.constant dense<0.000000e+00> : vector<128x64xf32>
    %dot_general3A_2823 = tpu.matmul %convert_element_type3A_14, %get3A_2821, %dot_general3A_2822 {dimension_numbers = #tpu.dot_dimension_numbers<[1], [1], [0], [0], [0, 0, 1, 0], [], []>, transpose_lhs_hint = false} : vector<128x128xf32>, vector<64x128xf32>, vector<128x64xf32> -> vector<128x64xf32>
    %slice3A_2824 = vector.extract_strided_slice %dot_general3A_2823 {offsets = [0, 0], sizes = [64, 64], strides = [1, 1]} : vector<128x64xf32> to vector<64x64xf32>
    %swap3A_2825 = arith.constant 13824 : index
    %swap3A_2826 = arith.constant 0 : index
    %swap3A_2827 = vector.load %arg2[%swap3A_2825, %swap3A_2826] : memref<16384x128xf32, #tpu.memory_space<vmem>>, vector<64x64xf32>
    tpu.vector_store %arg2[%swap3A_2825, %swap3A_2826], %slice3A_2824 {strides = array<i32>} : memref<16384x128xf32, #tpu.memory_space<vmem>>, vector<64x64xf32>,
    %slice3A_2828 = vector.extract_strided_slice %dot_general3A_2823 {offsets = [64, 0], sizes = [64, 64], strides = [1, 1]} : vector<128x64xf32> to vector<64x64xf32>
    %swap3A_2829 = arith.constant 13824 : index
    %swap3A_2830 = arith.constant 64 : index
    %swap3A_2831 = vector.load %arg2[%swap3A_2829, %swap3A_2830] : memref<16384x128xf32, #tpu.memory_space<vmem>>, vector<64x64xf32>
    tpu.vector_store %arg2[%swap3A_2829, %swap3A_2830], %slice3A_2828 {strides = array<i32>} : memref<16384x128xf32, #tpu.memory_space<vmem>>, vector<64x64xf32>,
    %get3A_2832 = arith.constant 0 : index
    %get3A_2833 = arith.constant 27776 : index
    %get3A_2834 = vector.load %arg1[%get3A_2832, %get3A_2833] : memref<64x32768xf32, #tpu.memory_space<vmem>>, vector<64x128xf32>
    %dot_general3A_2835 = arith.constant dense<0.000000e+00> : vector<128x64xf32>
    %dot_general3A_2836 = tpu.matmul %convert_element_type3A_14, %get3A_2834, %dot_general3A_2835 {dimension_numbers = #tpu.dot_dimension_numbers<[1], [1], [0], [0], [0, 0, 1, 0], [], []>, transpose_lhs_hint = false} : vector<128x128xf32>, vector<64x128xf32>, vector<128x64xf32> -> vector<128x64xf32>
    %slice3A_2837 = vector.extract_strided_slice %dot_general3A_2836 {offsets = [0, 0], sizes = [64, 64], strides = [1, 1]} : vector<128x64xf32> to vector<64x64xf32>
    %swap3A_2838 = arith.constant 13888 : index
    %swap3A_2839 = arith.constant 0 : index
    %swap3A_2840 = vector.load %arg2[%swap3A_2838, %swap3A_2839] : memref<16384x128xf32, #tpu.memory_space<vmem>>, vector<64x64xf32>
    tpu.vector_store %arg2[%swap3A_2838, %swap3A_2839], %slice3A_2837 {strides = array<i32>} : memref<16384x128xf32, #tpu.memory_space<vmem>>, vector<64x64xf32>,
    %slice3A_2841 = vector.extract_strided_slice %dot_general3A_2836 {offsets = [64, 0], sizes = [64, 64], strides = [1, 1]} : vector<128x64xf32> to vector<64x64xf32>
    %swap3A_2842 = arith.constant 13888 : index
    %swap3A_2843 = arith.constant 64 : index
    %swap3A_2844 = vector.load %arg2[%swap3A_2842, %swap3A_2843] : memref<16384x128xf32, #tpu.memory_space<vmem>>, vector<64x64xf32>
    tpu.vector_store %arg2[%swap3A_2842, %swap3A_2843], %slice3A_2841 {strides = array<i32>} : memref<16384x128xf32, #tpu.memory_space<vmem>>, vector<64x64xf32>,
    %get3A_2845 = arith.constant 0 : index
    %get3A_2846 = arith.constant 27904 : index
    %get3A_2847 = vector.load %arg1[%get3A_2845, %get3A_2846] : memref<64x32768xf32, #tpu.memory_space<vmem>>, vector<64x128xf32>
    %dot_general3A_2848 = arith.constant dense<0.000000e+00> : vector<128x64xf32>
    %dot_general3A_2849 = tpu.matmul %convert_element_type3A_14, %get3A_2847, %dot_general3A_2848 {dimension_numbers = #tpu.dot_dimension_numbers<[1], [1], [0], [0], [0, 0, 1, 0], [], []>, transpose_lhs_hint = false} : vector<128x128xf32>, vector<64x128xf32>, vector<128x64xf32> -> vector<128x64xf32>
    %slice3A_2850 = vector.extract_strided_slice %dot_general3A_2849 {offsets = [0, 0], sizes = [64, 64], strides = [1, 1]} : vector<128x64xf32> to vector<64x64xf32>
    %swap3A_2851 = arith.constant 13952 : index
    %swap3A_2852 = arith.constant 0 : index
    %swap3A_2853 = vector.load %arg2[%swap3A_2851, %swap3A_2852] : memref<16384x128xf32, #tpu.memory_space<vmem>>, vector<64x64xf32>
    tpu.vector_store %arg2[%swap3A_2851, %swap3A_2852], %slice3A_2850 {strides = array<i32>} : memref<16384x128xf32, #tpu.memory_space<vmem>>, vector<64x64xf32>,
    %slice3A_2854 = vector.extract_strided_slice %dot_general3A_2849 {offsets = [64, 0], sizes = [64, 64], strides = [1, 1]} : vector<128x64xf32> to vector<64x64xf32>
    %swap3A_2855 = arith.constant 13952 : index
    %swap3A_2856 = arith.constant 64 : index
    %swap3A_2857 = vector.load %arg2[%swap3A_2855, %swap3A_2856] : memref<16384x128xf32, #tpu.memory_space<vmem>>, vector<64x64xf32>
    tpu.vector_store %arg2[%swap3A_2855, %swap3A_2856], %slice3A_2854 {strides = array<i32>} : memref<16384x128xf32, #tpu.memory_space<vmem>>, vector<64x64xf32>,
    %get3A_2858 = arith.constant 0 : index
    %get3A_2859 = arith.constant 28032 : index
    %get3A_2860 = vector.load %arg1[%get3A_2858, %get3A_2859] : memref<64x32768xf32, #tpu.memory_space<vmem>>, vector<64x128xf32>
    %dot_general3A_2861 = arith.constant dense<0.000000e+00> : vector<128x64xf32>
    %dot_general3A_2862 = tpu.matmul %convert_element_type3A_14, %get3A_2860, %dot_general3A_2861 {dimension_numbers = #tpu.dot_dimension_numbers<[1], [1], [0], [0], [0, 0, 1, 0], [], []>, transpose_lhs_hint = false} : vector<128x128xf32>, vector<64x128xf32>, vector<128x64xf32> -> vector<128x64xf32>
    %slice3A_2863 = vector.extract_strided_slice %dot_general3A_2862 {offsets = [0, 0], sizes = [64, 64], strides = [1, 1]} : vector<128x64xf32> to vector<64x64xf32>
    %swap3A_2864 = arith.constant 14016 : index
    %swap3A_2865 = arith.constant 0 : index
    %swap3A_2866 = vector.load %arg2[%swap3A_2864, %swap3A_2865] : memref<16384x128xf32, #tpu.memory_space<vmem>>, vector<64x64xf32>
    tpu.vector_store %arg2[%swap3A_2864, %swap3A_2865], %slice3A_2863 {strides = array<i32>} : memref<16384x128xf32, #tpu.memory_space<vmem>>, vector<64x64xf32>,
    %slice3A_2867 = vector.extract_strided_slice %dot_general3A_2862 {offsets = [64, 0], sizes = [64, 64], strides = [1, 1]} : vector<128x64xf32> to vector<64x64xf32>
    %swap3A_2868 = arith.constant 14016 : index
    %swap3A_2869 = arith.constant 64 : index
    %swap3A_2870 = vector.load %arg2[%swap3A_2868, %swap3A_2869] : memref<16384x128xf32, #tpu.memory_space<vmem>>, vector<64x64xf32>
    tpu.vector_store %arg2[%swap3A_2868, %swap3A_2869], %slice3A_2867 {strides = array<i32>} : memref<16384x128xf32, #tpu.memory_space<vmem>>, vector<64x64xf32>,
    %get3A_2871 = arith.constant 0 : index
    %get3A_2872 = arith.constant 28160 : index
    %get3A_2873 = vector.load %arg1[%get3A_2871, %get3A_2872] : memref<64x32768xf32, #tpu.memory_space<vmem>>, vector<64x128xf32>
    %dot_general3A_2874 = arith.constant dense<0.000000e+00> : vector<128x64xf32>
    %dot_general3A_2875 = tpu.matmul %convert_element_type3A_14, %get3A_2873, %dot_general3A_2874 {dimension_numbers = #tpu.dot_dimension_numbers<[1], [1], [0], [0], [0, 0, 1, 0], [], []>, transpose_lhs_hint = false} : vector<128x128xf32>, vector<64x128xf32>, vector<128x64xf32> -> vector<128x64xf32>
    %slice3A_2876 = vector.extract_strided_slice %dot_general3A_2875 {offsets = [0, 0], sizes = [64, 64], strides = [1, 1]} : vector<128x64xf32> to vector<64x64xf32>
    %swap3A_2877 = arith.constant 14080 : index
    %swap3A_2878 = arith.constant 0 : index
    %swap3A_2879 = vector.load %arg2[%swap3A_2877, %swap3A_2878] : memref<16384x128xf32, #tpu.memory_space<vmem>>, vector<64x64xf32>
    tpu.vector_store %arg2[%swap3A_2877, %swap3A_2878], %slice3A_2876 {strides = array<i32>} : memref<16384x128xf32, #tpu.memory_space<vmem>>, vector<64x64xf32>,
    %slice3A_2880 = vector.extract_strided_slice %dot_general3A_2875 {offsets = [64, 0], sizes = [64, 64], strides = [1, 1]} : vector<128x64xf32> to vector<64x64xf32>
    %swap3A_2881 = arith.constant 14080 : index
    %swap3A_2882 = arith.constant 64 : index
    %swap3A_2883 = vector.load %arg2[%swap3A_2881, %swap3A_2882] : memref<16384x128xf32, #tpu.memory_space<vmem>>, vector<64x64xf32>
    tpu.vector_store %arg2[%swap3A_2881, %swap3A_2882], %slice3A_2880 {strides = array<i32>} : memref<16384x128xf32, #tpu.memory_space<vmem>>, vector<64x64xf32>,
    %get3A_2884 = arith.constant 0 : index
    %get3A_2885 = arith.constant 28288 : index
    %get3A_2886 = vector.load %arg1[%get3A_2884, %get3A_2885] : memref<64x32768xf32, #tpu.memory_space<vmem>>, vector<64x128xf32>
    %dot_general3A_2887 = arith.constant dense<0.000000e+00> : vector<128x64xf32>
    %dot_general3A_2888 = tpu.matmul %convert_element_type3A_14, %get3A_2886, %dot_general3A_2887 {dimension_numbers = #tpu.dot_dimension_numbers<[1], [1], [0], [0], [0, 0, 1, 0], [], []>, transpose_lhs_hint = false} : vector<128x128xf32>, vector<64x128xf32>, vector<128x64xf32> -> vector<128x64xf32>
    %slice3A_2889 = vector.extract_strided_slice %dot_general3A_2888 {offsets = [0, 0], sizes = [64, 64], strides = [1, 1]} : vector<128x64xf32> to vector<64x64xf32>
    %swap3A_2890 = arith.constant 14144 : index
    %swap3A_2891 = arith.constant 0 : index
    %swap3A_2892 = vector.load %arg2[%swap3A_2890, %swap3A_2891] : memref<16384x128xf32, #tpu.memory_space<vmem>>, vector<64x64xf32>
    tpu.vector_store %arg2[%swap3A_2890, %swap3A_2891], %slice3A_2889 {strides = array<i32>} : memref<16384x128xf32, #tpu.memory_space<vmem>>, vector<64x64xf32>,
    %slice3A_2893 = vector.extract_strided_slice %dot_general3A_2888 {offsets = [64, 0], sizes = [64, 64], strides = [1, 1]} : vector<128x64xf32> to vector<64x64xf32>
    %swap3A_2894 = arith.constant 14144 : index
    %swap3A_2895 = arith.constant 64 : index
    %swap3A_2896 = vector.load %arg2[%swap3A_2894, %swap3A_2895] : memref<16384x128xf32, #tpu.memory_space<vmem>>, vector<64x64xf32>
    tpu.vector_store %arg2[%swap3A_2894, %swap3A_2895], %slice3A_2893 {strides = array<i32>} : memref<16384x128xf32, #tpu.memory_space<vmem>>, vector<64x64xf32>,
    %get3A_2897 = arith.constant 0 : index
    %get3A_2898 = arith.constant 28416 : index
    %get3A_2899 = vector.load %arg1[%get3A_2897, %get3A_2898] : memref<64x32768xf32, #tpu.memory_space<vmem>>, vector<64x128xf32>
    %dot_general3A_2900 = arith.constant dense<0.000000e+00> : vector<128x64xf32>
    %dot_general3A_2901 = tpu.matmul %convert_element_type3A_14, %get3A_2899, %dot_general3A_2900 {dimension_numbers = #tpu.dot_dimension_numbers<[1], [1], [0], [0], [0, 0, 1, 0], [], []>, transpose_lhs_hint = false} : vector<128x128xf32>, vector<64x128xf32>, vector<128x64xf32> -> vector<128x64xf32>
    %slice3A_2902 = vector.extract_strided_slice %dot_general3A_2901 {offsets = [0, 0], sizes = [64, 64], strides = [1, 1]} : vector<128x64xf32> to vector<64x64xf32>
    %swap3A_2903 = arith.constant 14208 : index
    %swap3A_2904 = arith.constant 0 : index
    %swap3A_2905 = vector.load %arg2[%swap3A_2903, %swap3A_2904] : memref<16384x128xf32, #tpu.memory_space<vmem>>, vector<64x64xf32>
    tpu.vector_store %arg2[%swap3A_2903, %swap3A_2904], %slice3A_2902 {strides = array<i32>} : memref<16384x128xf32, #tpu.memory_space<vmem>>, vector<64x64xf32>,
    %slice3A_2906 = vector.extract_strided_slice %dot_general3A_2901 {offsets = [64, 0], sizes = [64, 64], strides = [1, 1]} : vector<128x64xf32> to vector<64x64xf32>
    %swap3A_2907 = arith.constant 14208 : index
    %swap3A_2908 = arith.constant 64 : index
    %swap3A_2909 = vector.load %arg2[%swap3A_2907, %swap3A_2908] : memref<16384x128xf32, #tpu.memory_space<vmem>>, vector<64x64xf32>
    tpu.vector_store %arg2[%swap3A_2907, %swap3A_2908], %slice3A_2906 {strides = array<i32>} : memref<16384x128xf32, #tpu.memory_space<vmem>>, vector<64x64xf32>,
    %get3A_2910 = arith.constant 0 : index
    %get3A_2911 = arith.constant 28544 : index
    %get3A_2912 = vector.load %arg1[%get3A_2910, %get3A_2911] : memref<64x32768xf32, #tpu.memory_space<vmem>>, vector<64x128xf32>
    %dot_general3A_2913 = arith.constant dense<0.000000e+00> : vector<128x64xf32>
    %dot_general3A_2914 = tpu.matmul %convert_element_type3A_14, %get3A_2912, %dot_general3A_2913 {dimension_numbers = #tpu.dot_dimension_numbers<[1], [1], [0], [0], [0, 0, 1, 0], [], []>, transpose_lhs_hint = false} : vector<128x128xf32>, vector<64x128xf32>, vector<128x64xf32> -> vector<128x64xf32>
    %slice3A_2915 = vector.extract_strided_slice %dot_general3A_2914 {offsets = [0, 0], sizes = [64, 64], strides = [1, 1]} : vector<128x64xf32> to vector<64x64xf32>
    %swap3A_2916 = arith.constant 14272 : index
    %swap3A_2917 = arith.constant 0 : index
    %swap3A_2918 = vector.load %arg2[%swap3A_2916, %swap3A_2917] : memref<16384x128xf32, #tpu.memory_space<vmem>>, vector<64x64xf32>
    tpu.vector_store %arg2[%swap3A_2916, %swap3A_2917], %slice3A_2915 {strides = array<i32>} : memref<16384x128xf32, #tpu.memory_space<vmem>>, vector<64x64xf32>,
    %slice3A_2919 = vector.extract_strided_slice %dot_general3A_2914 {offsets = [64, 0], sizes = [64, 64], strides = [1, 1]} : vector<128x64xf32> to vector<64x64xf32>
    %swap3A_2920 = arith.constant 14272 : index
    %swap3A_2921 = arith.constant 64 : index
    %swap3A_2922 = vector.load %arg2[%swap3A_2920, %swap3A_2921] : memref<16384x128xf32, #tpu.memory_space<vmem>>, vector<64x64xf32>
    tpu.vector_store %arg2[%swap3A_2920, %swap3A_2921], %slice3A_2919 {strides = array<i32>} : memref<16384x128xf32, #tpu.memory_space<vmem>>, vector<64x64xf32>,
    %get3A_2923 = arith.constant 0 : index
    %get3A_2924 = arith.constant 28672 : index
    %get3A_2925 = vector.load %arg1[%get3A_2923, %get3A_2924] : memref<64x32768xf32, #tpu.memory_space<vmem>>, vector<64x128xf32>
    %dot_general3A_2926 = arith.constant dense<0.000000e+00> : vector<128x64xf32>
    %dot_general3A_2927 = tpu.matmul %convert_element_type3A_14, %get3A_2925, %dot_general3A_2926 {dimension_numbers = #tpu.dot_dimension_numbers<[1], [1], [0], [0], [0, 0, 1, 0], [], []>, transpose_lhs_hint = false} : vector<128x128xf32>, vector<64x128xf32>, vector<128x64xf32> -> vector<128x64xf32>
    %slice3A_2928 = vector.extract_strided_slice %dot_general3A_2927 {offsets = [0, 0], sizes = [64, 64], strides = [1, 1]} : vector<128x64xf32> to vector<64x64xf32>
    %swap3A_2929 = arith.constant 14336 : index
    %swap3A_2930 = arith.constant 0 : index
    %swap3A_2931 = vector.load %arg2[%swap3A_2929, %swap3A_2930] : memref<16384x128xf32, #tpu.memory_space<vmem>>, vector<64x64xf32>
    tpu.vector_store %arg2[%swap3A_2929, %swap3A_2930], %slice3A_2928 {strides = array<i32>} : memref<16384x128xf32, #tpu.memory_space<vmem>>, vector<64x64xf32>,
    %slice3A_2932 = vector.extract_strided_slice %dot_general3A_2927 {offsets = [64, 0], sizes = [64, 64], strides = [1, 1]} : vector<128x64xf32> to vector<64x64xf32>
    %swap3A_2933 = arith.constant 14336 : index
    %swap3A_2934 = arith.constant 64 : index
    %swap3A_2935 = vector.load %arg2[%swap3A_2933, %swap3A_2934] : memref<16384x128xf32, #tpu.memory_space<vmem>>, vector<64x64xf32>
    tpu.vector_store %arg2[%swap3A_2933, %swap3A_2934], %slice3A_2932 {strides = array<i32>} : memref<16384x128xf32, #tpu.memory_space<vmem>>, vector<64x64xf32>,
    %get3A_2936 = arith.constant 0 : index
    %get3A_2937 = arith.constant 28800 : index
    %get3A_2938 = vector.load %arg1[%get3A_2936, %get3A_2937] : memref<64x32768xf32, #tpu.memory_space<vmem>>, vector<64x128xf32>
    %dot_general3A_2939 = arith.constant dense<0.000000e+00> : vector<128x64xf32>
    %dot_general3A_2940 = tpu.matmul %convert_element_type3A_14, %get3A_2938, %dot_general3A_2939 {dimension_numbers = #tpu.dot_dimension_numbers<[1], [1], [0], [0], [0, 0, 1, 0], [], []>, transpose_lhs_hint = false} : vector<128x128xf32>, vector<64x128xf32>, vector<128x64xf32> -> vector<128x64xf32>
    %slice3A_2941 = vector.extract_strided_slice %dot_general3A_2940 {offsets = [0, 0], sizes = [64, 64], strides = [1, 1]} : vector<128x64xf32> to vector<64x64xf32>
    %swap3A_2942 = arith.constant 14400 : index
    %swap3A_2943 = arith.constant 0 : index
    %swap3A_2944 = vector.load %arg2[%swap3A_2942, %swap3A_2943] : memref<16384x128xf32, #tpu.memory_space<vmem>>, vector<64x64xf32>
    tpu.vector_store %arg2[%swap3A_2942, %swap3A_2943], %slice3A_2941 {strides = array<i32>} : memref<16384x128xf32, #tpu.memory_space<vmem>>, vector<64x64xf32>,
    %slice3A_2945 = vector.extract_strided_slice %dot_general3A_2940 {offsets = [64, 0], sizes = [64, 64], strides = [1, 1]} : vector<128x64xf32> to vector<64x64xf32>
    %swap3A_2946 = arith.constant 14400 : index
    %swap3A_2947 = arith.constant 64 : index
    %swap3A_2948 = vector.load %arg2[%swap3A_2946, %swap3A_2947] : memref<16384x128xf32, #tpu.memory_space<vmem>>, vector<64x64xf32>
    tpu.vector_store %arg2[%swap3A_2946, %swap3A_2947], %slice3A_2945 {strides = array<i32>} : memref<16384x128xf32, #tpu.memory_space<vmem>>, vector<64x64xf32>,
    %get3A_2949 = arith.constant 0 : index
    %get3A_2950 = arith.constant 28928 : index
    %get3A_2951 = vector.load %arg1[%get3A_2949, %get3A_2950] : memref<64x32768xf32, #tpu.memory_space<vmem>>, vector<64x128xf32>
    %dot_general3A_2952 = arith.constant dense<0.000000e+00> : vector<128x64xf32>
    %dot_general3A_2953 = tpu.matmul %convert_element_type3A_14, %get3A_2951, %dot_general3A_2952 {dimension_numbers = #tpu.dot_dimension_numbers<[1], [1], [0], [0], [0, 0, 1, 0], [], []>, transpose_lhs_hint = false} : vector<128x128xf32>, vector<64x128xf32>, vector<128x64xf32> -> vector<128x64xf32>
    %slice3A_2954 = vector.extract_strided_slice %dot_general3A_2953 {offsets = [0, 0], sizes = [64, 64], strides = [1, 1]} : vector<128x64xf32> to vector<64x64xf32>
    %swap3A_2955 = arith.constant 14464 : index
    %swap3A_2956 = arith.constant 0 : index
    %swap3A_2957 = vector.load %arg2[%swap3A_2955, %swap3A_2956] : memref<16384x128xf32, #tpu.memory_space<vmem>>, vector<64x64xf32>
    tpu.vector_store %arg2[%swap3A_2955, %swap3A_2956], %slice3A_2954 {strides = array<i32>} : memref<16384x128xf32, #tpu.memory_space<vmem>>, vector<64x64xf32>,
    %slice3A_2958 = vector.extract_strided_slice %dot_general3A_2953 {offsets = [64, 0], sizes = [64, 64], strides = [1, 1]} : vector<128x64xf32> to vector<64x64xf32>
    %swap3A_2959 = arith.constant 14464 : index
    %swap3A_2960 = arith.constant 64 : index
    %swap3A_2961 = vector.load %arg2[%swap3A_2959, %swap3A_2960] : memref<16384x128xf32, #tpu.memory_space<vmem>>, vector<64x64xf32>
    tpu.vector_store %arg2[%swap3A_2959, %swap3A_2960], %slice3A_2958 {strides = array<i32>} : memref<16384x128xf32, #tpu.memory_space<vmem>>, vector<64x64xf32>,
    %get3A_2962 = arith.constant 0 : index
    %get3A_2963 = arith.constant 29056 : index
    %get3A_2964 = vector.load %arg1[%get3A_2962, %get3A_2963] : memref<64x32768xf32, #tpu.memory_space<vmem>>, vector<64x128xf32>
    %dot_general3A_2965 = arith.constant dense<0.000000e+00> : vector<128x64xf32>
    %dot_general3A_2966 = tpu.matmul %convert_element_type3A_14, %get3A_2964, %dot_general3A_2965 {dimension_numbers = #tpu.dot_dimension_numbers<[1], [1], [0], [0], [0, 0, 1, 0], [], []>, transpose_lhs_hint = false} : vector<128x128xf32>, vector<64x128xf32>, vector<128x64xf32> -> vector<128x64xf32>
    %slice3A_2967 = vector.extract_strided_slice %dot_general3A_2966 {offsets = [0, 0], sizes = [64, 64], strides = [1, 1]} : vector<128x64xf32> to vector<64x64xf32>
    %swap3A_2968 = arith.constant 14528 : index
    %swap3A_2969 = arith.constant 0 : index
    %swap3A_2970 = vector.load %arg2[%swap3A_2968, %swap3A_2969] : memref<16384x128xf32, #tpu.memory_space<vmem>>, vector<64x64xf32>
    tpu.vector_store %arg2[%swap3A_2968, %swap3A_2969], %slice3A_2967 {strides = array<i32>} : memref<16384x128xf32, #tpu.memory_space<vmem>>, vector<64x64xf32>,
    %slice3A_2971 = vector.extract_strided_slice %dot_general3A_2966 {offsets = [64, 0], sizes = [64, 64], strides = [1, 1]} : vector<128x64xf32> to vector<64x64xf32>
    %swap3A_2972 = arith.constant 14528 : index
    %swap3A_2973 = arith.constant 64 : index
    %swap3A_2974 = vector.load %arg2[%swap3A_2972, %swap3A_2973] : memref<16384x128xf32, #tpu.memory_space<vmem>>, vector<64x64xf32>
    tpu.vector_store %arg2[%swap3A_2972, %swap3A_2973], %slice3A_2971 {strides = array<i32>} : memref<16384x128xf32, #tpu.memory_space<vmem>>, vector<64x64xf32>,
    %get3A_2975 = arith.constant 0 : index
    %get3A_2976 = arith.constant 29184 : index
    %get3A_2977 = vector.load %arg1[%get3A_2975, %get3A_2976] : memref<64x32768xf32, #tpu.memory_space<vmem>>, vector<64x128xf32>
    %dot_general3A_2978 = arith.constant dense<0.000000e+00> : vector<128x64xf32>
    %dot_general3A_2979 = tpu.matmul %convert_element_type3A_14, %get3A_2977, %dot_general3A_2978 {dimension_numbers = #tpu.dot_dimension_numbers<[1], [1], [0], [0], [0, 0, 1, 0], [], []>, transpose_lhs_hint = false} : vector<128x128xf32>, vector<64x128xf32>, vector<128x64xf32> -> vector<128x64xf32>
    %slice3A_2980 = vector.extract_strided_slice %dot_general3A_2979 {offsets = [0, 0], sizes = [64, 64], strides = [1, 1]} : vector<128x64xf32> to vector<64x64xf32>
    %swap3A_2981 = arith.constant 14592 : index
    %swap3A_2982 = arith.constant 0 : index
    %swap3A_2983 = vector.load %arg2[%swap3A_2981, %swap3A_2982] : memref<16384x128xf32, #tpu.memory_space<vmem>>, vector<64x64xf32>
    tpu.vector_store %arg2[%swap3A_2981, %swap3A_2982], %slice3A_2980 {strides = array<i32>} : memref<16384x128xf32, #tpu.memory_space<vmem>>, vector<64x64xf32>,
    %slice3A_2984 = vector.extract_strided_slice %dot_general3A_2979 {offsets = [64, 0], sizes = [64, 64], strides = [1, 1]} : vector<128x64xf32> to vector<64x64xf32>
    %swap3A_2985 = arith.constant 14592 : index
    %swap3A_2986 = arith.constant 64 : index
    %swap3A_2987 = vector.load %arg2[%swap3A_2985, %swap3A_2986] : memref<16384x128xf32, #tpu.memory_space<vmem>>, vector<64x64xf32>
    tpu.vector_store %arg2[%swap3A_2985, %swap3A_2986], %slice3A_2984 {strides = array<i32>} : memref<16384x128xf32, #tpu.memory_space<vmem>>, vector<64x64xf32>,
    %get3A_2988 = arith.constant 0 : index
    %get3A_2989 = arith.constant 29312 : index
    %get3A_2990 = vector.load %arg1[%get3A_2988, %get3A_2989] : memref<64x32768xf32, #tpu.memory_space<vmem>>, vector<64x128xf32>
    %dot_general3A_2991 = arith.constant dense<0.000000e+00> : vector<128x64xf32>
    %dot_general3A_2992 = tpu.matmul %convert_element_type3A_14, %get3A_2990, %dot_general3A_2991 {dimension_numbers = #tpu.dot_dimension_numbers<[1], [1], [0], [0], [0, 0, 1, 0], [], []>, transpose_lhs_hint = false} : vector<128x128xf32>, vector<64x128xf32>, vector<128x64xf32> -> vector<128x64xf32>
    %slice3A_2993 = vector.extract_strided_slice %dot_general3A_2992 {offsets = [0, 0], sizes = [64, 64], strides = [1, 1]} : vector<128x64xf32> to vector<64x64xf32>
    %swap3A_2994 = arith.constant 14656 : index
    %swap3A_2995 = arith.constant 0 : index
    %swap3A_2996 = vector.load %arg2[%swap3A_2994, %swap3A_2995] : memref<16384x128xf32, #tpu.memory_space<vmem>>, vector<64x64xf32>
    tpu.vector_store %arg2[%swap3A_2994, %swap3A_2995], %slice3A_2993 {strides = array<i32>} : memref<16384x128xf32, #tpu.memory_space<vmem>>, vector<64x64xf32>,
    %slice3A_2997 = vector.extract_strided_slice %dot_general3A_2992 {offsets = [64, 0], sizes = [64, 64], strides = [1, 1]} : vector<128x64xf32> to vector<64x64xf32>
    %swap3A_2998 = arith.constant 14656 : index
    %swap3A_2999 = arith.constant 64 : index
    %swap3A_3000 = vector.load %arg2[%swap3A_2998, %swap3A_2999] : memref<16384x128xf32, #tpu.memory_space<vmem>>, vector<64x64xf32>
    tpu.vector_store %arg2[%swap3A_2998, %swap3A_2999], %slice3A_2997 {strides = array<i32>} : memref<16384x128xf32, #tpu.memory_space<vmem>>, vector<64x64xf32>,
    %get3A_3001 = arith.constant 0 : index
    %get3A_3002 = arith.constant 29440 : index
    %get3A_3003 = vector.load %arg1[%get3A_3001, %get3A_3002] : memref<64x32768xf32, #tpu.memory_space<vmem>>, vector<64x128xf32>
    %dot_general3A_3004 = arith.constant dense<0.000000e+00> : vector<128x64xf32>
    %dot_general3A_3005 = tpu.matmul %convert_element_type3A_14, %get3A_3003, %dot_general3A_3004 {dimension_numbers = #tpu.dot_dimension_numbers<[1], [1], [0], [0], [0, 0, 1, 0], [], []>, transpose_lhs_hint = false} : vector<128x128xf32>, vector<64x128xf32>, vector<128x64xf32> -> vector<128x64xf32>
    %slice3A_3006 = vector.extract_strided_slice %dot_general3A_3005 {offsets = [0, 0], sizes = [64, 64], strides = [1, 1]} : vector<128x64xf32> to vector<64x64xf32>
    %swap3A_3007 = arith.constant 14720 : index
    %swap3A_3008 = arith.constant 0 : index
    %swap3A_3009 = vector.load %arg2[%swap3A_3007, %swap3A_3008] : memref<16384x128xf32, #tpu.memory_space<vmem>>, vector<64x64xf32>
    tpu.vector_store %arg2[%swap3A_3007, %swap3A_3008], %slice3A_3006 {strides = array<i32>} : memref<16384x128xf32, #tpu.memory_space<vmem>>, vector<64x64xf32>,
    %slice3A_3010 = vector.extract_strided_slice %dot_general3A_3005 {offsets = [64, 0], sizes = [64, 64], strides = [1, 1]} : vector<128x64xf32> to vector<64x64xf32>
    %swap3A_3011 = arith.constant 14720 : index
    %swap3A_3012 = arith.constant 64 : index
    %swap3A_3013 = vector.load %arg2[%swap3A_3011, %swap3A_3012] : memref<16384x128xf32, #tpu.memory_space<vmem>>, vector<64x64xf32>
    tpu.vector_store %arg2[%swap3A_3011, %swap3A_3012], %slice3A_3010 {strides = array<i32>} : memref<16384x128xf32, #tpu.memory_space<vmem>>, vector<64x64xf32>,
    %get3A_3014 = arith.constant 0 : index
    %get3A_3015 = arith.constant 29568 : index
    %get3A_3016 = vector.load %arg1[%get3A_3014, %get3A_3015] : memref<64x32768xf32, #tpu.memory_space<vmem>>, vector<64x128xf32>
    %dot_general3A_3017 = arith.constant dense<0.000000e+00> : vector<128x64xf32>
    %dot_general3A_3018 = tpu.matmul %convert_element_type3A_14, %get3A_3016, %dot_general3A_3017 {dimension_numbers = #tpu.dot_dimension_numbers<[1], [1], [0], [0], [0, 0, 1, 0], [], []>, transpose_lhs_hint = false} : vector<128x128xf32>, vector<64x128xf32>, vector<128x64xf32> -> vector<128x64xf32>
    %slice3A_3019 = vector.extract_strided_slice %dot_general3A_3018 {offsets = [0, 0], sizes = [64, 64], strides = [1, 1]} : vector<128x64xf32> to vector<64x64xf32>
    %swap3A_3020 = arith.constant 14784 : index
    %swap3A_3021 = arith.constant 0 : index
    %swap3A_3022 = vector.load %arg2[%swap3A_3020, %swap3A_3021] : memref<16384x128xf32, #tpu.memory_space<vmem>>, vector<64x64xf32>
    tpu.vector_store %arg2[%swap3A_3020, %swap3A_3021], %slice3A_3019 {strides = array<i32>} : memref<16384x128xf32, #tpu.memory_space<vmem>>, vector<64x64xf32>,
    %slice3A_3023 = vector.extract_strided_slice %dot_general3A_3018 {offsets = [64, 0], sizes = [64, 64], strides = [1, 1]} : vector<128x64xf32> to vector<64x64xf32>
    %swap3A_3024 = arith.constant 14784 : index
    %swap3A_3025 = arith.constant 64 : index
    %swap3A_3026 = vector.load %arg2[%swap3A_3024, %swap3A_3025] : memref<16384x128xf32, #tpu.memory_space<vmem>>, vector<64x64xf32>
    tpu.vector_store %arg2[%swap3A_3024, %swap3A_3025], %slice3A_3023 {strides = array<i32>} : memref<16384x128xf32, #tpu.memory_space<vmem>>, vector<64x64xf32>,
    %get3A_3027 = arith.constant 0 : index
    %get3A_3028 = arith.constant 29696 : index
    %get3A_3029 = vector.load %arg1[%get3A_3027, %get3A_3028] : memref<64x32768xf32, #tpu.memory_space<vmem>>, vector<64x128xf32>
    %dot_general3A_3030 = arith.constant dense<0.000000e+00> : vector<128x64xf32>
    %dot_general3A_3031 = tpu.matmul %convert_element_type3A_14, %get3A_3029, %dot_general3A_3030 {dimension_numbers = #tpu.dot_dimension_numbers<[1], [1], [0], [0], [0, 0, 1, 0], [], []>, transpose_lhs_hint = false} : vector<128x128xf32>, vector<64x128xf32>, vector<128x64xf32> -> vector<128x64xf32>
    %slice3A_3032 = vector.extract_strided_slice %dot_general3A_3031 {offsets = [0, 0], sizes = [64, 64], strides = [1, 1]} : vector<128x64xf32> to vector<64x64xf32>
    %swap3A_3033 = arith.constant 14848 : index
    %swap3A_3034 = arith.constant 0 : index
    %swap3A_3035 = vector.load %arg2[%swap3A_3033, %swap3A_3034] : memref<16384x128xf32, #tpu.memory_space<vmem>>, vector<64x64xf32>
    tpu.vector_store %arg2[%swap3A_3033, %swap3A_3034], %slice3A_3032 {strides = array<i32>} : memref<16384x128xf32, #tpu.memory_space<vmem>>, vector<64x64xf32>,
    %slice3A_3036 = vector.extract_strided_slice %dot_general3A_3031 {offsets = [64, 0], sizes = [64, 64], strides = [1, 1]} : vector<128x64xf32> to vector<64x64xf32>
    %swap3A_3037 = arith.constant 14848 : index
    %swap3A_3038 = arith.constant 64 : index
    %swap3A_3039 = vector.load %arg2[%swap3A_3037, %swap3A_3038] : memref<16384x128xf32, #tpu.memory_space<vmem>>, vector<64x64xf32>
    tpu.vector_store %arg2[%swap3A_3037, %swap3A_3038], %slice3A_3036 {strides = array<i32>} : memref<16384x128xf32, #tpu.memory_space<vmem>>, vector<64x64xf32>,
    %get3A_3040 = arith.constant 0 : index
    %get3A_3041 = arith.constant 29824 : index
    %get3A_3042 = vector.load %arg1[%get3A_3040, %get3A_3041] : memref<64x32768xf32, #tpu.memory_space<vmem>>, vector<64x128xf32>
    %dot_general3A_3043 = arith.constant dense<0.000000e+00> : vector<128x64xf32>
    %dot_general3A_3044 = tpu.matmul %convert_element_type3A_14, %get3A_3042, %dot_general3A_3043 {dimension_numbers = #tpu.dot_dimension_numbers<[1], [1], [0], [0], [0, 0, 1, 0], [], []>, transpose_lhs_hint = false} : vector<128x128xf32>, vector<64x128xf32>, vector<128x64xf32> -> vector<128x64xf32>
    %slice3A_3045 = vector.extract_strided_slice %dot_general3A_3044 {offsets = [0, 0], sizes = [64, 64], strides = [1, 1]} : vector<128x64xf32> to vector<64x64xf32>
    %swap3A_3046 = arith.constant 14912 : index
    %swap3A_3047 = arith.constant 0 : index
    %swap3A_3048 = vector.load %arg2[%swap3A_3046, %swap3A_3047] : memref<16384x128xf32, #tpu.memory_space<vmem>>, vector<64x64xf32>
    tpu.vector_store %arg2[%swap3A_3046, %swap3A_3047], %slice3A_3045 {strides = array<i32>} : memref<16384x128xf32, #tpu.memory_space<vmem>>, vector<64x64xf32>,
    %slice3A_3049 = vector.extract_strided_slice %dot_general3A_3044 {offsets = [64, 0], sizes = [64, 64], strides = [1, 1]} : vector<128x64xf32> to vector<64x64xf32>
    %swap3A_3050 = arith.constant 14912 : index
    %swap3A_3051 = arith.constant 64 : index
    %swap3A_3052 = vector.load %arg2[%swap3A_3050, %swap3A_3051] : memref<16384x128xf32, #tpu.memory_space<vmem>>, vector<64x64xf32>
    tpu.vector_store %arg2[%swap3A_3050, %swap3A_3051], %slice3A_3049 {strides = array<i32>} : memref<16384x128xf32, #tpu.memory_space<vmem>>, vector<64x64xf32>,
    %get3A_3053 = arith.constant 0 : index
    %get3A_3054 = arith.constant 29952 : index
    %get3A_3055 = vector.load %arg1[%get3A_3053, %get3A_3054] : memref<64x32768xf32, #tpu.memory_space<vmem>>, vector<64x128xf32>
    %dot_general3A_3056 = arith.constant dense<0.000000e+00> : vector<128x64xf32>
    %dot_general3A_3057 = tpu.matmul %convert_element_type3A_14, %get3A_3055, %dot_general3A_3056 {dimension_numbers = #tpu.dot_dimension_numbers<[1], [1], [0], [0], [0, 0, 1, 0], [], []>, transpose_lhs_hint = false} : vector<128x128xf32>, vector<64x128xf32>, vector<128x64xf32> -> vector<128x64xf32>
    %slice3A_3058 = vector.extract_strided_slice %dot_general3A_3057 {offsets = [0, 0], sizes = [64, 64], strides = [1, 1]} : vector<128x64xf32> to vector<64x64xf32>
    %swap3A_3059 = arith.constant 14976 : index
    %swap3A_3060 = arith.constant 0 : index
    %swap3A_3061 = vector.load %arg2[%swap3A_3059, %swap3A_3060] : memref<16384x128xf32, #tpu.memory_space<vmem>>, vector<64x64xf32>
    tpu.vector_store %arg2[%swap3A_3059, %swap3A_3060], %slice3A_3058 {strides = array<i32>} : memref<16384x128xf32, #tpu.memory_space<vmem>>, vector<64x64xf32>,
    %slice3A_3062 = vector.extract_strided_slice %dot_general3A_3057 {offsets = [64, 0], sizes = [64, 64], strides = [1, 1]} : vector<128x64xf32> to vector<64x64xf32>
    %swap3A_3063 = arith.constant 14976 : index
    %swap3A_3064 = arith.constant 64 : index
    %swap3A_3065 = vector.load %arg2[%swap3A_3063, %swap3A_3064] : memref<16384x128xf32, #tpu.memory_space<vmem>>, vector<64x64xf32>
    tpu.vector_store %arg2[%swap3A_3063, %swap3A_3064], %slice3A_3062 {strides = array<i32>} : memref<16384x128xf32, #tpu.memory_space<vmem>>, vector<64x64xf32>,
    %get3A_3066 = arith.constant 0 : index
    %get3A_3067 = arith.constant 30080 : index
    %get3A_3068 = vector.load %arg1[%get3A_3066, %get3A_3067] : memref<64x32768xf32, #tpu.memory_space<vmem>>, vector<64x128xf32>
    %dot_general3A_3069 = arith.constant dense<0.000000e+00> : vector<128x64xf32>
    %dot_general3A_3070 = tpu.matmul %convert_element_type3A_14, %get3A_3068, %dot_general3A_3069 {dimension_numbers = #tpu.dot_dimension_numbers<[1], [1], [0], [0], [0, 0, 1, 0], [], []>, transpose_lhs_hint = false} : vector<128x128xf32>, vector<64x128xf32>, vector<128x64xf32> -> vector<128x64xf32>
    %slice3A_3071 = vector.extract_strided_slice %dot_general3A_3070 {offsets = [0, 0], sizes = [64, 64], strides = [1, 1]} : vector<128x64xf32> to vector<64x64xf32>
    %swap3A_3072 = arith.constant 15040 : index
    %swap3A_3073 = arith.constant 0 : index
    %swap3A_3074 = vector.load %arg2[%swap3A_3072, %swap3A_3073] : memref<16384x128xf32, #tpu.memory_space<vmem>>, vector<64x64xf32>
    tpu.vector_store %arg2[%swap3A_3072, %swap3A_3073], %slice3A_3071 {strides = array<i32>} : memref<16384x128xf32, #tpu.memory_space<vmem>>, vector<64x64xf32>,
    %slice3A_3075 = vector.extract_strided_slice %dot_general3A_3070 {offsets = [64, 0], sizes = [64, 64], strides = [1, 1]} : vector<128x64xf32> to vector<64x64xf32>
    %swap3A_3076 = arith.constant 15040 : index
    %swap3A_3077 = arith.constant 64 : index
    %swap3A_3078 = vector.load %arg2[%swap3A_3076, %swap3A_3077] : memref<16384x128xf32, #tpu.memory_space<vmem>>, vector<64x64xf32>
    tpu.vector_store %arg2[%swap3A_3076, %swap3A_3077], %slice3A_3075 {strides = array<i32>} : memref<16384x128xf32, #tpu.memory_space<vmem>>, vector<64x64xf32>,
    %get3A_3079 = arith.constant 0 : index
    %get3A_3080 = arith.constant 30208 : index
    %get3A_3081 = vector.load %arg1[%get3A_3079, %get3A_3080] : memref<64x32768xf32, #tpu.memory_space<vmem>>, vector<64x128xf32>
    %dot_general3A_3082 = arith.constant dense<0.000000e+00> : vector<128x64xf32>
    %dot_general3A_3083 = tpu.matmul %convert_element_type3A_14, %get3A_3081, %dot_general3A_3082 {dimension_numbers = #tpu.dot_dimension_numbers<[1], [1], [0], [0], [0, 0, 1, 0], [], []>, transpose_lhs_hint = false} : vector<128x128xf32>, vector<64x128xf32>, vector<128x64xf32> -> vector<128x64xf32>
    %slice3A_3084 = vector.extract_strided_slice %dot_general3A_3083 {offsets = [0, 0], sizes = [64, 64], strides = [1, 1]} : vector<128x64xf32> to vector<64x64xf32>
    %swap3A_3085 = arith.constant 15104 : index
    %swap3A_3086 = arith.constant 0 : index
    %swap3A_3087 = vector.load %arg2[%swap3A_3085, %swap3A_3086] : memref<16384x128xf32, #tpu.memory_space<vmem>>, vector<64x64xf32>
    tpu.vector_store %arg2[%swap3A_3085, %swap3A_3086], %slice3A_3084 {strides = array<i32>} : memref<16384x128xf32, #tpu.memory_space<vmem>>, vector<64x64xf32>,
    %slice3A_3088 = vector.extract_strided_slice %dot_general3A_3083 {offsets = [64, 0], sizes = [64, 64], strides = [1, 1]} : vector<128x64xf32> to vector<64x64xf32>
    %swap3A_3089 = arith.constant 15104 : index
    %swap3A_3090 = arith.constant 64 : index
    %swap3A_3091 = vector.load %arg2[%swap3A_3089, %swap3A_3090] : memref<16384x128xf32, #tpu.memory_space<vmem>>, vector<64x64xf32>
    tpu.vector_store %arg2[%swap3A_3089, %swap3A_3090], %slice3A_3088 {strides = array<i32>} : memref<16384x128xf32, #tpu.memory_space<vmem>>, vector<64x64xf32>,
    %get3A_3092 = arith.constant 0 : index
    %get3A_3093 = arith.constant 30336 : index
    %get3A_3094 = vector.load %arg1[%get3A_3092, %get3A_3093] : memref<64x32768xf32, #tpu.memory_space<vmem>>, vector<64x128xf32>
    %dot_general3A_3095 = arith.constant dense<0.000000e+00> : vector<128x64xf32>
    %dot_general3A_3096 = tpu.matmul %convert_element_type3A_14, %get3A_3094, %dot_general3A_3095 {dimension_numbers = #tpu.dot_dimension_numbers<[1], [1], [0], [0], [0, 0, 1, 0], [], []>, transpose_lhs_hint = false} : vector<128x128xf32>, vector<64x128xf32>, vector<128x64xf32> -> vector<128x64xf32>
    %slice3A_3097 = vector.extract_strided_slice %dot_general3A_3096 {offsets = [0, 0], sizes = [64, 64], strides = [1, 1]} : vector<128x64xf32> to vector<64x64xf32>
    %swap3A_3098 = arith.constant 15168 : index
    %swap3A_3099 = arith.constant 0 : index
    %swap3A_3100 = vector.load %arg2[%swap3A_3098, %swap3A_3099] : memref<16384x128xf32, #tpu.memory_space<vmem>>, vector<64x64xf32>
    tpu.vector_store %arg2[%swap3A_3098, %swap3A_3099], %slice3A_3097 {strides = array<i32>} : memref<16384x128xf32, #tpu.memory_space<vmem>>, vector<64x64xf32>,
    %slice3A_3101 = vector.extract_strided_slice %dot_general3A_3096 {offsets = [64, 0], sizes = [64, 64], strides = [1, 1]} : vector<128x64xf32> to vector<64x64xf32>
    %swap3A_3102 = arith.constant 15168 : index
    %swap3A_3103 = arith.constant 64 : index
    %swap3A_3104 = vector.load %arg2[%swap3A_3102, %swap3A_3103] : memref<16384x128xf32, #tpu.memory_space<vmem>>, vector<64x64xf32>
    tpu.vector_store %arg2[%swap3A_3102, %swap3A_3103], %slice3A_3101 {strides = array<i32>} : memref<16384x128xf32, #tpu.memory_space<vmem>>, vector<64x64xf32>,
    %get3A_3105 = arith.constant 0 : index
    %get3A_3106 = arith.constant 30464 : index
    %get3A_3107 = vector.load %arg1[%get3A_3105, %get3A_3106] : memref<64x32768xf32, #tpu.memory_space<vmem>>, vector<64x128xf32>
    %dot_general3A_3108 = arith.constant dense<0.000000e+00> : vector<128x64xf32>
    %dot_general3A_3109 = tpu.matmul %convert_element_type3A_14, %get3A_3107, %dot_general3A_3108 {dimension_numbers = #tpu.dot_dimension_numbers<[1], [1], [0], [0], [0, 0, 1, 0], [], []>, transpose_lhs_hint = false} : vector<128x128xf32>, vector<64x128xf32>, vector<128x64xf32> -> vector<128x64xf32>
    %slice3A_3110 = vector.extract_strided_slice %dot_general3A_3109 {offsets = [0, 0], sizes = [64, 64], strides = [1, 1]} : vector<128x64xf32> to vector<64x64xf32>
    %swap3A_3111 = arith.constant 15232 : index
    %swap3A_3112 = arith.constant 0 : index
    %swap3A_3113 = vector.load %arg2[%swap3A_3111, %swap3A_3112] : memref<16384x128xf32, #tpu.memory_space<vmem>>, vector<64x64xf32>
    tpu.vector_store %arg2[%swap3A_3111, %swap3A_3112], %slice3A_3110 {strides = array<i32>} : memref<16384x128xf32, #tpu.memory_space<vmem>>, vector<64x64xf32>,
    %slice3A_3114 = vector.extract_strided_slice %dot_general3A_3109 {offsets = [64, 0], sizes = [64, 64], strides = [1, 1]} : vector<128x64xf32> to vector<64x64xf32>
    %swap3A_3115 = arith.constant 15232 : index
    %swap3A_3116 = arith.constant 64 : index
    %swap3A_3117 = vector.load %arg2[%swap3A_3115, %swap3A_3116] : memref<16384x128xf32, #tpu.memory_space<vmem>>, vector<64x64xf32>
    tpu.vector_store %arg2[%swap3A_3115, %swap3A_3116], %slice3A_3114 {strides = array<i32>} : memref<16384x128xf32, #tpu.memory_space<vmem>>, vector<64x64xf32>,
    %get3A_3118 = arith.constant 0 : index
    %get3A_3119 = arith.constant 30592 : index
    %get3A_3120 = vector.load %arg1[%get3A_3118, %get3A_3119] : memref<64x32768xf32, #tpu.memory_space<vmem>>, vector<64x128xf32>
    %dot_general3A_3121 = arith.constant dense<0.000000e+00> : vector<128x64xf32>
    %dot_general3A_3122 = tpu.matmul %convert_element_type3A_14, %get3A_3120, %dot_general3A_3121 {dimension_numbers = #tpu.dot_dimension_numbers<[1], [1], [0], [0], [0, 0, 1, 0], [], []>, transpose_lhs_hint = false} : vector<128x128xf32>, vector<64x128xf32>, vector<128x64xf32> -> vector<128x64xf32>
    %slice3A_3123 = vector.extract_strided_slice %dot_general3A_3122 {offsets = [0, 0], sizes = [64, 64], strides = [1, 1]} : vector<128x64xf32> to vector<64x64xf32>
    %swap3A_3124 = arith.constant 15296 : index
    %swap3A_3125 = arith.constant 0 : index
    %swap3A_3126 = vector.load %arg2[%swap3A_3124, %swap3A_3125] : memref<16384x128xf32, #tpu.memory_space<vmem>>, vector<64x64xf32>
    tpu.vector_store %arg2[%swap3A_3124, %swap3A_3125], %slice3A_3123 {strides = array<i32>} : memref<16384x128xf32, #tpu.memory_space<vmem>>, vector<64x64xf32>,
    %slice3A_3127 = vector.extract_strided_slice %dot_general3A_3122 {offsets = [64, 0], sizes = [64, 64], strides = [1, 1]} : vector<128x64xf32> to vector<64x64xf32>
    %swap3A_3128 = arith.constant 15296 : index
    %swap3A_3129 = arith.constant 64 : index
    %swap3A_3130 = vector.load %arg2[%swap3A_3128, %swap3A_3129] : memref<16384x128xf32, #tpu.memory_space<vmem>>, vector<64x64xf32>
    tpu.vector_store %arg2[%swap3A_3128, %swap3A_3129], %slice3A_3127 {strides = array<i32>} : memref<16384x128xf32, #tpu.memory_space<vmem>>, vector<64x64xf32>,
    %get3A_3131 = arith.constant 0 : index
    %get3A_3132 = arith.constant 30720 : index
    %get3A_3133 = vector.load %arg1[%get3A_3131, %get3A_3132] : memref<64x32768xf32, #tpu.memory_space<vmem>>, vector<64x128xf32>
    %dot_general3A_3134 = arith.constant dense<0.000000e+00> : vector<128x64xf32>
    %dot_general3A_3135 = tpu.matmul %convert_element_type3A_14, %get3A_3133, %dot_general3A_3134 {dimension_numbers = #tpu.dot_dimension_numbers<[1], [1], [0], [0], [0, 0, 1, 0], [], []>, transpose_lhs_hint = false} : vector<128x128xf32>, vector<64x128xf32>, vector<128x64xf32> -> vector<128x64xf32>
    %slice3A_3136 = vector.extract_strided_slice %dot_general3A_3135 {offsets = [0, 0], sizes = [64, 64], strides = [1, 1]} : vector<128x64xf32> to vector<64x64xf32>
    %swap3A_3137 = arith.constant 15360 : index
    %swap3A_3138 = arith.constant 0 : index
    %swap3A_3139 = vector.load %arg2[%swap3A_3137, %swap3A_3138] : memref<16384x128xf32, #tpu.memory_space<vmem>>, vector<64x64xf32>
    tpu.vector_store %arg2[%swap3A_3137, %swap3A_3138], %slice3A_3136 {strides = array<i32>} : memref<16384x128xf32, #tpu.memory_space<vmem>>, vector<64x64xf32>,
    %slice3A_3140 = vector.extract_strided_slice %dot_general3A_3135 {offsets = [64, 0], sizes = [64, 64], strides = [1, 1]} : vector<128x64xf32> to vector<64x64xf32>
    %swap3A_3141 = arith.constant 15360 : index
    %swap3A_3142 = arith.constant 64 : index
    %swap3A_3143 = vector.load %arg2[%swap3A_3141, %swap3A_3142] : memref<16384x128xf32, #tpu.memory_space<vmem>>, vector<64x64xf32>
    tpu.vector_store %arg2[%swap3A_3141, %swap3A_3142], %slice3A_3140 {strides = array<i32>} : memref<16384x128xf32, #tpu.memory_space<vmem>>, vector<64x64xf32>,
    %get3A_3144 = arith.constant 0 : index
    %get3A_3145 = arith.constant 30848 : index
    %get3A_3146 = vector.load %arg1[%get3A_3144, %get3A_3145] : memref<64x32768xf32, #tpu.memory_space<vmem>>, vector<64x128xf32>
    %dot_general3A_3147 = arith.constant dense<0.000000e+00> : vector<128x64xf32>
    %dot_general3A_3148 = tpu.matmul %convert_element_type3A_14, %get3A_3146, %dot_general3A_3147 {dimension_numbers = #tpu.dot_dimension_numbers<[1], [1], [0], [0], [0, 0, 1, 0], [], []>, transpose_lhs_hint = false} : vector<128x128xf32>, vector<64x128xf32>, vector<128x64xf32> -> vector<128x64xf32>
    %slice3A_3149 = vector.extract_strided_slice %dot_general3A_3148 {offsets = [0, 0], sizes = [64, 64], strides = [1, 1]} : vector<128x64xf32> to vector<64x64xf32>
    %swap3A_3150 = arith.constant 15424 : index
    %swap3A_3151 = arith.constant 0 : index
    %swap3A_3152 = vector.load %arg2[%swap3A_3150, %swap3A_3151] : memref<16384x128xf32, #tpu.memory_space<vmem>>, vector<64x64xf32>
    tpu.vector_store %arg2[%swap3A_3150, %swap3A_3151], %slice3A_3149 {strides = array<i32>} : memref<16384x128xf32, #tpu.memory_space<vmem>>, vector<64x64xf32>,
    %slice3A_3153 = vector.extract_strided_slice %dot_general3A_3148 {offsets = [64, 0], sizes = [64, 64], strides = [1, 1]} : vector<128x64xf32> to vector<64x64xf32>
    %swap3A_3154 = arith.constant 15424 : index
    %swap3A_3155 = arith.constant 64 : index
    %swap3A_3156 = vector.load %arg2[%swap3A_3154, %swap3A_3155] : memref<16384x128xf32, #tpu.memory_space<vmem>>, vector<64x64xf32>
    tpu.vector_store %arg2[%swap3A_3154, %swap3A_3155], %slice3A_3153 {strides = array<i32>} : memref<16384x128xf32, #tpu.memory_space<vmem>>, vector<64x64xf32>,
    %get3A_3157 = arith.constant 0 : index
    %get3A_3158 = arith.constant 30976 : index
    %get3A_3159 = vector.load %arg1[%get3A_3157, %get3A_3158] : memref<64x32768xf32, #tpu.memory_space<vmem>>, vector<64x128xf32>
    %dot_general3A_3160 = arith.constant dense<0.000000e+00> : vector<128x64xf32>
    %dot_general3A_3161 = tpu.matmul %convert_element_type3A_14, %get3A_3159, %dot_general3A_3160 {dimension_numbers = #tpu.dot_dimension_numbers<[1], [1], [0], [0], [0, 0, 1, 0], [], []>, transpose_lhs_hint = false} : vector<128x128xf32>, vector<64x128xf32>, vector<128x64xf32> -> vector<128x64xf32>
    %slice3A_3162 = vector.extract_strided_slice %dot_general3A_3161 {offsets = [0, 0], sizes = [64, 64], strides = [1, 1]} : vector<128x64xf32> to vector<64x64xf32>
    %swap3A_3163 = arith.constant 15488 : index
    %swap3A_3164 = arith.constant 0 : index
    %swap3A_3165 = vector.load %arg2[%swap3A_3163, %swap3A_3164] : memref<16384x128xf32, #tpu.memory_space<vmem>>, vector<64x64xf32>
    tpu.vector_store %arg2[%swap3A_3163, %swap3A_3164], %slice3A_3162 {strides = array<i32>} : memref<16384x128xf32, #tpu.memory_space<vmem>>, vector<64x64xf32>,
    %slice3A_3166 = vector.extract_strided_slice %dot_general3A_3161 {offsets = [64, 0], sizes = [64, 64], strides = [1, 1]} : vector<128x64xf32> to vector<64x64xf32>
    %swap3A_3167 = arith.constant 15488 : index
    %swap3A_3168 = arith.constant 64 : index
    %swap3A_3169 = vector.load %arg2[%swap3A_3167, %swap3A_3168] : memref<16384x128xf32, #tpu.memory_space<vmem>>, vector<64x64xf32>
    tpu.vector_store %arg2[%swap3A_3167, %swap3A_3168], %slice3A_3166 {strides = array<i32>} : memref<16384x128xf32, #tpu.memory_space<vmem>>, vector<64x64xf32>,
    %get3A_3170 = arith.constant 0 : index
    %get3A_3171 = arith.constant 31104 : index
    %get3A_3172 = vector.load %arg1[%get3A_3170, %get3A_3171] : memref<64x32768xf32, #tpu.memory_space<vmem>>, vector<64x128xf32>
    %dot_general3A_3173 = arith.constant dense<0.000000e+00> : vector<128x64xf32>
    %dot_general3A_3174 = tpu.matmul %convert_element_type3A_14, %get3A_3172, %dot_general3A_3173 {dimension_numbers = #tpu.dot_dimension_numbers<[1], [1], [0], [0], [0, 0, 1, 0], [], []>, transpose_lhs_hint = false} : vector<128x128xf32>, vector<64x128xf32>, vector<128x64xf32> -> vector<128x64xf32>
    %slice3A_3175 = vector.extract_strided_slice %dot_general3A_3174 {offsets = [0, 0], sizes = [64, 64], strides = [1, 1]} : vector<128x64xf32> to vector<64x64xf32>
    %swap3A_3176 = arith.constant 15552 : index
    %swap3A_3177 = arith.constant 0 : index
    %swap3A_3178 = vector.load %arg2[%swap3A_3176, %swap3A_3177] : memref<16384x128xf32, #tpu.memory_space<vmem>>, vector<64x64xf32>
    tpu.vector_store %arg2[%swap3A_3176, %swap3A_3177], %slice3A_3175 {strides = array<i32>} : memref<16384x128xf32, #tpu.memory_space<vmem>>, vector<64x64xf32>,
    %slice3A_3179 = vector.extract_strided_slice %dot_general3A_3174 {offsets = [64, 0], sizes = [64, 64], strides = [1, 1]} : vector<128x64xf32> to vector<64x64xf32>
    %swap3A_3180 = arith.constant 15552 : index
    %swap3A_3181 = arith.constant 64 : index
    %swap3A_3182 = vector.load %arg2[%swap3A_3180, %swap3A_3181] : memref<16384x128xf32, #tpu.memory_space<vmem>>, vector<64x64xf32>
    tpu.vector_store %arg2[%swap3A_3180, %swap3A_3181], %slice3A_3179 {strides = array<i32>} : memref<16384x128xf32, #tpu.memory_space<vmem>>, vector<64x64xf32>,
    %get3A_3183 = arith.constant 0 : index
    %get3A_3184 = arith.constant 31232 : index
    %get3A_3185 = vector.load %arg1[%get3A_3183, %get3A_3184] : memref<64x32768xf32, #tpu.memory_space<vmem>>, vector<64x128xf32>
    %dot_general3A_3186 = arith.constant dense<0.000000e+00> : vector<128x64xf32>
    %dot_general3A_3187 = tpu.matmul %convert_element_type3A_14, %get3A_3185, %dot_general3A_3186 {dimension_numbers = #tpu.dot_dimension_numbers<[1], [1], [0], [0], [0, 0, 1, 0], [], []>, transpose_lhs_hint = false} : vector<128x128xf32>, vector<64x128xf32>, vector<128x64xf32> -> vector<128x64xf32>
    %slice3A_3188 = vector.extract_strided_slice %dot_general3A_3187 {offsets = [0, 0], sizes = [64, 64], strides = [1, 1]} : vector<128x64xf32> to vector<64x64xf32>
    %swap3A_3189 = arith.constant 15616 : index
    %swap3A_3190 = arith.constant 0 : index
    %swap3A_3191 = vector.load %arg2[%swap3A_3189, %swap3A_3190] : memref<16384x128xf32, #tpu.memory_space<vmem>>, vector<64x64xf32>
    tpu.vector_store %arg2[%swap3A_3189, %swap3A_3190], %slice3A_3188 {strides = array<i32>} : memref<16384x128xf32, #tpu.memory_space<vmem>>, vector<64x64xf32>,
    %slice3A_3192 = vector.extract_strided_slice %dot_general3A_3187 {offsets = [64, 0], sizes = [64, 64], strides = [1, 1]} : vector<128x64xf32> to vector<64x64xf32>
    %swap3A_3193 = arith.constant 15616 : index
    %swap3A_3194 = arith.constant 64 : index
    %swap3A_3195 = vector.load %arg2[%swap3A_3193, %swap3A_3194] : memref<16384x128xf32, #tpu.memory_space<vmem>>, vector<64x64xf32>
    tpu.vector_store %arg2[%swap3A_3193, %swap3A_3194], %slice3A_3192 {strides = array<i32>} : memref<16384x128xf32, #tpu.memory_space<vmem>>, vector<64x64xf32>,
    %get3A_3196 = arith.constant 0 : index
    %get3A_3197 = arith.constant 31360 : index
    %get3A_3198 = vector.load %arg1[%get3A_3196, %get3A_3197] : memref<64x32768xf32, #tpu.memory_space<vmem>>, vector<64x128xf32>
    %dot_general3A_3199 = arith.constant dense<0.000000e+00> : vector<128x64xf32>
    %dot_general3A_3200 = tpu.matmul %convert_element_type3A_14, %get3A_3198, %dot_general3A_3199 {dimension_numbers = #tpu.dot_dimension_numbers<[1], [1], [0], [0], [0, 0, 1, 0], [], []>, transpose_lhs_hint = false} : vector<128x128xf32>, vector<64x128xf32>, vector<128x64xf32> -> vector<128x64xf32>
    %slice3A_3201 = vector.extract_strided_slice %dot_general3A_3200 {offsets = [0, 0], sizes = [64, 64], strides = [1, 1]} : vector<128x64xf32> to vector<64x64xf32>
    %swap3A_3202 = arith.constant 15680 : index
    %swap3A_3203 = arith.constant 0 : index
    %swap3A_3204 = vector.load %arg2[%swap3A_3202, %swap3A_3203] : memref<16384x128xf32, #tpu.memory_space<vmem>>, vector<64x64xf32>
    tpu.vector_store %arg2[%swap3A_3202, %swap3A_3203], %slice3A_3201 {strides = array<i32>} : memref<16384x128xf32, #tpu.memory_space<vmem>>, vector<64x64xf32>,
    %slice3A_3205 = vector.extract_strided_slice %dot_general3A_3200 {offsets = [64, 0], sizes = [64, 64], strides = [1, 1]} : vector<128x64xf32> to vector<64x64xf32>
    %swap3A_3206 = arith.constant 15680 : index
    %swap3A_3207 = arith.constant 64 : index
    %swap3A_3208 = vector.load %arg2[%swap3A_3206, %swap3A_3207] : memref<16384x128xf32, #tpu.memory_space<vmem>>, vector<64x64xf32>
    tpu.vector_store %arg2[%swap3A_3206, %swap3A_3207], %slice3A_3205 {strides = array<i32>} : memref<16384x128xf32, #tpu.memory_space<vmem>>, vector<64x64xf32>,
    %get3A_3209 = arith.constant 0 : index
    %get3A_3210 = arith.constant 31488 : index
    %get3A_3211 = vector.load %arg1[%get3A_3209, %get3A_3210] : memref<64x32768xf32, #tpu.memory_space<vmem>>, vector<64x128xf32>
    %dot_general3A_3212 = arith.constant dense<0.000000e+00> : vector<128x64xf32>
    %dot_general3A_3213 = tpu.matmul %convert_element_type3A_14, %get3A_3211, %dot_general3A_3212 {dimension_numbers = #tpu.dot_dimension_numbers<[1], [1], [0], [0], [0, 0, 1, 0], [], []>, transpose_lhs_hint = false} : vector<128x128xf32>, vector<64x128xf32>, vector<128x64xf32> -> vector<128x64xf32>
    %slice3A_3214 = vector.extract_strided_slice %dot_general3A_3213 {offsets = [0, 0], sizes = [64, 64], strides = [1, 1]} : vector<128x64xf32> to vector<64x64xf32>
    %swap3A_3215 = arith.constant 15744 : index
    %swap3A_3216 = arith.constant 0 : index
    %swap3A_3217 = vector.load %arg2[%swap3A_3215, %swap3A_3216] : memref<16384x128xf32, #tpu.memory_space<vmem>>, vector<64x64xf32>
    tpu.vector_store %arg2[%swap3A_3215, %swap3A_3216], %slice3A_3214 {strides = array<i32>} : memref<16384x128xf32, #tpu.memory_space<vmem>>, vector<64x64xf32>,
    %slice3A_3218 = vector.extract_strided_slice %dot_general3A_3213 {offsets = [64, 0], sizes = [64, 64], strides = [1, 1]} : vector<128x64xf32> to vector<64x64xf32>
    %swap3A_3219 = arith.constant 15744 : index
    %swap3A_3220 = arith.constant 64 : index
    %swap3A_3221 = vector.load %arg2[%swap3A_3219, %swap3A_3220] : memref<16384x128xf32, #tpu.memory_space<vmem>>, vector<64x64xf32>
    tpu.vector_store %arg2[%swap3A_3219, %swap3A_3220], %slice3A_3218 {strides = array<i32>} : memref<16384x128xf32, #tpu.memory_space<vmem>>, vector<64x64xf32>,
    %get3A_3222 = arith.constant 0 : index
    %get3A_3223 = arith.constant 31616 : index
    %get3A_3224 = vector.load %arg1[%get3A_3222, %get3A_3223] : memref<64x32768xf32, #tpu.memory_space<vmem>>, vector<64x128xf32>
    %dot_general3A_3225 = arith.constant dense<0.000000e+00> : vector<128x64xf32>
    %dot_general3A_3226 = tpu.matmul %convert_element_type3A_14, %get3A_3224, %dot_general3A_3225 {dimension_numbers = #tpu.dot_dimension_numbers<[1], [1], [0], [0], [0, 0, 1, 0], [], []>, transpose_lhs_hint = false} : vector<128x128xf32>, vector<64x128xf32>, vector<128x64xf32> -> vector<128x64xf32>
    %slice3A_3227 = vector.extract_strided_slice %dot_general3A_3226 {offsets = [0, 0], sizes = [64, 64], strides = [1, 1]} : vector<128x64xf32> to vector<64x64xf32>
    %swap3A_3228 = arith.constant 15808 : index
    %swap3A_3229 = arith.constant 0 : index
    %swap3A_3230 = vector.load %arg2[%swap3A_3228, %swap3A_3229] : memref<16384x128xf32, #tpu.memory_space<vmem>>, vector<64x64xf32>
    tpu.vector_store %arg2[%swap3A_3228, %swap3A_3229], %slice3A_3227 {strides = array<i32>} : memref<16384x128xf32, #tpu.memory_space<vmem>>, vector<64x64xf32>,
    %slice3A_3231 = vector.extract_strided_slice %dot_general3A_3226 {offsets = [64, 0], sizes = [64, 64], strides = [1, 1]} : vector<128x64xf32> to vector<64x64xf32>
    %swap3A_3232 = arith.constant 15808 : index
    %swap3A_3233 = arith.constant 64 : index
    %swap3A_3234 = vector.load %arg2[%swap3A_3232, %swap3A_3233] : memref<16384x128xf32, #tpu.memory_space<vmem>>, vector<64x64xf32>
    tpu.vector_store %arg2[%swap3A_3232, %swap3A_3233], %slice3A_3231 {strides = array<i32>} : memref<16384x128xf32, #tpu.memory_space<vmem>>, vector<64x64xf32>,
    %get3A_3235 = arith.constant 0 : index
    %get3A_3236 = arith.constant 31744 : index
    %get3A_3237 = vector.load %arg1[%get3A_3235, %get3A_3236] : memref<64x32768xf32, #tpu.memory_space<vmem>>, vector<64x128xf32>
    %dot_general3A_3238 = arith.constant dense<0.000000e+00> : vector<128x64xf32>
    %dot_general3A_3239 = tpu.matmul %convert_element_type3A_14, %get3A_3237, %dot_general3A_3238 {dimension_numbers = #tpu.dot_dimension_numbers<[1], [1], [0], [0], [0, 0, 1, 0], [], []>, transpose_lhs_hint = false} : vector<128x128xf32>, vector<64x128xf32>, vector<128x64xf32> -> vector<128x64xf32>
    %slice3A_3240 = vector.extract_strided_slice %dot_general3A_3239 {offsets = [0, 0], sizes = [64, 64], strides = [1, 1]} : vector<128x64xf32> to vector<64x64xf32>
    %swap3A_3241 = arith.constant 15872 : index
    %swap3A_3242 = arith.constant 0 : index
    %swap3A_3243 = vector.load %arg2[%swap3A_3241, %swap3A_3242] : memref<16384x128xf32, #tpu.memory_space<vmem>>, vector<64x64xf32>
    tpu.vector_store %arg2[%swap3A_3241, %swap3A_3242], %slice3A_3240 {strides = array<i32>} : memref<16384x128xf32, #tpu.memory_space<vmem>>, vector<64x64xf32>,
    %slice3A_3244 = vector.extract_strided_slice %dot_general3A_3239 {offsets = [64, 0], sizes = [64, 64], strides = [1, 1]} : vector<128x64xf32> to vector<64x64xf32>
    %swap3A_3245 = arith.constant 15872 : index
    %swap3A_3246 = arith.constant 64 : index
    %swap3A_3247 = vector.load %arg2[%swap3A_3245, %swap3A_3246] : memref<16384x128xf32, #tpu.memory_space<vmem>>, vector<64x64xf32>
    tpu.vector_store %arg2[%swap3A_3245, %swap3A_3246], %slice3A_3244 {strides = array<i32>} : memref<16384x128xf32, #tpu.memory_space<vmem>>, vector<64x64xf32>,
    %get3A_3248 = arith.constant 0 : index
    %get3A_3249 = arith.constant 31872 : index
    %get3A_3250 = vector.load %arg1[%get3A_3248, %get3A_3249] : memref<64x32768xf32, #tpu.memory_space<vmem>>, vector<64x128xf32>
    %dot_general3A_3251 = arith.constant dense<0.000000e+00> : vector<128x64xf32>
    %dot_general3A_3252 = tpu.matmul %convert_element_type3A_14, %get3A_3250, %dot_general3A_3251 {dimension_numbers = #tpu.dot_dimension_numbers<[1], [1], [0], [0], [0, 0, 1, 0], [], []>, transpose_lhs_hint = false} : vector<128x128xf32>, vector<64x128xf32>, vector<128x64xf32> -> vector<128x64xf32>
    %slice3A_3253 = vector.extract_strided_slice %dot_general3A_3252 {offsets = [0, 0], sizes = [64, 64], strides = [1, 1]} : vector<128x64xf32> to vector<64x64xf32>
    %swap3A_3254 = arith.constant 15936 : index
    %swap3A_3255 = arith.constant 0 : index
    %swap3A_3256 = vector.load %arg2[%swap3A_3254, %swap3A_3255] : memref<16384x128xf32, #tpu.memory_space<vmem>>, vector<64x64xf32>
    tpu.vector_store %arg2[%swap3A_3254, %swap3A_3255], %slice3A_3253 {strides = array<i32>} : memref<16384x128xf32, #tpu.memory_space<vmem>>, vector<64x64xf32>,
    %slice3A_3257 = vector.extract_strided_slice %dot_general3A_3252 {offsets = [64, 0], sizes = [64, 64], strides = [1, 1]} : vector<128x64xf32> to vector<64x64xf32>
    %swap3A_3258 = arith.constant 15936 : index
    %swap3A_3259 = arith.constant 64 : index
    %swap3A_3260 = vector.load %arg2[%swap3A_3258, %swap3A_3259] : memref<16384x128xf32, #tpu.memory_space<vmem>>, vector<64x64xf32>
    tpu.vector_store %arg2[%swap3A_3258, %swap3A_3259], %slice3A_3257 {strides = array<i32>} : memref<16384x128xf32, #tpu.memory_space<vmem>>, vector<64x64xf32>,
    %get3A_3261 = arith.constant 0 : index
    %get3A_3262 = arith.constant 32000 : index
    %get3A_3263 = vector.load %arg1[%get3A_3261, %get3A_3262] : memref<64x32768xf32, #tpu.memory_space<vmem>>, vector<64x128xf32>
    %dot_general3A_3264 = arith.constant dense<0.000000e+00> : vector<128x64xf32>
    %dot_general3A_3265 = tpu.matmul %convert_element_type3A_14, %get3A_3263, %dot_general3A_3264 {dimension_numbers = #tpu.dot_dimension_numbers<[1], [1], [0], [0], [0, 0, 1, 0], [], []>, transpose_lhs_hint = false} : vector<128x128xf32>, vector<64x128xf32>, vector<128x64xf32> -> vector<128x64xf32>
    %slice3A_3266 = vector.extract_strided_slice %dot_general3A_3265 {offsets = [0, 0], sizes = [64, 64], strides = [1, 1]} : vector<128x64xf32> to vector<64x64xf32>
    %swap3A_3267 = arith.constant 16000 : index
    %swap3A_3268 = arith.constant 0 : index
    %swap3A_3269 = vector.load %arg2[%swap3A_3267, %swap3A_3268] : memref<16384x128xf32, #tpu.memory_space<vmem>>, vector<64x64xf32>
    tpu.vector_store %arg2[%swap3A_3267, %swap3A_3268], %slice3A_3266 {strides = array<i32>} : memref<16384x128xf32, #tpu.memory_space<vmem>>, vector<64x64xf32>,
    %slice3A_3270 = vector.extract_strided_slice %dot_general3A_3265 {offsets = [64, 0], sizes = [64, 64], strides = [1, 1]} : vector<128x64xf32> to vector<64x64xf32>
    %swap3A_3271 = arith.constant 16000 : index
    %swap3A_3272 = arith.constant 64 : index
    %swap3A_3273 = vector.load %arg2[%swap3A_3271, %swap3A_3272] : memref<16384x128xf32, #tpu.memory_space<vmem>>, vector<64x64xf32>
    tpu.vector_store %arg2[%swap3A_3271, %swap3A_3272], %slice3A_3270 {strides = array<i32>} : memref<16384x128xf32, #tpu.memory_space<vmem>>, vector<64x64xf32>,
    %get3A_3274 = arith.constant 0 : index
    %get3A_3275 = arith.constant 32128 : index
    %get3A_3276 = vector.load %arg1[%get3A_3274, %get3A_3275] : memref<64x32768xf32, #tpu.memory_space<vmem>>, vector<64x128xf32>
    %dot_general3A_3277 = arith.constant dense<0.000000e+00> : vector<128x64xf32>
    %dot_general3A_3278 = tpu.matmul %convert_element_type3A_14, %get3A_3276, %dot_general3A_3277 {dimension_numbers = #tpu.dot_dimension_numbers<[1], [1], [0], [0], [0, 0, 1, 0], [], []>, transpose_lhs_hint = false} : vector<128x128xf32>, vector<64x128xf32>, vector<128x64xf32> -> vector<128x64xf32>
    %slice3A_3279 = vector.extract_strided_slice %dot_general3A_3278 {offsets = [0, 0], sizes = [64, 64], strides = [1, 1]} : vector<128x64xf32> to vector<64x64xf32>
    %swap3A_3280 = arith.constant 16064 : index
    %swap3A_3281 = arith.constant 0 : index
    %swap3A_3282 = vector.load %arg2[%swap3A_3280, %swap3A_3281] : memref<16384x128xf32, #tpu.memory_space<vmem>>, vector<64x64xf32>
    tpu.vector_store %arg2[%swap3A_3280, %swap3A_3281], %slice3A_3279 {strides = array<i32>} : memref<16384x128xf32, #tpu.memory_space<vmem>>, vector<64x64xf32>,
    %slice3A_3283 = vector.extract_strided_slice %dot_general3A_3278 {offsets = [64, 0], sizes = [64, 64], strides = [1, 1]} : vector<128x64xf32> to vector<64x64xf32>
    %swap3A_3284 = arith.constant 16064 : index
    %swap3A_3285 = arith.constant 64 : index
    %swap3A_3286 = vector.load %arg2[%swap3A_3284, %swap3A_3285] : memref<16384x128xf32, #tpu.memory_space<vmem>>, vector<64x64xf32>
    tpu.vector_store %arg2[%swap3A_3284, %swap3A_3285], %slice3A_3283 {strides = array<i32>} : memref<16384x128xf32, #tpu.memory_space<vmem>>, vector<64x64xf32>,
    %get3A_3287 = arith.constant 0 : index
    %get3A_3288 = arith.constant 32256 : index
    %get3A_3289 = vector.load %arg1[%get3A_3287, %get3A_3288] : memref<64x32768xf32, #tpu.memory_space<vmem>>, vector<64x128xf32>
    %dot_general3A_3290 = arith.constant dense<0.000000e+00> : vector<128x64xf32>
    %dot_general3A_3291 = tpu.matmul %convert_element_type3A_14, %get3A_3289, %dot_general3A_3290 {dimension_numbers = #tpu.dot_dimension_numbers<[1], [1], [0], [0], [0, 0, 1, 0], [], []>, transpose_lhs_hint = false} : vector<128x128xf32>, vector<64x128xf32>, vector<128x64xf32> -> vector<128x64xf32>
    %slice3A_3292 = vector.extract_strided_slice %dot_general3A_3291 {offsets = [0, 0], sizes = [64, 64], strides = [1, 1]} : vector<128x64xf32> to vector<64x64xf32>
    %swap3A_3293 = arith.constant 16128 : index
    %swap3A_3294 = arith.constant 0 : index
    %swap3A_3295 = vector.load %arg2[%swap3A_3293, %swap3A_3294] : memref<16384x128xf32, #tpu.memory_space<vmem>>, vector<64x64xf32>
    tpu.vector_store %arg2[%swap3A_3293, %swap3A_3294], %slice3A_3292 {strides = array<i32>} : memref<16384x128xf32, #tpu.memory_space<vmem>>, vector<64x64xf32>,
    %slice3A_3296 = vector.extract_strided_slice %dot_general3A_3291 {offsets = [64, 0], sizes = [64, 64], strides = [1, 1]} : vector<128x64xf32> to vector<64x64xf32>
    %swap3A_3297 = arith.constant 16128 : index
    %swap3A_3298 = arith.constant 64 : index
    %swap3A_3299 = vector.load %arg2[%swap3A_3297, %swap3A_3298] : memref<16384x128xf32, #tpu.memory_space<vmem>>, vector<64x64xf32>
    tpu.vector_store %arg2[%swap3A_3297, %swap3A_3298], %slice3A_3296 {strides = array<i32>} : memref<16384x128xf32, #tpu.memory_space<vmem>>, vector<64x64xf32>,
    %get3A_3300 = arith.constant 0 : index
    %get3A_3301 = arith.constant 32384 : index
    %get3A_3302 = vector.load %arg1[%get3A_3300, %get3A_3301] : memref<64x32768xf32, #tpu.memory_space<vmem>>, vector<64x128xf32>
    %dot_general3A_3303 = arith.constant dense<0.000000e+00> : vector<128x64xf32>
    %dot_general3A_3304 = tpu.matmul %convert_element_type3A_14, %get3A_3302, %dot_general3A_3303 {dimension_numbers = #tpu.dot_dimension_numbers<[1], [1], [0], [0], [0, 0, 1, 0], [], []>, transpose_lhs_hint = false} : vector<128x128xf32>, vector<64x128xf32>, vector<128x64xf32> -> vector<128x64xf32>
    %slice3A_3305 = vector.extract_strided_slice %dot_general3A_3304 {offsets = [0, 0], sizes = [64, 64], strides = [1, 1]} : vector<128x64xf32> to vector<64x64xf32>
    %swap3A_3306 = arith.constant 16192 : index
    %swap3A_3307 = arith.constant 0 : index
    %swap3A_3308 = vector.load %arg2[%swap3A_3306, %swap3A_3307] : memref<16384x128xf32, #tpu.memory_space<vmem>>, vector<64x64xf32>
    tpu.vector_store %arg2[%swap3A_3306, %swap3A_3307], %slice3A_3305 {strides = array<i32>} : memref<16384x128xf32, #tpu.memory_space<vmem>>, vector<64x64xf32>,
    %slice3A_3309 = vector.extract_strided_slice %dot_general3A_3304 {offsets = [64, 0], sizes = [64, 64], strides = [1, 1]} : vector<128x64xf32> to vector<64x64xf32>
    %swap3A_3310 = arith.constant 16192 : index
    %swap3A_3311 = arith.constant 64 : index
    %swap3A_3312 = vector.load %arg2[%swap3A_3310, %swap3A_3311] : memref<16384x128xf32, #tpu.memory_space<vmem>>, vector<64x64xf32>
    tpu.vector_store %arg2[%swap3A_3310, %swap3A_3311], %slice3A_3309 {strides = array<i32>} : memref<16384x128xf32, #tpu.memory_space<vmem>>, vector<64x64xf32>,
    %get3A_3313 = arith.constant 0 : index
    %get3A_3314 = arith.constant 32512 : index
    %get3A_3315 = vector.load %arg1[%get3A_3313, %get3A_3314] : memref<64x32768xf32, #tpu.memory_space<vmem>>, vector<64x128xf32>
    %dot_general3A_3316 = arith.constant dense<0.000000e+00> : vector<128x64xf32>
    %dot_general3A_3317 = tpu.matmul %convert_element_type3A_14, %get3A_3315, %dot_general3A_3316 {dimension_numbers = #tpu.dot_dimension_numbers<[1], [1], [0], [0], [0, 0, 1, 0], [], []>, transpose_lhs_hint = false} : vector<128x128xf32>, vector<64x128xf32>, vector<128x64xf32> -> vector<128x64xf32>
    %slice3A_3318 = vector.extract_strided_slice %dot_general3A_3317 {offsets = [0, 0], sizes = [64, 64], strides = [1, 1]} : vector<128x64xf32> to vector<64x64xf32>
    %swap3A_3319 = arith.constant 16256 : index
    %swap3A_3320 = arith.constant 0 : index
    %swap3A_3321 = vector.load %arg2[%swap3A_3319, %swap3A_3320] : memref<16384x128xf32, #tpu.memory_space<vmem>>, vector<64x64xf32>
    tpu.vector_store %arg2[%swap3A_3319, %swap3A_3320], %slice3A_3318 {strides = array<i32>} : memref<16384x128xf32, #tpu.memory_space<vmem>>, vector<64x64xf32>,
    %slice3A_3322 = vector.extract_strided_slice %dot_general3A_3317 {offsets = [64, 0], sizes = [64, 64], strides = [1, 1]} : vector<128x64xf32> to vector<64x64xf32>
    %swap3A_3323 = arith.constant 16256 : index
    %swap3A_3324 = arith.constant 64 : index
    %swap3A_3325 = vector.load %arg2[%swap3A_3323, %swap3A_3324] : memref<16384x128xf32, #tpu.memory_space<vmem>>, vector<64x64xf32>
    tpu.vector_store %arg2[%swap3A_3323, %swap3A_3324], %slice3A_3322 {strides = array<i32>} : memref<16384x128xf32, #tpu.memory_space<vmem>>, vector<64x64xf32>,
    %get3A_3326 = arith.constant 0 : index
    %get3A_3327 = arith.constant 32640 : index
    %get3A_3328 = vector.load %arg1[%get3A_3326, %get3A_3327] : memref<64x32768xf32, #tpu.memory_space<vmem>>, vector<64x128xf32>
    %dot_general3A_3329 = arith.constant dense<0.000000e+00> : vector<128x64xf32>
    %dot_general3A_3330 = tpu.matmul %convert_element_type3A_14, %get3A_3328, %dot_general3A_3329 {dimension_numbers = #tpu.dot_dimension_numbers<[1], [1], [0], [0], [0, 0, 1, 0], [], []>, transpose_lhs_hint = false} : vector<128x128xf32>, vector<64x128xf32>, vector<128x64xf32> -> vector<128x64xf32>
    %slice3A_3331 = vector.extract_strided_slice %dot_general3A_3330 {offsets = [0, 0], sizes = [64, 64], strides = [1, 1]} : vector<128x64xf32> to vector<64x64xf32>
    %swap3A_3332 = arith.constant 16320 : index
    %swap3A_3333 = arith.constant 0 : index
    %swap3A_3334 = vector.load %arg2[%swap3A_3332, %swap3A_3333] : memref<16384x128xf32, #tpu.memory_space<vmem>>, vector<64x64xf32>
    tpu.vector_store %arg2[%swap3A_3332, %swap3A_3333], %slice3A_3331 {strides = array<i32>} : memref<16384x128xf32, #tpu.memory_space<vmem>>, vector<64x64xf32>,
    %slice3A_3335 = vector.extract_strided_slice %dot_general3A_3330 {offsets = [64, 0], sizes = [64, 64], strides = [1, 1]} : vector<128x64xf32> to vector<64x64xf32>
    %swap3A_3336 = arith.constant 16320 : index
    %swap3A_3337 = arith.constant 64 : index
    %swap3A_3338 = vector.load %arg2[%swap3A_3336, %swap3A_3337] : memref<16384x128xf32, #tpu.memory_space<vmem>>, vector<64x64xf32>
    tpu.vector_store %arg2[%swap3A_3336, %swap3A_3337], %slice3A_3335 {strides = array<i32>} : memref<16384x128xf32, #tpu.memory_space<vmem>>, vector<64x64xf32>,
    return
  }
  func.func @transform_0(%arg0: i32) -> (i32, i32) {
    %c0_i32 = arith.constant 0 : i32
    %c0_i32_0 = arith.constant 0 : i32
    return %c0_i32, %arg0 : i32, i32
  }
  func.func @transform_1(%arg0: i32) -> (i32, i32) {
    %c0_i32 = arith.constant 0 : i32
    %c0_i32_0 = arith.constant 0 : i32
    return %arg0, %c0_i32 : i32, i32
  }
}

module attributes {stable_mosaic.version = 14 : i64} {
  func.func @_tc_head_body(%arg0: memref<4096x64xf32, #tpu.memory_space<vmem>>, %arg1: memref<256x64xf32, #tpu.memory_space<vmem>>, %arg2: memref<1x256xf32, #tpu.memory_space<vmem>>, %arg3: memref<1x256xf32, #tpu.memory_space<vmem>>, %arg4: memref<1x256xf32, #tpu.memory_space<vmem>>, %arg5: memref<128x256xf32, #tpu.memory_space<vmem>>, %arg6: memref<1x128xf32, #tpu.memory_space<vmem>>, %arg7: memref<4096x128xf32, #tpu.memory_space<vmem>>) attributes {dimension_semantics = [], scalar_prefetch = 0 : i64, scratch_operands = 0 : i64, tpu.core_type = #tpu.core_type<tc>} {
    %get3A = arith.constant 0 : index
    %get3A_0 = arith.constant 0 : index
    %get3A_1 = vector.load %arg0[%get3A, %get3A_0] : memref<4096x64xf32, #tpu.memory_space<vmem>>, vector<4096x64xf32>
    %mul3A = arith.constant 5.000000e-03 : f32
    %mul3A_2 = vector.broadcast %mul3A : f32 to vector<4096x64xf32>
    %mul3A_3 = arith.mulf %get3A_1, %mul3A_2 : vector<4096x64xf32>
    %get3A_4 = arith.constant 0 : index
    %get3A_5 = arith.constant 0 : index
    %get3A_6 = vector.load %arg1[%get3A_4, %get3A_5] : memref<256x64xf32, #tpu.memory_space<vmem>>, vector<256x64xf32>
    %dot_general3A = arith.constant dense<0.000000e+00> : vector<4096x256xf32>
    %dot_general3A_7 = tpu.matmul %mul3A_3, %get3A_6, %dot_general3A {dimension_numbers = #tpu.dot_dimension_numbers<[1], [1], [0], [0], [0, 0, 1, 0], [], []>, transpose_lhs_hint = false} : vector<4096x64xf32>, vector<256x64xf32>, vector<4096x256xf32> -> vector<4096x256xf32>
    %get3A_8 = arith.constant 0 : index
    %get3A_9 = arith.constant 0 : index
    %get3A_10 = vector.load %arg2[%get3A_8, %get3A_9] : memref<1x256xf32, #tpu.memory_space<vmem>>, vector<1x256xf32>
    %add3A = vector.broadcast %get3A_10 : vector<1x256xf32> to vector<4096x256xf32>
    %add3A_11 = arith.addf %dot_general3A_7, %add3A : vector<4096x256xf32>
    %reduce_sum3A = arith.constant dense<0.000000e+00> : vector<256xf32>
    %reduce_sum3A_12 = vector.multi_reduction <add>, %add3A_11, %reduce_sum3A [0] : vector<4096x256xf32> to vector<256xf32>
    %broadcast_in_dim3A = vector.shape_cast %reduce_sum3A_12 : vector<256xf32> to vector<1x256xf32>
    %div3A = arith.constant 4.096000e+03 : f32
    %div3A_13 = vector.broadcast %div3A : f32 to vector<1x256xf32>
    %div3A_14 = arith.divf %broadcast_in_dim3A, %div3A_13 : vector<1x256xf32>
    %sub3A = vector.broadcast %div3A_14 : vector<1x256xf32> to vector<4096x256xf32>
    %sub3A_15 = arith.subf %add3A_11, %sub3A : vector<4096x256xf32>
    %mul3A_16 = arith.mulf %sub3A_15, %sub3A_15 : vector<4096x256xf32>
    %reduce_sum3A_17 = arith.constant dense<0.000000e+00> : vector<256xf32>
    %reduce_sum3A_18 = vector.multi_reduction <add>, %mul3A_16, %reduce_sum3A_17 [0] : vector<4096x256xf32> to vector<256xf32>
    %broadcast_in_dim3A_19 = vector.shape_cast %reduce_sum3A_18 : vector<256xf32> to vector<1x256xf32>
    %div3A_20 = arith.constant 4.096000e+03 : f32
    %div3A_21 = vector.broadcast %div3A_20 : f32 to vector<1x256xf32>
    %div3A_22 = arith.divf %broadcast_in_dim3A_19, %div3A_21 : vector<1x256xf32>
    %add3A_23 = arith.constant 9.99999974E-6 : f32
    %add3A_24 = vector.broadcast %add3A_23 : f32 to vector<1x256xf32>
    %add3A_25 = arith.addf %div3A_22, %add3A_24 : vector<1x256xf32>
    %rsqrt3A = math.rsqrt %add3A_25 : vector<1x256xf32>
    %mul3A_26 = vector.broadcast %rsqrt3A : vector<1x256xf32> to vector<4096x256xf32>
    %mul3A_27 = arith.mulf %sub3A_15, %mul3A_26 : vector<4096x256xf32>
    %get3A_28 = arith.constant 0 : index
    %get3A_29 = arith.constant 0 : index
    %get3A_30 = vector.load %arg3[%get3A_28, %get3A_29] : memref<1x256xf32, #tpu.memory_space<vmem>>, vector<1x256xf32>
    %mul3A_31 = vector.broadcast %get3A_30 : vector<1x256xf32> to vector<4096x256xf32>
    %mul3A_32 = arith.mulf %mul3A_27, %mul3A_31 : vector<4096x256xf32>
    %get3A_33 = arith.constant 0 : index
    %get3A_34 = arith.constant 0 : index
    %get3A_35 = vector.load %arg4[%get3A_33, %get3A_34] : memref<1x256xf32, #tpu.memory_space<vmem>>, vector<1x256xf32>
    %add3A_36 = vector.broadcast %get3A_35 : vector<1x256xf32> to vector<4096x256xf32>
    %add3A_37 = arith.addf %mul3A_32, %add3A_36 : vector<4096x256xf32>
    %max3A = arith.constant 0.000000e+00 : f32
    %max3A_38 = vector.broadcast %max3A : f32 to vector<4096x256xf32>
    %max3A_39 = arith.maximumf %add3A_37, %max3A_38 : vector<4096x256xf32>
    %get3A_40 = arith.constant 0 : index
    %get3A_41 = arith.constant 0 : index
    %get3A_42 = vector.load %arg5[%get3A_40, %get3A_41] : memref<128x256xf32, #tpu.memory_space<vmem>>, vector<128x256xf32>
    %dot_general3A_43 = arith.constant dense<0.000000e+00> : vector<4096x128xf32>
    %dot_general3A_44 = tpu.matmul %max3A_39, %get3A_42, %dot_general3A_43 {dimension_numbers = #tpu.dot_dimension_numbers<[1], [1], [0], [0], [0, 0, 1, 0], [], []>, transpose_lhs_hint = false} : vector<4096x256xf32>, vector<128x256xf32>, vector<4096x128xf32> -> vector<4096x128xf32>
    %get3A_45 = arith.constant 0 : index
    %get3A_46 = arith.constant 0 : index
    %get3A_47 = vector.load %arg6[%get3A_45, %get3A_46] : memref<1x128xf32, #tpu.memory_space<vmem>>, vector<1x128xf32>
    %add3A_48 = vector.broadcast %get3A_47 : vector<1x128xf32> to vector<4096x128xf32>
    %add3A_49 = arith.addf %dot_general3A_44, %add3A_48 : vector<4096x128xf32>
    %swap3A = arith.constant 0 : index
    %swap3A_50 = arith.constant 0 : index
    %swap3A_51 = vector.load %arg7[%swap3A, %swap3A_50] : memref<4096x128xf32, #tpu.memory_space<vmem>>, vector<4096x128xf32>
    tpu.vector_store %arg7[%swap3A, %swap3A_50], %add3A_49 {strides = array<i32>} : memref<4096x128xf32, #tpu.memory_space<vmem>>, vector<4096x128xf32>,
    return
  }
}

</mosaic_0001>

<sc_bundles>
// kernel: kernel.5.cloned.1.call-start
scs
__scs_entry_jumppad:
0x0: {  	(pc) =	sbr.rel $0x88, $3  }
0x1: {  	(tag) =	ssettag $0x0;
	lr =	simm.s32 $0x1  }
0x2: {  	[smem:$0x3F99] =	sst lr;
	_ =	strace $0xD0000000  }
0x3: {  	_ = 	snop  }
0x4: {  	_ = 	snop  }
0x5: {  	_ = 	snop  }
0x6: {  	_ = 	snop  }
0x7: {  	_ = 	snop  }
__scs_overlays_trampoline_lowered:
0x8: {  	[smem:$0x3FA8] =	sst s0  }
0x9: {  	[smem:$0x3FA9] =	sst s1  }
0xa: {  	[smem:$0x3FAA] =	sst s2  }
0xb: {  	[smem:$0x3FAB] =	sst s3  }
0xc: {  	[smem:$0x3FAC] =	sst s4  }
0xd: {  	[smem:$0x3FAD] =	sst s5  }
0xe: {  	[smem:$0x3FAE] =	sst s6  }
0xf: {  	[smem:$0x3FAF] =	sst s7  }
0x10: {  	[smem:$0x3FB0] =	sst s8  }
0x11: {  	[smem:$0x3FB1] =	sst s9;
	s0 =	simm.s32 @!p0 $0x0  }
0x12: {  	s1 =	sld [smem:$0x3F97];
	s0 =	simm.s32 @p0 $0x1  }
0x13: {  	[smem:$0x3FB2] =	sst s0;
	s0 =	simm.s32 @!p1 $0x0  }
0x14: {  	s2 =	sld [smem:$0x3F96];
	s0 =	simm.s32 @p1 $0x1  }
0x15: {  	[smem:$0x3FB3] =	sst s0;
	s0 =	simm.s32 @!p2 $0x0  }
0x16: {  	s3 =	sld [smem:$0x3FDB];
	s0 =	simm.s32 @p2 $0x1  }
0x17: {  	s4 =	simm.s32 $0x1BF5;
	[smem:$0x3FB5] =	sst s0  }
0x18: {  	s0 =	sld [smem:$0x3F98];
	_ =	swait.ge [sflag:s4], $0x0  }
0x19: {  	s7 =	sld [smem:$0x3F99]  }
0x1a: {  	s8 =	sadd.s32 $0xFFFFE003, lr  }
0x1b: {  	s9 =	sadd.s32 $0xFFFFFEF7, lr;
	s5 =	simm.s32 $0xFFFFFFFF;
	p2 =	slt.u32 s8, $0xFFFFF086  }
0x1c: {  	p1 =	slt.u32 s9, $0xF7A;
	s5 =	simm.s32 @!p2 $0x0  }
0x1d: {  	s5 =	simm.s32 @p1 $0x1;
	p0 =	seq.s32 s7, s2  }
0x1e: {  	s7 =	smul.u32 @!p0 $0xF7A, s2;
	p2 =	seq.s32 @!p0 s5, $0x0  }
0x1f: {  	s9 =	smul.u32 $0xF7A, s1;
	s8 =	simm.s32 @!p0 $0x1BF5;
	p2 =	por !p2, p0  }
0x20: {  	[sflag:s8] =	ssyncset.s32 @!p0 $0xFFFFF086;
	s6 =	sadd.s32 @!p0 s3, s7;
	s7 =	simm.s32 @!p0 $0x108  }
0x21: {  	s3 =	sadd.s32 s3, s9;
	s6 =	sadd.s32 @!p0 $0x88, s6;
	s7 =	simm.s32 @p2 $0x1082  }
0x22: {  	[simem:s7], [sflag:s8] =	dma.local @!p0 [hbm:s6], $0xF7A  }
0x23: {  	s9 =	sor.u32 $0xD0000000, s2;
	s6 =	simm.s32 $0x108;
	_ =	swait.ge @!p0 [sflag:s8], $0x0  }
0x24: {  	s3 =	sadd.s32 $0x88, s3;
	s6 =	simm.s32 @!p1 $0x1082;
	[sflag:s4] =	ssyncset.s32 $0xFFFFF086  }
0x25: {  	[simem:s6], [sflag:s4] =	dma.local [hbm:s3], $0xF7A  }
0x26: {  	[smem:$0x3F99] =	sst s1;
	(tag) =	ssettag s2;
	_ =	strace s9  }
0x27: {  	s1 =	sld [smem:$0x3FA9]  }
0x28: {  	s2 =	sld [smem:$0x3FAA]  }
0x29: {  	s4 =	sld [smem:$0x3FAC]  }
0x2a: {  	p0 =	seq.s32 s5, $0x0;
	s5 =	sld [smem:$0x3FAD]  }
0x2b: {  	s6 =	sld [smem:$0x3FAE]  }
0x2c: {  	s7 =	sld [smem:$0x3FAF]  }
0x2d: {  	s3 =	simm.s32 $0x108;
	s8 =	sld [smem:$0x3FB0]  }
0x2e: {  	s3 =	simm.s32 @!p0 $0x1082;
	s9 =	sld [smem:$0x3FB1]  }
0x2f: {  	lr =	sadd.s32 s0, s3;
	s0 =	sld [smem:$0x3FA8]  }
0x30: {  	s3 =	sld [smem:$0x3FAB]  }
0x31: {  	[smem:$0x3FB4] =	sst s10  }
0x32: {  	s10 =	sld [smem:$0x3FB2];
	_ =	sdelay $0x3  }
0x33: {  	p0 =	seq.s32 s10, $0x1;
	s10 =	sld [smem:$0x3FB4];
	_ =	sdelay $0x3  }
0x34: {  	[smem:$0x3FB4] =	sst s10  }
0x35: {  	s10 =	sld [smem:$0x3FB3];
	_ =	sdelay $0x3  }
0x36: {  	p1 =	seq.s32 s10, $0x1;
	s10 =	sld [smem:$0x3FB4];
	_ =	sdelay $0x3  }
0x37: {  	[smem:$0x3FB4] =	sst s10  }
0x38: {  	s10 =	sld [smem:$0x3FB5]  }
0x39: {  	_ = 	snop;
	(pc) =	sbr.ind lr, $3  }
0x3a: {  	_ = 	snop  }
0x3b: {  	_ = 	snop  }
0x3c: {  	p2 =	seq.s32 s10, $0x1;
	s10 =	sld [smem:$0x3FB4]  }
0x3d: {  	_ =	shalt  }
0x3e: {  	_ =	shalt  }
0x3f: {  	_ =	shalt  }
0x40: {  	_ =	shalt  }
0x41: {  	_ =	shalt  }
0x42: {  	_ =	shalt  }
0x43: {  	_ =	shalt  }
0x44: {  	_ =	shalt  }
0x45: {  	_ =	shalt  }
0x46: {  	_ =	shalt  }
0x47: {  	_ =	shalt  }
0x48: {  	_ =	shalt  }
0x49: {  	_ =	shalt  }
0x4a: {  	_ =	shalt  }
0x4b: {  	_ =	shalt  }
0x4c: {  	_ =	shalt  }
0x4d: {  	_ =	shalt  }
0x4e: {  	_ =	shalt  }
0x4f: {  	_ =	shalt  }
0x50: {  	_ =	shalt  }
0x51: {  	_ =	shalt  }
0x52: {  	_ =	shalt  }
0x53: {  	_ =	shalt  }
0x54: {  	_ =	shalt  }
0x55: {  	_ =	shalt  }
0x56: {  	_ =	shalt  }
0x57: {  	_ =	shalt  }
0x58: {  	_ =	shalt  }
0x59: {  	_ =	shalt  }
0x5a: {  	_ =	shalt  }
0x5b: {  	_ =	shalt  }
0x5c: {  	_ =	shalt  }
0x5d: {  	_ =	shalt  }
0x5e: {  	_ =	shalt  }
0x5f: {  	_ =	shalt  }
0x60: {  	_ =	shalt  }
0x61: {  	_ =	shalt  }
0x62: {  	_ =	shalt  }
0x63: {  	_ =	shalt  }
0x64: {  	_ =	shalt  }
0x65: {  	_ =	shalt  }
0x66: {  	_ =	shalt  }
0x67: {  	_ =	shalt  }
0x68: {  	_ =	shalt  }
0x69: {  	_ =	shalt  }
0x6a: {  	_ =	shalt  }
0x6b: {  	_ =	shalt  }
0x6c: {  	_ =	shalt  }
0x6d: {  	_ =	shalt  }
0x6e: {  	_ =	shalt  }
0x6f: {  	_ =	shalt  }
0x70: {  	_ =	shalt  }
0x71: {  	_ =	shalt  }
0x72: {  	_ =	shalt  }
0x73: {  	_ =	shalt  }
0x74: {  	_ =	shalt  }
0x75: {  	_ =	shalt  }
0x76: {  	_ =	shalt  }
0x77: {  	_ =	shalt  }
0x78: {  	_ =	shalt  }
0x79: {  	_ =	shalt  }
0x7a: {  	_ =	shalt  }
0x7b: {  	_ =	shalt  }
0x7c: {  	_ =	shalt  }
0x7d: {  	_ =	shalt  }
0x7e: {  	_ =	shalt  }
0x7f: {  	_ =	shalt  }
0x80: {  	_ =	shalt  }
0x81: {  	_ =	shalt  }
0x82: {  	_ =	shalt  }
0x83: {  	_ =	shalt  }
0x84: {  	_ =	shalt  }
0x85: {  	_ =	shalt  }
0x86: {  	_ =	shalt  }
0x87: {  	_ =	shalt  }
.Lfunc_end0:
.L_simem_size_0:
called_computation_lowered:
.L_overlay_start_0:
0x88: {  	s2 =	sld [smem:$0x3FD9]  }
0x89: {  	s3 =	sld [smem:$0x3FFE];
	_ =	sdelay $0x1  }
0x8a: {  	s1 =	srdreg.scid  }
0x8b: {  	s0 =	sand.u32 $0x1, s1  }
0x8c: {  	s17 =	sshll.u32 s0, $0xA;
	s2 =	sadd.s32 s3, s2  }
0x8d: {  	s2 =	sadd.s32 s2, s17  }
0x8e: {  	[smem:$0x3FC0] =	sst s2  }
0x8f: {  	_ = 	snop  }
0x90: {  	s2 =	sld [smem:$0x3FD0];
	(tm) =	ssettm $0x1  }
0x91: {  	s18 =	sld [smem:$0x3FFB];
	_ =	sdelay $0x3  }
0x92: {  	_ =	strace s18  }
0x93: {  	s3 =	sld [smem:$0x3FFC];
	_ =	sdelay $0x3  }
0x94: {  	_ =	strace s3  }
0x95: {  	s3 =	sld [smem:$0x3FFD];
	_ =	sdelay $0x3  }
0x96: {  	_ =	strace s3  }
0x97: {  	_ =	strace $0x8FFFFFFF  }
0x98: {  	s19 =	sld [smem:$0x3FDB];
	_ =	sdelay $0x1  }
0x99: {  	s4 =	simm.s32 $_scs_section_size  }
0x9a: {  	s5 =	simm.s32 $_size__tile_overlayer_lowered;
	s6 =	simm.s32 $_tile_overlayer_lowered  }
0x9b: {  	s22 =	simm.s32 $0x1BFF;
	s21 =	sshll.u32 s6, $0x1;
	s3 =	sadd.s32 s4, s19  }
0x9c: {  	s7 =	simm.s32 $0x0;
	s20 =	sshll.u32 s5, $0x1;
	s5 =	sadd.s32 s21, s3  }
0x9d: {  	[timem:s7], [sflag:s22] =	dma.local [hbm:s5], s20  }
0x9e: {  	_ =	swait.ge [sflag:s22], s20  }
0x9f: {  	s4 =	ssub.s32 $0x0, s20;
	[sflag:s22] =	ssyncset.done $0x0  }
0xa0: {  	[sflag:s22] =	ssyncadd.s32 s4;
	_ =	sdelay $0x1  }
0xa1: {  	s23 =	simm.s32 $0x1B8B  }
0xa2: {  	_ =	swait.ge [sflag:s23], $0x1  }
0xa3: {  	[sflag:s23] =	ssyncset.done $0x0  }
0xa4: {  	s25 =	simm.s32 $0x1B8E;
	s24 =	sld [smem:$0x3FFE];
	[sflag:s23] =	ssyncadd.s32 $0xFFFFFFFF  }
0xa5: {  	s26 =	simm.s32 $execute0_lowered;
	[smem:$0x3FD2] =	sst s25  }
0xa6: {  	s5 =	sshll.u32 s26, $0x1;
	_ =	strace $0x80000046;
	[dreg:$0x1] =	wrdreg $0xFFFFFFFF  }
0xa7: {  	s28 =	simm.s32 $_size_execute0_lowered;
	s3 =	sadd.s32 s3, s5;
	[dreg:$0x0] =	wrdreg $0x0  }
0xa8: {  	s5 =	sshll.u32 s28, $0x1;
	[dreg:$0x2] =	wrdreg s3  }
0xa9: {  	[dreg:$0x3] =	wrdreg s5  }
0xaa: {  	[dreg:$0x4] =	wrdreg $0xC0  }
0xab: {  	_ =	task [dreg:s7], $0x5FFFF  }
0xac: {  	[dreg:$0x1] =	wrdreg $0xFFFFFFFF  }
0xad: {  	[dreg:$0x0] =	wrdreg $0x60  }
0xae: {  	[dreg:$0x2] =	wrdreg s24  }
0xaf: {  	[dreg:$0x3] =	wrdreg s2  }
0xb0: {  	[dreg:$0x4] =	wrdreg $0x19C800  }
0xb1: {  	[dreg:$0x5] =	wrdreg $0x9  }
0xb2: {  	_ =	task.clear_ibuf [dreg:s7], $0x6FFFF;
	_ =	strace $0x90000046  }
0xb3: {  	s29 =	simm.s32 $0x9;
	_ =	strace $0x80000048  }
0xb4: {  	_ =	swait.ge [sflag:s29], $0x1  }
0xb5: {  	[sflag:s29] =	ssyncadd.s32 $0xFFFFFFFF  }
0xb6: {  	_ =	strace $0x90000048  }
0xb7: {  	_ =	sfence  }
0xb8: {  	s30 =	sld [smem:$0x0];
	_ =	sdelay $0x2  }
0xb9: {  	s31 =	sshll.u32 s1, $0xD;
	s1 =	sshrl.u32 s1, $0x2  }
0xba: {  	s3 =	sand.u32 $0x4000, s31;
	s1 =	sadd.s32 s1, s30  }
0xbb: {  	s0 =	sor.u32 s3, s0;
	s1 =	sshll.u32 s1, $0x11  }
0xbc: {  	s0 =	sor.u32 s1, s0  }
0xbd: {  	s0 =	sadd.s32 $0x8F2B, s0  }
0xbe: {  	[sflag:s0] =	ssyncadd.remote.s32 $0x1  }
0xbf: {  	_ =	sfence.sel $0xFFFF  }
0xc0: {  	[dreg:$0x0] =	wrdreg $0xFFFFFFFF;
	(pc) =	sbr.abs _section_cstart, $3  }
0xc1: {  	[dreg:$0x1] =	wrdreg $0xFFFFFFFF  }
0xc2: {  	_ =	task.clear_ibuf [dreg:s7], $0x2FFFF;
	_ =	strace $0x9FFFFFFF  }
0xc3: {  	(tm) =	ssettm $0x7FFFFFFF  }
tec
execute0_lowered:
.L_overlay_start_1:
0x0: {  	(tag) =	ssettag $0x1  }
0x1: {  	s6 =	rddreg [dreg:$0x0]  }
0x2: {  	s1 =	srdreg.scid;
	s9 =	rddreg [dreg:$0x1]  }
0x3: {  	s0 =	stileid.u32;
	s2 =	rddreg [dreg:$0x2];
	s3 =	simm.s32 $0x0  }
0x4: {  	s14 =	simm.s32 $0xC80;
	s15 =	simm.s32 $0x1;
	s16 =	simm.s32 $0x0  }
0x5: {  	s4 =	sand.u32 $0x1, s1;
	s5 =	smul.u32 $0xC800, s0;
	s1 =	rddreg [dreg:$0x3]  }
0x6: {  	[smem:$0x7FF] =	sst s3;
	s28 =	sshll.u32 s0, $0xB;
	s12 =	smul.u32 $0xC80, s0  }
0x7: {  	s30 =	sshll.u32 s0, $0xD;
	s31 =	sshll.u32 s0, $0x6;
	s7 =	smul.u32 $0x6400, s4  }
0x8: {  	_ =	strace $0x80000047;
	s29 =	sshll.u32 s4, $0xA;
	s8 =	ssub.s32 $0x2, s4  }
0x9: {  	s4 =	sadd.s32 $0x7BB200, s6;
	s13 =	sadd.s32 s30, s2;
	s11 =	sshrl.u32 s8, $0x1  }
0xa: {  	s9 =	sadd.s32 s12, s9;
	s12 =	simm.s32 $0x2;
	s5 =	sadd.s32 s7, s5  }
0xb: {  	s7 =	sor.u32 s29, s28;
	s8 =	ssub.s32 s8, s11;
	s11 =	sshrl.u32 s13, $0x3  }
0xc: {  	s13 =	simm.s32 $0x640;
	s5 =	sshrl.u32 s5, $0x3;
	s7 =	sadd.s32 s7, s6  }
0xd: {  	s8 =	smax.u32 s8, $0x1;
	s10 =	sadd.s32 s5, s6;
	s5 =	sadd.s32 $0x1A000, s6  }
0xe: {  	s6 =	sor.u32 $0x1C02, s31;
	s7 =	sadd.s32 $0x7BB600, s7;
	s10 =	sadd.s32 $0x1000, s10  }
.LBB2_1:
0xf: {  	[spmem:s11], [sflag:s6] =	dma.local [hbm:s4], $0x400  }
0x10: {  	_ =	swait.ge [sflag:s12], $0x400  }
0x11: {  	[sflag:s12] =	ssyncset.done $0x0  }
0x12: {  	s17 =	sadd.s32 $0x0, s10;
	[sflag:s12] =	ssyncadd.s32 $0xFFFFFC00  }
0x13: {  	[tilespmem:s3], [sflag:$0x2] =	stream.linear.gather [hbm4b:s17+s3], $0x640, $0x38;
	[tilespmem:$0x1BC80] =	vst v63  }
0x14: {  	_ =	swait.ge [sflag:s12], $0x640  }
0x15: {  	[sflag:s12] =	ssyncset.done $0x0  }
0x16: {  	s31 =	sadd.s32 $0x0, s9;
	[sflag:s12] =	ssyncadd.s32 $0xFFFFF9C0  }
0x17: {  	[tilespmem:s13], [sflag:$0x2] =	stream.linear.gather [hbm4b:s31+s3], $0x640, $0x38;
	[tilespmem:$0x1BC80] =	vst v63  }
0x18: {  	_ =	swait.ge [sflag:s12], $0x640  }
0x19: {  	[sflag:s12] =	ssyncset.done $0x0  }
0x1a: {  	[sflag:s12] =	ssyncadd.s32 $0xFFFFF9C0  }
0x1b: {  	[tilespmem:s14], [sflag:$0x1] =	stream.indirect.gather [hbm4b:s5+s13], $0x40, s3, s13, $0xb8;
	[tilespmem:$0x1BC80] =	vst v63  }
0x1c: {  	_ =	swait.ge [sflag:s15], $0x19000  }
0x1d: {  	[sflag:s15] =	ssyncset.done $0x0  }
0x1e: {  	[sflag:s15] =	ssyncadd.s32 $0xFFFE7000  }
0x1f: {  	[spmem:s2] =	stream.indirect.scatter.add.f32 [tilespmem:s14], [sflag:$0x2], $0x40, s13, s13, $0xb8;
	[tilespmem:$0x1BC80] =	vst v63  }
0x20: {  	_ =	swait.ge [sflag:s12], $0x19000  }
0x21: {  	s18 =	simm.s32 $0x190;
	s17 =	simm.s32 $0xC8;
	[sflag:s12] =	ssyncset.done $0x0  }
.LBB2_2:
0x22: {  	s19 =	sadd.s32 s17, s10  }
0x23: {  	[sflag:s12] =	ssyncadd.s32 $0xFFFE7000;
	s20 =	smov.u32 s18;
	s21 =	sadd.s32 $0xC8, s18  }
0x24: {  	[tilespmem:s3], [sflag:$0x2] =	stream.linear.gather [hbm4b:s19+s3], $0x640, $0x38;
	[tilespmem:$0x1BC80] =	vst v63  }
0x25: {  	p0 =	sne.s32 s18, $0xBB8;
	_ =	swait.ge [sflag:s12], $0x640  }
0x26: {  	[sflag:s12] =	ssyncset.done $0x0  }
0x27: {  	s18 =	sadd.s32 s17, s9;
	s17 =	smov.u32 s20;
	[sflag:s12] =	ssyncadd.s32 $0xFFFFF9C0  }
0x28: {  	[tilespmem:s13], [sflag:$0x2] =	stream.linear.gather [hbm4b:s18+s3], $0x640, $0x38;
	[tilespmem:$0x1BC80] =	vst v63  }
0x29: {  	_ =	swait.ge [sflag:s12], $0x640  }
0x2a: {  	[sflag:s12] =	ssyncset.done $0x0  }
0x2b: {  	[sflag:s12] =	ssyncadd.s32 $0xFFFFF9C0  }
0x2c: {  	[tilespmem:s14], [sflag:$0x1] =	stream.indirect.gather [hbm4b:s5+s13], $0x40, s3, s13, $0xb8;
	[tilespmem:$0x1BC80] =	vst v63  }
0x2d: {  	_ =	swait.ge [sflag:s15], $0x19000  }
.Ltmp0:
0x2e: {  	[sflag:s15] =	ssyncset.done $0x0;
	(pc) =	sbr.rel @p0 .LBB2_2-.Ltmp0, $4  }
0x2f: {  	[sflag:s15] =	ssyncadd.s32 $0xFFFE7000  }
0x30: {  	[spmem:s2] =	stream.indirect.scatter.add.f32 [tilespmem:s14], [sflag:$0x2], $0x40, s13, s13, $0xb8;
	[tilespmem:$0x1BC80] =	vst v63  }
0x31: {  	_ =	swait.ge [sflag:s12], $0x19000  }
0x32: {  	s18 =	smov.u32 s21;
	[sflag:s12] =	ssyncset.done $0x0  }
0x33: {  	s18 =	sadd.s32 s17, s10;
	[sflag:s12] =	ssyncadd.s32 $0xFFFE7000  }
0x34: {  	[tilespmem:s3], [sflag:$0x2] =	stream.linear.gather [hbm4b:s18+s3], $0x640, $0x38;
	[tilespmem:$0x1BC80] =	vst v63  }
0x35: {  	_ =	swait.ge [sflag:s12], $0x640  }
0x36: {  	[sflag:s12] =	ssyncset.done $0x0  }
0x37: {  	s31 =	sadd.s32 s17, s9;
	[sflag:s12] =	ssyncadd.s32 $0xFFFFF9C0  }
0x38: {  	[tilespmem:s13], [sflag:$0x2] =	stream.linear.gather [hbm4b:s31+s3], $0x640, $0x38;
	[tilespmem:$0x1BC80] =	vst v63  }
0x39: {  	_ =	swait.ge [sflag:s12], $0x640  }
0x3a: {  	[sflag:s12] =	ssyncset.done $0x0  }
0x3b: {  	[sflag:s12] =	ssyncadd.s32 $0xFFFFF9C0  }
0x3c: {  	[tilespmem:s14], [sflag:$0x1] =	stream.indirect.gather [hbm4b:s5+s13], $0x40, s3, s13, $0xb8;
	[tilespmem:$0x1BC80] =	vst v63  }
0x3d: {  	_ =	swait.ge [sflag:s15], $0x19000  }
0x3e: {  	[sflag:s15] =	ssyncset.done $0x0  }
0x3f: {  	[sflag:s15] =	ssyncadd.s32 $0xFFFE7000  }
0x40: {  	[spmem:s2] =	stream.indirect.scatter.add.f32 [tilespmem:s14], [sflag:$0x2], $0x40, s13, s13, $0xb8;
	[tilespmem:$0x1BC80] =	vst v63  }
0x41: {  	s16 =	sadd.s32 $0x1, s16;
	_ =	swait.ge [sflag:s12], $0x19000  }
0x42: {  	p0 =	sne.s32 s16, s8;
	[sflag:s12] =	ssyncset.done $0x0  }
.Ltmp1:
0x43: {  	[sflag:s12] =	ssyncadd.s32 $0xFFFE7000;
	(pc) =	sbr.rel @p0 .LBB2_1-.Ltmp1, $4  }
0x44: {  	[hbm:s7], [sflag:s6] =	dma.local [spmem:s11], $0x400  }
0x45: {  	_ =	swait.ge [sflag:s12], $0x400  }
0x46: {  	[sflag:s12] =	ssyncset.done $0x0  }
0x47: {  	[sflag:s12] =	ssyncadd.s32 $0xFFFFFC00  }
0x48: {  	_ =	sfence.sel $0x180000  }
0x49: {  	[bflag:$0x0] =	sbarrier.arrive $0xFFFF  }
0x4a: {  	p0 =	sne.s32 s0, $0x0;
	_ =	strace $0x90000047  }
0x4b: {  	s0 =	sadd.s32 @!p0 $0x100000, s1;
	[bflag:$0x2] =	sbarrier.arrive $0xFFFF  }
0x4c: {  	[sflag:s0] =	ssyncadd.tile.s32 @!p0 $0x1;
	_ =	shalt  }
.Lfunc_end2:
_tile_overlayer_lowered:
.L_overlay_start_2:
0x4d: {  	(tag) =	ssettag $0x2  }
0x4e: {  	s0 =	rddreg [dreg:$0x0];
	s2 =	stileid.u32  }
0x4f: {  	s1 =	rddreg [dreg:$0x1];
	p0 =	sne.s32 s2, $0x0  }
0x50: {  	s3 =	rddreg [dreg:$0x2];
	[bflag:$0x3] =	sbarrier.arrive $0xFFFF;
	s2 =	simm.s32 @!p0 $0x1C02  }
0x51: {  	[timem:s3], [sflag:s2] =	dma.local @!p0 [hbm:s0], s1  }
0x52: {  	s0 =	simm.s32 @!p0 $0x2  }
0x53: {  	_ =	swait.ge @!p0 [sflag:s0], s1  }
0x54: {  	s1 =	ssub.s32 @!p0 $0x0, s1;
	[sflag:s0] =	ssyncset.done @!p0 $0x0  }
0x55: {  	[sflag:s0] =	ssyncadd.s32 @!p0 s1  }
0x56: {  	[bflag:$0x3] =	sbarrier.arrive $0xFFFF  }
0x57: {  	_ =	shalt  }

</sc_bundles>
